<compile_context>
chip_gen: v7x
topology: tpu7x:2x2x1
jax: 0.10.2.dev20260603
libtpu: 0.0.44.dev20260713+nightly
codegen_flags: <defaults>
</compile_context>

<pallas_src>
import functools

import jax
import jax.numpy as jnp
from jax import lax
from jax.experimental import pallas as pl
from jax.experimental.pallas import tpu as pltpu
from jax.experimental.pallas import tpu_sc as plsc

N = 10000
D = 128
HD = D // 2
E = 320000
NC = 2
NS = 16
NW = NC * NS
CH = 80
EPT = E // NS
NCH = EPT // CH
EPW = E // NW
NCHD = EPW // CH
NBUF = 5
GDEPTH = 3
Z = 632
ZL = N - (NS - 1) * Z
BR = 2000
GRID = N // BR

_mesh = plsc.VectorSubcoreMesh(core_axis_name="c", subcore_axis_name="s")
_sc_params = pltpu.CompilerParams(use_tc_tiling_on_sc=False)


def _zero_acc(sid, zbuf, acc, width):
    for i in range(8):
        for j in range(width // 16):
            zbuf[i, pl.ds(j * 16, 16)] = jnp.zeros((16,), jnp.float32)
    nk = jnp.where(sid < NS - 1, Z // 8, ZL // 8)

    def body(k, _):
        pltpu.sync_copy(zbuf, acc.at[pl.ds(sid * Z + k * 8, 8)])
        return ()

    lax.fori_loop(0, nk, body, ())



@functools.partial(
    pl.kernel,
    out_type=jax.ShapeDtypeStruct((NC, N, D), jnp.float32),
    mesh=_mesh,
    compiler_params=_sc_params,
    scratch_types=[
        pltpu.VMEM((EPW,), jnp.int32),
        pltpu.VMEM((CH, 16), jnp.float32),
        pltpu.VMEM((8, 16), jnp.float32),
        pltpu.VMEM_SHARED((N, 16), jnp.float32),
    ],
)
def _deg_kernel(ei_hbm, ones_hbm, out_hbm, dst_v, ones_v, zbuf, acc):
    cid = lax.axis_index("c")
    sid = lax.axis_index("s")
    wid = cid * NS + sid
    _zero_acc(sid, zbuf, acc, 16)
    pltpu.sync_copy(ei_hbm.at[1, pl.ds(wid * EPW, EPW)], dst_v)
    pltpu.sync_copy(ones_hbm, ones_v)
    plsc.subcore_barrier()

    def body(c, _):
        pltpu.sync_copy(ones_v, acc.at[dst_v.at[pl.ds(c * CH, CH)]],
                        add=True)
        return ()

    lax.fori_loop(0, NCHD, body, ())
    plsc.subcore_barrier()

    @pl.when(sid < NS - 1)
    def _():
        pltpu.sync_copy(acc.at[pl.ds(sid * Z, Z)],
                        out_hbm.at[cid, pl.ds(sid * Z, Z), pl.ds(0, 16)])

    @pl.when(sid == NS - 1)
    def _():
        pltpu.sync_copy(acc.at[pl.ds((NS - 1) * Z, ZL)],
                        out_hbm.at[cid, pl.ds((NS - 1) * Z, ZL),
                                   pl.ds(0, 16)])


@functools.partial(
    pl.kernel,
    out_type=jax.ShapeDtypeStruct((N, D), jnp.float32),
    mesh=_mesh,
    compiler_params=_sc_params,
    scratch_types=[
        pltpu.VMEM((EPT,), jnp.int32),
        pltpu.VMEM((EPT,), jnp.int32),
        [pltpu.VMEM((CH,), jnp.int32) for _ in range(NBUF)],
        [pltpu.VMEM((CH, HD), jnp.float32) for _ in range(NBUF)],
        [pltpu.SemaphoreType.DMA for _ in range(NBUF)],
        [pltpu.SemaphoreType.DMA for _ in range(NBUF)],
        pltpu.VMEM((8, HD), jnp.float32),
        pltpu.VMEM_SHARED((N, HD), jnp.float32),
    ],
)
def _seg_kernel(hp2n_hbm, ei_hbm, out_hbm,
                src_v, dst_v, idxb, bufs, semg, sems, zbuf, acc):
    cid = lax.axis_index("c")
    sid = lax.axis_index("s")
    _zero_acc(sid, zbuf, acc, HD)
    pltpu.sync_copy(ei_hbm.at[0, pl.ds(sid * EPT, EPT)], src_v)
    pltpu.sync_copy(ei_hbm.at[1, pl.ds(sid * EPT, EPT)], dst_v)
    plsc.subcore_barrier()

    def _load_idx(g, k):
        for j in range(CH // 16):
            v = src_v[pl.ds(g * CH + j * 16, 16)]
            idxb[k][pl.ds(j * 16, 16)] = v * 2 + cid

    for k in range(GDEPTH):
        _load_idx(k, k)
        pltpu.async_copy(hp2n_hbm.at[idxb[k]], bufs[k], semg[k])

    def body(i, _):
        for k in range(NBUF):
            g = i * NBUF + k
            kn = (k + GDEPTH) % NBUF
            @pl.when(g >= NBUF - GDEPTH)
            def _():
                pltpu.make_async_copy(bufs[kn],
                                      acc.at[dst_v.at[pl.ds(0, CH)]],
                                      sems[kn]).wait()

            @pl.when(g + GDEPTH < NCH)
            def _():
                _load_idx(g + GDEPTH, kn)
                pltpu.async_copy(hp2n_hbm.at[idxb[kn]], bufs[kn], semg[kn])

            pltpu.make_async_copy(hp2n_hbm.at[idxb[k]],
                                  bufs[k], semg[k]).wait()
            pltpu.async_copy(bufs[k], acc.at[dst_v.at[pl.ds(g * CH, CH)]],
                             sems[k], add=True)
        return ()

    lax.fori_loop(0, NCH // NBUF, body, ())
    for g in range(NCH - (NBUF - GDEPTH), NCH):
        k = g % NBUF
        pltpu.make_async_copy(bufs[k], acc.at[dst_v.at[pl.ds(0, CH)]],
                              sems[k]).wait()

    plsc.subcore_barrier()
    @pl.when(sid < NS - 1)
    def _():
        pltpu.sync_copy(acc.at[pl.ds(sid * Z, Z)],
                        out_hbm.at[pl.ds(sid * Z, Z), pl.ds(cid * HD, HD)])

    @pl.when(sid == NS - 1)
    def _():
        pltpu.sync_copy(acc.at[pl.ds((NS - 1) * Z, ZL)],
                        out_hbm.at[pl.ds((NS - 1) * Z, ZL),
                                   pl.ds(cid * HD, HD)])



def _dinv_of(degp):
    return lax.rsqrt(degp[0, :, 0] + degp[1, :, 0] + 1.0)


def _mm_body(x_ref, w_ref, out_ref):
    out_ref[...] = jnp.dot(x_ref[...], w_ref[...],
                           preferred_element_type=jnp.float32)


def _scale_body(degp_ref, h_ref, out_ref):
    dinv = _dinv_of(degp_ref[...])
    out_ref[...] = h_ref[...] * dinv[:, None]


def _mid_body(degp_ref, s_ref, hp_ref, b_ref, w_ref, out_ref):
    dinv = _dinv_of(degp_ref[...])
    s = s_ref[...] + hp_ref[...]
    o = jnp.maximum(s * dinv[:, None] + b_ref[...][None, :], 0.0)
    h = jnp.dot(o, w_ref[...], preferred_element_type=jnp.float32)
    out_ref[...] = h * dinv[:, None]


def _final_body(degp_ref, s_ref, hp_ref, b_ref, out_ref):
    dinv = _dinv_of(degp_ref[...])
    s = s_ref[...] + hp_ref[...]
    out_ref[...] = s * dinv[:, None] + b_ref[...][None, :]


_degp_spec = pl.BlockSpec((NC, BR, D), lambda i: (0, i, 0))
_row_spec = pl.BlockSpec((BR, D), lambda i: (i, 0))
_w_spec = pl.BlockSpec((D, D), lambda i: (0, 0))
_b_spec = pl.BlockSpec((D,), lambda i: (0,))
_row_shape = jax.ShapeDtypeStruct((N, D), jnp.float32)

_mm = pl.pallas_call(
    _mm_body, grid=(GRID,),
    in_specs=[_row_spec, _w_spec],
    out_specs=_row_spec, out_shape=_row_shape)

_scale = pl.pallas_call(
    _scale_body, grid=(GRID,),
    in_specs=[_degp_spec, _row_spec],
    out_specs=_row_spec, out_shape=_row_shape)

_mid = pl.pallas_call(
    _mid_body, grid=(GRID,),
    in_specs=[_degp_spec, _row_spec, _row_spec, _b_spec, _w_spec],
    out_specs=_row_spec, out_shape=_row_shape)

_final = pl.pallas_call(
    _final_body, grid=(GRID,),
    in_specs=[_degp_spec, _row_spec, _row_spec, _b_spec],
    out_specs=_row_spec, out_shape=_row_shape)



@jax.jit
def kernel(x, edge_index, W1, b1, W2, b2):
    ones16 = jnp.ones((CH, 16), jnp.float32)

    h1 = _mm(x, W1)
    degp = _deg_kernel(edge_index, ones16)

    hp1 = _scale(degp, h1)
    s1 = _seg_kernel(hp1.reshape(NC * N, HD), edge_index)
    hp2 = _mid(degp, s1, hp1, b1, W2)
    s2 = _seg_kernel(hp2.reshape(NC * N, HD), edge_index)
    return _final(degp, s2, hp2, b2)

# --- scband reference (transcript-rebuilt; emitter-appended) ---
"""Pipeline reference for scband-simple-gcn-60945585931034 (READ-ONLY COPY).

The authoritative reference and input builder live on the scoring server;
editing this copy changes nothing except your own understanding.
"""

import jax, jax.numpy as jnp
import numpy as np

N = 10000
E = 320000
D = 128


def _gcn_layer(x, src, dst, W, b, n):
    # GCNConv with symmetric normalization (self loops already appended to src/dst)
    deg = jnp.zeros((n,), dtype=x.dtype).at[dst].add(1.0)
    dinv = jnp.where(deg > 0, 1.0 / jnp.sqrt(deg), 0.0)
    norm = dinv[src] * dinv[dst]
    h = x @ W
    msg = h[src] * norm[:, None]
    out = jax.ops.segment_sum(msg, dst, num_segments=n)
    return out + b


def setup_inputs(seed: int = 0) -> dict:
    key = jax.random.key(seed)
    ks = jax.random.split(key, 6)
    x = jax.random.normal(ks[0], (N, D), dtype=jnp.float32)
    edge_index = jax.random.randint(ks[1], (2, E), 0, N, dtype=jnp.int32)
    scale = 1.0 / np.sqrt(D)
    W1 = jax.random.normal(ks[2], (D, D), dtype=jnp.float32) * scale
    b1 = jnp.zeros((D,), dtype=jnp.float32)
    W2 = jax.random.normal(ks[3], (D, D), dtype=jnp.float32) * scale
    b2 = jnp.zeros((D,), dtype=jnp.float32)
    return {"x": x, "edge_index": edge_index, "W1": W1, "b1": b1, "W2": W2, "b2": b2}


def reference(x, edge_index, W1, b1, W2, b2):
    n = x.shape[0]
    src0 = edge_index[0]
    dst0 = edge_index[1]
    loop = jnp.arange(n, dtype=src0.dtype)
    src = jnp.concatenate([src0, loop])
    dst = jnp.concatenate([dst0, loop])
    h = _gcn_layer(x, src, dst, W1, b1, n)
    h = jax.nn.relu(h)
    out = _gcn_layer(h, src, dst, W2, b2, n)
    return out

if __name__ == "__main__":
    import jax
    _d = setup_inputs()
    print(jax.jit(kernel)(*tuple(_d.values())))

</pallas_src>

<mosaic_0001>
#map = affine_map<(d0, d1) -> (0, 0)>
#map1 = affine_map<(d0, d1) -> (0, 0, 0)>
module attributes {stable_mosaic.version = 14 : i64} {
  func.func @_deg_kernel(%arg0: i32, %arg1: i32, %arg2: memref<2x320000xi32, #tpu.memory_space<hbm>>, %arg3: memref<80x16xf32, #tpu.memory_space<hbm>>, %arg4: memref<2x10000x128xf32, #tpu.memory_space<hbm>>, %arg5: memref<10000xi32, #tpu.memory_space<vmem>>, %arg6: memref<80x16xf32, #tpu.memory_space<vmem>>, %arg7: memref<8x16xf32, #tpu.memory_space<vmem>>, %arg8: memref<10000x16xf32, #tpu.memory_space<vmem_shared>>) attributes {dimension_semantics = [#tpu.dimension_semantics<core_parallel>, #tpu.dimension_semantics<subcore_parallel>], iteration_bounds = array<i64: 2, 16>, scalar_prefetch = 0 : i64, scratch_operands = 4 : i64, tpu.core_type = #tpu.core_type<sc_vector_subcore>, window_params = [{transform_indices = #map}, {transform_indices = #map}, {transform_indices = #map1}]} {
    %mul3A = arith.constant 16 : i32
    %mul3A_0 = arith.muli %arg0, %mul3A : i32
    %add3A = arith.addi %mul3A_0, %arg1 : i32
    %broadcast_in_dim3A = arith.constant 0.000000e+00 : f32
    %broadcast_in_dim3A_1 = vector.broadcast %broadcast_in_dim3A : f32 to vector<16xf32>
    %swap3A = arith.constant 0 : i32
    %swap3A_2 = arith.index_cast %swap3A : i32 to index
    %swap3A_3 = arith.constant 0 : index
    %swap3A_4 = tpu.vector_load %arg7[%swap3A_2, %swap3A_3] {strides = array<i32>} : memref<8x16xf32, #tpu.memory_space<vmem>>, vector<1x16xf32>,
    %swap3A_5 = vector.shape_cast %swap3A_4 : vector<1x16xf32> to vector<16xf32>
    %swap3A_6 = vector.shape_cast %broadcast_in_dim3A_1 : vector<16xf32> to vector<1x16xf32>
    tpu.vector_store %arg7[%swap3A_2, %swap3A_3], %swap3A_6 {strides = array<i32>} : memref<8x16xf32, #tpu.memory_space<vmem>>, vector<1x16xf32>,
    %broadcast_in_dim3A_7 = arith.constant 0.000000e+00 : f32
    %broadcast_in_dim3A_8 = vector.broadcast %broadcast_in_dim3A_7 : f32 to vector<16xf32>
    %swap3A_9 = arith.constant 1 : i32
    %swap3A_10 = arith.index_cast %swap3A_9 : i32 to index
    %swap3A_11 = arith.constant 0 : index
    %swap3A_12 = tpu.vector_load %arg7[%swap3A_10, %swap3A_11] {strides = array<i32>} : memref<8x16xf32, #tpu.memory_space<vmem>>, vector<1x16xf32>,
    %swap3A_13 = vector.shape_cast %swap3A_12 : vector<1x16xf32> to vector<16xf32>
    %swap3A_14 = vector.shape_cast %broadcast_in_dim3A_8 : vector<16xf32> to vector<1x16xf32>
    tpu.vector_store %arg7[%swap3A_10, %swap3A_11], %swap3A_14 {strides = array<i32>} : memref<8x16xf32, #tpu.memory_space<vmem>>, vector<1x16xf32>,
    %broadcast_in_dim3A_15 = arith.constant 0.000000e+00 : f32
    %broadcast_in_dim3A_16 = vector.broadcast %broadcast_in_dim3A_15 : f32 to vector<16xf32>
    %swap3A_17 = arith.constant 2 : i32
    %swap3A_18 = arith.index_cast %swap3A_17 : i32 to index
    %swap3A_19 = arith.constant 0 : index
    %swap3A_20 = tpu.vector_load %arg7[%swap3A_18, %swap3A_19] {strides = array<i32>} : memref<8x16xf32, #tpu.memory_space<vmem>>, vector<1x16xf32>,
    %swap3A_21 = vector.shape_cast %swap3A_20 : vector<1x16xf32> to vector<16xf32>
    %swap3A_22 = vector.shape_cast %broadcast_in_dim3A_16 : vector<16xf32> to vector<1x16xf32>
    tpu.vector_store %arg7[%swap3A_18, %swap3A_19], %swap3A_22 {strides = array<i32>} : memref<8x16xf32, #tpu.memory_space<vmem>>, vector<1x16xf32>,
    %broadcast_in_dim3A_23 = arith.constant 0.000000e+00 : f32
    %broadcast_in_dim3A_24 = vector.broadcast %broadcast_in_dim3A_23 : f32 to vector<16xf32>
    %swap3A_25 = arith.constant 3 : i32
    %swap3A_26 = arith.index_cast %swap3A_25 : i32 to index
    %swap3A_27 = arith.constant 0 : index
    %swap3A_28 = tpu.vector_load %arg7[%swap3A_26, %swap3A_27] {strides = array<i32>} : memref<8x16xf32, #tpu.memory_space<vmem>>, vector<1x16xf32>,
    %swap3A_29 = vector.shape_cast %swap3A_28 : vector<1x16xf32> to vector<16xf32>
    %swap3A_30 = vector.shape_cast %broadcast_in_dim3A_24 : vector<16xf32> to vector<1x16xf32>
    tpu.vector_store %arg7[%swap3A_26, %swap3A_27], %swap3A_30 {strides = array<i32>} : memref<8x16xf32, #tpu.memory_space<vmem>>, vector<1x16xf32>,
    %broadcast_in_dim3A_31 = arith.constant 0.000000e+00 : f32
    %broadcast_in_dim3A_32 = vector.broadcast %broadcast_in_dim3A_31 : f32 to vector<16xf32>
    %swap3A_33 = arith.constant 4 : i32
    %swap3A_34 = arith.index_cast %swap3A_33 : i32 to index
    %swap3A_35 = arith.constant 0 : index
    %swap3A_36 = tpu.vector_load %arg7[%swap3A_34, %swap3A_35] {strides = array<i32>} : memref<8x16xf32, #tpu.memory_space<vmem>>, vector<1x16xf32>,
    %swap3A_37 = vector.shape_cast %swap3A_36 : vector<1x16xf32> to vector<16xf32>
    %swap3A_38 = vector.shape_cast %broadcast_in_dim3A_32 : vector<16xf32> to vector<1x16xf32>
    tpu.vector_store %arg7[%swap3A_34, %swap3A_35], %swap3A_38 {strides = array<i32>} : memref<8x16xf32, #tpu.memory_space<vmem>>, vector<1x16xf32>,
    %broadcast_in_dim3A_39 = arith.constant 0.000000e+00 : f32
    %broadcast_in_dim3A_40 = vector.broadcast %broadcast_in_dim3A_39 : f32 to vector<16xf32>
    %swap3A_41 = arith.constant 5 : i32
    %swap3A_42 = arith.index_cast %swap3A_41 : i32 to index
    %swap3A_43 = arith.constant 0 : index
    %swap3A_44 = tpu.vector_load %arg7[%swap3A_42, %swap3A_43] {strides = array<i32>} : memref<8x16xf32, #tpu.memory_space<vmem>>, vector<1x16xf32>,
    %swap3A_45 = vector.shape_cast %swap3A_44 : vector<1x16xf32> to vector<16xf32>
    %swap3A_46 = vector.shape_cast %broadcast_in_dim3A_40 : vector<16xf32> to vector<1x16xf32>
    tpu.vector_store %arg7[%swap3A_42, %swap3A_43], %swap3A_46 {strides = array<i32>} : memref<8x16xf32, #tpu.memory_space<vmem>>, vector<1x16xf32>,
    %broadcast_in_dim3A_47 = arith.constant 0.000000e+00 : f32
    %broadcast_in_dim3A_48 = vector.broadcast %broadcast_in_dim3A_47 : f32 to vector<16xf32>
    %swap3A_49 = arith.constant 6 : i32
    %swap3A_50 = arith.index_cast %swap3A_49 : i32 to index
    %swap3A_51 = arith.constant 0 : index
    %swap3A_52 = tpu.vector_load %arg7[%swap3A_50, %swap3A_51] {strides = array<i32>} : memref<8x16xf32, #tpu.memory_space<vmem>>, vector<1x16xf32>,
    %swap3A_53 = vector.shape_cast %swap3A_52 : vector<1x16xf32> to vector<16xf32>
    %swap3A_54 = vector.shape_cast %broadcast_in_dim3A_48 : vector<16xf32> to vector<1x16xf32>
    tpu.vector_store %arg7[%swap3A_50, %swap3A_51], %swap3A_54 {strides = array<i32>} : memref<8x16xf32, #tpu.memory_space<vmem>>, vector<1x16xf32>,
    %broadcast_in_dim3A_55 = arith.constant 0.000000e+00 : f32
    %broadcast_in_dim3A_56 = vector.broadcast %broadcast_in_dim3A_55 : f32 to vector<16xf32>
    %swap3A_57 = arith.constant 7 : i32
    %swap3A_58 = arith.index_cast %swap3A_57 : i32 to index
    %swap3A_59 = arith.constant 0 : index
    %swap3A_60 = tpu.vector_load %arg7[%swap3A_58, %swap3A_59] {strides = array<i32>} : memref<8x16xf32, #tpu.memory_space<vmem>>, vector<1x16xf32>,
    %swap3A_61 = vector.shape_cast %swap3A_60 : vector<1x16xf32> to vector<16xf32>
    %swap3A_62 = vector.shape_cast %broadcast_in_dim3A_56 : vector<16xf32> to vector<1x16xf32>
    tpu.vector_store %arg7[%swap3A_58, %swap3A_59], %swap3A_62 {strides = array<i32>} : memref<8x16xf32, #tpu.memory_space<vmem>>, vector<1x16xf32>,
    %lt3A = arith.constant 15 : i32
    %lt3A_63 = arith.cmpi slt, %arg1, %lt3A : i32
    %jit3A = arith.constant 79 : i32
    %jit3A_64 = arith.constant 65 : i32
    %select_n3A = arith.select %lt3A_63, %jit3A, %jit3A_64 : i32
    %while3A = arith.constant 0 : i32
    %while3A_65 = arith.subi %select_n3A, %while3A : i32
    %while3A_66 = arith.addi %while3A, %while3A_65 : i32
    %while3A_67 = arith.constant 1 : i32
    %while3A_68 = arith.divsi %while3A_65, %while3A_67 : i32
    %while3A_69 = arith.muli %while3A_68, %while3A_67 : i32
    %while3A_70 = arith.addi %while3A, %while3A_69 : i32
    %while3A_71 = arith.constant 1 : i32
    scf.for %while3A_87 = %while3A to %while3A_70 step %while3A_71  : i32 {
      %mul3A_88 = arith.constant 632 : i32
      %mul3A_89 = arith.muli %arg1, %mul3A_88 : i32
      %mul3A_90 = arith.constant 8 : i32
      %mul3A_91 = arith.muli %while3A_87, %mul3A_90 : i32
      %add3A_92 = arith.addi %mul3A_89, %mul3A_91 : i32
      "tpu.region"() ({
        %run_scoped3A_93 = tpu.sem_alloc : memref<!tpu.dma_semaphore, #tpu.memory_space<semaphore_mem>>
        %dma_start3A = arith.constant 0 : i32
        %dma_start3A_94 = tpu.memref_slice %arg8[%add3A_92, %dma_start3A] : memref<10000x16xf32, #tpu.memory_space<vmem_shared>> -> memref<8x16xf32, #tpu.memory_space<vmem_shared>>
        %dma_start3A_95 = arith.constant 0 : i32
        %dma_start3A_96 = tpu.memref_slice %arg8[%add3A_92, %dma_start3A_95] : memref<10000x16xf32, #tpu.memory_space<vmem_shared>> -> memref<8x16xf32, #tpu.memory_space<vmem_shared>>
        tpu.enqueue_dma source(%arg7 : memref<8x16xf32, #tpu.memory_space<vmem>>) target(%dma_start3A_96 : memref<8x16xf32, #tpu.memory_space<vmem_shared>>) target_semaphore(%run_scoped3A_93 : memref<!tpu.dma_semaphore, #tpu.memory_space<semaphore_mem>>)
        %dma_wait3A = arith.constant 0 : i32
        %dma_wait3A_97 = tpu.memref_slice %arg8[%add3A_92, %dma_wait3A] : memref<10000x16xf32, #tpu.memory_space<vmem_shared>> -> memref<8x16xf32, #tpu.memory_space<vmem_shared>>
        %dma_wait3A_98 = arith.constant 0 : i32
        %dma_wait3A_99 = tpu.memref_slice %arg8[%add3A_92, %dma_wait3A_98] : memref<10000x16xf32, #tpu.memory_space<vmem_shared>> -> memref<8x16xf32, #tpu.memory_space<vmem_shared>>
        tpu.wait_dma2 semaphore(%run_scoped3A_93 : memref<!tpu.dma_semaphore, #tpu.memory_space<semaphore_mem>>) src(%arg7 : memref<8x16xf32, #tpu.memory_space<vmem>>) dst(%dma_wait3A_99 : memref<8x16xf32, #tpu.memory_space<vmem_shared>>)
        tpu.yield
      }) : () -> ()
    }
    %while3A_72 = arith.constant 1 : i32
    scf.for %while3A_87 = %while3A_70 to %while3A_66 step %while3A_72  : i32 {
      %mul3A_88 = arith.constant 632 : i32
      %mul3A_89 = arith.muli %arg1, %mul3A_88 : i32
      %mul3A_90 = arith.constant 8 : i32
      %mul3A_91 = arith.muli %while3A_87, %mul3A_90 : i32
      %add3A_92 = arith.addi %mul3A_89, %mul3A_91 : i32
      "tpu.region"() ({
        %run_scoped3A_93 = tpu.sem_alloc : memref<!tpu.dma_semaphore, #tpu.memory_space<semaphore_mem>>
        %dma_start3A = arith.constant 0 : i32
        %dma_start3A_94 = tpu.memref_slice %arg8[%add3A_92, %dma_start3A] : memref<10000x16xf32, #tpu.memory_space<vmem_shared>> -> memref<8x16xf32, #tpu.memory_space<vmem_shared>>
        %dma_start3A_95 = arith.constant 0 : i32
        %dma_start3A_96 = tpu.memref_slice %arg8[%add3A_92, %dma_start3A_95] : memref<10000x16xf32, #tpu.memory_space<vmem_shared>> -> memref<8x16xf32, #tpu.memory_space<vmem_shared>>
        tpu.enqueue_dma source(%arg7 : memref<8x16xf32, #tpu.memory_space<vmem>>) target(%dma_start3A_96 : memref<8x16xf32, #tpu.memory_space<vmem_shared>>) target_semaphore(%run_scoped3A_93 : memref<!tpu.dma_semaphore, #tpu.memory_space<semaphore_mem>>)
        %dma_wait3A = arith.constant 0 : i32
        %dma_wait3A_97 = tpu.memref_slice %arg8[%add3A_92, %dma_wait3A] : memref<10000x16xf32, #tpu.memory_space<vmem_shared>> -> memref<8x16xf32, #tpu.memory_space<vmem_shared>>
        %dma_wait3A_98 = arith.constant 0 : i32
        %dma_wait3A_99 = tpu.memref_slice %arg8[%add3A_92, %dma_wait3A_98] : memref<10000x16xf32, #tpu.memory_space<vmem_shared>> -> memref<8x16xf32, #tpu.memory_space<vmem_shared>>
        tpu.wait_dma2 semaphore(%run_scoped3A_93 : memref<!tpu.dma_semaphore, #tpu.memory_space<semaphore_mem>>) src(%arg7 : memref<8x16xf32, #tpu.memory_space<vmem>>) dst(%dma_wait3A_99 : memref<8x16xf32, #tpu.memory_space<vmem_shared>>)
        tpu.yield
      }) : () -> ()
    }
    %mul3A_73 = arith.constant 10000 : i32
    %mul3A_74 = arith.muli %add3A, %mul3A_73 : i32
    %run_scoped3A = arith.constant 1 : i32
    "tpu.region"() ({
      %run_scoped3A_87 = tpu.sem_alloc : memref<!tpu.dma_semaphore, #tpu.memory_space<semaphore_mem>>
      %dma_start3A = tpu.memref_slice %arg2[%run_scoped3A, %mul3A_74] : memref<2x320000xi32, #tpu.memory_space<hbm>> -> memref<1x10000xi32, #tpu.memory_space<hbm>>
      %dma_start3A_88 = tpu.memref_squeeze %dma_start3A : memref<1x10000xi32, #tpu.memory_space<hbm>> -> memref<10000xi32, #tpu.memory_space<hbm>>
      %dma_start3A_89 = tpu.memref_slice %arg2[%run_scoped3A, %mul3A_74] : memref<2x320000xi32, #tpu.memory_space<hbm>> -> memref<1x10000xi32, #tpu.memory_space<hbm>>
      %dma_start3A_90 = tpu.memref_squeeze %dma_start3A_89 : memref<1x10000xi32, #tpu.memory_space<hbm>> -> memref<10000xi32, #tpu.memory_space<hbm>>
      tpu.enqueue_dma source(%dma_start3A_90 : memref<10000xi32, #tpu.memory_space<hbm>>) target(%arg5 : memref<10000xi32, #tpu.memory_space<vmem>>) target_semaphore(%run_scoped3A_87 : memref<!tpu.dma_semaphore, #tpu.memory_space<semaphore_mem>>)
      %dma_wait3A = tpu.memref_slice %arg2[%run_scoped3A, %mul3A_74] : memref<2x320000xi32, #tpu.memory_space<hbm>> -> memref<1x10000xi32, #tpu.memory_space<hbm>>
      %dma_wait3A_91 = tpu.memref_squeeze %dma_wait3A : memref<1x10000xi32, #tpu.memory_space<hbm>> -> memref<10000xi32, #tpu.memory_space<hbm>>
      %dma_wait3A_92 = tpu.memref_slice %arg2[%run_scoped3A, %mul3A_74] : memref<2x320000xi32, #tpu.memory_space<hbm>> -> memref<1x10000xi32, #tpu.memory_space<hbm>>
      %dma_wait3A_93 = tpu.memref_squeeze %dma_wait3A_92 : memref<1x10000xi32, #tpu.memory_space<hbm>> -> memref<10000xi32, #tpu.memory_space<hbm>>
      tpu.wait_dma2 semaphore(%run_scoped3A_87 : memref<!tpu.dma_semaphore, #tpu.memory_space<semaphore_mem>>) src(%dma_wait3A_93 : memref<10000xi32, #tpu.memory_space<hbm>>) dst(%arg5 : memref<10000xi32, #tpu.memory_space<vmem>>)
      tpu.yield
    }) : () -> ()
    "tpu.region"() ({
      %run_scoped3A_87 = tpu.sem_alloc : memref<!tpu.dma_semaphore, #tpu.memory_space<semaphore_mem>>
      tpu.enqueue_dma source(%arg3 : memref<80x16xf32, #tpu.memory_space<hbm>>) target(%arg6 : memref<80x16xf32, #tpu.memory_space<vmem>>) target_semaphore(%run_scoped3A_87 : memref<!tpu.dma_semaphore, #tpu.memory_space<semaphore_mem>>)
      tpu.wait_dma2 semaphore(%run_scoped3A_87 : memref<!tpu.dma_semaphore, #tpu.memory_space<semaphore_mem>>) src(%arg3 : memref<80x16xf32, #tpu.memory_space<hbm>>) dst(%arg6 : memref<80x16xf32, #tpu.memory_space<vmem>>)
      tpu.yield
    }) : () -> ()
    %barrier3A = arith.constant 0 : index
    tpu.barrier barrier_id(%barrier3A)
    %scan3A = arith.constant 0 : i32
    %scan3A_75 = arith.constant 125 : i32
    %scan3A_76 = arith.addi %scan3A, %scan3A_75 : i32
    %scan3A_77 = arith.constant 1 : i32
    scf.for %scan3A_87 = %scan3A to %scan3A_76 step %scan3A_77  : i32 {
      %mul3A_88 = arith.constant 80 : i32
      %mul3A_89 = arith.muli %scan3A_87, %mul3A_88 : i32
      "tpu.region"() ({
        %run_scoped3A_90 = tpu.sem_alloc : memref<!tpu.dma_semaphore, #tpu.memory_space<semaphore_mem>>
        %dma_start3A = tpu.memref_slice %arg5[%mul3A_89] : memref<10000xi32, #tpu.memory_space<vmem>> -> memref<80xi32, #tpu.memory_space<vmem>>
        %dma_start3A_91 = arith.constant 0 : i32
        %dma_start3A_92 = arith.constant 0 : i32
        %dma_start3A_93 = tpu.memref_slice %arg8[%dma_start3A_91, %dma_start3A_92] : memref<10000x16xf32, #tpu.memory_space<vmem_shared>> -> memref<10000x16xf32, #tpu.memory_space<vmem_shared>>
        tpu.enqueue_indirect_dma source(%arg6 : memref<80x16xf32, #tpu.memory_space<vmem>>) target(%dma_start3A_93 : memref<10000x16xf32, #tpu.memory_space<vmem_shared>>) offsets(%dma_start3A : memref<80xi32, #tpu.memory_space<vmem>>) semaphore(%run_scoped3A_90 : memref<!tpu.dma_semaphore, #tpu.memory_space<semaphore_mem>>) {add = true}
        %dma_wait3A = tpu.memref_slice %arg5[%mul3A_89] : memref<10000xi32, #tpu.memory_space<vmem>> -> memref<80xi32, #tpu.memory_space<vmem>>
        %dma_wait3A_94 = arith.constant 0 : i32
        %dma_wait3A_95 = arith.constant 0 : i32
        %dma_wait3A_96 = tpu.memref_slice %arg8[%dma_wait3A_94, %dma_wait3A_95] : memref<10000x16xf32, #tpu.memory_space<vmem_shared>> -> memref<10000x16xf32, #tpu.memory_space<vmem_shared>>
        tpu.wait_indirect_dma semaphore(%run_scoped3A_90 : memref<!tpu.dma_semaphore, #tpu.memory_space<semaphore_mem>>) src(%arg6 : memref<80x16xf32, #tpu.memory_space<vmem>>) dst(%dma_wait3A_96 : memref<10000x16xf32, #tpu.memory_space<vmem_shared>>)
        tpu.yield
      }) : () -> ()
    }
    %scan3A_78 = arith.constant 125 : i32
    %barrier3A_79 = arith.constant 0 : index
    tpu.barrier barrier_id(%barrier3A_79)
    %lt3A_80 = arith.constant 15 : i32
    %lt3A_81 = arith.cmpi slt, %arg1, %lt3A_80 : i32
    %convert_element_type3A = arith.extui %lt3A_81 : i1 to i32
    %cond3A = arith.constant 0 : i32
    %cond3A_82 = arith.cmpi ne, %convert_element_type3A, %cond3A : i32
    scf.if %cond3A_82 {
      %mul3A_87 = arith.constant 632 : i32
      %mul3A_88 = arith.muli %arg1, %mul3A_87 : i32
      %mul3A_89 = arith.constant 632 : i32
      %mul3A_90 = arith.muli %arg1, %mul3A_89 : i32
      "tpu.region"() ({
        %run_scoped3A_91 = tpu.sem_alloc : memref<!tpu.dma_semaphore, #tpu.memory_space<semaphore_mem>>
        %dma_start3A = arith.constant 0 : i32
        %dma_start3A_92 = tpu.memref_slice %arg4[%arg0, %mul3A_90, %dma_start3A] : memref<2x10000x128xf32, #tpu.memory_space<hbm>> -> memref<1x632x16xf32, #tpu.memory_space<hbm>>
        %dma_start3A_93 = tpu.memref_squeeze %dma_start3A_92 : memref<1x632x16xf32, #tpu.memory_space<hbm>> -> memref<632x16xf32, #tpu.memory_space<hbm>>
        %dma_start3A_94 = arith.constant 0 : i32
        %dma_start3A_95 = tpu.memref_slice %arg8[%mul3A_88, %dma_start3A_94] : memref<10000x16xf32, #tpu.memory_space<vmem_shared>> -> memref<632x16xf32, #tpu.memory_space<vmem_shared>>
        tpu.enqueue_dma source(%dma_start3A_95 : memref<632x16xf32, #tpu.memory_space<vmem_shared>>) target(%dma_start3A_93 : memref<632x16xf32, #tpu.memory_space<hbm>>) target_semaphore(%run_scoped3A_91 : memref<!tpu.dma_semaphore, #tpu.memory_space<semaphore_mem>>)
        %dma_wait3A = arith.constant 0 : i32
        %dma_wait3A_96 = tpu.memref_slice %arg4[%arg0, %mul3A_90, %dma_wait3A] : memref<2x10000x128xf32, #tpu.memory_space<hbm>> -> memref<1x632x16xf32, #tpu.memory_space<hbm>>
        %dma_wait3A_97 = tpu.memref_squeeze %dma_wait3A_96 : memref<1x632x16xf32, #tpu.memory_space<hbm>> -> memref<632x16xf32, #tpu.memory_space<hbm>>
        %dma_wait3A_98 = arith.constant 0 : i32
        %dma_wait3A_99 = tpu.memref_slice %arg8[%mul3A_88, %dma_wait3A_98] : memref<10000x16xf32, #tpu.memory_space<vmem_shared>> -> memref<632x16xf32, #tpu.memory_space<vmem_shared>>
        tpu.wait_dma2 semaphore(%run_scoped3A_91 : memref<!tpu.dma_semaphore, #tpu.memory_space<semaphore_mem>>) src(%dma_wait3A_99 : memref<632x16xf32, #tpu.memory_space<vmem_shared>>) dst(%dma_wait3A_97 : memref<632x16xf32, #tpu.memory_space<hbm>>)
        tpu.yield
      }) : () -> ()
    } else {
    }
    %eq3A = arith.constant 15 : i32
    %eq3A_83 = arith.cmpi eq, %arg1, %eq3A : i32
    %convert_element_type3A_84 = arith.extui %eq3A_83 : i1 to i32
    %cond3A_85 = arith.constant 0 : i32
    %cond3A_86 = arith.cmpi ne, %convert_element_type3A_84, %cond3A_85 : i32
    scf.if %cond3A_86 {
      "tpu.region"() ({
        %run_scoped3A_87 = tpu.sem_alloc : memref<!tpu.dma_semaphore, #tpu.memory_space<semaphore_mem>>
        %dma_start3A = arith.constant 9480 : i32
        %dma_start3A_88 = arith.constant 0 : i32
        %dma_start3A_89 = tpu.memref_slice %arg4[%arg0, %dma_start3A, %dma_start3A_88] : memref<2x10000x128xf32, #tpu.memory_space<hbm>> -> memref<1x520x16xf32, #tpu.memory_space<hbm>>
        %dma_start3A_90 = tpu.memref_squeeze %dma_start3A_89 : memref<1x520x16xf32, #tpu.memory_space<hbm>> -> memref<520x16xf32, #tpu.memory_space<hbm>>
        %dma_start3A_91 = arith.constant 9480 : i32
        %dma_start3A_92 = arith.constant 0 : i32
        %dma_start3A_93 = tpu.memref_slice %arg8[%dma_start3A_91, %dma_start3A_92] : memref<10000x16xf32, #tpu.memory_space<vmem_shared>> -> memref<520x16xf32, #tpu.memory_space<vmem_shared>>
        tpu.enqueue_dma source(%dma_start3A_93 : memref<520x16xf32, #tpu.memory_space<vmem_shared>>) target(%dma_start3A_90 : memref<520x16xf32, #tpu.memory_space<hbm>>) target_semaphore(%run_scoped3A_87 : memref<!tpu.dma_semaphore, #tpu.memory_space<semaphore_mem>>)
        %dma_wait3A = arith.constant 9480 : i32
        %dma_wait3A_94 = arith.constant 0 : i32
        %dma_wait3A_95 = tpu.memref_slice %arg4[%arg0, %dma_wait3A, %dma_wait3A_94] : memref<2x10000x128xf32, #tpu.memory_space<hbm>> -> memref<1x520x16xf32, #tpu.memory_space<hbm>>
        %dma_wait3A_96 = tpu.memref_squeeze %dma_wait3A_95 : memref<1x520x16xf32, #tpu.memory_space<hbm>> -> memref<520x16xf32, #tpu.memory_space<hbm>>
        %dma_wait3A_97 = arith.constant 9480 : i32
        %dma_wait3A_98 = arith.constant 0 : i32
        %dma_wait3A_99 = tpu.memref_slice %arg8[%dma_wait3A_97, %dma_wait3A_98] : memref<10000x16xf32, #tpu.memory_space<vmem_shared>> -> memref<520x16xf32, #tpu.memory_space<vmem_shared>>
        tpu.wait_dma2 semaphore(%run_scoped3A_87 : memref<!tpu.dma_semaphore, #tpu.memory_space<semaphore_mem>>) src(%dma_wait3A_99 : memref<520x16xf32, #tpu.memory_space<vmem_shared>>) dst(%dma_wait3A_96 : memref<520x16xf32, #tpu.memory_space<hbm>>)
        tpu.yield
      }) : () -> ()
    } else {
    }
    return
  }
}

#map = affine_map<(d0, d1) -> (0, 0)>
module attributes {stable_mosaic.version = 14 : i64} {
  func.func @_seg_kernel(%arg0: i32, %arg1: i32, %arg2: memref<20000x64xf32, #tpu.memory_space<hbm>>, %arg3: memref<2x320000xi32, #tpu.memory_space<hbm>>, %arg4: memref<10000x128xf32, #tpu.memory_space<hbm>>, %arg5: memref<20000xi32, #tpu.memory_space<vmem>>, %arg6: memref<20000xi32, #tpu.memory_space<vmem>>, %arg7: memref<80xi32, #tpu.memory_space<vmem>>, %arg8: memref<80xi32, #tpu.memory_space<vmem>>, %arg9: memref<80xi32, #tpu.memory_space<vmem>>, %arg10: memref<80xi32, #tpu.memory_space<vmem>>, %arg11: memref<80xi32, #tpu.memory_space<vmem>>, %arg12: memref<80x64xf32, #tpu.memory_space<vmem>>, %arg13: memref<80x64xf32, #tpu.memory_space<vmem>>, %arg14: memref<80x64xf32, #tpu.memory_space<vmem>>, %arg15: memref<80x64xf32, #tpu.memory_space<vmem>>, %arg16: memref<80x64xf32, #tpu.memory_space<vmem>>, %arg17: memref<!tpu.dma_semaphore, #tpu.memory_space<semaphore_mem>>, %arg18: memref<!tpu.dma_semaphore, #tpu.memory_space<semaphore_mem>>, %arg19: memref<!tpu.dma_semaphore, #tpu.memory_space<semaphore_mem>>, %arg20: memref<!tpu.dma_semaphore, #tpu.memory_space<semaphore_mem>>, %arg21: memref<!tpu.dma_semaphore, #tpu.memory_space<semaphore_mem>>, %arg22: memref<!tpu.dma_semaphore, #tpu.memory_space<semaphore_mem>>, %arg23: memref<!tpu.dma_semaphore, #tpu.memory_space<semaphore_mem>>, %arg24: memref<!tpu.dma_semaphore, #tpu.memory_space<semaphore_mem>>, %arg25: memref<!tpu.dma_semaphore, #tpu.memory_space<semaphore_mem>>, %arg26: memref<!tpu.dma_semaphore, #tpu.memory_space<semaphore_mem>>, %arg27: memref<8x64xf32, #tpu.memory_space<vmem>>, %arg28: memref<10000x64xf32, #tpu.memory_space<vmem_shared>>) attributes {dimension_semantics = [#tpu.dimension_semantics<core_parallel>, #tpu.dimension_semantics<subcore_parallel>], iteration_bounds = array<i64: 2, 16>, scalar_prefetch = 0 : i64, scratch_operands = 24 : i64, tpu.core_type = #tpu.core_type<sc_vector_subcore>, window_params = [{transform_indices = #map}, {transform_indices = #map}, {transform_indices = #map}]} {
    %broadcast_in_dim3A = arith.constant 0.000000e+00 : f32
    %broadcast_in_dim3A_0 = vector.broadcast %broadcast_in_dim3A : f32 to vector<16xf32>
    %swap3A = arith.constant 0 : i32
    %swap3A_1 = arith.index_cast %swap3A : i32 to index
    %swap3A_2 = arith.constant 0 : index
    %swap3A_3 = tpu.vector_load %arg27[%swap3A_1, %swap3A_2] {strides = array<i32>} : memref<8x64xf32, #tpu.memory_space<vmem>>, vector<1x16xf32>,
    %swap3A_4 = vector.shape_cast %swap3A_3 : vector<1x16xf32> to vector<16xf32>
    %swap3A_5 = vector.shape_cast %broadcast_in_dim3A_0 : vector<16xf32> to vector<1x16xf32>
    tpu.vector_store %arg27[%swap3A_1, %swap3A_2], %swap3A_5 {strides = array<i32>} : memref<8x64xf32, #tpu.memory_space<vmem>>, vector<1x16xf32>,
    %broadcast_in_dim3A_6 = arith.constant 0.000000e+00 : f32
    %broadcast_in_dim3A_7 = vector.broadcast %broadcast_in_dim3A_6 : f32 to vector<16xf32>
    %swap3A_8 = arith.constant 0 : i32
    %swap3A_9 = arith.index_cast %swap3A_8 : i32 to index
    %swap3A_10 = arith.constant 16 : index
    %swap3A_11 = tpu.vector_load %arg27[%swap3A_9, %swap3A_10] {strides = array<i32>} : memref<8x64xf32, #tpu.memory_space<vmem>>, vector<1x16xf32>,
    %swap3A_12 = vector.shape_cast %swap3A_11 : vector<1x16xf32> to vector<16xf32>
    %swap3A_13 = vector.shape_cast %broadcast_in_dim3A_7 : vector<16xf32> to vector<1x16xf32>
    tpu.vector_store %arg27[%swap3A_9, %swap3A_10], %swap3A_13 {strides = array<i32>} : memref<8x64xf32, #tpu.memory_space<vmem>>, vector<1x16xf32>,
    %broadcast_in_dim3A_14 = arith.constant 0.000000e+00 : f32
    %broadcast_in_dim3A_15 = vector.broadcast %broadcast_in_dim3A_14 : f32 to vector<16xf32>
    %swap3A_16 = arith.constant 0 : i32
    %swap3A_17 = arith.index_cast %swap3A_16 : i32 to index
    %swap3A_18 = arith.constant 32 : index
    %swap3A_19 = tpu.vector_load %arg27[%swap3A_17, %swap3A_18] {strides = array<i32>} : memref<8x64xf32, #tpu.memory_space<vmem>>, vector<1x16xf32>,
    %swap3A_20 = vector.shape_cast %swap3A_19 : vector<1x16xf32> to vector<16xf32>
    %swap3A_21 = vector.shape_cast %broadcast_in_dim3A_15 : vector<16xf32> to vector<1x16xf32>
    tpu.vector_store %arg27[%swap3A_17, %swap3A_18], %swap3A_21 {strides = array<i32>} : memref<8x64xf32, #tpu.memory_space<vmem>>, vector<1x16xf32>,
    %broadcast_in_dim3A_22 = arith.constant 0.000000e+00 : f32
    %broadcast_in_dim3A_23 = vector.broadcast %broadcast_in_dim3A_22 : f32 to vector<16xf32>
    %swap3A_24 = arith.constant 0 : i32
    %swap3A_25 = arith.index_cast %swap3A_24 : i32 to index
    %swap3A_26 = arith.constant 48 : index
    %swap3A_27 = tpu.vector_load %arg27[%swap3A_25, %swap3A_26] {strides = array<i32>} : memref<8x64xf32, #tpu.memory_space<vmem>>, vector<1x16xf32>,
    %swap3A_28 = vector.shape_cast %swap3A_27 : vector<1x16xf32> to vector<16xf32>
    %swap3A_29 = vector.shape_cast %broadcast_in_dim3A_23 : vector<16xf32> to vector<1x16xf32>
    tpu.vector_store %arg27[%swap3A_25, %swap3A_26], %swap3A_29 {strides = array<i32>} : memref<8x64xf32, #tpu.memory_space<vmem>>, vector<1x16xf32>,
    %broadcast_in_dim3A_30 = arith.constant 0.000000e+00 : f32
    %broadcast_in_dim3A_31 = vector.broadcast %broadcast_in_dim3A_30 : f32 to vector<16xf32>
    %swap3A_32 = arith.constant 1 : i32
    %swap3A_33 = arith.index_cast %swap3A_32 : i32 to index
    %swap3A_34 = arith.constant 0 : index
    %swap3A_35 = tpu.vector_load %arg27[%swap3A_33, %swap3A_34] {strides = array<i32>} : memref<8x64xf32, #tpu.memory_space<vmem>>, vector<1x16xf32>,
    %swap3A_36 = vector.shape_cast %swap3A_35 : vector<1x16xf32> to vector<16xf32>
    %swap3A_37 = vector.shape_cast %broadcast_in_dim3A_31 : vector<16xf32> to vector<1x16xf32>
    tpu.vector_store %arg27[%swap3A_33, %swap3A_34], %swap3A_37 {strides = array<i32>} : memref<8x64xf32, #tpu.memory_space<vmem>>, vector<1x16xf32>,
    %broadcast_in_dim3A_38 = arith.constant 0.000000e+00 : f32
    %broadcast_in_dim3A_39 = vector.broadcast %broadcast_in_dim3A_38 : f32 to vector<16xf32>
    %swap3A_40 = arith.constant 1 : i32
    %swap3A_41 = arith.index_cast %swap3A_40 : i32 to index
    %swap3A_42 = arith.constant 16 : index
    %swap3A_43 = tpu.vector_load %arg27[%swap3A_41, %swap3A_42] {strides = array<i32>} : memref<8x64xf32, #tpu.memory_space<vmem>>, vector<1x16xf32>,
    %swap3A_44 = vector.shape_cast %swap3A_43 : vector<1x16xf32> to vector<16xf32>
    %swap3A_45 = vector.shape_cast %broadcast_in_dim3A_39 : vector<16xf32> to vector<1x16xf32>
    tpu.vector_store %arg27[%swap3A_41, %swap3A_42], %swap3A_45 {strides = array<i32>} : memref<8x64xf32, #tpu.memory_space<vmem>>, vector<1x16xf32>,
    %broadcast_in_dim3A_46 = arith.constant 0.000000e+00 : f32
    %broadcast_in_dim3A_47 = vector.broadcast %broadcast_in_dim3A_46 : f32 to vector<16xf32>
    %swap3A_48 = arith.constant 1 : i32
    %swap3A_49 = arith.index_cast %swap3A_48 : i32 to index
    %swap3A_50 = arith.constant 32 : index
    %swap3A_51 = tpu.vector_load %arg27[%swap3A_49, %swap3A_50] {strides = array<i32>} : memref<8x64xf32, #tpu.memory_space<vmem>>, vector<1x16xf32>,
    %swap3A_52 = vector.shape_cast %swap3A_51 : vector<1x16xf32> to vector<16xf32>
    %swap3A_53 = vector.shape_cast %broadcast_in_dim3A_47 : vector<16xf32> to vector<1x16xf32>
    tpu.vector_store %arg27[%swap3A_49, %swap3A_50], %swap3A_53 {strides = array<i32>} : memref<8x64xf32, #tpu.memory_space<vmem>>, vector<1x16xf32>,
    %broadcast_in_dim3A_54 = arith.constant 0.000000e+00 : f32
    %broadcast_in_dim3A_55 = vector.broadcast %broadcast_in_dim3A_54 : f32 to vector<16xf32>
    %swap3A_56 = arith.constant 1 : i32
    %swap3A_57 = arith.index_cast %swap3A_56 : i32 to index
    %swap3A_58 = arith.constant 48 : index
    %swap3A_59 = tpu.vector_load %arg27[%swap3A_57, %swap3A_58] {strides = array<i32>} : memref<8x64xf32, #tpu.memory_space<vmem>>, vector<1x16xf32>,
    %swap3A_60 = vector.shape_cast %swap3A_59 : vector<1x16xf32> to vector<16xf32>
    %swap3A_61 = vector.shape_cast %broadcast_in_dim3A_55 : vector<16xf32> to vector<1x16xf32>
    tpu.vector_store %arg27[%swap3A_57, %swap3A_58], %swap3A_61 {strides = array<i32>} : memref<8x64xf32, #tpu.memory_space<vmem>>, vector<1x16xf32>,
    %broadcast_in_dim3A_62 = arith.constant 0.000000e+00 : f32
    %broadcast_in_dim3A_63 = vector.broadcast %broadcast_in_dim3A_62 : f32 to vector<16xf32>
    %swap3A_64 = arith.constant 2 : i32
    %swap3A_65 = arith.index_cast %swap3A_64 : i32 to index
    %swap3A_66 = arith.constant 0 : index
    %swap3A_67 = tpu.vector_load %arg27[%swap3A_65, %swap3A_66] {strides = array<i32>} : memref<8x64xf32, #tpu.memory_space<vmem>>, vector<1x16xf32>,
    %swap3A_68 = vector.shape_cast %swap3A_67 : vector<1x16xf32> to vector<16xf32>
    %swap3A_69 = vector.shape_cast %broadcast_in_dim3A_63 : vector<16xf32> to vector<1x16xf32>
    tpu.vector_store %arg27[%swap3A_65, %swap3A_66], %swap3A_69 {strides = array<i32>} : memref<8x64xf32, #tpu.memory_space<vmem>>, vector<1x16xf32>,
    %broadcast_in_dim3A_70 = arith.constant 0.000000e+00 : f32
    %broadcast_in_dim3A_71 = vector.broadcast %broadcast_in_dim3A_70 : f32 to vector<16xf32>
    %swap3A_72 = arith.constant 2 : i32
    %swap3A_73 = arith.index_cast %swap3A_72 : i32 to index
    %swap3A_74 = arith.constant 16 : index
    %swap3A_75 = tpu.vector_load %arg27[%swap3A_73, %swap3A_74] {strides = array<i32>} : memref<8x64xf32, #tpu.memory_space<vmem>>, vector<1x16xf32>,
    %swap3A_76 = vector.shape_cast %swap3A_75 : vector<1x16xf32> to vector<16xf32>
    %swap3A_77 = vector.shape_cast %broadcast_in_dim3A_71 : vector<16xf32> to vector<1x16xf32>
    tpu.vector_store %arg27[%swap3A_73, %swap3A_74], %swap3A_77 {strides = array<i32>} : memref<8x64xf32, #tpu.memory_space<vmem>>, vector<1x16xf32>,
    %broadcast_in_dim3A_78 = arith.constant 0.000000e+00 : f32
    %broadcast_in_dim3A_79 = vector.broadcast %broadcast_in_dim3A_78 : f32 to vector<16xf32>
    %swap3A_80 = arith.constant 2 : i32
    %swap3A_81 = arith.index_cast %swap3A_80 : i32 to index
    %swap3A_82 = arith.constant 32 : index
    %swap3A_83 = tpu.vector_load %arg27[%swap3A_81, %swap3A_82] {strides = array<i32>} : memref<8x64xf32, #tpu.memory_space<vmem>>, vector<1x16xf32>,
    %swap3A_84 = vector.shape_cast %swap3A_83 : vector<1x16xf32> to vector<16xf32>
    %swap3A_85 = vector.shape_cast %broadcast_in_dim3A_79 : vector<16xf32> to vector<1x16xf32>
    tpu.vector_store %arg27[%swap3A_81, %swap3A_82], %swap3A_85 {strides = array<i32>} : memref<8x64xf32, #tpu.memory_space<vmem>>, vector<1x16xf32>,
    %broadcast_in_dim3A_86 = arith.constant 0.000000e+00 : f32
    %broadcast_in_dim3A_87 = vector.broadcast %broadcast_in_dim3A_86 : f32 to vector<16xf32>
    %swap3A_88 = arith.constant 2 : i32
    %swap3A_89 = arith.index_cast %swap3A_88 : i32 to index
    %swap3A_90 = arith.constant 48 : index
    %swap3A_91 = tpu.vector_load %arg27[%swap3A_89, %swap3A_90] {strides = array<i32>} : memref<8x64xf32, #tpu.memory_space<vmem>>, vector<1x16xf32>,
    %swap3A_92 = vector.shape_cast %swap3A_91 : vector<1x16xf32> to vector<16xf32>
    %swap3A_93 = vector.shape_cast %broadcast_in_dim3A_87 : vector<16xf32> to vector<1x16xf32>
    tpu.vector_store %arg27[%swap3A_89, %swap3A_90], %swap3A_93 {strides = array<i32>} : memref<8x64xf32, #tpu.memory_space<vmem>>, vector<1x16xf32>,
    %broadcast_in_dim3A_94 = arith.constant 0.000000e+00 : f32
    %broadcast_in_dim3A_95 = vector.broadcast %broadcast_in_dim3A_94 : f32 to vector<16xf32>
    %swap3A_96 = arith.constant 3 : i32
    %swap3A_97 = arith.index_cast %swap3A_96 : i32 to index
    %swap3A_98 = arith.constant 0 : index
    %swap3A_99 = tpu.vector_load %arg27[%swap3A_97, %swap3A_98] {strides = array<i32>} : memref<8x64xf32, #tpu.memory_space<vmem>>, vector<1x16xf32>,
    %swap3A_100 = vector.shape_cast %swap3A_99 : vector<1x16xf32> to vector<16xf32>
    %swap3A_101 = vector.shape_cast %broadcast_in_dim3A_95 : vector<16xf32> to vector<1x16xf32>
    tpu.vector_store %arg27[%swap3A_97, %swap3A_98], %swap3A_101 {strides = array<i32>} : memref<8x64xf32, #tpu.memory_space<vmem>>, vector<1x16xf32>,
    %broadcast_in_dim3A_102 = arith.constant 0.000000e+00 : f32
    %broadcast_in_dim3A_103 = vector.broadcast %broadcast_in_dim3A_102 : f32 to vector<16xf32>
    %swap3A_104 = arith.constant 3 : i32
    %swap3A_105 = arith.index_cast %swap3A_104 : i32 to index
    %swap3A_106 = arith.constant 16 : index
    %swap3A_107 = tpu.vector_load %arg27[%swap3A_105, %swap3A_106] {strides = array<i32>} : memref<8x64xf32, #tpu.memory_space<vmem>>, vector<1x16xf32>,
    %swap3A_108 = vector.shape_cast %swap3A_107 : vector<1x16xf32> to vector<16xf32>
    %swap3A_109 = vector.shape_cast %broadcast_in_dim3A_103 : vector<16xf32> to vector<1x16xf32>
    tpu.vector_store %arg27[%swap3A_105, %swap3A_106], %swap3A_109 {strides = array<i32>} : memref<8x64xf32, #tpu.memory_space<vmem>>, vector<1x16xf32>,
    %broadcast_in_dim3A_110 = arith.constant 0.000000e+00 : f32
    %broadcast_in_dim3A_111 = vector.broadcast %broadcast_in_dim3A_110 : f32 to vector<16xf32>
    %swap3A_112 = arith.constant 3 : i32
    %swap3A_113 = arith.index_cast %swap3A_112 : i32 to index
    %swap3A_114 = arith.constant 32 : index
    %swap3A_115 = tpu.vector_load %arg27[%swap3A_113, %swap3A_114] {strides = array<i32>} : memref<8x64xf32, #tpu.memory_space<vmem>>, vector<1x16xf32>,
    %swap3A_116 = vector.shape_cast %swap3A_115 : vector<1x16xf32> to vector<16xf32>
    %swap3A_117 = vector.shape_cast %broadcast_in_dim3A_111 : vector<16xf32> to vector<1x16xf32>
    tpu.vector_store %arg27[%swap3A_113, %swap3A_114], %swap3A_117 {strides = array<i32>} : memref<8x64xf32, #tpu.memory_space<vmem>>, vector<1x16xf32>,
    %broadcast_in_dim3A_118 = arith.constant 0.000000e+00 : f32
    %broadcast_in_dim3A_119 = vector.broadcast %broadcast_in_dim3A_118 : f32 to vector<16xf32>
    %swap3A_120 = arith.constant 3 : i32
    %swap3A_121 = arith.index_cast %swap3A_120 : i32 to index
    %swap3A_122 = arith.constant 48 : index
    %swap3A_123 = tpu.vector_load %arg27[%swap3A_121, %swap3A_122] {strides = array<i32>} : memref<8x64xf32, #tpu.memory_space<vmem>>, vector<1x16xf32>,
    %swap3A_124 = vector.shape_cast %swap3A_123 : vector<1x16xf32> to vector<16xf32>
    %swap3A_125 = vector.shape_cast %broadcast_in_dim3A_119 : vector<16xf32> to vector<1x16xf32>
    tpu.vector_store %arg27[%swap3A_121, %swap3A_122], %swap3A_125 {strides = array<i32>} : memref<8x64xf32, #tpu.memory_space<vmem>>, vector<1x16xf32>,
    %broadcast_in_dim3A_126 = arith.constant 0.000000e+00 : f32
    %broadcast_in_dim3A_127 = vector.broadcast %broadcast_in_dim3A_126 : f32 to vector<16xf32>
    %swap3A_128 = arith.constant 4 : i32
    %swap3A_129 = arith.index_cast %swap3A_128 : i32 to index
    %swap3A_130 = arith.constant 0 : index
    %swap3A_131 = tpu.vector_load %arg27[%swap3A_129, %swap3A_130] {strides = array<i32>} : memref<8x64xf32, #tpu.memory_space<vmem>>, vector<1x16xf32>,
    %swap3A_132 = vector.shape_cast %swap3A_131 : vector<1x16xf32> to vector<16xf32>
    %swap3A_133 = vector.shape_cast %broadcast_in_dim3A_127 : vector<16xf32> to vector<1x16xf32>
    tpu.vector_store %arg27[%swap3A_129, %swap3A_130], %swap3A_133 {strides = array<i32>} : memref<8x64xf32, #tpu.memory_space<vmem>>, vector<1x16xf32>,
    %broadcast_in_dim3A_134 = arith.constant 0.000000e+00 : f32
    %broadcast_in_dim3A_135 = vector.broadcast %broadcast_in_dim3A_134 : f32 to vector<16xf32>
    %swap3A_136 = arith.constant 4 : i32
    %swap3A_137 = arith.index_cast %swap3A_136 : i32 to index
    %swap3A_138 = arith.constant 16 : index
    %swap3A_139 = tpu.vector_load %arg27[%swap3A_137, %swap3A_138] {strides = array<i32>} : memref<8x64xf32, #tpu.memory_space<vmem>>, vector<1x16xf32>,
    %swap3A_140 = vector.shape_cast %swap3A_139 : vector<1x16xf32> to vector<16xf32>
    %swap3A_141 = vector.shape_cast %broadcast_in_dim3A_135 : vector<16xf32> to vector<1x16xf32>
    tpu.vector_store %arg27[%swap3A_137, %swap3A_138], %swap3A_141 {strides = array<i32>} : memref<8x64xf32, #tpu.memory_space<vmem>>, vector<1x16xf32>,
    %broadcast_in_dim3A_142 = arith.constant 0.000000e+00 : f32
    %broadcast_in_dim3A_143 = vector.broadcast %broadcast_in_dim3A_142 : f32 to vector<16xf32>
    %swap3A_144 = arith.constant 4 : i32
    %swap3A_145 = arith.index_cast %swap3A_144 : i32 to index
    %swap3A_146 = arith.constant 32 : index
    %swap3A_147 = tpu.vector_load %arg27[%swap3A_145, %swap3A_146] {strides = array<i32>} : memref<8x64xf32, #tpu.memory_space<vmem>>, vector<1x16xf32>,
    %swap3A_148 = vector.shape_cast %swap3A_147 : vector<1x16xf32> to vector<16xf32>
    %swap3A_149 = vector.shape_cast %broadcast_in_dim3A_143 : vector<16xf32> to vector<1x16xf32>
    tpu.vector_store %arg27[%swap3A_145, %swap3A_146], %swap3A_149 {strides = array<i32>} : memref<8x64xf32, #tpu.memory_space<vmem>>, vector<1x16xf32>,
    %broadcast_in_dim3A_150 = arith.constant 0.000000e+00 : f32
    %broadcast_in_dim3A_151 = vector.broadcast %broadcast_in_dim3A_150 : f32 to vector<16xf32>
    %swap3A_152 = arith.constant 4 : i32
    %swap3A_153 = arith.index_cast %swap3A_152 : i32 to index
    %swap3A_154 = arith.constant 48 : index
    %swap3A_155 = tpu.vector_load %arg27[%swap3A_153, %swap3A_154] {strides = array<i32>} : memref<8x64xf32, #tpu.memory_space<vmem>>, vector<1x16xf32>,
    %swap3A_156 = vector.shape_cast %swap3A_155 : vector<1x16xf32> to vector<16xf32>
    %swap3A_157 = vector.shape_cast %broadcast_in_dim3A_151 : vector<16xf32> to vector<1x16xf32>
    tpu.vector_store %arg27[%swap3A_153, %swap3A_154], %swap3A_157 {strides = array<i32>} : memref<8x64xf32, #tpu.memory_space<vmem>>, vector<1x16xf32>,
    %broadcast_in_dim3A_158 = arith.constant 0.000000e+00 : f32
    %broadcast_in_dim3A_159 = vector.broadcast %broadcast_in_dim3A_158 : f32 to vector<16xf32>
    %swap3A_160 = arith.constant 5 : i32
    %swap3A_161 = arith.index_cast %swap3A_160 : i32 to index
    %swap3A_162 = arith.constant 0 : index
    %swap3A_163 = tpu.vector_load %arg27[%swap3A_161, %swap3A_162] {strides = array<i32>} : memref<8x64xf32, #tpu.memory_space<vmem>>, vector<1x16xf32>,
    %swap3A_164 = vector.shape_cast %swap3A_163 : vector<1x16xf32> to vector<16xf32>
    %swap3A_165 = vector.shape_cast %broadcast_in_dim3A_159 : vector<16xf32> to vector<1x16xf32>
    tpu.vector_store %arg27[%swap3A_161, %swap3A_162], %swap3A_165 {strides = array<i32>} : memref<8x64xf32, #tpu.memory_space<vmem>>, vector<1x16xf32>,
    %broadcast_in_dim3A_166 = arith.constant 0.000000e+00 : f32
    %broadcast_in_dim3A_167 = vector.broadcast %broadcast_in_dim3A_166 : f32 to vector<16xf32>
    %swap3A_168 = arith.constant 5 : i32
    %swap3A_169 = arith.index_cast %swap3A_168 : i32 to index
    %swap3A_170 = arith.constant 16 : index
    %swap3A_171 = tpu.vector_load %arg27[%swap3A_169, %swap3A_170] {strides = array<i32>} : memref<8x64xf32, #tpu.memory_space<vmem>>, vector<1x16xf32>,
    %swap3A_172 = vector.shape_cast %swap3A_171 : vector<1x16xf32> to vector<16xf32>
    %swap3A_173 = vector.shape_cast %broadcast_in_dim3A_167 : vector<16xf32> to vector<1x16xf32>
    tpu.vector_store %arg27[%swap3A_169, %swap3A_170], %swap3A_173 {strides = array<i32>} : memref<8x64xf32, #tpu.memory_space<vmem>>, vector<1x16xf32>,
    %broadcast_in_dim3A_174 = arith.constant 0.000000e+00 : f32
    %broadcast_in_dim3A_175 = vector.broadcast %broadcast_in_dim3A_174 : f32 to vector<16xf32>
    %swap3A_176 = arith.constant 5 : i32
    %swap3A_177 = arith.index_cast %swap3A_176 : i32 to index
    %swap3A_178 = arith.constant 32 : index
    %swap3A_179 = tpu.vector_load %arg27[%swap3A_177, %swap3A_178] {strides = array<i32>} : memref<8x64xf32, #tpu.memory_space<vmem>>, vector<1x16xf32>,
    %swap3A_180 = vector.shape_cast %swap3A_179 : vector<1x16xf32> to vector<16xf32>
    %swap3A_181 = vector.shape_cast %broadcast_in_dim3A_175 : vector<16xf32> to vector<1x16xf32>
    tpu.vector_store %arg27[%swap3A_177, %swap3A_178], %swap3A_181 {strides = array<i32>} : memref<8x64xf32, #tpu.memory_space<vmem>>, vector<1x16xf32>,
    %broadcast_in_dim3A_182 = arith.constant 0.000000e+00 : f32
    %broadcast_in_dim3A_183 = vector.broadcast %broadcast_in_dim3A_182 : f32 to vector<16xf32>
    %swap3A_184 = arith.constant 5 : i32
    %swap3A_185 = arith.index_cast %swap3A_184 : i32 to index
    %swap3A_186 = arith.constant 48 : index
    %swap3A_187 = tpu.vector_load %arg27[%swap3A_185, %swap3A_186] {strides = array<i32>} : memref<8x64xf32, #tpu.memory_space<vmem>>, vector<1x16xf32>,
    %swap3A_188 = vector.shape_cast %swap3A_187 : vector<1x16xf32> to vector<16xf32>
    %swap3A_189 = vector.shape_cast %broadcast_in_dim3A_183 : vector<16xf32> to vector<1x16xf32>
    tpu.vector_store %arg27[%swap3A_185, %swap3A_186], %swap3A_189 {strides = array<i32>} : memref<8x64xf32, #tpu.memory_space<vmem>>, vector<1x16xf32>,
    %broadcast_in_dim3A_190 = arith.constant 0.000000e+00 : f32
    %broadcast_in_dim3A_191 = vector.broadcast %broadcast_in_dim3A_190 : f32 to vector<16xf32>
    %swap3A_192 = arith.constant 6 : i32
    %swap3A_193 = arith.index_cast %swap3A_192 : i32 to index
    %swap3A_194 = arith.constant 0 : index
    %swap3A_195 = tpu.vector_load %arg27[%swap3A_193, %swap3A_194] {strides = array<i32>} : memref<8x64xf32, #tpu.memory_space<vmem>>, vector<1x16xf32>,
    %swap3A_196 = vector.shape_cast %swap3A_195 : vector<1x16xf32> to vector<16xf32>
    %swap3A_197 = vector.shape_cast %broadcast_in_dim3A_191 : vector<16xf32> to vector<1x16xf32>
    tpu.vector_store %arg27[%swap3A_193, %swap3A_194], %swap3A_197 {strides = array<i32>} : memref<8x64xf32, #tpu.memory_space<vmem>>, vector<1x16xf32>,
    %broadcast_in_dim3A_198 = arith.constant 0.000000e+00 : f32
    %broadcast_in_dim3A_199 = vector.broadcast %broadcast_in_dim3A_198 : f32 to vector<16xf32>
    %swap3A_200 = arith.constant 6 : i32
    %swap3A_201 = arith.index_cast %swap3A_200 : i32 to index
    %swap3A_202 = arith.constant 16 : index
    %swap3A_203 = tpu.vector_load %arg27[%swap3A_201, %swap3A_202] {strides = array<i32>} : memref<8x64xf32, #tpu.memory_space<vmem>>, vector<1x16xf32>,
    %swap3A_204 = vector.shape_cast %swap3A_203 : vector<1x16xf32> to vector<16xf32>
    %swap3A_205 = vector.shape_cast %broadcast_in_dim3A_199 : vector<16xf32> to vector<1x16xf32>
    tpu.vector_store %arg27[%swap3A_201, %swap3A_202], %swap3A_205 {strides = array<i32>} : memref<8x64xf32, #tpu.memory_space<vmem>>, vector<1x16xf32>,
    %broadcast_in_dim3A_206 = arith.constant 0.000000e+00 : f32
    %broadcast_in_dim3A_207 = vector.broadcast %broadcast_in_dim3A_206 : f32 to vector<16xf32>
    %swap3A_208 = arith.constant 6 : i32
    %swap3A_209 = arith.index_cast %swap3A_208 : i32 to index
    %swap3A_210 = arith.constant 32 : index
    %swap3A_211 = tpu.vector_load %arg27[%swap3A_209, %swap3A_210] {strides = array<i32>} : memref<8x64xf32, #tpu.memory_space<vmem>>, vector<1x16xf32>,
    %swap3A_212 = vector.shape_cast %swap3A_211 : vector<1x16xf32> to vector<16xf32>
    %swap3A_213 = vector.shape_cast %broadcast_in_dim3A_207 : vector<16xf32> to vector<1x16xf32>
    tpu.vector_store %arg27[%swap3A_209, %swap3A_210], %swap3A_213 {strides = array<i32>} : memref<8x64xf32, #tpu.memory_space<vmem>>, vector<1x16xf32>,
    %broadcast_in_dim3A_214 = arith.constant 0.000000e+00 : f32
    %broadcast_in_dim3A_215 = vector.broadcast %broadcast_in_dim3A_214 : f32 to vector<16xf32>
    %swap3A_216 = arith.constant 6 : i32
    %swap3A_217 = arith.index_cast %swap3A_216 : i32 to index
    %swap3A_218 = arith.constant 48 : index
    %swap3A_219 = tpu.vector_load %arg27[%swap3A_217, %swap3A_218] {strides = array<i32>} : memref<8x64xf32, #tpu.memory_space<vmem>>, vector<1x16xf32>,
    %swap3A_220 = vector.shape_cast %swap3A_219 : vector<1x16xf32> to vector<16xf32>
    %swap3A_221 = vector.shape_cast %broadcast_in_dim3A_215 : vector<16xf32> to vector<1x16xf32>
    tpu.vector_store %arg27[%swap3A_217, %swap3A_218], %swap3A_221 {strides = array<i32>} : memref<8x64xf32, #tpu.memory_space<vmem>>, vector<1x16xf32>,
    %broadcast_in_dim3A_222 = arith.constant 0.000000e+00 : f32
    %broadcast_in_dim3A_223 = vector.broadcast %broadcast_in_dim3A_222 : f32 to vector<16xf32>
    %swap3A_224 = arith.constant 7 : i32
    %swap3A_225 = arith.index_cast %swap3A_224 : i32 to index
    %swap3A_226 = arith.constant 0 : index
    %swap3A_227 = tpu.vector_load %arg27[%swap3A_225, %swap3A_226] {strides = array<i32>} : memref<8x64xf32, #tpu.memory_space<vmem>>, vector<1x16xf32>,
    %swap3A_228 = vector.shape_cast %swap3A_227 : vector<1x16xf32> to vector<16xf32>
    %swap3A_229 = vector.shape_cast %broadcast_in_dim3A_223 : vector<16xf32> to vector<1x16xf32>
    tpu.vector_store %arg27[%swap3A_225, %swap3A_226], %swap3A_229 {strides = array<i32>} : memref<8x64xf32, #tpu.memory_space<vmem>>, vector<1x16xf32>,
    %broadcast_in_dim3A_230 = arith.constant 0.000000e+00 : f32
    %broadcast_in_dim3A_231 = vector.broadcast %broadcast_in_dim3A_230 : f32 to vector<16xf32>
    %swap3A_232 = arith.constant 7 : i32
    %swap3A_233 = arith.index_cast %swap3A_232 : i32 to index
    %swap3A_234 = arith.constant 16 : index
    %swap3A_235 = tpu.vector_load %arg27[%swap3A_233, %swap3A_234] {strides = array<i32>} : memref<8x64xf32, #tpu.memory_space<vmem>>, vector<1x16xf32>,
    %swap3A_236 = vector.shape_cast %swap3A_235 : vector<1x16xf32> to vector<16xf32>
    %swap3A_237 = vector.shape_cast %broadcast_in_dim3A_231 : vector<16xf32> to vector<1x16xf32>
    tpu.vector_store %arg27[%swap3A_233, %swap3A_234], %swap3A_237 {strides = array<i32>} : memref<8x64xf32, #tpu.memory_space<vmem>>, vector<1x16xf32>,
    %broadcast_in_dim3A_238 = arith.constant 0.000000e+00 : f32
    %broadcast_in_dim3A_239 = vector.broadcast %broadcast_in_dim3A_238 : f32 to vector<16xf32>
    %swap3A_240 = arith.constant 7 : i32
    %swap3A_241 = arith.index_cast %swap3A_240 : i32 to index
    %swap3A_242 = arith.constant 32 : index
    %swap3A_243 = tpu.vector_load %arg27[%swap3A_241, %swap3A_242] {strides = array<i32>} : memref<8x64xf32, #tpu.memory_space<vmem>>, vector<1x16xf32>,
    %swap3A_244 = vector.shape_cast %swap3A_243 : vector<1x16xf32> to vector<16xf32>
    %swap3A_245 = vector.shape_cast %broadcast_in_dim3A_239 : vector<16xf32> to vector<1x16xf32>
    tpu.vector_store %arg27[%swap3A_241, %swap3A_242], %swap3A_245 {strides = array<i32>} : memref<8x64xf32, #tpu.memory_space<vmem>>, vector<1x16xf32>,
    %broadcast_in_dim3A_246 = arith.constant 0.000000e+00 : f32
    %broadcast_in_dim3A_247 = vector.broadcast %broadcast_in_dim3A_246 : f32 to vector<16xf32>
    %swap3A_248 = arith.constant 7 : i32
    %swap3A_249 = arith.index_cast %swap3A_248 : i32 to index
    %swap3A_250 = arith.constant 48 : index
    %swap3A_251 = tpu.vector_load %arg27[%swap3A_249, %swap3A_250] {strides = array<i32>} : memref<8x64xf32, #tpu.memory_space<vmem>>, vector<1x16xf32>,
    %swap3A_252 = vector.shape_cast %swap3A_251 : vector<1x16xf32> to vector<16xf32>
    %swap3A_253 = vector.shape_cast %broadcast_in_dim3A_247 : vector<16xf32> to vector<1x16xf32>
    tpu.vector_store %arg27[%swap3A_249, %swap3A_250], %swap3A_253 {strides = array<i32>} : memref<8x64xf32, #tpu.memory_space<vmem>>, vector<1x16xf32>,
    %lt3A = arith.constant 15 : i32
    %lt3A_254 = arith.cmpi slt, %arg1, %lt3A : i32
    %jit3A = arith.constant 79 : i32
    %jit3A_255 = arith.constant 65 : i32
    %select_n3A = arith.select %lt3A_254, %jit3A, %jit3A_255 : i32
    %while3A = arith.constant 0 : i32
    %while3A_256 = arith.subi %select_n3A, %while3A : i32
    %while3A_257 = arith.addi %while3A, %while3A_256 : i32
    %while3A_258 = arith.constant 1 : i32
    %while3A_259 = arith.divsi %while3A_256, %while3A_258 : i32
    %while3A_260 = arith.muli %while3A_259, %while3A_258 : i32
    %while3A_261 = arith.addi %while3A, %while3A_260 : i32
    %while3A_262 = arith.constant 1 : i32
    scf.for %while3A_475 = %while3A to %while3A_261 step %while3A_262  : i32 {
      %mul3A_476 = arith.constant 632 : i32
      %mul3A_477 = arith.muli %arg1, %mul3A_476 : i32
      %mul3A_478 = arith.constant 8 : i32
      %mul3A_479 = arith.muli %while3A_475, %mul3A_478 : i32
      %add3A_480 = arith.addi %mul3A_477, %mul3A_479 : i32
      "tpu.region"() ({
        %run_scoped3A_481 = tpu.sem_alloc : memref<!tpu.dma_semaphore, #tpu.memory_space<semaphore_mem>>
        %dma_start3A_482 = arith.constant 0 : i32
        %dma_start3A_483 = tpu.memref_slice %arg28[%add3A_480, %dma_start3A_482] : memref<10000x64xf32, #tpu.memory_space<vmem_shared>> -> memref<8x64xf32, #tpu.memory_space<vmem_shared>>
        %dma_start3A_484 = arith.constant 0 : i32
        %dma_start3A_485 = tpu.memref_slice %arg28[%add3A_480, %dma_start3A_484] : memref<10000x64xf32, #tpu.memory_space<vmem_shared>> -> memref<8x64xf32, #tpu.memory_space<vmem_shared>>
        tpu.enqueue_dma source(%arg27 : memref<8x64xf32, #tpu.memory_space<vmem>>) target(%dma_start3A_485 : memref<8x64xf32, #tpu.memory_space<vmem_shared>>) target_semaphore(%run_scoped3A_481 : memref<!tpu.dma_semaphore, #tpu.memory_space<semaphore_mem>>)
        %dma_wait3A_486 = arith.constant 0 : i32
        %dma_wait3A_487 = tpu.memref_slice %arg28[%add3A_480, %dma_wait3A_486] : memref<10000x64xf32, #tpu.memory_space<vmem_shared>> -> memref<8x64xf32, #tpu.memory_space<vmem_shared>>
        %dma_wait3A_488 = arith.constant 0 : i32
        %dma_wait3A_489 = tpu.memref_slice %arg28[%add3A_480, %dma_wait3A_488] : memref<10000x64xf32, #tpu.memory_space<vmem_shared>> -> memref<8x64xf32, #tpu.memory_space<vmem_shared>>
        tpu.wait_dma2 semaphore(%run_scoped3A_481 : memref<!tpu.dma_semaphore, #tpu.memory_space<semaphore_mem>>) src(%arg27 : memref<8x64xf32, #tpu.memory_space<vmem>>) dst(%dma_wait3A_489 : memref<8x64xf32, #tpu.memory_space<vmem_shared>>)
        tpu.yield
      }) : () -> ()
    }
    %while3A_263 = arith.constant 1 : i32
    scf.for %while3A_475 = %while3A_261 to %while3A_257 step %while3A_263  : i32 {
      %mul3A_476 = arith.constant 632 : i32
      %mul3A_477 = arith.muli %arg1, %mul3A_476 : i32
      %mul3A_478 = arith.constant 8 : i32
      %mul3A_479 = arith.muli %while3A_475, %mul3A_478 : i32
      %add3A_480 = arith.addi %mul3A_477, %mul3A_479 : i32
      "tpu.region"() ({
        %run_scoped3A_481 = tpu.sem_alloc : memref<!tpu.dma_semaphore, #tpu.memory_space<semaphore_mem>>
        %dma_start3A_482 = arith.constant 0 : i32
        %dma_start3A_483 = tpu.memref_slice %arg28[%add3A_480, %dma_start3A_482] : memref<10000x64xf32, #tpu.memory_space<vmem_shared>> -> memref<8x64xf32, #tpu.memory_space<vmem_shared>>
        %dma_start3A_484 = arith.constant 0 : i32
        %dma_start3A_485 = tpu.memref_slice %arg28[%add3A_480, %dma_start3A_484] : memref<10000x64xf32, #tpu.memory_space<vmem_shared>> -> memref<8x64xf32, #tpu.memory_space<vmem_shared>>
        tpu.enqueue_dma source(%arg27 : memref<8x64xf32, #tpu.memory_space<vmem>>) target(%dma_start3A_485 : memref<8x64xf32, #tpu.memory_space<vmem_shared>>) target_semaphore(%run_scoped3A_481 : memref<!tpu.dma_semaphore, #tpu.memory_space<semaphore_mem>>)
        %dma_wait3A_486 = arith.constant 0 : i32
        %dma_wait3A_487 = tpu.memref_slice %arg28[%add3A_480, %dma_wait3A_486] : memref<10000x64xf32, #tpu.memory_space<vmem_shared>> -> memref<8x64xf32, #tpu.memory_space<vmem_shared>>
        %dma_wait3A_488 = arith.constant 0 : i32
        %dma_wait3A_489 = tpu.memref_slice %arg28[%add3A_480, %dma_wait3A_488] : memref<10000x64xf32, #tpu.memory_space<vmem_shared>> -> memref<8x64xf32, #tpu.memory_space<vmem_shared>>
        tpu.wait_dma2 semaphore(%run_scoped3A_481 : memref<!tpu.dma_semaphore, #tpu.memory_space<semaphore_mem>>) src(%arg27 : memref<8x64xf32, #tpu.memory_space<vmem>>) dst(%dma_wait3A_489 : memref<8x64xf32, #tpu.memory_space<vmem_shared>>)
        tpu.yield
      }) : () -> ()
    }
    %mul3A = arith.constant 20000 : i32
    %mul3A_264 = arith.muli %arg1, %mul3A : i32
    %run_scoped3A = arith.constant 0 : i32
    "tpu.region"() ({
      %run_scoped3A_475 = tpu.sem_alloc : memref<!tpu.dma_semaphore, #tpu.memory_space<semaphore_mem>>
      %dma_start3A_476 = tpu.memref_slice %arg3[%run_scoped3A, %mul3A_264] : memref<2x320000xi32, #tpu.memory_space<hbm>> -> memref<1x20000xi32, #tpu.memory_space<hbm>>
      %dma_start3A_477 = tpu.memref_squeeze %dma_start3A_476 : memref<1x20000xi32, #tpu.memory_space<hbm>> -> memref<20000xi32, #tpu.memory_space<hbm>>
      %dma_start3A_478 = tpu.memref_slice %arg3[%run_scoped3A, %mul3A_264] : memref<2x320000xi32, #tpu.memory_space<hbm>> -> memref<1x20000xi32, #tpu.memory_space<hbm>>
      %dma_start3A_479 = tpu.memref_squeeze %dma_start3A_478 : memref<1x20000xi32, #tpu.memory_space<hbm>> -> memref<20000xi32, #tpu.memory_space<hbm>>
      tpu.enqueue_dma source(%dma_start3A_479 : memref<20000xi32, #tpu.memory_space<hbm>>) target(%arg5 : memref<20000xi32, #tpu.memory_space<vmem>>) target_semaphore(%run_scoped3A_475 : memref<!tpu.dma_semaphore, #tpu.memory_space<semaphore_mem>>)
      %dma_wait3A_480 = tpu.memref_slice %arg3[%run_scoped3A, %mul3A_264] : memref<2x320000xi32, #tpu.memory_space<hbm>> -> memref<1x20000xi32, #tpu.memory_space<hbm>>
      %dma_wait3A_481 = tpu.memref_squeeze %dma_wait3A_480 : memref<1x20000xi32, #tpu.memory_space<hbm>> -> memref<20000xi32, #tpu.memory_space<hbm>>
      %dma_wait3A_482 = tpu.memref_slice %arg3[%run_scoped3A, %mul3A_264] : memref<2x320000xi32, #tpu.memory_space<hbm>> -> memref<1x20000xi32, #tpu.memory_space<hbm>>
      %dma_wait3A_483 = tpu.memref_squeeze %dma_wait3A_482 : memref<1x20000xi32, #tpu.memory_space<hbm>> -> memref<20000xi32, #tpu.memory_space<hbm>>
      tpu.wait_dma2 semaphore(%run_scoped3A_475 : memref<!tpu.dma_semaphore, #tpu.memory_space<semaphore_mem>>) src(%dma_wait3A_483 : memref<20000xi32, #tpu.memory_space<hbm>>) dst(%arg5 : memref<20000xi32, #tpu.memory_space<vmem>>)
      tpu.yield
    }) : () -> ()
    %mul3A_265 = arith.constant 20000 : i32
    %mul3A_266 = arith.muli %arg1, %mul3A_265 : i32
    %run_scoped3A_267 = arith.constant 1 : i32
    "tpu.region"() ({
      %run_scoped3A_475 = tpu.sem_alloc : memref<!tpu.dma_semaphore, #tpu.memory_space<semaphore_mem>>
      %dma_start3A_476 = tpu.memref_slice %arg3[%run_scoped3A_267, %mul3A_266] : memref<2x320000xi32, #tpu.memory_space<hbm>> -> memref<1x20000xi32, #tpu.memory_space<hbm>>
      %dma_start3A_477 = tpu.memref_squeeze %dma_start3A_476 : memref<1x20000xi32, #tpu.memory_space<hbm>> -> memref<20000xi32, #tpu.memory_space<hbm>>
      %dma_start3A_478 = tpu.memref_slice %arg3[%run_scoped3A_267, %mul3A_266] : memref<2x320000xi32, #tpu.memory_space<hbm>> -> memref<1x20000xi32, #tpu.memory_space<hbm>>
      %dma_start3A_479 = tpu.memref_squeeze %dma_start3A_478 : memref<1x20000xi32, #tpu.memory_space<hbm>> -> memref<20000xi32, #tpu.memory_space<hbm>>
      tpu.enqueue_dma source(%dma_start3A_479 : memref<20000xi32, #tpu.memory_space<hbm>>) target(%arg6 : memref<20000xi32, #tpu.memory_space<vmem>>) target_semaphore(%run_scoped3A_475 : memref<!tpu.dma_semaphore, #tpu.memory_space<semaphore_mem>>)
      %dma_wait3A_480 = tpu.memref_slice %arg3[%run_scoped3A_267, %mul3A_266] : memref<2x320000xi32, #tpu.memory_space<hbm>> -> memref<1x20000xi32, #tpu.memory_space<hbm>>
      %dma_wait3A_481 = tpu.memref_squeeze %dma_wait3A_480 : memref<1x20000xi32, #tpu.memory_space<hbm>> -> memref<20000xi32, #tpu.memory_space<hbm>>
      %dma_wait3A_482 = tpu.memref_slice %arg3[%run_scoped3A_267, %mul3A_266] : memref<2x320000xi32, #tpu.memory_space<hbm>> -> memref<1x20000xi32, #tpu.memory_space<hbm>>
      %dma_wait3A_483 = tpu.memref_squeeze %dma_wait3A_482 : memref<1x20000xi32, #tpu.memory_space<hbm>> -> memref<20000xi32, #tpu.memory_space<hbm>>
      tpu.wait_dma2 semaphore(%run_scoped3A_475 : memref<!tpu.dma_semaphore, #tpu.memory_space<semaphore_mem>>) src(%dma_wait3A_483 : memref<20000xi32, #tpu.memory_space<hbm>>) dst(%arg6 : memref<20000xi32, #tpu.memory_space<vmem>>)
      tpu.yield
    }) : () -> ()
    %barrier3A = arith.constant 0 : index
    tpu.barrier barrier_id(%barrier3A)
    %get3A = arith.constant 0 : index
    %get3A_268 = tpu.vector_load %arg5[%get3A] {strides = array<i32>} : memref<20000xi32, #tpu.memory_space<vmem>>, vector<16xi32>,
    %get3A_269 = vector.shape_cast %get3A_268 : vector<16xi32> to vector<16xi32>
    %mul3A_270 = arith.constant 2 : i32
    %mul3A_271 = vector.broadcast %mul3A_270 : i32 to vector<16xi32>
    %mul3A_272 = arith.muli %get3A_269, %mul3A_271 : vector<16xi32>
    %add3A = vector.broadcast %arg0 : i32 to vector<16xi32>
    %add3A_273 = arith.addi %mul3A_272, %add3A : vector<16xi32>
    %swap3A_274 = arith.constant 0 : index
    %swap3A_275 = tpu.vector_load %arg7[%swap3A_274] {strides = array<i32>} : memref<80xi32, #tpu.memory_space<vmem>>, vector<16xi32>,
    %swap3A_276 = vector.shape_cast %swap3A_275 : vector<16xi32> to vector<16xi32>
    %swap3A_277 = vector.shape_cast %add3A_273 : vector<16xi32> to vector<16xi32>
    tpu.vector_store %arg7[%swap3A_274], %swap3A_277 {strides = array<i32>} : memref<80xi32, #tpu.memory_space<vmem>>, vector<16xi32>,
    %get3A_278 = arith.constant 16 : index
    %get3A_279 = tpu.vector_load %arg5[%get3A_278] {strides = array<i32>} : memref<20000xi32, #tpu.memory_space<vmem>>, vector<16xi32>,
    %get3A_280 = vector.shape_cast %get3A_279 : vector<16xi32> to vector<16xi32>
    %mul3A_281 = arith.constant 2 : i32
    %mul3A_282 = vector.broadcast %mul3A_281 : i32 to vector<16xi32>
    %mul3A_283 = arith.muli %get3A_280, %mul3A_282 : vector<16xi32>
    %add3A_284 = vector.broadcast %arg0 : i32 to vector<16xi32>
    %add3A_285 = arith.addi %mul3A_283, %add3A_284 : vector<16xi32>
    %swap3A_286 = arith.constant 16 : index
    %swap3A_287 = tpu.vector_load %arg7[%swap3A_286] {strides = array<i32>} : memref<80xi32, #tpu.memory_space<vmem>>, vector<16xi32>,
    %swap3A_288 = vector.shape_cast %swap3A_287 : vector<16xi32> to vector<16xi32>
    %swap3A_289 = vector.shape_cast %add3A_285 : vector<16xi32> to vector<16xi32>
    tpu.vector_store %arg7[%swap3A_286], %swap3A_289 {strides = array<i32>} : memref<80xi32, #tpu.memory_space<vmem>>, vector<16xi32>,
    %get3A_290 = arith.constant 32 : index
    %get3A_291 = tpu.vector_load %arg5[%get3A_290] {strides = array<i32>} : memref<20000xi32, #tpu.memory_space<vmem>>, vector<16xi32>,
    %get3A_292 = vector.shape_cast %get3A_291 : vector<16xi32> to vector<16xi32>
    %mul3A_293 = arith.constant 2 : i32
    %mul3A_294 = vector.broadcast %mul3A_293 : i32 to vector<16xi32>
    %mul3A_295 = arith.muli %get3A_292, %mul3A_294 : vector<16xi32>
    %add3A_296 = vector.broadcast %arg0 : i32 to vector<16xi32>
    %add3A_297 = arith.addi %mul3A_295, %add3A_296 : vector<16xi32>
    %swap3A_298 = arith.constant 32 : index
    %swap3A_299 = tpu.vector_load %arg7[%swap3A_298] {strides = array<i32>} : memref<80xi32, #tpu.memory_space<vmem>>, vector<16xi32>,
    %swap3A_300 = vector.shape_cast %swap3A_299 : vector<16xi32> to vector<16xi32>
    %swap3A_301 = vector.shape_cast %add3A_297 : vector<16xi32> to vector<16xi32>
    tpu.vector_store %arg7[%swap3A_298], %swap3A_301 {strides = array<i32>} : memref<80xi32, #tpu.memory_space<vmem>>, vector<16xi32>,
    %get3A_302 = arith.constant 48 : index
    %get3A_303 = tpu.vector_load %arg5[%get3A_302] {strides = array<i32>} : memref<20000xi32, #tpu.memory_space<vmem>>, vector<16xi32>,
    %get3A_304 = vector.shape_cast %get3A_303 : vector<16xi32> to vector<16xi32>
    %mul3A_305 = arith.constant 2 : i32
    %mul3A_306 = vector.broadcast %mul3A_305 : i32 to vector<16xi32>
    %mul3A_307 = arith.muli %get3A_304, %mul3A_306 : vector<16xi32>
    %add3A_308 = vector.broadcast %arg0 : i32 to vector<16xi32>
    %add3A_309 = arith.addi %mul3A_307, %add3A_308 : vector<16xi32>
    %swap3A_310 = arith.constant 48 : index
    %swap3A_311 = tpu.vector_load %arg7[%swap3A_310] {strides = array<i32>} : memref<80xi32, #tpu.memory_space<vmem>>, vector<16xi32>,
    %swap3A_312 = vector.shape_cast %swap3A_311 : vector<16xi32> to vector<16xi32>
    %swap3A_313 = vector.shape_cast %add3A_309 : vector<16xi32> to vector<16xi32>
    tpu.vector_store %arg7[%swap3A_310], %swap3A_313 {strides = array<i32>} : memref<80xi32, #tpu.memory_space<vmem>>, vector<16xi32>,
    %get3A_314 = arith.constant 64 : index
    %get3A_315 = tpu.vector_load %arg5[%get3A_314] {strides = array<i32>} : memref<20000xi32, #tpu.memory_space<vmem>>, vector<16xi32>,
    %get3A_316 = vector.shape_cast %get3A_315 : vector<16xi32> to vector<16xi32>
    %mul3A_317 = arith.constant 2 : i32
    %mul3A_318 = vector.broadcast %mul3A_317 : i32 to vector<16xi32>
    %mul3A_319 = arith.muli %get3A_316, %mul3A_318 : vector<16xi32>
    %add3A_320 = vector.broadcast %arg0 : i32 to vector<16xi32>
    %add3A_321 = arith.addi %mul3A_319, %add3A_320 : vector<16xi32>
    %swap3A_322 = arith.constant 64 : index
    %swap3A_323 = tpu.vector_load %arg7[%swap3A_322] {strides = array<i32>} : memref<80xi32, #tpu.memory_space<vmem>>, vector<16xi32>,
    %swap3A_324 = vector.shape_cast %swap3A_323 : vector<16xi32> to vector<16xi32>
    %swap3A_325 = vector.shape_cast %add3A_321 : vector<16xi32> to vector<16xi32>
    tpu.vector_store %arg7[%swap3A_322], %swap3A_325 {strides = array<i32>} : memref<80xi32, #tpu.memory_space<vmem>>, vector<16xi32>,
    %dma_start3A = arith.constant 0 : i32
    %dma_start3A_326 = arith.constant 0 : i32
    %dma_start3A_327 = tpu.memref_slice %arg2[%dma_start3A, %dma_start3A_326] : memref<20000x64xf32, #tpu.memory_space<hbm>> -> memref<20000x64xf32, #tpu.memory_space<hbm>>
    tpu.enqueue_indirect_dma source(%dma_start3A_327 : memref<20000x64xf32, #tpu.memory_space<hbm>>) target(%arg12 : memref<80x64xf32, #tpu.memory_space<vmem>>) offsets(%arg7 : memref<80xi32, #tpu.memory_space<vmem>>) semaphore(%arg17 : memref<!tpu.dma_semaphore, #tpu.memory_space<semaphore_mem>>)
    %get3A_328 = arith.constant 80 : index
    %get3A_329 = tpu.vector_load %arg5[%get3A_328] {strides = array<i32>} : memref<20000xi32, #tpu.memory_space<vmem>>, vector<16xi32>,
    %get3A_330 = vector.shape_cast %get3A_329 : vector<16xi32> to vector<16xi32>
    %mul3A_331 = arith.constant 2 : i32
    %mul3A_332 = vector.broadcast %mul3A_331 : i32 to vector<16xi32>
    %mul3A_333 = arith.muli %get3A_330, %mul3A_332 : vector<16xi32>
    %add3A_334 = vector.broadcast %arg0 : i32 to vector<16xi32>
    %add3A_335 = arith.addi %mul3A_333, %add3A_334 : vector<16xi32>
    %swap3A_336 = arith.constant 0 : index
    %swap3A_337 = tpu.vector_load %arg8[%swap3A_336] {strides = array<i32>} : memref<80xi32, #tpu.memory_space<vmem>>, vector<16xi32>,
    %swap3A_338 = vector.shape_cast %swap3A_337 : vector<16xi32> to vector<16xi32>
    %swap3A_339 = vector.shape_cast %add3A_335 : vector<16xi32> to vector<16xi32>
    tpu.vector_store %arg8[%swap3A_336], %swap3A_339 {strides = array<i32>} : memref<80xi32, #tpu.memory_space<vmem>>, vector<16xi32>,
    %get3A_340 = arith.constant 96 : index
    %get3A_341 = tpu.vector_load %arg5[%get3A_340] {strides = array<i32>} : memref<20000xi32, #tpu.memory_space<vmem>>, vector<16xi32>,
    %get3A_342 = vector.shape_cast %get3A_341 : vector<16xi32> to vector<16xi32>
    %mul3A_343 = arith.constant 2 : i32
    %mul3A_344 = vector.broadcast %mul3A_343 : i32 to vector<16xi32>
    %mul3A_345 = arith.muli %get3A_342, %mul3A_344 : vector<16xi32>
    %add3A_346 = vector.broadcast %arg0 : i32 to vector<16xi32>
    %add3A_347 = arith.addi %mul3A_345, %add3A_346 : vector<16xi32>
    %swap3A_348 = arith.constant 16 : index
    %swap3A_349 = tpu.vector_load %arg8[%swap3A_348] {strides = array<i32>} : memref<80xi32, #tpu.memory_space<vmem>>, vector<16xi32>,
    %swap3A_350 = vector.shape_cast %swap3A_349 : vector<16xi32> to vector<16xi32>
    %swap3A_351 = vector.shape_cast %add3A_347 : vector<16xi32> to vector<16xi32>
    tpu.vector_store %arg8[%swap3A_348], %swap3A_351 {strides = array<i32>} : memref<80xi32, #tpu.memory_space<vmem>>, vector<16xi32>,
    %get3A_352 = arith.constant 112 : index
    %get3A_353 = tpu.vector_load %arg5[%get3A_352] {strides = array<i32>} : memref<20000xi32, #tpu.memory_space<vmem>>, vector<16xi32>,
    %get3A_354 = vector.shape_cast %get3A_353 : vector<16xi32> to vector<16xi32>
    %mul3A_355 = arith.constant 2 : i32
    %mul3A_356 = vector.broadcast %mul3A_355 : i32 to vector<16xi32>
    %mul3A_357 = arith.muli %get3A_354, %mul3A_356 : vector<16xi32>
    %add3A_358 = vector.broadcast %arg0 : i32 to vector<16xi32>
    %add3A_359 = arith.addi %mul3A_357, %add3A_358 : vector<16xi32>
    %swap3A_360 = arith.constant 32 : index
    %swap3A_361 = tpu.vector_load %arg8[%swap3A_360] {strides = array<i32>} : memref<80xi32, #tpu.memory_space<vmem>>, vector<16xi32>,
    %swap3A_362 = vector.shape_cast %swap3A_361 : vector<16xi32> to vector<16xi32>
    %swap3A_363 = vector.shape_cast %add3A_359 : vector<16xi32> to vector<16xi32>
    tpu.vector_store %arg8[%swap3A_360], %swap3A_363 {strides = array<i32>} : memref<80xi32, #tpu.memory_space<vmem>>, vector<16xi32>,
    %get3A_364 = arith.constant 128 : index
    %get3A_365 = tpu.vector_load %arg5[%get3A_364] {strides = array<i32>} : memref<20000xi32, #tpu.memory_space<vmem>>, vector<16xi32>,
    %get3A_366 = vector.shape_cast %get3A_365 : vector<16xi32> to vector<16xi32>
    %mul3A_367 = arith.constant 2 : i32
    %mul3A_368 = vector.broadcast %mul3A_367 : i32 to vector<16xi32>
    %mul3A_369 = arith.muli %get3A_366, %mul3A_368 : vector<16xi32>
    %add3A_370 = vector.broadcast %arg0 : i32 to vector<16xi32>
    %add3A_371 = arith.addi %mul3A_369, %add3A_370 : vector<16xi32>
    %swap3A_372 = arith.constant 48 : index
    %swap3A_373 = tpu.vector_load %arg8[%swap3A_372] {strides = array<i32>} : memref<80xi32, #tpu.memory_space<vmem>>, vector<16xi32>,
    %swap3A_374 = vector.shape_cast %swap3A_373 : vector<16xi32> to vector<16xi32>
    %swap3A_375 = vector.shape_cast %add3A_371 : vector<16xi32> to vector<16xi32>
    tpu.vector_store %arg8[%swap3A_372], %swap3A_375 {strides = array<i32>} : memref<80xi32, #tpu.memory_space<vmem>>, vector<16xi32>,
    %get3A_376 = arith.constant 144 : index
    %get3A_377 = tpu.vector_load %arg5[%get3A_376] {strides = array<i32>} : memref<20000xi32, #tpu.memory_space<vmem>>, vector<16xi32>,
    %get3A_378 = vector.shape_cast %get3A_377 : vector<16xi32> to vector<16xi32>
    %mul3A_379 = arith.constant 2 : i32
    %mul3A_380 = vector.broadcast %mul3A_379 : i32 to vector<16xi32>
    %mul3A_381 = arith.muli %get3A_378, %mul3A_380 : vector<16xi32>
    %add3A_382 = vector.broadcast %arg0 : i32 to vector<16xi32>
    %add3A_383 = arith.addi %mul3A_381, %add3A_382 : vector<16xi32>
    %swap3A_384 = arith.constant 64 : index
    %swap3A_385 = tpu.vector_load %arg8[%swap3A_384] {strides = array<i32>} : memref<80xi32, #tpu.memory_space<vmem>>, vector<16xi32>,
    %swap3A_386 = vector.shape_cast %swap3A_385 : vector<16xi32> to vector<16xi32>
    %swap3A_387 = vector.shape_cast %add3A_383 : vector<16xi32> to vector<16xi32>
    tpu.vector_store %arg8[%swap3A_384], %swap3A_387 {strides = array<i32>} : memref<80xi32, #tpu.memory_space<vmem>>, vector<16xi32>,
    %dma_start3A_388 = arith.constant 0 : i32
    %dma_start3A_389 = arith.constant 0 : i32
    %dma_start3A_390 = tpu.memref_slice %arg2[%dma_start3A_388, %dma_start3A_389] : memref<20000x64xf32, #tpu.memory_space<hbm>> -> memref<20000x64xf32, #tpu.memory_space<hbm>>
    tpu.enqueue_indirect_dma source(%dma_start3A_390 : memref<20000x64xf32, #tpu.memory_space<hbm>>) target(%arg13 : memref<80x64xf32, #tpu.memory_space<vmem>>) offsets(%arg8 : memref<80xi32, #tpu.memory_space<vmem>>) semaphore(%arg18 : memref<!tpu.dma_semaphore, #tpu.memory_space<semaphore_mem>>)
    %get3A_391 = arith.constant 160 : index
    %get3A_392 = tpu.vector_load %arg5[%get3A_391] {strides = array<i32>} : memref<20000xi32, #tpu.memory_space<vmem>>, vector<16xi32>,
    %get3A_393 = vector.shape_cast %get3A_392 : vector<16xi32> to vector<16xi32>
    %mul3A_394 = arith.constant 2 : i32
    %mul3A_395 = vector.broadcast %mul3A_394 : i32 to vector<16xi32>
    %mul3A_396 = arith.muli %get3A_393, %mul3A_395 : vector<16xi32>
    %add3A_397 = vector.broadcast %arg0 : i32 to vector<16xi32>
    %add3A_398 = arith.addi %mul3A_396, %add3A_397 : vector<16xi32>
    %swap3A_399 = arith.constant 0 : index
    %swap3A_400 = tpu.vector_load %arg9[%swap3A_399] {strides = array<i32>} : memref<80xi32, #tpu.memory_space<vmem>>, vector<16xi32>,
    %swap3A_401 = vector.shape_cast %swap3A_400 : vector<16xi32> to vector<16xi32>
    %swap3A_402 = vector.shape_cast %add3A_398 : vector<16xi32> to vector<16xi32>
    tpu.vector_store %arg9[%swap3A_399], %swap3A_402 {strides = array<i32>} : memref<80xi32, #tpu.memory_space<vmem>>, vector<16xi32>,
    %get3A_403 = arith.constant 176 : index
    %get3A_404 = tpu.vector_load %arg5[%get3A_403] {strides = array<i32>} : memref<20000xi32, #tpu.memory_space<vmem>>, vector<16xi32>,
    %get3A_405 = vector.shape_cast %get3A_404 : vector<16xi32> to vector<16xi32>
    %mul3A_406 = arith.constant 2 : i32
    %mul3A_407 = vector.broadcast %mul3A_406 : i32 to vector<16xi32>
    %mul3A_408 = arith.muli %get3A_405, %mul3A_407 : vector<16xi32>
    %add3A_409 = vector.broadcast %arg0 : i32 to vector<16xi32>
    %add3A_410 = arith.addi %mul3A_408, %add3A_409 : vector<16xi32>
    %swap3A_411 = arith.constant 16 : index
    %swap3A_412 = tpu.vector_load %arg9[%swap3A_411] {strides = array<i32>} : memref<80xi32, #tpu.memory_space<vmem>>, vector<16xi32>,
    %swap3A_413 = vector.shape_cast %swap3A_412 : vector<16xi32> to vector<16xi32>
    %swap3A_414 = vector.shape_cast %add3A_410 : vector<16xi32> to vector<16xi32>
    tpu.vector_store %arg9[%swap3A_411], %swap3A_414 {strides = array<i32>} : memref<80xi32, #tpu.memory_space<vmem>>, vector<16xi32>,
    %get3A_415 = arith.constant 192 : index
    %get3A_416 = tpu.vector_load %arg5[%get3A_415] {strides = array<i32>} : memref<20000xi32, #tpu.memory_space<vmem>>, vector<16xi32>,
    %get3A_417 = vector.shape_cast %get3A_416 : vector<16xi32> to vector<16xi32>
    %mul3A_418 = arith.constant 2 : i32
    %mul3A_419 = vector.broadcast %mul3A_418 : i32 to vector<16xi32>
    %mul3A_420 = arith.muli %get3A_417, %mul3A_419 : vector<16xi32>
    %add3A_421 = vector.broadcast %arg0 : i32 to vector<16xi32>
    %add3A_422 = arith.addi %mul3A_420, %add3A_421 : vector<16xi32>
    %swap3A_423 = arith.constant 32 : index
    %swap3A_424 = tpu.vector_load %arg9[%swap3A_423] {strides = array<i32>} : memref<80xi32, #tpu.memory_space<vmem>>, vector<16xi32>,
    %swap3A_425 = vector.shape_cast %swap3A_424 : vector<16xi32> to vector<16xi32>
    %swap3A_426 = vector.shape_cast %add3A_422 : vector<16xi32> to vector<16xi32>
    tpu.vector_store %arg9[%swap3A_423], %swap3A_426 {strides = array<i32>} : memref<80xi32, #tpu.memory_space<vmem>>, vector<16xi32>,
    %get3A_427 = arith.constant 208 : index
    %get3A_428 = tpu.vector_load %arg5[%get3A_427] {strides = array<i32>} : memref<20000xi32, #tpu.memory_space<vmem>>, vector<16xi32>,
    %get3A_429 = vector.shape_cast %get3A_428 : vector<16xi32> to vector<16xi32>
    %mul3A_430 = arith.constant 2 : i32
    %mul3A_431 = vector.broadcast %mul3A_430 : i32 to vector<16xi32>
    %mul3A_432 = arith.muli %get3A_429, %mul3A_431 : vector<16xi32>
    %add3A_433 = vector.broadcast %arg0 : i32 to vector<16xi32>
    %add3A_434 = arith.addi %mul3A_432, %add3A_433 : vector<16xi32>
    %swap3A_435 = arith.constant 48 : index
    %swap3A_436 = tpu.vector_load %arg9[%swap3A_435] {strides = array<i32>} : memref<80xi32, #tpu.memory_space<vmem>>, vector<16xi32>,
    %swap3A_437 = vector.shape_cast %swap3A_436 : vector<16xi32> to vector<16xi32>
    %swap3A_438 = vector.shape_cast %add3A_434 : vector<16xi32> to vector<16xi32>
    tpu.vector_store %arg9[%swap3A_435], %swap3A_438 {strides = array<i32>} : memref<80xi32, #tpu.memory_space<vmem>>, vector<16xi32>,
    %get3A_439 = arith.constant 224 : index
    %get3A_440 = tpu.vector_load %arg5[%get3A_439] {strides = array<i32>} : memref<20000xi32, #tpu.memory_space<vmem>>, vector<16xi32>,
    %get3A_441 = vector.shape_cast %get3A_440 : vector<16xi32> to vector<16xi32>
    %mul3A_442 = arith.constant 2 : i32
    %mul3A_443 = vector.broadcast %mul3A_442 : i32 to vector<16xi32>
    %mul3A_444 = arith.muli %get3A_441, %mul3A_443 : vector<16xi32>
    %add3A_445 = vector.broadcast %arg0 : i32 to vector<16xi32>
    %add3A_446 = arith.addi %mul3A_444, %add3A_445 : vector<16xi32>
    %swap3A_447 = arith.constant 64 : index
    %swap3A_448 = tpu.vector_load %arg9[%swap3A_447] {strides = array<i32>} : memref<80xi32, #tpu.memory_space<vmem>>, vector<16xi32>,
    %swap3A_449 = vector.shape_cast %swap3A_448 : vector<16xi32> to vector<16xi32>
    %swap3A_450 = vector.shape_cast %add3A_446 : vector<16xi32> to vector<16xi32>
    tpu.vector_store %arg9[%swap3A_447], %swap3A_450 {strides = array<i32>} : memref<80xi32, #tpu.memory_space<vmem>>, vector<16xi32>,
    %dma_start3A_451 = arith.constant 0 : i32
    %dma_start3A_452 = arith.constant 0 : i32
    %dma_start3A_453 = tpu.memref_slice %arg2[%dma_start3A_451, %dma_start3A_452] : memref<20000x64xf32, #tpu.memory_space<hbm>> -> memref<20000x64xf32, #tpu.memory_space<hbm>>
    tpu.enqueue_indirect_dma source(%dma_start3A_453 : memref<20000x64xf32, #tpu.memory_space<hbm>>) target(%arg14 : memref<80x64xf32, #tpu.memory_space<vmem>>) offsets(%arg9 : memref<80xi32, #tpu.memory_space<vmem>>) semaphore(%arg19 : memref<!tpu.dma_semaphore, #tpu.memory_space<semaphore_mem>>)
    %scan3A = arith.constant 0 : i32
    %scan3A_454 = arith.constant 50 : i32
    %scan3A_455 = arith.addi %scan3A, %scan3A_454 : i32
    %scan3A_456 = arith.constant 1 : i32
    scf.for %scan3A_475 = %scan3A to %scan3A_455 step %scan3A_456  : i32 {
      %mul3A_476 = arith.constant 5 : i32
      %mul3A_477 = arith.muli %scan3A_475, %mul3A_476 : i32
      %add3A_478 = arith.constant 0 : i32
      %add3A_479 = arith.addi %mul3A_477, %add3A_478 : i32
      %ge3A = arith.constant 2 : i32
      %ge3A_480 = arith.cmpi sge, %add3A_479, %ge3A : i32
      %convert_element_type3A_481 = arith.extui %ge3A_480 : i1 to i32
      %cond3A_482 = arith.constant 0 : i32
      %cond3A_483 = arith.cmpi ne, %convert_element_type3A_481, %cond3A_482 : i32
      scf.if %cond3A_483 {
        %dma_wait3A_600 = arith.constant 0 : i32
        %dma_wait3A_601 = tpu.memref_slice %arg6[%dma_wait3A_600] : memref<20000xi32, #tpu.memory_space<vmem>> -> memref<80xi32, #tpu.memory_space<vmem>>
        %dma_wait3A_602 = arith.constant 0 : i32
        %dma_wait3A_603 = arith.constant 0 : i32
        %dma_wait3A_604 = tpu.memref_slice %arg28[%dma_wait3A_602, %dma_wait3A_603] : memref<10000x64xf32, #tpu.memory_space<vmem_shared>> -> memref<10000x64xf32, #tpu.memory_space<vmem_shared>>
        tpu.wait_indirect_dma semaphore(%arg25 : memref<!tpu.dma_semaphore, #tpu.memory_space<semaphore_mem>>) src(%arg15 : memref<80x64xf32, #tpu.memory_space<vmem>>) dst(%dma_wait3A_604 : memref<10000x64xf32, #tpu.memory_space<vmem_shared>>)
      } else {
      }
      %add3A_484 = arith.constant 3 : i32
      %add3A_485 = arith.addi %add3A_479, %add3A_484 : i32
      %lt3A_486 = arith.constant 250 : i32
      %lt3A_487 = arith.cmpi slt, %add3A_485, %lt3A_486 : i32
      %convert_element_type3A_488 = arith.extui %lt3A_487 : i1 to i32
      %cond3A_489 = arith.constant 0 : i32
      %cond3A_490 = arith.cmpi ne, %convert_element_type3A_488, %cond3A_489 : i32
      scf.if %cond3A_490 {
        %add3A_600 = arith.constant 3 : i32
        %add3A_601 = arith.addi %add3A_479, %add3A_600 : i32
        %mul3A_602 = arith.constant 80 : i32
        %mul3A_603 = arith.muli %add3A_601, %mul3A_602 : i32
        %add3A_604 = arith.constant 0 : i32
        %add3A_605 = arith.addi %mul3A_603, %add3A_604 : i32
        %get3A_606 = arith.index_cast %add3A_605 : i32 to index
        %get3A_607 = tpu.vector_load %arg5[%get3A_606] {strides = array<i32>} : memref<20000xi32, #tpu.memory_space<vmem>>, vector<16xi32>,
        %get3A_608 = vector.shape_cast %get3A_607 : vector<16xi32> to vector<16xi32>
        %mul3A_609 = arith.constant 2 : i32
        %mul3A_610 = vector.broadcast %mul3A_609 : i32 to vector<16xi32>
        %mul3A_611 = arith.muli %get3A_608, %mul3A_610 : vector<16xi32>
        %add3A_612 = vector.broadcast %arg0 : i32 to vector<16xi32>
        %add3A_613 = arith.addi %mul3A_611, %add3A_612 : vector<16xi32>
        %swap3A_614 = arith.constant 0 : index
        %swap3A_615 = tpu.vector_load %arg10[%swap3A_614] {strides = array<i32>} : memref<80xi32, #tpu.memory_space<vmem>>, vector<16xi32>,
        %swap3A_616 = vector.shape_cast %swap3A_615 : vector<16xi32> to vector<16xi32>
        %swap3A_617 = vector.shape_cast %add3A_613 : vector<16xi32> to vector<16xi32>
        tpu.vector_store %arg10[%swap3A_614], %swap3A_617 {strides = array<i32>} : memref<80xi32, #tpu.memory_space<vmem>>, vector<16xi32>,
        %mul3A_618 = arith.constant 80 : i32
        %mul3A_619 = arith.muli %add3A_601, %mul3A_618 : i32
        %add3A_620 = arith.constant 16 : i32
        %add3A_621 = arith.addi %mul3A_619, %add3A_620 : i32
        %get3A_622 = arith.index_cast %add3A_621 : i32 to index
        %get3A_623 = tpu.vector_load %arg5[%get3A_622] {strides = array<i32>} : memref<20000xi32, #tpu.memory_space<vmem>>, vector<16xi32>,
        %get3A_624 = vector.shape_cast %get3A_623 : vector<16xi32> to vector<16xi32>
        %mul3A_625 = arith.constant 2 : i32
        %mul3A_626 = vector.broadcast %mul3A_625 : i32 to vector<16xi32>
        %mul3A_627 = arith.muli %get3A_624, %mul3A_626 : vector<16xi32>
        %add3A_628 = vector.broadcast %arg0 : i32 to vector<16xi32>
        %add3A_629 = arith.addi %mul3A_627, %add3A_628 : vector<16xi32>
        %swap3A_630 = arith.constant 16 : index
        %swap3A_631 = tpu.vector_load %arg10[%swap3A_630] {strides = array<i32>} : memref<80xi32, #tpu.memory_space<vmem>>, vector<16xi32>,
        %swap3A_632 = vector.shape_cast %swap3A_631 : vector<16xi32> to vector<16xi32>
        %swap3A_633 = vector.shape_cast %add3A_629 : vector<16xi32> to vector<16xi32>
        tpu.vector_store %arg10[%swap3A_630], %swap3A_633 {strides = array<i32>} : memref<80xi32, #tpu.memory_space<vmem>>, vector<16xi32>,
        %mul3A_634 = arith.constant 80 : i32
        %mul3A_635 = arith.muli %add3A_601, %mul3A_634 : i32
        %add3A_636 = arith.constant 32 : i32
        %add3A_637 = arith.addi %mul3A_635, %add3A_636 : i32
        %get3A_638 = arith.index_cast %add3A_637 : i32 to index
        %get3A_639 = tpu.vector_load %arg5[%get3A_638] {strides = array<i32>} : memref<20000xi32, #tpu.memory_space<vmem>>, vector<16xi32>,
        %get3A_640 = vector.shape_cast %get3A_639 : vector<16xi32> to vector<16xi32>
        %mul3A_641 = arith.constant 2 : i32
        %mul3A_642 = vector.broadcast %mul3A_641 : i32 to vector<16xi32>
        %mul3A_643 = arith.muli %get3A_640, %mul3A_642 : vector<16xi32>
        %add3A_644 = vector.broadcast %arg0 : i32 to vector<16xi32>
        %add3A_645 = arith.addi %mul3A_643, %add3A_644 : vector<16xi32>
        %swap3A_646 = arith.constant 32 : index
        %swap3A_647 = tpu.vector_load %arg10[%swap3A_646] {strides = array<i32>} : memref<80xi32, #tpu.memory_space<vmem>>, vector<16xi32>,
        %swap3A_648 = vector.shape_cast %swap3A_647 : vector<16xi32> to vector<16xi32>
        %swap3A_649 = vector.shape_cast %add3A_645 : vector<16xi32> to vector<16xi32>
        tpu.vector_store %arg10[%swap3A_646], %swap3A_649 {strides = array<i32>} : memref<80xi32, #tpu.memory_space<vmem>>, vector<16xi32>,
        %mul3A_650 = arith.constant 80 : i32
        %mul3A_651 = arith.muli %add3A_601, %mul3A_650 : i32
        %add3A_652 = arith.constant 48 : i32
        %add3A_653 = arith.addi %mul3A_651, %add3A_652 : i32
        %get3A_654 = arith.index_cast %add3A_653 : i32 to index
        %get3A_655 = tpu.vector_load %arg5[%get3A_654] {strides = array<i32>} : memref<20000xi32, #tpu.memory_space<vmem>>, vector<16xi32>,
        %get3A_656 = vector.shape_cast %get3A_655 : vector<16xi32> to vector<16xi32>
        %mul3A_657 = arith.constant 2 : i32
        %mul3A_658 = vector.broadcast %mul3A_657 : i32 to vector<16xi32>
        %mul3A_659 = arith.muli %get3A_656, %mul3A_658 : vector<16xi32>
        %add3A_660 = vector.broadcast %arg0 : i32 to vector<16xi32>
        %add3A_661 = arith.addi %mul3A_659, %add3A_660 : vector<16xi32>
        %swap3A_662 = arith.constant 48 : index
        %swap3A_663 = tpu.vector_load %arg10[%swap3A_662] {strides = array<i32>} : memref<80xi32, #tpu.memory_space<vmem>>, vector<16xi32>,
        %swap3A_664 = vector.shape_cast %swap3A_663 : vector<16xi32> to vector<16xi32>
        %swap3A_665 = vector.shape_cast %add3A_661 : vector<16xi32> to vector<16xi32>
        tpu.vector_store %arg10[%swap3A_662], %swap3A_665 {strides = array<i32>} : memref<80xi32, #tpu.memory_space<vmem>>, vector<16xi32>,
        %mul3A_666 = arith.constant 80 : i32
        %mul3A_667 = arith.muli %add3A_601, %mul3A_666 : i32
        %add3A_668 = arith.constant 64 : i32
        %add3A_669 = arith.addi %mul3A_667, %add3A_668 : i32
        %get3A_670 = arith.index_cast %add3A_669 : i32 to index
        %get3A_671 = tpu.vector_load %arg5[%get3A_670] {strides = array<i32>} : memref<20000xi32, #tpu.memory_space<vmem>>, vector<16xi32>,
        %get3A_672 = vector.shape_cast %get3A_671 : vector<16xi32> to vector<16xi32>
        %mul3A_673 = arith.constant 2 : i32
        %mul3A_674 = vector.broadcast %mul3A_673 : i32 to vector<16xi32>
        %mul3A_675 = arith.muli %get3A_672, %mul3A_674 : vector<16xi32>
        %add3A_676 = vector.broadcast %arg0 : i32 to vector<16xi32>
        %add3A_677 = arith.addi %mul3A_675, %add3A_676 : vector<16xi32>
        %swap3A_678 = arith.constant 64 : index
        %swap3A_679 = tpu.vector_load %arg10[%swap3A_678] {strides = array<i32>} : memref<80xi32, #tpu.memory_space<vmem>>, vector<16xi32>,
        %swap3A_680 = vector.shape_cast %swap3A_679 : vector<16xi32> to vector<16xi32>
        %swap3A_681 = vector.shape_cast %add3A_677 : vector<16xi32> to vector<16xi32>
        tpu.vector_store %arg10[%swap3A_678], %swap3A_681 {strides = array<i32>} : memref<80xi32, #tpu.memory_space<vmem>>, vector<16xi32>,
        %dma_start3A_682 = arith.constant 0 : i32
        %dma_start3A_683 = arith.constant 0 : i32
        %dma_start3A_684 = tpu.memref_slice %arg2[%dma_start3A_682, %dma_start3A_683] : memref<20000x64xf32, #tpu.memory_space<hbm>> -> memref<20000x64xf32, #tpu.memory_space<hbm>>
        tpu.enqueue_indirect_dma source(%dma_start3A_684 : memref<20000x64xf32, #tpu.memory_space<hbm>>) target(%arg15 : memref<80x64xf32, #tpu.memory_space<vmem>>) offsets(%arg10 : memref<80xi32, #tpu.memory_space<vmem>>) semaphore(%arg20 : memref<!tpu.dma_semaphore, #tpu.memory_space<semaphore_mem>>)
      } else {
      }
      %dma_wait3A_491 = arith.constant 0 : i32
      %dma_wait3A_492 = arith.constant 0 : i32
      %dma_wait3A_493 = tpu.memref_slice %arg2[%dma_wait3A_491, %dma_wait3A_492] : memref<20000x64xf32, #tpu.memory_space<hbm>> -> memref<20000x64xf32, #tpu.memory_space<hbm>>
      tpu.wait_indirect_dma semaphore(%arg17 : memref<!tpu.dma_semaphore, #tpu.memory_space<semaphore_mem>>) src(%dma_wait3A_493 : memref<20000x64xf32, #tpu.memory_space<hbm>>) dst(%arg12 : memref<80x64xf32, #tpu.memory_space<vmem>>)
      %mul3A_494 = arith.constant 80 : i32
      %mul3A_495 = arith.muli %add3A_479, %mul3A_494 : i32
      %dma_start3A_496 = tpu.memref_slice %arg6[%mul3A_495] : memref<20000xi32, #tpu.memory_space<vmem>> -> memref<80xi32, #tpu.memory_space<vmem>>
      %dma_start3A_497 = arith.constant 0 : i32
      %dma_start3A_498 = arith.constant 0 : i32
      %dma_start3A_499 = tpu.memref_slice %arg28[%dma_start3A_497, %dma_start3A_498] : memref<10000x64xf32, #tpu.memory_space<vmem_shared>> -> memref<10000x64xf32, #tpu.memory_space<vmem_shared>>
      tpu.enqueue_indirect_dma source(%arg12 : memref<80x64xf32, #tpu.memory_space<vmem>>) target(%dma_start3A_499 : memref<10000x64xf32, #tpu.memory_space<vmem_shared>>) offsets(%dma_start3A_496 : memref<80xi32, #tpu.memory_space<vmem>>) semaphore(%arg22 : memref<!tpu.dma_semaphore, #tpu.memory_space<semaphore_mem>>) {add = true}
      %mul3A_500 = arith.constant 5 : i32
      %mul3A_501 = arith.muli %scan3A_475, %mul3A_500 : i32
      %add3A_502 = arith.constant 1 : i32
      %add3A_503 = arith.addi %mul3A_501, %add3A_502 : i32
      %ge3A_504 = arith.constant 2 : i32
      %ge3A_505 = arith.cmpi sge, %add3A_503, %ge3A_504 : i32
      %convert_element_type3A_506 = arith.extui %ge3A_505 : i1 to i32
      %cond3A_507 = arith.constant 0 : i32
      %cond3A_508 = arith.cmpi ne, %convert_element_type3A_506, %cond3A_507 : i32
      scf.if %cond3A_508 {
        %dma_wait3A_600 = arith.constant 0 : i32
        %dma_wait3A_601 = tpu.memref_slice %arg6[%dma_wait3A_600] : memref<20000xi32, #tpu.memory_space<vmem>> -> memref<80xi32, #tpu.memory_space<vmem>>
        %dma_wait3A_602 = arith.constant 0 : i32
        %dma_wait3A_603 = arith.constant 0 : i32
        %dma_wait3A_604 = tpu.memref_slice %arg28[%dma_wait3A_602, %dma_wait3A_603] : memref<10000x64xf32, #tpu.memory_space<vmem_shared>> -> memref<10000x64xf32, #tpu.memory_space<vmem_shared>>
        tpu.wait_indirect_dma semaphore(%arg26 : memref<!tpu.dma_semaphore, #tpu.memory_space<semaphore_mem>>) src(%arg16 : memref<80x64xf32, #tpu.memory_space<vmem>>) dst(%dma_wait3A_604 : memref<10000x64xf32, #tpu.memory_space<vmem_shared>>)
      } else {
      }
      %add3A_509 = arith.constant 3 : i32
      %add3A_510 = arith.addi %add3A_503, %add3A_509 : i32
      %lt3A_511 = arith.constant 250 : i32
      %lt3A_512 = arith.cmpi slt, %add3A_510, %lt3A_511 : i32
      %convert_element_type3A_513 = arith.extui %lt3A_512 : i1 to i32
      %cond3A_514 = arith.constant 0 : i32
      %cond3A_515 = arith.cmpi ne, %convert_element_type3A_513, %cond3A_514 : i32
      scf.if %cond3A_515 {
        %add3A_600 = arith.constant 3 : i32
        %add3A_601 = arith.addi %add3A_503, %add3A_600 : i32
        %mul3A_602 = arith.constant 80 : i32
        %mul3A_603 = arith.muli %add3A_601, %mul3A_602 : i32
        %add3A_604 = arith.constant 0 : i32
        %add3A_605 = arith.addi %mul3A_603, %add3A_604 : i32
        %get3A_606 = arith.index_cast %add3A_605 : i32 to index
        %get3A_607 = tpu.vector_load %arg5[%get3A_606] {strides = array<i32>} : memref<20000xi32, #tpu.memory_space<vmem>>, vector<16xi32>,
        %get3A_608 = vector.shape_cast %get3A_607 : vector<16xi32> to vector<16xi32>
        %mul3A_609 = arith.constant 2 : i32
        %mul3A_610 = vector.broadcast %mul3A_609 : i32 to vector<16xi32>
        %mul3A_611 = arith.muli %get3A_608, %mul3A_610 : vector<16xi32>
        %add3A_612 = vector.broadcast %arg0 : i32 to vector<16xi32>
        %add3A_613 = arith.addi %mul3A_611, %add3A_612 : vector<16xi32>
        %swap3A_614 = arith.constant 0 : index
        %swap3A_615 = tpu.vector_load %arg11[%swap3A_614] {strides = array<i32>} : memref<80xi32, #tpu.memory_space<vmem>>, vector<16xi32>,
        %swap3A_616 = vector.shape_cast %swap3A_615 : vector<16xi32> to vector<16xi32>
        %swap3A_617 = vector.shape_cast %add3A_613 : vector<16xi32> to vector<16xi32>
        tpu.vector_store %arg11[%swap3A_614], %swap3A_617 {strides = array<i32>} : memref<80xi32, #tpu.memory_space<vmem>>, vector<16xi32>,
        %mul3A_618 = arith.constant 80 : i32
        %mul3A_619 = arith.muli %add3A_601, %mul3A_618 : i32
        %add3A_620 = arith.constant 16 : i32
        %add3A_621 = arith.addi %mul3A_619, %add3A_620 : i32
        %get3A_622 = arith.index_cast %add3A_621 : i32 to index
        %get3A_623 = tpu.vector_load %arg5[%get3A_622] {strides = array<i32>} : memref<20000xi32, #tpu.memory_space<vmem>>, vector<16xi32>,
        %get3A_624 = vector.shape_cast %get3A_623 : vector<16xi32> to vector<16xi32>
        %mul3A_625 = arith.constant 2 : i32
        %mul3A_626 = vector.broadcast %mul3A_625 : i32 to vector<16xi32>
        %mul3A_627 = arith.muli %get3A_624, %mul3A_626 : vector<16xi32>
        %add3A_628 = vector.broadcast %arg0 : i32 to vector<16xi32>
        %add3A_629 = arith.addi %mul3A_627, %add3A_628 : vector<16xi32>
        %swap3A_630 = arith.constant 16 : index
        %swap3A_631 = tpu.vector_load %arg11[%swap3A_630] {strides = array<i32>} : memref<80xi32, #tpu.memory_space<vmem>>, vector<16xi32>,
        %swap3A_632 = vector.shape_cast %swap3A_631 : vector<16xi32> to vector<16xi32>
        %swap3A_633 = vector.shape_cast %add3A_629 : vector<16xi32> to vector<16xi32>
        tpu.vector_store %arg11[%swap3A_630], %swap3A_633 {strides = array<i32>} : memref<80xi32, #tpu.memory_space<vmem>>, vector<16xi32>,
        %mul3A_634 = arith.constant 80 : i32
        %mul3A_635 = arith.muli %add3A_601, %mul3A_634 : i32
        %add3A_636 = arith.constant 32 : i32
        %add3A_637 = arith.addi %mul3A_635, %add3A_636 : i32
        %get3A_638 = arith.index_cast %add3A_637 : i32 to index
        %get3A_639 = tpu.vector_load %arg5[%get3A_638] {strides = array<i32>} : memref<20000xi32, #tpu.memory_space<vmem>>, vector<16xi32>,
        %get3A_640 = vector.shape_cast %get3A_639 : vector<16xi32> to vector<16xi32>
        %mul3A_641 = arith.constant 2 : i32
        %mul3A_642 = vector.broadcast %mul3A_641 : i32 to vector<16xi32>
        %mul3A_643 = arith.muli %get3A_640, %mul3A_642 : vector<16xi32>
        %add3A_644 = vector.broadcast %arg0 : i32 to vector<16xi32>
        %add3A_645 = arith.addi %mul3A_643, %add3A_644 : vector<16xi32>
        %swap3A_646 = arith.constant 32 : index
        %swap3A_647 = tpu.vector_load %arg11[%swap3A_646] {strides = array<i32>} : memref<80xi32, #tpu.memory_space<vmem>>, vector<16xi32>,
        %swap3A_648 = vector.shape_cast %swap3A_647 : vector<16xi32> to vector<16xi32>
        %swap3A_649 = vector.shape_cast %add3A_645 : vector<16xi32> to vector<16xi32>
        tpu.vector_store %arg11[%swap3A_646], %swap3A_649 {strides = array<i32>} : memref<80xi32, #tpu.memory_space<vmem>>, vector<16xi32>,
        %mul3A_650 = arith.constant 80 : i32
        %mul3A_651 = arith.muli %add3A_601, %mul3A_650 : i32
        %add3A_652 = arith.constant 48 : i32
        %add3A_653 = arith.addi %mul3A_651, %add3A_652 : i32
        %get3A_654 = arith.index_cast %add3A_653 : i32 to index
        %get3A_655 = tpu.vector_load %arg5[%get3A_654] {strides = array<i32>} : memref<20000xi32, #tpu.memory_space<vmem>>, vector<16xi32>,
        %get3A_656 = vector.shape_cast %get3A_655 : vector<16xi32> to vector<16xi32>
        %mul3A_657 = arith.constant 2 : i32
        %mul3A_658 = vector.broadcast %mul3A_657 : i32 to vector<16xi32>
        %mul3A_659 = arith.muli %get3A_656, %mul3A_658 : vector<16xi32>
        %add3A_660 = vector.broadcast %arg0 : i32 to vector<16xi32>
        %add3A_661 = arith.addi %mul3A_659, %add3A_660 : vector<16xi32>
        %swap3A_662 = arith.constant 48 : index
        %swap3A_663 = tpu.vector_load %arg11[%swap3A_662] {strides = array<i32>} : memref<80xi32, #tpu.memory_space<vmem>>, vector<16xi32>,
        %swap3A_664 = vector.shape_cast %swap3A_663 : vector<16xi32> to vector<16xi32>
        %swap3A_665 = vector.shape_cast %add3A_661 : vector<16xi32> to vector<16xi32>
        tpu.vector_store %arg11[%swap3A_662], %swap3A_665 {strides = array<i32>} : memref<80xi32, #tpu.memory_space<vmem>>, vector<16xi32>,
        %mul3A_666 = arith.constant 80 : i32
        %mul3A_667 = arith.muli %add3A_601, %mul3A_666 : i32
        %add3A_668 = arith.constant 64 : i32
        %add3A_669 = arith.addi %mul3A_667, %add3A_668 : i32
        %get3A_670 = arith.index_cast %add3A_669 : i32 to index
        %get3A_671 = tpu.vector_load %arg5[%get3A_670] {strides = array<i32>} : memref<20000xi32, #tpu.memory_space<vmem>>, vector<16xi32>,
        %get3A_672 = vector.shape_cast %get3A_671 : vector<16xi32> to vector<16xi32>
        %mul3A_673 = arith.constant 2 : i32
        %mul3A_674 = vector.broadcast %mul3A_673 : i32 to vector<16xi32>
        %mul3A_675 = arith.muli %get3A_672, %mul3A_674 : vector<16xi32>
        %add3A_676 = vector.broadcast %arg0 : i32 to vector<16xi32>
        %add3A_677 = arith.addi %mul3A_675, %add3A_676 : vector<16xi32>
        %swap3A_678 = arith.constant 64 : index
        %swap3A_679 = tpu.vector_load %arg11[%swap3A_678] {strides = array<i32>} : memref<80xi32, #tpu.memory_space<vmem>>, vector<16xi32>,
        %swap3A_680 = vector.shape_cast %swap3A_679 : vector<16xi32> to vector<16xi32>
        %swap3A_681 = vector.shape_cast %add3A_677 : vector<16xi32> to vector<16xi32>
        tpu.vector_store %arg11[%swap3A_678], %swap3A_681 {strides = array<i32>} : memref<80xi32, #tpu.memory_space<vmem>>, vector<16xi32>,
        %dma_start3A_682 = arith.constant 0 : i32
        %dma_start3A_683 = arith.constant 0 : i32
        %dma_start3A_684 = tpu.memref_slice %arg2[%dma_start3A_682, %dma_start3A_683] : memref<20000x64xf32, #tpu.memory_space<hbm>> -> memref<20000x64xf32, #tpu.memory_space<hbm>>
        tpu.enqueue_indirect_dma source(%dma_start3A_684 : memref<20000x64xf32, #tpu.memory_space<hbm>>) target(%arg16 : memref<80x64xf32, #tpu.memory_space<vmem>>) offsets(%arg11 : memref<80xi32, #tpu.memory_space<vmem>>) semaphore(%arg21 : memref<!tpu.dma_semaphore, #tpu.memory_space<semaphore_mem>>)
      } else {
      }
      %dma_wait3A_516 = arith.constant 0 : i32
      %dma_wait3A_517 = arith.constant 0 : i32
      %dma_wait3A_518 = tpu.memref_slice %arg2[%dma_wait3A_516, %dma_wait3A_517] : memref<20000x64xf32, #tpu.memory_space<hbm>> -> memref<20000x64xf32, #tpu.memory_space<hbm>>
      tpu.wait_indirect_dma semaphore(%arg18 : memref<!tpu.dma_semaphore, #tpu.memory_space<semaphore_mem>>) src(%dma_wait3A_518 : memref<20000x64xf32, #tpu.memory_space<hbm>>) dst(%arg13 : memref<80x64xf32, #tpu.memory_space<vmem>>)
      %mul3A_519 = arith.constant 80 : i32
      %mul3A_520 = arith.muli %add3A_503, %mul3A_519 : i32
      %dma_start3A_521 = tpu.memref_slice %arg6[%mul3A_520] : memref<20000xi32, #tpu.memory_space<vmem>> -> memref<80xi32, #tpu.memory_space<vmem>>
      %dma_start3A_522 = arith.constant 0 : i32
      %dma_start3A_523 = arith.constant 0 : i32
      %dma_start3A_524 = tpu.memref_slice %arg28[%dma_start3A_522, %dma_start3A_523] : memref<10000x64xf32, #tpu.memory_space<vmem_shared>> -> memref<10000x64xf32, #tpu.memory_space<vmem_shared>>
      tpu.enqueue_indirect_dma source(%arg13 : memref<80x64xf32, #tpu.memory_space<vmem>>) target(%dma_start3A_524 : memref<10000x64xf32, #tpu.memory_space<vmem_shared>>) offsets(%dma_start3A_521 : memref<80xi32, #tpu.memory_space<vmem>>) semaphore(%arg23 : memref<!tpu.dma_semaphore, #tpu.memory_space<semaphore_mem>>) {add = true}
      %mul3A_525 = arith.constant 5 : i32
      %mul3A_526 = arith.muli %scan3A_475, %mul3A_525 : i32
      %add3A_527 = arith.constant 2 : i32
      %add3A_528 = arith.addi %mul3A_526, %add3A_527 : i32
      %ge3A_529 = arith.constant 2 : i32
      %ge3A_530 = arith.cmpi sge, %add3A_528, %ge3A_529 : i32
      %convert_element_type3A_531 = arith.extui %ge3A_530 : i1 to i32
      %cond3A_532 = arith.constant 0 : i32
      %cond3A_533 = arith.cmpi ne, %convert_element_type3A_531, %cond3A_532 : i32
      scf.if %cond3A_533 {
        %dma_wait3A_600 = arith.constant 0 : i32
        %dma_wait3A_601 = tpu.memref_slice %arg6[%dma_wait3A_600] : memref<20000xi32, #tpu.memory_space<vmem>> -> memref<80xi32, #tpu.memory_space<vmem>>
        %dma_wait3A_602 = arith.constant 0 : i32
        %dma_wait3A_603 = arith.constant 0 : i32
        %dma_wait3A_604 = tpu.memref_slice %arg28[%dma_wait3A_602, %dma_wait3A_603] : memref<10000x64xf32, #tpu.memory_space<vmem_shared>> -> memref<10000x64xf32, #tpu.memory_space<vmem_shared>>
        tpu.wait_indirect_dma semaphore(%arg22 : memref<!tpu.dma_semaphore, #tpu.memory_space<semaphore_mem>>) src(%arg12 : memref<80x64xf32, #tpu.memory_space<vmem>>) dst(%dma_wait3A_604 : memref<10000x64xf32, #tpu.memory_space<vmem_shared>>)
      } else {
      }
      %add3A_534 = arith.constant 3 : i32
      %add3A_535 = arith.addi %add3A_528, %add3A_534 : i32
      %lt3A_536 = arith.constant 250 : i32
      %lt3A_537 = arith.cmpi slt, %add3A_535, %lt3A_536 : i32
      %convert_element_type3A_538 = arith.extui %lt3A_537 : i1 to i32
      %cond3A_539 = arith.constant 0 : i32
      %cond3A_540 = arith.cmpi ne, %convert_element_type3A_538, %cond3A_539 : i32
      scf.if %cond3A_540 {
        %add3A_600 = arith.constant 3 : i32
        %add3A_601 = arith.addi %add3A_528, %add3A_600 : i32
        %mul3A_602 = arith.constant 80 : i32
        %mul3A_603 = arith.muli %add3A_601, %mul3A_602 : i32
        %add3A_604 = arith.constant 0 : i32
        %add3A_605 = arith.addi %mul3A_603, %add3A_604 : i32
        %get3A_606 = arith.index_cast %add3A_605 : i32 to index
        %get3A_607 = tpu.vector_load %arg5[%get3A_606] {strides = array<i32>} : memref<20000xi32, #tpu.memory_space<vmem>>, vector<16xi32>,
        %get3A_608 = vector.shape_cast %get3A_607 : vector<16xi32> to vector<16xi32>
        %mul3A_609 = arith.constant 2 : i32
        %mul3A_610 = vector.broadcast %mul3A_609 : i32 to vector<16xi32>
        %mul3A_611 = arith.muli %get3A_608, %mul3A_610 : vector<16xi32>
        %add3A_612 = vector.broadcast %arg0 : i32 to vector<16xi32>
        %add3A_613 = arith.addi %mul3A_611, %add3A_612 : vector<16xi32>
        %swap3A_614 = arith.constant 0 : index
        %swap3A_615 = tpu.vector_load %arg7[%swap3A_614] {strides = array<i32>} : memref<80xi32, #tpu.memory_space<vmem>>, vector<16xi32>,
        %swap3A_616 = vector.shape_cast %swap3A_615 : vector<16xi32> to vector<16xi32>
        %swap3A_617 = vector.shape_cast %add3A_613 : vector<16xi32> to vector<16xi32>
        tpu.vector_store %arg7[%swap3A_614], %swap3A_617 {strides = array<i32>} : memref<80xi32, #tpu.memory_space<vmem>>, vector<16xi32>,
        %mul3A_618 = arith.constant 80 : i32
        %mul3A_619 = arith.muli %add3A_601, %mul3A_618 : i32
        %add3A_620 = arith.constant 16 : i32
        %add3A_621 = arith.addi %mul3A_619, %add3A_620 : i32
        %get3A_622 = arith.index_cast %add3A_621 : i32 to index
        %get3A_623 = tpu.vector_load %arg5[%get3A_622] {strides = array<i32>} : memref<20000xi32, #tpu.memory_space<vmem>>, vector<16xi32>,
        %get3A_624 = vector.shape_cast %get3A_623 : vector<16xi32> to vector<16xi32>
        %mul3A_625 = arith.constant 2 : i32
        %mul3A_626 = vector.broadcast %mul3A_625 : i32 to vector<16xi32>
        %mul3A_627 = arith.muli %get3A_624, %mul3A_626 : vector<16xi32>
        %add3A_628 = vector.broadcast %arg0 : i32 to vector<16xi32>
        %add3A_629 = arith.addi %mul3A_627, %add3A_628 : vector<16xi32>
        %swap3A_630 = arith.constant 16 : index
        %swap3A_631 = tpu.vector_load %arg7[%swap3A_630] {strides = array<i32>} : memref<80xi32, #tpu.memory_space<vmem>>, vector<16xi32>,
        %swap3A_632 = vector.shape_cast %swap3A_631 : vector<16xi32> to vector<16xi32>
        %swap3A_633 = vector.shape_cast %add3A_629 : vector<16xi32> to vector<16xi32>
        tpu.vector_store %arg7[%swap3A_630], %swap3A_633 {strides = array<i32>} : memref<80xi32, #tpu.memory_space<vmem>>, vector<16xi32>,
        %mul3A_634 = arith.constant 80 : i32
        %mul3A_635 = arith.muli %add3A_601, %mul3A_634 : i32
        %add3A_636 = arith.constant 32 : i32
        %add3A_637 = arith.addi %mul3A_635, %add3A_636 : i32
        %get3A_638 = arith.index_cast %add3A_637 : i32 to index
        %get3A_639 = tpu.vector_load %arg5[%get3A_638] {strides = array<i32>} : memref<20000xi32, #tpu.memory_space<vmem>>, vector<16xi32>,
        %get3A_640 = vector.shape_cast %get3A_639 : vector<16xi32> to vector<16xi32>
        %mul3A_641 = arith.constant 2 : i32
        %mul3A_642 = vector.broadcast %mul3A_641 : i32 to vector<16xi32>
        %mul3A_643 = arith.muli %get3A_640, %mul3A_642 : vector<16xi32>
        %add3A_644 = vector.broadcast %arg0 : i32 to vector<16xi32>
        %add3A_645 = arith.addi %mul3A_643, %add3A_644 : vector<16xi32>
        %swap3A_646 = arith.constant 32 : index
        %swap3A_647 = tpu.vector_load %arg7[%swap3A_646] {strides = array<i32>} : memref<80xi32, #tpu.memory_space<vmem>>, vector<16xi32>,
        %swap3A_648 = vector.shape_cast %swap3A_647 : vector<16xi32> to vector<16xi32>
        %swap3A_649 = vector.shape_cast %add3A_645 : vector<16xi32> to vector<16xi32>
        tpu.vector_store %arg7[%swap3A_646], %swap3A_649 {strides = array<i32>} : memref<80xi32, #tpu.memory_space<vmem>>, vector<16xi32>,
        %mul3A_650 = arith.constant 80 : i32
        %mul3A_651 = arith.muli %add3A_601, %mul3A_650 : i32
        %add3A_652 = arith.constant 48 : i32
        %add3A_653 = arith.addi %mul3A_651, %add3A_652 : i32
        %get3A_654 = arith.index_cast %add3A_653 : i32 to index
        %get3A_655 = tpu.vector_load %arg5[%get3A_654] {strides = array<i32>} : memref<20000xi32, #tpu.memory_space<vmem>>, vector<16xi32>,
        %get3A_656 = vector.shape_cast %get3A_655 : vector<16xi32> to vector<16xi32>
        %mul3A_657 = arith.constant 2 : i32
        %mul3A_658 = vector.broadcast %mul3A_657 : i32 to vector<16xi32>
        %mul3A_659 = arith.muli %get3A_656, %mul3A_658 : vector<16xi32>
        %add3A_660 = vector.broadcast %arg0 : i32 to vector<16xi32>
        %add3A_661 = arith.addi %mul3A_659, %add3A_660 : vector<16xi32>
        %swap3A_662 = arith.constant 48 : index
        %swap3A_663 = tpu.vector_load %arg7[%swap3A_662] {strides = array<i32>} : memref<80xi32, #tpu.memory_space<vmem>>, vector<16xi32>,
        %swap3A_664 = vector.shape_cast %swap3A_663 : vector<16xi32> to vector<16xi32>
        %swap3A_665 = vector.shape_cast %add3A_661 : vector<16xi32> to vector<16xi32>
        tpu.vector_store %arg7[%swap3A_662], %swap3A_665 {strides = array<i32>} : memref<80xi32, #tpu.memory_space<vmem>>, vector<16xi32>,
        %mul3A_666 = arith.constant 80 : i32
        %mul3A_667 = arith.muli %add3A_601, %mul3A_666 : i32
        %add3A_668 = arith.constant 64 : i32
        %add3A_669 = arith.addi %mul3A_667, %add3A_668 : i32
        %get3A_670 = arith.index_cast %add3A_669 : i32 to index
        %get3A_671 = tpu.vector_load %arg5[%get3A_670] {strides = array<i32>} : memref<20000xi32, #tpu.memory_space<vmem>>, vector<16xi32>,
        %get3A_672 = vector.shape_cast %get3A_671 : vector<16xi32> to vector<16xi32>
        %mul3A_673 = arith.constant 2 : i32
        %mul3A_674 = vector.broadcast %mul3A_673 : i32 to vector<16xi32>
        %mul3A_675 = arith.muli %get3A_672, %mul3A_674 : vector<16xi32>
        %add3A_676 = vector.broadcast %arg0 : i32 to vector<16xi32>
        %add3A_677 = arith.addi %mul3A_675, %add3A_676 : vector<16xi32>
        %swap3A_678 = arith.constant 64 : index
        %swap3A_679 = tpu.vector_load %arg7[%swap3A_678] {strides = array<i32>} : memref<80xi32, #tpu.memory_space<vmem>>, vector<16xi32>,
        %swap3A_680 = vector.shape_cast %swap3A_679 : vector<16xi32> to vector<16xi32>
        %swap3A_681 = vector.shape_cast %add3A_677 : vector<16xi32> to vector<16xi32>
        tpu.vector_store %arg7[%swap3A_678], %swap3A_681 {strides = array<i32>} : memref<80xi32, #tpu.memory_space<vmem>>, vector<16xi32>,
        %dma_start3A_682 = arith.constant 0 : i32
        %dma_start3A_683 = arith.constant 0 : i32
        %dma_start3A_684 = tpu.memref_slice %arg2[%dma_start3A_682, %dma_start3A_683] : memref<20000x64xf32, #tpu.memory_space<hbm>> -> memref<20000x64xf32, #tpu.memory_space<hbm>>
        tpu.enqueue_indirect_dma source(%dma_start3A_684 : memref<20000x64xf32, #tpu.memory_space<hbm>>) target(%arg12 : memref<80x64xf32, #tpu.memory_space<vmem>>) offsets(%arg7 : memref<80xi32, #tpu.memory_space<vmem>>) semaphore(%arg17 : memref<!tpu.dma_semaphore, #tpu.memory_space<semaphore_mem>>)
      } else {
      }
      %dma_wait3A_541 = arith.constant 0 : i32
      %dma_wait3A_542 = arith.constant 0 : i32
      %dma_wait3A_543 = tpu.memref_slice %arg2[%dma_wait3A_541, %dma_wait3A_542] : memref<20000x64xf32, #tpu.memory_space<hbm>> -> memref<20000x64xf32, #tpu.memory_space<hbm>>
      tpu.wait_indirect_dma semaphore(%arg19 : memref<!tpu.dma_semaphore, #tpu.memory_space<semaphore_mem>>) src(%dma_wait3A_543 : memref<20000x64xf32, #tpu.memory_space<hbm>>) dst(%arg14 : memref<80x64xf32, #tpu.memory_space<vmem>>)
      %mul3A_544 = arith.constant 80 : i32
      %mul3A_545 = arith.muli %add3A_528, %mul3A_544 : i32
      %dma_start3A_546 = tpu.memref_slice %arg6[%mul3A_545] : memref<20000xi32, #tpu.memory_space<vmem>> -> memref<80xi32, #tpu.memory_space<vmem>>
      %dma_start3A_547 = arith.constant 0 : i32
      %dma_start3A_548 = arith.constant 0 : i32
      %dma_start3A_549 = tpu.memref_slice %arg28[%dma_start3A_547, %dma_start3A_548] : memref<10000x64xf32, #tpu.memory_space<vmem_shared>> -> memref<10000x64xf32, #tpu.memory_space<vmem_shared>>
      tpu.enqueue_indirect_dma source(%arg14 : memref<80x64xf32, #tpu.memory_space<vmem>>) target(%dma_start3A_549 : memref<10000x64xf32, #tpu.memory_space<vmem_shared>>) offsets(%dma_start3A_546 : memref<80xi32, #tpu.memory_space<vmem>>) semaphore(%arg24 : memref<!tpu.dma_semaphore, #tpu.memory_space<semaphore_mem>>) {add = true}
      %mul3A_550 = arith.constant 5 : i32
      %mul3A_551 = arith.muli %scan3A_475, %mul3A_550 : i32
      %add3A_552 = arith.constant 3 : i32
      %add3A_553 = arith.addi %mul3A_551, %add3A_552 : i32
      %ge3A_554 = arith.constant 2 : i32
      %ge3A_555 = arith.cmpi sge, %add3A_553, %ge3A_554 : i32
      %convert_element_type3A_556 = arith.extui %ge3A_555 : i1 to i32
      %cond3A_557 = arith.constant 0 : i32
      %cond3A_558 = arith.cmpi ne, %convert_element_type3A_556, %cond3A_557 : i32
      scf.if %cond3A_558 {
        %dma_wait3A_600 = arith.constant 0 : i32
        %dma_wait3A_601 = tpu.memref_slice %arg6[%dma_wait3A_600] : memref<20000xi32, #tpu.memory_space<vmem>> -> memref<80xi32, #tpu.memory_space<vmem>>
        %dma_wait3A_602 = arith.constant 0 : i32
        %dma_wait3A_603 = arith.constant 0 : i32
        %dma_wait3A_604 = tpu.memref_slice %arg28[%dma_wait3A_602, %dma_wait3A_603] : memref<10000x64xf32, #tpu.memory_space<vmem_shared>> -> memref<10000x64xf32, #tpu.memory_space<vmem_shared>>
        tpu.wait_indirect_dma semaphore(%arg23 : memref<!tpu.dma_semaphore, #tpu.memory_space<semaphore_mem>>) src(%arg13 : memref<80x64xf32, #tpu.memory_space<vmem>>) dst(%dma_wait3A_604 : memref<10000x64xf32, #tpu.memory_space<vmem_shared>>)
      } else {
      }
      %add3A_559 = arith.constant 3 : i32
      %add3A_560 = arith.addi %add3A_553, %add3A_559 : i32
      %lt3A_561 = arith.constant 250 : i32
      %lt3A_562 = arith.cmpi slt, %add3A_560, %lt3A_561 : i32
      %convert_element_type3A_563 = arith.extui %lt3A_562 : i1 to i32
      %cond3A_564 = arith.constant 0 : i32
      %cond3A_565 = arith.cmpi ne, %convert_element_type3A_563, %cond3A_564 : i32
      scf.if %cond3A_565 {
        %add3A_600 = arith.constant 3 : i32
        %add3A_601 = arith.addi %add3A_553, %add3A_600 : i32
        %mul3A_602 = arith.constant 80 : i32
        %mul3A_603 = arith.muli %add3A_601, %mul3A_602 : i32
        %add3A_604 = arith.constant 0 : i32
        %add3A_605 = arith.addi %mul3A_603, %add3A_604 : i32
        %get3A_606 = arith.index_cast %add3A_605 : i32 to index
        %get3A_607 = tpu.vector_load %arg5[%get3A_606] {strides = array<i32>} : memref<20000xi32, #tpu.memory_space<vmem>>, vector<16xi32>,
        %get3A_608 = vector.shape_cast %get3A_607 : vector<16xi32> to vector<16xi32>
        %mul3A_609 = arith.constant 2 : i32
        %mul3A_610 = vector.broadcast %mul3A_609 : i32 to vector<16xi32>
        %mul3A_611 = arith.muli %get3A_608, %mul3A_610 : vector<16xi32>
        %add3A_612 = vector.broadcast %arg0 : i32 to vector<16xi32>
        %add3A_613 = arith.addi %mul3A_611, %add3A_612 : vector<16xi32>
        %swap3A_614 = arith.constant 0 : index
        %swap3A_615 = tpu.vector_load %arg8[%swap3A_614] {strides = array<i32>} : memref<80xi32, #tpu.memory_space<vmem>>, vector<16xi32>,
        %swap3A_616 = vector.shape_cast %swap3A_615 : vector<16xi32> to vector<16xi32>
        %swap3A_617 = vector.shape_cast %add3A_613 : vector<16xi32> to vector<16xi32>
        tpu.vector_store %arg8[%swap3A_614], %swap3A_617 {strides = array<i32>} : memref<80xi32, #tpu.memory_space<vmem>>, vector<16xi32>,
        %mul3A_618 = arith.constant 80 : i32
        %mul3A_619 = arith.muli %add3A_601, %mul3A_618 : i32
        %add3A_620 = arith.constant 16 : i32
        %add3A_621 = arith.addi %mul3A_619, %add3A_620 : i32
        %get3A_622 = arith.index_cast %add3A_621 : i32 to index
        %get3A_623 = tpu.vector_load %arg5[%get3A_622] {strides = array<i32>} : memref<20000xi32, #tpu.memory_space<vmem>>, vector<16xi32>,
        %get3A_624 = vector.shape_cast %get3A_623 : vector<16xi32> to vector<16xi32>
        %mul3A_625 = arith.constant 2 : i32
        %mul3A_626 = vector.broadcast %mul3A_625 : i32 to vector<16xi32>
        %mul3A_627 = arith.muli %get3A_624, %mul3A_626 : vector<16xi32>
        %add3A_628 = vector.broadcast %arg0 : i32 to vector<16xi32>
        %add3A_629 = arith.addi %mul3A_627, %add3A_628 : vector<16xi32>
        %swap3A_630 = arith.constant 16 : index
        %swap3A_631 = tpu.vector_load %arg8[%swap3A_630] {strides = array<i32>} : memref<80xi32, #tpu.memory_space<vmem>>, vector<16xi32>,
        %swap3A_632 = vector.shape_cast %swap3A_631 : vector<16xi32> to vector<16xi32>
        %swap3A_633 = vector.shape_cast %add3A_629 : vector<16xi32> to vector<16xi32>
        tpu.vector_store %arg8[%swap3A_630], %swap3A_633 {strides = array<i32>} : memref<80xi32, #tpu.memory_space<vmem>>, vector<16xi32>,
        %mul3A_634 = arith.constant 80 : i32
        %mul3A_635 = arith.muli %add3A_601, %mul3A_634 : i32
        %add3A_636 = arith.constant 32 : i32
        %add3A_637 = arith.addi %mul3A_635, %add3A_636 : i32
        %get3A_638 = arith.index_cast %add3A_637 : i32 to index
        %get3A_639 = tpu.vector_load %arg5[%get3A_638] {strides = array<i32>} : memref<20000xi32, #tpu.memory_space<vmem>>, vector<16xi32>,
        %get3A_640 = vector.shape_cast %get3A_639 : vector<16xi32> to vector<16xi32>
        %mul3A_641 = arith.constant 2 : i32
        %mul3A_642 = vector.broadcast %mul3A_641 : i32 to vector<16xi32>
        %mul3A_643 = arith.muli %get3A_640, %mul3A_642 : vector<16xi32>
        %add3A_644 = vector.broadcast %arg0 : i32 to vector<16xi32>
        %add3A_645 = arith.addi %mul3A_643, %add3A_644 : vector<16xi32>
        %swap3A_646 = arith.constant 32 : index
        %swap3A_647 = tpu.vector_load %arg8[%swap3A_646] {strides = array<i32>} : memref<80xi32, #tpu.memory_space<vmem>>, vector<16xi32>,
        %swap3A_648 = vector.shape_cast %swap3A_647 : vector<16xi32> to vector<16xi32>
        %swap3A_649 = vector.shape_cast %add3A_645 : vector<16xi32> to vector<16xi32>
        tpu.vector_store %arg8[%swap3A_646], %swap3A_649 {strides = array<i32>} : memref<80xi32, #tpu.memory_space<vmem>>, vector<16xi32>,
        %mul3A_650 = arith.constant 80 : i32
        %mul3A_651 = arith.muli %add3A_601, %mul3A_650 : i32
        %add3A_652 = arith.constant 48 : i32
        %add3A_653 = arith.addi %mul3A_651, %add3A_652 : i32
        %get3A_654 = arith.index_cast %add3A_653 : i32 to index
        %get3A_655 = tpu.vector_load %arg5[%get3A_654] {strides = array<i32>} : memref<20000xi32, #tpu.memory_space<vmem>>, vector<16xi32>,
        %get3A_656 = vector.shape_cast %get3A_655 : vector<16xi32> to vector<16xi32>
        %mul3A_657 = arith.constant 2 : i32
        %mul3A_658 = vector.broadcast %mul3A_657 : i32 to vector<16xi32>
        %mul3A_659 = arith.muli %get3A_656, %mul3A_658 : vector<16xi32>
        %add3A_660 = vector.broadcast %arg0 : i32 to vector<16xi32>
        %add3A_661 = arith.addi %mul3A_659, %add3A_660 : vector<16xi32>
        %swap3A_662 = arith.constant 48 : index
        %swap3A_663 = tpu.vector_load %arg8[%swap3A_662] {strides = array<i32>} : memref<80xi32, #tpu.memory_space<vmem>>, vector<16xi32>,
        %swap3A_664 = vector.shape_cast %swap3A_663 : vector<16xi32> to vector<16xi32>
        %swap3A_665 = vector.shape_cast %add3A_661 : vector<16xi32> to vector<16xi32>
        tpu.vector_store %arg8[%swap3A_662], %swap3A_665 {strides = array<i32>} : memref<80xi32, #tpu.memory_space<vmem>>, vector<16xi32>,
        %mul3A_666 = arith.constant 80 : i32
        %mul3A_667 = arith.muli %add3A_601, %mul3A_666 : i32
        %add3A_668 = arith.constant 64 : i32
        %add3A_669 = arith.addi %mul3A_667, %add3A_668 : i32
        %get3A_670 = arith.index_cast %add3A_669 : i32 to index
        %get3A_671 = tpu.vector_load %arg5[%get3A_670] {strides = array<i32>} : memref<20000xi32, #tpu.memory_space<vmem>>, vector<16xi32>,
        %get3A_672 = vector.shape_cast %get3A_671 : vector<16xi32> to vector<16xi32>
        %mul3A_673 = arith.constant 2 : i32
        %mul3A_674 = vector.broadcast %mul3A_673 : i32 to vector<16xi32>
        %mul3A_675 = arith.muli %get3A_672, %mul3A_674 : vector<16xi32>
        %add3A_676 = vector.broadcast %arg0 : i32 to vector<16xi32>
        %add3A_677 = arith.addi %mul3A_675, %add3A_676 : vector<16xi32>
        %swap3A_678 = arith.constant 64 : index
        %swap3A_679 = tpu.vector_load %arg8[%swap3A_678] {strides = array<i32>} : memref<80xi32, #tpu.memory_space<vmem>>, vector<16xi32>,
        %swap3A_680 = vector.shape_cast %swap3A_679 : vector<16xi32> to vector<16xi32>
        %swap3A_681 = vector.shape_cast %add3A_677 : vector<16xi32> to vector<16xi32>
        tpu.vector_store %arg8[%swap3A_678], %swap3A_681 {strides = array<i32>} : memref<80xi32, #tpu.memory_space<vmem>>, vector<16xi32>,
        %dma_start3A_682 = arith.constant 0 : i32
        %dma_start3A_683 = arith.constant 0 : i32
        %dma_start3A_684 = tpu.memref_slice %arg2[%dma_start3A_682, %dma_start3A_683] : memref<20000x64xf32, #tpu.memory_space<hbm>> -> memref<20000x64xf32, #tpu.memory_space<hbm>>
        tpu.enqueue_indirect_dma source(%dma_start3A_684 : memref<20000x64xf32, #tpu.memory_space<hbm>>) target(%arg13 : memref<80x64xf32, #tpu.memory_space<vmem>>) offsets(%arg8 : memref<80xi32, #tpu.memory_space<vmem>>) semaphore(%arg18 : memref<!tpu.dma_semaphore, #tpu.memory_space<semaphore_mem>>)
      } else {
      }
      %dma_wait3A_566 = arith.constant 0 : i32
      %dma_wait3A_567 = arith.constant 0 : i32
      %dma_wait3A_568 = tpu.memref_slice %arg2[%dma_wait3A_566, %dma_wait3A_567] : memref<20000x64xf32, #tpu.memory_space<hbm>> -> memref<20000x64xf32, #tpu.memory_space<hbm>>
      tpu.wait_indirect_dma semaphore(%arg20 : memref<!tpu.dma_semaphore, #tpu.memory_space<semaphore_mem>>) src(%dma_wait3A_568 : memref<20000x64xf32, #tpu.memory_space<hbm>>) dst(%arg15 : memref<80x64xf32, #tpu.memory_space<vmem>>)
      %mul3A_569 = arith.constant 80 : i32
      %mul3A_570 = arith.muli %add3A_553, %mul3A_569 : i32
      %dma_start3A_571 = tpu.memref_slice %arg6[%mul3A_570] : memref<20000xi32, #tpu.memory_space<vmem>> -> memref<80xi32, #tpu.memory_space<vmem>>
      %dma_start3A_572 = arith.constant 0 : i32
      %dma_start3A_573 = arith.constant 0 : i32
      %dma_start3A_574 = tpu.memref_slice %arg28[%dma_start3A_572, %dma_start3A_573] : memref<10000x64xf32, #tpu.memory_space<vmem_shared>> -> memref<10000x64xf32, #tpu.memory_space<vmem_shared>>
      tpu.enqueue_indirect_dma source(%arg15 : memref<80x64xf32, #tpu.memory_space<vmem>>) target(%dma_start3A_574 : memref<10000x64xf32, #tpu.memory_space<vmem_shared>>) offsets(%dma_start3A_571 : memref<80xi32, #tpu.memory_space<vmem>>) semaphore(%arg25 : memref<!tpu.dma_semaphore, #tpu.memory_space<semaphore_mem>>) {add = true}
      %mul3A_575 = arith.constant 5 : i32
      %mul3A_576 = arith.muli %scan3A_475, %mul3A_575 : i32
      %add3A_577 = arith.constant 4 : i32
      %add3A_578 = arith.addi %mul3A_576, %add3A_577 : i32
      %ge3A_579 = arith.constant 2 : i32
      %ge3A_580 = arith.cmpi sge, %add3A_578, %ge3A_579 : i32
      %convert_element_type3A_581 = arith.extui %ge3A_580 : i1 to i32
      %cond3A_582 = arith.constant 0 : i32
      %cond3A_583 = arith.cmpi ne, %convert_element_type3A_581, %cond3A_582 : i32
      scf.if %cond3A_583 {
        %dma_wait3A_600 = arith.constant 0 : i32
        %dma_wait3A_601 = tpu.memref_slice %arg6[%dma_wait3A_600] : memref<20000xi32, #tpu.memory_space<vmem>> -> memref<80xi32, #tpu.memory_space<vmem>>
        %dma_wait3A_602 = arith.constant 0 : i32
        %dma_wait3A_603 = arith.constant 0 : i32
        %dma_wait3A_604 = tpu.memref_slice %arg28[%dma_wait3A_602, %dma_wait3A_603] : memref<10000x64xf32, #tpu.memory_space<vmem_shared>> -> memref<10000x64xf32, #tpu.memory_space<vmem_shared>>
        tpu.wait_indirect_dma semaphore(%arg24 : memref<!tpu.dma_semaphore, #tpu.memory_space<semaphore_mem>>) src(%arg14 : memref<80x64xf32, #tpu.memory_space<vmem>>) dst(%dma_wait3A_604 : memref<10000x64xf32, #tpu.memory_space<vmem_shared>>)
      } else {
      }
      %add3A_584 = arith.constant 3 : i32
      %add3A_585 = arith.addi %add3A_578, %add3A_584 : i32
      %lt3A_586 = arith.constant 250 : i32
      %lt3A_587 = arith.cmpi slt, %add3A_585, %lt3A_586 : i32
      %convert_element_type3A_588 = arith.extui %lt3A_587 : i1 to i32
      %cond3A_589 = arith.constant 0 : i32
      %cond3A_590 = arith.cmpi ne, %convert_element_type3A_588, %cond3A_589 : i32
      scf.if %cond3A_590 {
        %add3A_600 = arith.constant 3 : i32
        %add3A_601 = arith.addi %add3A_578, %add3A_600 : i32
        %mul3A_602 = arith.constant 80 : i32
        %mul3A_603 = arith.muli %add3A_601, %mul3A_602 : i32
        %add3A_604 = arith.constant 0 : i32
        %add3A_605 = arith.addi %mul3A_603, %add3A_604 : i32
        %get3A_606 = arith.index_cast %add3A_605 : i32 to index
        %get3A_607 = tpu.vector_load %arg5[%get3A_606] {strides = array<i32>} : memref<20000xi32, #tpu.memory_space<vmem>>, vector<16xi32>,
        %get3A_608 = vector.shape_cast %get3A_607 : vector<16xi32> to vector<16xi32>
        %mul3A_609 = arith.constant 2 : i32
        %mul3A_610 = vector.broadcast %mul3A_609 : i32 to vector<16xi32>
        %mul3A_611 = arith.muli %get3A_608, %mul3A_610 : vector<16xi32>
        %add3A_612 = vector.broadcast %arg0 : i32 to vector<16xi32>
        %add3A_613 = arith.addi %mul3A_611, %add3A_612 : vector<16xi32>
        %swap3A_614 = arith.constant 0 : index
        %swap3A_615 = tpu.vector_load %arg9[%swap3A_614] {strides = array<i32>} : memref<80xi32, #tpu.memory_space<vmem>>, vector<16xi32>,
        %swap3A_616 = vector.shape_cast %swap3A_615 : vector<16xi32> to vector<16xi32>
        %swap3A_617 = vector.shape_cast %add3A_613 : vector<16xi32> to vector<16xi32>
        tpu.vector_store %arg9[%swap3A_614], %swap3A_617 {strides = array<i32>} : memref<80xi32, #tpu.memory_space<vmem>>, vector<16xi32>,
        %mul3A_618 = arith.constant 80 : i32
        %mul3A_619 = arith.muli %add3A_601, %mul3A_618 : i32
        %add3A_620 = arith.constant 16 : i32
        %add3A_621 = arith.addi %mul3A_619, %add3A_620 : i32
        %get3A_622 = arith.index_cast %add3A_621 : i32 to index
        %get3A_623 = tpu.vector_load %arg5[%get3A_622] {strides = array<i32>} : memref<20000xi32, #tpu.memory_space<vmem>>, vector<16xi32>,
        %get3A_624 = vector.shape_cast %get3A_623 : vector<16xi32> to vector<16xi32>
        %mul3A_625 = arith.constant 2 : i32
        %mul3A_626 = vector.broadcast %mul3A_625 : i32 to vector<16xi32>
        %mul3A_627 = arith.muli %get3A_624, %mul3A_626 : vector<16xi32>
        %add3A_628 = vector.broadcast %arg0 : i32 to vector<16xi32>
        %add3A_629 = arith.addi %mul3A_627, %add3A_628 : vector<16xi32>
        %swap3A_630 = arith.constant 16 : index
        %swap3A_631 = tpu.vector_load %arg9[%swap3A_630] {strides = array<i32>} : memref<80xi32, #tpu.memory_space<vmem>>, vector<16xi32>,
        %swap3A_632 = vector.shape_cast %swap3A_631 : vector<16xi32> to vector<16xi32>
        %swap3A_633 = vector.shape_cast %add3A_629 : vector<16xi32> to vector<16xi32>
        tpu.vector_store %arg9[%swap3A_630], %swap3A_633 {strides = array<i32>} : memref<80xi32, #tpu.memory_space<vmem>>, vector<16xi32>,
        %mul3A_634 = arith.constant 80 : i32
        %mul3A_635 = arith.muli %add3A_601, %mul3A_634 : i32
        %add3A_636 = arith.constant 32 : i32
        %add3A_637 = arith.addi %mul3A_635, %add3A_636 : i32
        %get3A_638 = arith.index_cast %add3A_637 : i32 to index
        %get3A_639 = tpu.vector_load %arg5[%get3A_638] {strides = array<i32>} : memref<20000xi32, #tpu.memory_space<vmem>>, vector<16xi32>,
        %get3A_640 = vector.shape_cast %get3A_639 : vector<16xi32> to vector<16xi32>
        %mul3A_641 = arith.constant 2 : i32
        %mul3A_642 = vector.broadcast %mul3A_641 : i32 to vector<16xi32>
        %mul3A_643 = arith.muli %get3A_640, %mul3A_642 : vector<16xi32>
        %add3A_644 = vector.broadcast %arg0 : i32 to vector<16xi32>
        %add3A_645 = arith.addi %mul3A_643, %add3A_644 : vector<16xi32>
        %swap3A_646 = arith.constant 32 : index
        %swap3A_647 = tpu.vector_load %arg9[%swap3A_646] {strides = array<i32>} : memref<80xi32, #tpu.memory_space<vmem>>, vector<16xi32>,
        %swap3A_648 = vector.shape_cast %swap3A_647 : vector<16xi32> to vector<16xi32>
        %swap3A_649 = vector.shape_cast %add3A_645 : vector<16xi32> to vector<16xi32>
        tpu.vector_store %arg9[%swap3A_646], %swap3A_649 {strides = array<i32>} : memref<80xi32, #tpu.memory_space<vmem>>, vector<16xi32>,
        %mul3A_650 = arith.constant 80 : i32
        %mul3A_651 = arith.muli %add3A_601, %mul3A_650 : i32
        %add3A_652 = arith.constant 48 : i32
        %add3A_653 = arith.addi %mul3A_651, %add3A_652 : i32
        %get3A_654 = arith.index_cast %add3A_653 : i32 to index
        %get3A_655 = tpu.vector_load %arg5[%get3A_654] {strides = array<i32>} : memref<20000xi32, #tpu.memory_space<vmem>>, vector<16xi32>,
        %get3A_656 = vector.shape_cast %get3A_655 : vector<16xi32> to vector<16xi32>
        %mul3A_657 = arith.constant 2 : i32
        %mul3A_658 = vector.broadcast %mul3A_657 : i32 to vector<16xi32>
        %mul3A_659 = arith.muli %get3A_656, %mul3A_658 : vector<16xi32>
        %add3A_660 = vector.broadcast %arg0 : i32 to vector<16xi32>
        %add3A_661 = arith.addi %mul3A_659, %add3A_660 : vector<16xi32>
        %swap3A_662 = arith.constant 48 : index
        %swap3A_663 = tpu.vector_load %arg9[%swap3A_662] {strides = array<i32>} : memref<80xi32, #tpu.memory_space<vmem>>, vector<16xi32>,
        %swap3A_664 = vector.shape_cast %swap3A_663 : vector<16xi32> to vector<16xi32>
        %swap3A_665 = vector.shape_cast %add3A_661 : vector<16xi32> to vector<16xi32>
        tpu.vector_store %arg9[%swap3A_662], %swap3A_665 {strides = array<i32>} : memref<80xi32, #tpu.memory_space<vmem>>, vector<16xi32>,
        %mul3A_666 = arith.constant 80 : i32
        %mul3A_667 = arith.muli %add3A_601, %mul3A_666 : i32
        %add3A_668 = arith.constant 64 : i32
        %add3A_669 = arith.addi %mul3A_667, %add3A_668 : i32
        %get3A_670 = arith.index_cast %add3A_669 : i32 to index
        %get3A_671 = tpu.vector_load %arg5[%get3A_670] {strides = array<i32>} : memref<20000xi32, #tpu.memory_space<vmem>>, vector<16xi32>,
        %get3A_672 = vector.shape_cast %get3A_671 : vector<16xi32> to vector<16xi32>
        %mul3A_673 = arith.constant 2 : i32
        %mul3A_674 = vector.broadcast %mul3A_673 : i32 to vector<16xi32>
        %mul3A_675 = arith.muli %get3A_672, %mul3A_674 : vector<16xi32>
        %add3A_676 = vector.broadcast %arg0 : i32 to vector<16xi32>
        %add3A_677 = arith.addi %mul3A_675, %add3A_676 : vector<16xi32>
        %swap3A_678 = arith.constant 64 : index
        %swap3A_679 = tpu.vector_load %arg9[%swap3A_678] {strides = array<i32>} : memref<80xi32, #tpu.memory_space<vmem>>, vector<16xi32>,
        %swap3A_680 = vector.shape_cast %swap3A_679 : vector<16xi32> to vector<16xi32>
        %swap3A_681 = vector.shape_cast %add3A_677 : vector<16xi32> to vector<16xi32>
        tpu.vector_store %arg9[%swap3A_678], %swap3A_681 {strides = array<i32>} : memref<80xi32, #tpu.memory_space<vmem>>, vector<16xi32>,
        %dma_start3A_682 = arith.constant 0 : i32
        %dma_start3A_683 = arith.constant 0 : i32
        %dma_start3A_684 = tpu.memref_slice %arg2[%dma_start3A_682, %dma_start3A_683] : memref<20000x64xf32, #tpu.memory_space<hbm>> -> memref<20000x64xf32, #tpu.memory_space<hbm>>
        tpu.enqueue_indirect_dma source(%dma_start3A_684 : memref<20000x64xf32, #tpu.memory_space<hbm>>) target(%arg14 : memref<80x64xf32, #tpu.memory_space<vmem>>) offsets(%arg9 : memref<80xi32, #tpu.memory_space<vmem>>) semaphore(%arg19 : memref<!tpu.dma_semaphore, #tpu.memory_space<semaphore_mem>>)
      } else {
      }
      %dma_wait3A_591 = arith.constant 0 : i32
      %dma_wait3A_592 = arith.constant 0 : i32
      %dma_wait3A_593 = tpu.memref_slice %arg2[%dma_wait3A_591, %dma_wait3A_592] : memref<20000x64xf32, #tpu.memory_space<hbm>> -> memref<20000x64xf32, #tpu.memory_space<hbm>>
      tpu.wait_indirect_dma semaphore(%arg21 : memref<!tpu.dma_semaphore, #tpu.memory_space<semaphore_mem>>) src(%dma_wait3A_593 : memref<20000x64xf32, #tpu.memory_space<hbm>>) dst(%arg16 : memref<80x64xf32, #tpu.memory_space<vmem>>)
      %mul3A_594 = arith.constant 80 : i32
      %mul3A_595 = arith.muli %add3A_578, %mul3A_594 : i32
      %dma_start3A_596 = tpu.memref_slice %arg6[%mul3A_595] : memref<20000xi32, #tpu.memory_space<vmem>> -> memref<80xi32, #tpu.memory_space<vmem>>
      %dma_start3A_597 = arith.constant 0 : i32
      %dma_start3A_598 = arith.constant 0 : i32
      %dma_start3A_599 = tpu.memref_slice %arg28[%dma_start3A_597, %dma_start3A_598] : memref<10000x64xf32, #tpu.memory_space<vmem_shared>> -> memref<10000x64xf32, #tpu.memory_space<vmem_shared>>
      tpu.enqueue_indirect_dma source(%arg16 : memref<80x64xf32, #tpu.memory_space<vmem>>) target(%dma_start3A_599 : memref<10000x64xf32, #tpu.memory_space<vmem_shared>>) offsets(%dma_start3A_596 : memref<80xi32, #tpu.memory_space<vmem>>) semaphore(%arg26 : memref<!tpu.dma_semaphore, #tpu.memory_space<semaphore_mem>>) {add = true}
    }
    %scan3A_457 = arith.constant 50 : i32
    %dma_wait3A = arith.constant 0 : i32
    %dma_wait3A_458 = tpu.memref_slice %arg6[%dma_wait3A] : memref<20000xi32, #tpu.memory_space<vmem>> -> memref<80xi32, #tpu.memory_space<vmem>>
    %dma_wait3A_459 = arith.constant 0 : i32
    %dma_wait3A_460 = arith.constant 0 : i32
    %dma_wait3A_461 = tpu.memref_slice %arg28[%dma_wait3A_459, %dma_wait3A_460] : memref<10000x64xf32, #tpu.memory_space<vmem_shared>> -> memref<10000x64xf32, #tpu.memory_space<vmem_shared>>
    tpu.wait_indirect_dma semaphore(%arg25 : memref<!tpu.dma_semaphore, #tpu.memory_space<semaphore_mem>>) src(%arg15 : memref<80x64xf32, #tpu.memory_space<vmem>>) dst(%dma_wait3A_461 : memref<10000x64xf32, #tpu.memory_space<vmem_shared>>)
    %dma_wait3A_462 = arith.constant 0 : i32
    %dma_wait3A_463 = tpu.memref_slice %arg6[%dma_wait3A_462] : memref<20000xi32, #tpu.memory_space<vmem>> -> memref<80xi32, #tpu.memory_space<vmem>>
    %dma_wait3A_464 = arith.constant 0 : i32
    %dma_wait3A_465 = arith.constant 0 : i32
    %dma_wait3A_466 = tpu.memref_slice %arg28[%dma_wait3A_464, %dma_wait3A_465] : memref<10000x64xf32, #tpu.memory_space<vmem_shared>> -> memref<10000x64xf32, #tpu.memory_space<vmem_shared>>
    tpu.wait_indirect_dma semaphore(%arg26 : memref<!tpu.dma_semaphore, #tpu.memory_space<semaphore_mem>>) src(%arg16 : memref<80x64xf32, #tpu.memory_space<vmem>>) dst(%dma_wait3A_466 : memref<10000x64xf32, #tpu.memory_space<vmem_shared>>)
    %barrier3A_467 = arith.constant 0 : index
    tpu.barrier barrier_id(%barrier3A_467)
    %lt3A_468 = arith.constant 15 : i32
    %lt3A_469 = arith.cmpi slt, %arg1, %lt3A_468 : i32
    %convert_element_type3A = arith.extui %lt3A_469 : i1 to i32
    %cond3A = arith.constant 0 : i32
    %cond3A_470 = arith.cmpi ne, %convert_element_type3A, %cond3A : i32
    scf.if %cond3A_470 {
      %mul3A_475 = arith.constant 632 : i32
      %mul3A_476 = arith.muli %arg1, %mul3A_475 : i32
      %mul3A_477 = arith.constant 632 : i32
      %mul3A_478 = arith.muli %arg1, %mul3A_477 : i32
      %mul3A_479 = arith.constant 64 : i32
      %mul3A_480 = arith.muli %arg0, %mul3A_479 : i32
      "tpu.region"() ({
        %run_scoped3A_481 = tpu.sem_alloc : memref<!tpu.dma_semaphore, #tpu.memory_space<semaphore_mem>>
        %dma_start3A_482 = tpu.memref_slice %arg4[%mul3A_478, %mul3A_480] : memref<10000x128xf32, #tpu.memory_space<hbm>> -> memref<632x64xf32, #tpu.memory_space<hbm>>
        %dma_start3A_483 = arith.constant 0 : i32
        %dma_start3A_484 = tpu.memref_slice %arg28[%mul3A_476, %dma_start3A_483] : memref<10000x64xf32, #tpu.memory_space<vmem_shared>> -> memref<632x64xf32, #tpu.memory_space<vmem_shared>>
        tpu.enqueue_dma source(%dma_start3A_484 : memref<632x64xf32, #tpu.memory_space<vmem_shared>>) target(%dma_start3A_482 : memref<632x64xf32, #tpu.memory_space<hbm>>) target_semaphore(%run_scoped3A_481 : memref<!tpu.dma_semaphore, #tpu.memory_space<semaphore_mem>>)
        %dma_wait3A_485 = tpu.memref_slice %arg4[%mul3A_478, %mul3A_480] : memref<10000x128xf32, #tpu.memory_space<hbm>> -> memref<632x64xf32, #tpu.memory_space<hbm>>
        %dma_wait3A_486 = arith.constant 0 : i32
        %dma_wait3A_487 = tpu.memref_slice %arg28[%mul3A_476, %dma_wait3A_486] : memref<10000x64xf32, #tpu.memory_space<vmem_shared>> -> memref<632x64xf32, #tpu.memory_space<vmem_shared>>
        tpu.wait_dma2 semaphore(%run_scoped3A_481 : memref<!tpu.dma_semaphore, #tpu.memory_space<semaphore_mem>>) src(%dma_wait3A_487 : memref<632x64xf32, #tpu.memory_space<vmem_shared>>) dst(%dma_wait3A_485 : memref<632x64xf32, #tpu.memory_space<hbm>>)
        tpu.yield
      }) : () -> ()
    } else {
    }
    %eq3A = arith.constant 15 : i32
    %eq3A_471 = arith.cmpi eq, %arg1, %eq3A : i32
    %convert_element_type3A_472 = arith.extui %eq3A_471 : i1 to i32
    %cond3A_473 = arith.constant 0 : i32
    %cond3A_474 = arith.cmpi ne, %convert_element_type3A_472, %cond3A_473 : i32
    scf.if %cond3A_474 {
      %mul3A_475 = arith.constant 64 : i32
      %mul3A_476 = arith.muli %arg0, %mul3A_475 : i32
      "tpu.region"() ({
        %run_scoped3A_477 = tpu.sem_alloc : memref<!tpu.dma_semaphore, #tpu.memory_space<semaphore_mem>>
        %dma_start3A_478 = arith.constant 9480 : i32
        %dma_start3A_479 = tpu.memref_slice %arg4[%dma_start3A_478, %mul3A_476] : memref<10000x128xf32, #tpu.memory_space<hbm>> -> memref<520x64xf32, #tpu.memory_space<hbm>>
        %dma_start3A_480 = arith.constant 9480 : i32
        %dma_start3A_481 = arith.constant 0 : i32
        %dma_start3A_482 = tpu.memref_slice %arg28[%dma_start3A_480, %dma_start3A_481] : memref<10000x64xf32, #tpu.memory_space<vmem_shared>> -> memref<520x64xf32, #tpu.memory_space<vmem_shared>>
        tpu.enqueue_dma source(%dma_start3A_482 : memref<520x64xf32, #tpu.memory_space<vmem_shared>>) target(%dma_start3A_479 : memref<520x64xf32, #tpu.memory_space<hbm>>) target_semaphore(%run_scoped3A_477 : memref<!tpu.dma_semaphore, #tpu.memory_space<semaphore_mem>>)
        %dma_wait3A_483 = arith.constant 9480 : i32
        %dma_wait3A_484 = tpu.memref_slice %arg4[%dma_wait3A_483, %mul3A_476] : memref<10000x128xf32, #tpu.memory_space<hbm>> -> memref<520x64xf32, #tpu.memory_space<hbm>>
        %dma_wait3A_485 = arith.constant 9480 : i32
        %dma_wait3A_486 = arith.constant 0 : i32
        %dma_wait3A_487 = tpu.memref_slice %arg28[%dma_wait3A_485, %dma_wait3A_486] : memref<10000x64xf32, #tpu.memory_space<vmem_shared>> -> memref<520x64xf32, #tpu.memory_space<vmem_shared>>
        tpu.wait_dma2 semaphore(%run_scoped3A_477 : memref<!tpu.dma_semaphore, #tpu.memory_space<semaphore_mem>>) src(%dma_wait3A_487 : memref<520x64xf32, #tpu.memory_space<vmem_shared>>) dst(%dma_wait3A_484 : memref<520x64xf32, #tpu.memory_space<hbm>>)
        tpu.yield
      }) : () -> ()
    } else {
    }
    return
  }
}

#map = affine_map<(d0, d1) -> (0, 0)>
module attributes {stable_mosaic.version = 14 : i64} {
  func.func @_seg_kernel(%arg0: i32, %arg1: i32, %arg2: memref<20000x64xf32, #tpu.memory_space<hbm>>, %arg3: memref<2x320000xi32, #tpu.memory_space<hbm>>, %arg4: memref<10000x128xf32, #tpu.memory_space<hbm>>, %arg5: memref<20000xi32, #tpu.memory_space<vmem>>, %arg6: memref<20000xi32, #tpu.memory_space<vmem>>, %arg7: memref<80xi32, #tpu.memory_space<vmem>>, %arg8: memref<80xi32, #tpu.memory_space<vmem>>, %arg9: memref<80xi32, #tpu.memory_space<vmem>>, %arg10: memref<80xi32, #tpu.memory_space<vmem>>, %arg11: memref<80xi32, #tpu.memory_space<vmem>>, %arg12: memref<80x64xf32, #tpu.memory_space<vmem>>, %arg13: memref<80x64xf32, #tpu.memory_space<vmem>>, %arg14: memref<80x64xf32, #tpu.memory_space<vmem>>, %arg15: memref<80x64xf32, #tpu.memory_space<vmem>>, %arg16: memref<80x64xf32, #tpu.memory_space<vmem>>, %arg17: memref<!tpu.dma_semaphore, #tpu.memory_space<semaphore_mem>>, %arg18: memref<!tpu.dma_semaphore, #tpu.memory_space<semaphore_mem>>, %arg19: memref<!tpu.dma_semaphore, #tpu.memory_space<semaphore_mem>>, %arg20: memref<!tpu.dma_semaphore, #tpu.memory_space<semaphore_mem>>, %arg21: memref<!tpu.dma_semaphore, #tpu.memory_space<semaphore_mem>>, %arg22: memref<!tpu.dma_semaphore, #tpu.memory_space<semaphore_mem>>, %arg23: memref<!tpu.dma_semaphore, #tpu.memory_space<semaphore_mem>>, %arg24: memref<!tpu.dma_semaphore, #tpu.memory_space<semaphore_mem>>, %arg25: memref<!tpu.dma_semaphore, #tpu.memory_space<semaphore_mem>>, %arg26: memref<!tpu.dma_semaphore, #tpu.memory_space<semaphore_mem>>, %arg27: memref<8x64xf32, #tpu.memory_space<vmem>>, %arg28: memref<10000x64xf32, #tpu.memory_space<vmem_shared>>) attributes {dimension_semantics = [#tpu.dimension_semantics<core_parallel>, #tpu.dimension_semantics<subcore_parallel>], iteration_bounds = array<i64: 2, 16>, scalar_prefetch = 0 : i64, scratch_operands = 24 : i64, tpu.core_type = #tpu.core_type<sc_vector_subcore>, window_params = [{transform_indices = #map}, {transform_indices = #map}, {transform_indices = #map}]} {
    %broadcast_in_dim3A = arith.constant 0.000000e+00 : f32
    %broadcast_in_dim3A_0 = vector.broadcast %broadcast_in_dim3A : f32 to vector<16xf32>
    %swap3A = arith.constant 0 : i32
    %swap3A_1 = arith.index_cast %swap3A : i32 to index
    %swap3A_2 = arith.constant 0 : index
    %swap3A_3 = tpu.vector_load %arg27[%swap3A_1, %swap3A_2] {strides = array<i32>} : memref<8x64xf32, #tpu.memory_space<vmem>>, vector<1x16xf32>,
    %swap3A_4 = vector.shape_cast %swap3A_3 : vector<1x16xf32> to vector<16xf32>
    %swap3A_5 = vector.shape_cast %broadcast_in_dim3A_0 : vector<16xf32> to vector<1x16xf32>
    tpu.vector_store %arg27[%swap3A_1, %swap3A_2], %swap3A_5 {strides = array<i32>} : memref<8x64xf32, #tpu.memory_space<vmem>>, vector<1x16xf32>,
    %broadcast_in_dim3A_6 = arith.constant 0.000000e+00 : f32
    %broadcast_in_dim3A_7 = vector.broadcast %broadcast_in_dim3A_6 : f32 to vector<16xf32>
    %swap3A_8 = arith.constant 0 : i32
    %swap3A_9 = arith.index_cast %swap3A_8 : i32 to index
    %swap3A_10 = arith.constant 16 : index
    %swap3A_11 = tpu.vector_load %arg27[%swap3A_9, %swap3A_10] {strides = array<i32>} : memref<8x64xf32, #tpu.memory_space<vmem>>, vector<1x16xf32>,
    %swap3A_12 = vector.shape_cast %swap3A_11 : vector<1x16xf32> to vector<16xf32>
    %swap3A_13 = vector.shape_cast %broadcast_in_dim3A_7 : vector<16xf32> to vector<1x16xf32>
    tpu.vector_store %arg27[%swap3A_9, %swap3A_10], %swap3A_13 {strides = array<i32>} : memref<8x64xf32, #tpu.memory_space<vmem>>, vector<1x16xf32>,
    %broadcast_in_dim3A_14 = arith.constant 0.000000e+00 : f32
    %broadcast_in_dim3A_15 = vector.broadcast %broadcast_in_dim3A_14 : f32 to vector<16xf32>
    %swap3A_16 = arith.constant 0 : i32
    %swap3A_17 = arith.index_cast %swap3A_16 : i32 to index
    %swap3A_18 = arith.constant 32 : index
    %swap3A_19 = tpu.vector_load %arg27[%swap3A_17, %swap3A_18] {strides = array<i32>} : memref<8x64xf32, #tpu.memory_space<vmem>>, vector<1x16xf32>,
    %swap3A_20 = vector.shape_cast %swap3A_19 : vector<1x16xf32> to vector<16xf32>
    %swap3A_21 = vector.shape_cast %broadcast_in_dim3A_15 : vector<16xf32> to vector<1x16xf32>
    tpu.vector_store %arg27[%swap3A_17, %swap3A_18], %swap3A_21 {strides = array<i32>} : memref<8x64xf32, #tpu.memory_space<vmem>>, vector<1x16xf32>,
    %broadcast_in_dim3A_22 = arith.constant 0.000000e+00 : f32
    %broadcast_in_dim3A_23 = vector.broadcast %broadcast_in_dim3A_22 : f32 to vector<16xf32>
    %swap3A_24 = arith.constant 0 : i32
    %swap3A_25 = arith.index_cast %swap3A_24 : i32 to index
    %swap3A_26 = arith.constant 48 : index
    %swap3A_27 = tpu.vector_load %arg27[%swap3A_25, %swap3A_26] {strides = array<i32>} : memref<8x64xf32, #tpu.memory_space<vmem>>, vector<1x16xf32>,
    %swap3A_28 = vector.shape_cast %swap3A_27 : vector<1x16xf32> to vector<16xf32>
    %swap3A_29 = vector.shape_cast %broadcast_in_dim3A_23 : vector<16xf32> to vector<1x16xf32>
    tpu.vector_store %arg27[%swap3A_25, %swap3A_26], %swap3A_29 {strides = array<i32>} : memref<8x64xf32, #tpu.memory_space<vmem>>, vector<1x16xf32>,
    %broadcast_in_dim3A_30 = arith.constant 0.000000e+00 : f32
    %broadcast_in_dim3A_31 = vector.broadcast %broadcast_in_dim3A_30 : f32 to vector<16xf32>
    %swap3A_32 = arith.constant 1 : i32
    %swap3A_33 = arith.index_cast %swap3A_32 : i32 to index
    %swap3A_34 = arith.constant 0 : index
    %swap3A_35 = tpu.vector_load %arg27[%swap3A_33, %swap3A_34] {strides = array<i32>} : memref<8x64xf32, #tpu.memory_space<vmem>>, vector<1x16xf32>,
    %swap3A_36 = vector.shape_cast %swap3A_35 : vector<1x16xf32> to vector<16xf32>
    %swap3A_37 = vector.shape_cast %broadcast_in_dim3A_31 : vector<16xf32> to vector<1x16xf32>
    tpu.vector_store %arg27[%swap3A_33, %swap3A_34], %swap3A_37 {strides = array<i32>} : memref<8x64xf32, #tpu.memory_space<vmem>>, vector<1x16xf32>,
    %broadcast_in_dim3A_38 = arith.constant 0.000000e+00 : f32
    %broadcast_in_dim3A_39 = vector.broadcast %broadcast_in_dim3A_38 : f32 to vector<16xf32>
    %swap3A_40 = arith.constant 1 : i32
    %swap3A_41 = arith.index_cast %swap3A_40 : i32 to index
    %swap3A_42 = arith.constant 16 : index
    %swap3A_43 = tpu.vector_load %arg27[%swap3A_41, %swap3A_42] {strides = array<i32>} : memref<8x64xf32, #tpu.memory_space<vmem>>, vector<1x16xf32>,
    %swap3A_44 = vector.shape_cast %swap3A_43 : vector<1x16xf32> to vector<16xf32>
    %swap3A_45 = vector.shape_cast %broadcast_in_dim3A_39 : vector<16xf32> to vector<1x16xf32>
    tpu.vector_store %arg27[%swap3A_41, %swap3A_42], %swap3A_45 {strides = array<i32>} : memref<8x64xf32, #tpu.memory_space<vmem>>, vector<1x16xf32>,
    %broadcast_in_dim3A_46 = arith.constant 0.000000e+00 : f32
    %broadcast_in_dim3A_47 = vector.broadcast %broadcast_in_dim3A_46 : f32 to vector<16xf32>
    %swap3A_48 = arith.constant 1 : i32
    %swap3A_49 = arith.index_cast %swap3A_48 : i32 to index
    %swap3A_50 = arith.constant 32 : index
    %swap3A_51 = tpu.vector_load %arg27[%swap3A_49, %swap3A_50] {strides = array<i32>} : memref<8x64xf32, #tpu.memory_space<vmem>>, vector<1x16xf32>,
    %swap3A_52 = vector.shape_cast %swap3A_51 : vector<1x16xf32> to vector<16xf32>
    %swap3A_53 = vector.shape_cast %broadcast_in_dim3A_47 : vector<16xf32> to vector<1x16xf32>
    tpu.vector_store %arg27[%swap3A_49, %swap3A_50], %swap3A_53 {strides = array<i32>} : memref<8x64xf32, #tpu.memory_space<vmem>>, vector<1x16xf32>,
    %broadcast_in_dim3A_54 = arith.constant 0.000000e+00 : f32
    %broadcast_in_dim3A_55 = vector.broadcast %broadcast_in_dim3A_54 : f32 to vector<16xf32>
    %swap3A_56 = arith.constant 1 : i32
    %swap3A_57 = arith.index_cast %swap3A_56 : i32 to index
    %swap3A_58 = arith.constant 48 : index
    %swap3A_59 = tpu.vector_load %arg27[%swap3A_57, %swap3A_58] {strides = array<i32>} : memref<8x64xf32, #tpu.memory_space<vmem>>, vector<1x16xf32>,
    %swap3A_60 = vector.shape_cast %swap3A_59 : vector<1x16xf32> to vector<16xf32>
    %swap3A_61 = vector.shape_cast %broadcast_in_dim3A_55 : vector<16xf32> to vector<1x16xf32>
    tpu.vector_store %arg27[%swap3A_57, %swap3A_58], %swap3A_61 {strides = array<i32>} : memref<8x64xf32, #tpu.memory_space<vmem>>, vector<1x16xf32>,
    %broadcast_in_dim3A_62 = arith.constant 0.000000e+00 : f32
    %broadcast_in_dim3A_63 = vector.broadcast %broadcast_in_dim3A_62 : f32 to vector<16xf32>
    %swap3A_64 = arith.constant 2 : i32
    %swap3A_65 = arith.index_cast %swap3A_64 : i32 to index
    %swap3A_66 = arith.constant 0 : index
    %swap3A_67 = tpu.vector_load %arg27[%swap3A_65, %swap3A_66] {strides = array<i32>} : memref<8x64xf32, #tpu.memory_space<vmem>>, vector<1x16xf32>,
    %swap3A_68 = vector.shape_cast %swap3A_67 : vector<1x16xf32> to vector<16xf32>
    %swap3A_69 = vector.shape_cast %broadcast_in_dim3A_63 : vector<16xf32> to vector<1x16xf32>
    tpu.vector_store %arg27[%swap3A_65, %swap3A_66], %swap3A_69 {strides = array<i32>} : memref<8x64xf32, #tpu.memory_space<vmem>>, vector<1x16xf32>,
    %broadcast_in_dim3A_70 = arith.constant 0.000000e+00 : f32
    %broadcast_in_dim3A_71 = vector.broadcast %broadcast_in_dim3A_70 : f32 to vector<16xf32>
    %swap3A_72 = arith.constant 2 : i32
    %swap3A_73 = arith.index_cast %swap3A_72 : i32 to index
    %swap3A_74 = arith.constant 16 : index
    %swap3A_75 = tpu.vector_load %arg27[%swap3A_73, %swap3A_74] {strides = array<i32>} : memref<8x64xf32, #tpu.memory_space<vmem>>, vector<1x16xf32>,
    %swap3A_76 = vector.shape_cast %swap3A_75 : vector<1x16xf32> to vector<16xf32>
    %swap3A_77 = vector.shape_cast %broadcast_in_dim3A_71 : vector<16xf32> to vector<1x16xf32>
    tpu.vector_store %arg27[%swap3A_73, %swap3A_74], %swap3A_77 {strides = array<i32>} : memref<8x64xf32, #tpu.memory_space<vmem>>, vector<1x16xf32>,
    %broadcast_in_dim3A_78 = arith.constant 0.000000e+00 : f32
    %broadcast_in_dim3A_79 = vector.broadcast %broadcast_in_dim3A_78 : f32 to vector<16xf32>
    %swap3A_80 = arith.constant 2 : i32
    %swap3A_81 = arith.index_cast %swap3A_80 : i32 to index
    %swap3A_82 = arith.constant 32 : index
    %swap3A_83 = tpu.vector_load %arg27[%swap3A_81, %swap3A_82] {strides = array<i32>} : memref<8x64xf32, #tpu.memory_space<vmem>>, vector<1x16xf32>,
    %swap3A_84 = vector.shape_cast %swap3A_83 : vector<1x16xf32> to vector<16xf32>
    %swap3A_85 = vector.shape_cast %broadcast_in_dim3A_79 : vector<16xf32> to vector<1x16xf32>
    tpu.vector_store %arg27[%swap3A_81, %swap3A_82], %swap3A_85 {strides = array<i32>} : memref<8x64xf32, #tpu.memory_space<vmem>>, vector<1x16xf32>,
    %broadcast_in_dim3A_86 = arith.constant 0.000000e+00 : f32
    %broadcast_in_dim3A_87 = vector.broadcast %broadcast_in_dim3A_86 : f32 to vector<16xf32>
    %swap3A_88 = arith.constant 2 : i32
    %swap3A_89 = arith.index_cast %swap3A_88 : i32 to index
    %swap3A_90 = arith.constant 48 : index
    %swap3A_91 = tpu.vector_load %arg27[%swap3A_89, %swap3A_90] {strides = array<i32>} : memref<8x64xf32, #tpu.memory_space<vmem>>, vector<1x16xf32>,
    %swap3A_92 = vector.shape_cast %swap3A_91 : vector<1x16xf32> to vector<16xf32>
    %swap3A_93 = vector.shape_cast %broadcast_in_dim3A_87 : vector<16xf32> to vector<1x16xf32>
    tpu.vector_store %arg27[%swap3A_89, %swap3A_90], %swap3A_93 {strides = array<i32>} : memref<8x64xf32, #tpu.memory_space<vmem>>, vector<1x16xf32>,
    %broadcast_in_dim3A_94 = arith.constant 0.000000e+00 : f32
    %broadcast_in_dim3A_95 = vector.broadcast %broadcast_in_dim3A_94 : f32 to vector<16xf32>
    %swap3A_96 = arith.constant 3 : i32
    %swap3A_97 = arith.index_cast %swap3A_96 : i32 to index
    %swap3A_98 = arith.constant 0 : index
    %swap3A_99 = tpu.vector_load %arg27[%swap3A_97, %swap3A_98] {strides = array<i32>} : memref<8x64xf32, #tpu.memory_space<vmem>>, vector<1x16xf32>,
    %swap3A_100 = vector.shape_cast %swap3A_99 : vector<1x16xf32> to vector<16xf32>
    %swap3A_101 = vector.shape_cast %broadcast_in_dim3A_95 : vector<16xf32> to vector<1x16xf32>
    tpu.vector_store %arg27[%swap3A_97, %swap3A_98], %swap3A_101 {strides = array<i32>} : memref<8x64xf32, #tpu.memory_space<vmem>>, vector<1x16xf32>,
    %broadcast_in_dim3A_102 = arith.constant 0.000000e+00 : f32
    %broadcast_in_dim3A_103 = vector.broadcast %broadcast_in_dim3A_102 : f32 to vector<16xf32>
    %swap3A_104 = arith.constant 3 : i32
    %swap3A_105 = arith.index_cast %swap3A_104 : i32 to index
    %swap3A_106 = arith.constant 16 : index
    %swap3A_107 = tpu.vector_load %arg27[%swap3A_105, %swap3A_106] {strides = array<i32>} : memref<8x64xf32, #tpu.memory_space<vmem>>, vector<1x16xf32>,
    %swap3A_108 = vector.shape_cast %swap3A_107 : vector<1x16xf32> to vector<16xf32>
    %swap3A_109 = vector.shape_cast %broadcast_in_dim3A_103 : vector<16xf32> to vector<1x16xf32>
    tpu.vector_store %arg27[%swap3A_105, %swap3A_106], %swap3A_109 {strides = array<i32>} : memref<8x64xf32, #tpu.memory_space<vmem>>, vector<1x16xf32>,
    %broadcast_in_dim3A_110 = arith.constant 0.000000e+00 : f32
    %broadcast_in_dim3A_111 = vector.broadcast %broadcast_in_dim3A_110 : f32 to vector<16xf32>
    %swap3A_112 = arith.constant 3 : i32
    %swap3A_113 = arith.index_cast %swap3A_112 : i32 to index
    %swap3A_114 = arith.constant 32 : index
    %swap3A_115 = tpu.vector_load %arg27[%swap3A_113, %swap3A_114] {strides = array<i32>} : memref<8x64xf32, #tpu.memory_space<vmem>>, vector<1x16xf32>,
    %swap3A_116 = vector.shape_cast %swap3A_115 : vector<1x16xf32> to vector<16xf32>
    %swap3A_117 = vector.shape_cast %broadcast_in_dim3A_111 : vector<16xf32> to vector<1x16xf32>
    tpu.vector_store %arg27[%swap3A_113, %swap3A_114], %swap3A_117 {strides = array<i32>} : memref<8x64xf32, #tpu.memory_space<vmem>>, vector<1x16xf32>,
    %broadcast_in_dim3A_118 = arith.constant 0.000000e+00 : f32
    %broadcast_in_dim3A_119 = vector.broadcast %broadcast_in_dim3A_118 : f32 to vector<16xf32>
    %swap3A_120 = arith.constant 3 : i32
    %swap3A_121 = arith.index_cast %swap3A_120 : i32 to index
    %swap3A_122 = arith.constant 48 : index
    %swap3A_123 = tpu.vector_load %arg27[%swap3A_121, %swap3A_122] {strides = array<i32>} : memref<8x64xf32, #tpu.memory_space<vmem>>, vector<1x16xf32>,
    %swap3A_124 = vector.shape_cast %swap3A_123 : vector<1x16xf32> to vector<16xf32>
    %swap3A_125 = vector.shape_cast %broadcast_in_dim3A_119 : vector<16xf32> to vector<1x16xf32>
    tpu.vector_store %arg27[%swap3A_121, %swap3A_122], %swap3A_125 {strides = array<i32>} : memref<8x64xf32, #tpu.memory_space<vmem>>, vector<1x16xf32>,
    %broadcast_in_dim3A_126 = arith.constant 0.000000e+00 : f32
    %broadcast_in_dim3A_127 = vector.broadcast %broadcast_in_dim3A_126 : f32 to vector<16xf32>
    %swap3A_128 = arith.constant 4 : i32
    %swap3A_129 = arith.index_cast %swap3A_128 : i32 to index
    %swap3A_130 = arith.constant 0 : index
    %swap3A_131 = tpu.vector_load %arg27[%swap3A_129, %swap3A_130] {strides = array<i32>} : memref<8x64xf32, #tpu.memory_space<vmem>>, vector<1x16xf32>,
    %swap3A_132 = vector.shape_cast %swap3A_131 : vector<1x16xf32> to vector<16xf32>
    %swap3A_133 = vector.shape_cast %broadcast_in_dim3A_127 : vector<16xf32> to vector<1x16xf32>
    tpu.vector_store %arg27[%swap3A_129, %swap3A_130], %swap3A_133 {strides = array<i32>} : memref<8x64xf32, #tpu.memory_space<vmem>>, vector<1x16xf32>,
    %broadcast_in_dim3A_134 = arith.constant 0.000000e+00 : f32
    %broadcast_in_dim3A_135 = vector.broadcast %broadcast_in_dim3A_134 : f32 to vector<16xf32>
    %swap3A_136 = arith.constant 4 : i32
    %swap3A_137 = arith.index_cast %swap3A_136 : i32 to index
    %swap3A_138 = arith.constant 16 : index
    %swap3A_139 = tpu.vector_load %arg27[%swap3A_137, %swap3A_138] {strides = array<i32>} : memref<8x64xf32, #tpu.memory_space<vmem>>, vector<1x16xf32>,
    %swap3A_140 = vector.shape_cast %swap3A_139 : vector<1x16xf32> to vector<16xf32>
    %swap3A_141 = vector.shape_cast %broadcast_in_dim3A_135 : vector<16xf32> to vector<1x16xf32>
    tpu.vector_store %arg27[%swap3A_137, %swap3A_138], %swap3A_141 {strides = array<i32>} : memref<8x64xf32, #tpu.memory_space<vmem>>, vector<1x16xf32>,
    %broadcast_in_dim3A_142 = arith.constant 0.000000e+00 : f32
    %broadcast_in_dim3A_143 = vector.broadcast %broadcast_in_dim3A_142 : f32 to vector<16xf32>
    %swap3A_144 = arith.constant 4 : i32
    %swap3A_145 = arith.index_cast %swap3A_144 : i32 to index
    %swap3A_146 = arith.constant 32 : index
    %swap3A_147 = tpu.vector_load %arg27[%swap3A_145, %swap3A_146] {strides = array<i32>} : memref<8x64xf32, #tpu.memory_space<vmem>>, vector<1x16xf32>,
    %swap3A_148 = vector.shape_cast %swap3A_147 : vector<1x16xf32> to vector<16xf32>
    %swap3A_149 = vector.shape_cast %broadcast_in_dim3A_143 : vector<16xf32> to vector<1x16xf32>
    tpu.vector_store %arg27[%swap3A_145, %swap3A_146], %swap3A_149 {strides = array<i32>} : memref<8x64xf32, #tpu.memory_space<vmem>>, vector<1x16xf32>,
    %broadcast_in_dim3A_150 = arith.constant 0.000000e+00 : f32
    %broadcast_in_dim3A_151 = vector.broadcast %broadcast_in_dim3A_150 : f32 to vector<16xf32>
    %swap3A_152 = arith.constant 4 : i32
    %swap3A_153 = arith.index_cast %swap3A_152 : i32 to index
    %swap3A_154 = arith.constant 48 : index
    %swap3A_155 = tpu.vector_load %arg27[%swap3A_153, %swap3A_154] {strides = array<i32>} : memref<8x64xf32, #tpu.memory_space<vmem>>, vector<1x16xf32>,
    %swap3A_156 = vector.shape_cast %swap3A_155 : vector<1x16xf32> to vector<16xf32>
    %swap3A_157 = vector.shape_cast %broadcast_in_dim3A_151 : vector<16xf32> to vector<1x16xf32>
    tpu.vector_store %arg27[%swap3A_153, %swap3A_154], %swap3A_157 {strides = array<i32>} : memref<8x64xf32, #tpu.memory_space<vmem>>, vector<1x16xf32>,
    %broadcast_in_dim3A_158 = arith.constant 0.000000e+00 : f32
    %broadcast_in_dim3A_159 = vector.broadcast %broadcast_in_dim3A_158 : f32 to vector<16xf32>
    %swap3A_160 = arith.constant 5 : i32
    %swap3A_161 = arith.index_cast %swap3A_160 : i32 to index
    %swap3A_162 = arith.constant 0 : index
    %swap3A_163 = tpu.vector_load %arg27[%swap3A_161, %swap3A_162] {strides = array<i32>} : memref<8x64xf32, #tpu.memory_space<vmem>>, vector<1x16xf32>,
    %swap3A_164 = vector.shape_cast %swap3A_163 : vector<1x16xf32> to vector<16xf32>
    %swap3A_165 = vector.shape_cast %broadcast_in_dim3A_159 : vector<16xf32> to vector<1x16xf32>
    tpu.vector_store %arg27[%swap3A_161, %swap3A_162], %swap3A_165 {strides = array<i32>} : memref<8x64xf32, #tpu.memory_space<vmem>>, vector<1x16xf32>,
    %broadcast_in_dim3A_166 = arith.constant 0.000000e+00 : f32
    %broadcast_in_dim3A_167 = vector.broadcast %broadcast_in_dim3A_166 : f32 to vector<16xf32>
    %swap3A_168 = arith.constant 5 : i32
    %swap3A_169 = arith.index_cast %swap3A_168 : i32 to index
    %swap3A_170 = arith.constant 16 : index
    %swap3A_171 = tpu.vector_load %arg27[%swap3A_169, %swap3A_170] {strides = array<i32>} : memref<8x64xf32, #tpu.memory_space<vmem>>, vector<1x16xf32>,
    %swap3A_172 = vector.shape_cast %swap3A_171 : vector<1x16xf32> to vector<16xf32>
    %swap3A_173 = vector.shape_cast %broadcast_in_dim3A_167 : vector<16xf32> to vector<1x16xf32>
    tpu.vector_store %arg27[%swap3A_169, %swap3A_170], %swap3A_173 {strides = array<i32>} : memref<8x64xf32, #tpu.memory_space<vmem>>, vector<1x16xf32>,
    %broadcast_in_dim3A_174 = arith.constant 0.000000e+00 : f32
    %broadcast_in_dim3A_175 = vector.broadcast %broadcast_in_dim3A_174 : f32 to vector<16xf32>
    %swap3A_176 = arith.constant 5 : i32
    %swap3A_177 = arith.index_cast %swap3A_176 : i32 to index
    %swap3A_178 = arith.constant 32 : index
    %swap3A_179 = tpu.vector_load %arg27[%swap3A_177, %swap3A_178] {strides = array<i32>} : memref<8x64xf32, #tpu.memory_space<vmem>>, vector<1x16xf32>,
    %swap3A_180 = vector.shape_cast %swap3A_179 : vector<1x16xf32> to vector<16xf32>
    %swap3A_181 = vector.shape_cast %broadcast_in_dim3A_175 : vector<16xf32> to vector<1x16xf32>
    tpu.vector_store %arg27[%swap3A_177, %swap3A_178], %swap3A_181 {strides = array<i32>} : memref<8x64xf32, #tpu.memory_space<vmem>>, vector<1x16xf32>,
    %broadcast_in_dim3A_182 = arith.constant 0.000000e+00 : f32
    %broadcast_in_dim3A_183 = vector.broadcast %broadcast_in_dim3A_182 : f32 to vector<16xf32>
    %swap3A_184 = arith.constant 5 : i32
    %swap3A_185 = arith.index_cast %swap3A_184 : i32 to index
    %swap3A_186 = arith.constant 48 : index
    %swap3A_187 = tpu.vector_load %arg27[%swap3A_185, %swap3A_186] {strides = array<i32>} : memref<8x64xf32, #tpu.memory_space<vmem>>, vector<1x16xf32>,
    %swap3A_188 = vector.shape_cast %swap3A_187 : vector<1x16xf32> to vector<16xf32>
    %swap3A_189 = vector.shape_cast %broadcast_in_dim3A_183 : vector<16xf32> to vector<1x16xf32>
    tpu.vector_store %arg27[%swap3A_185, %swap3A_186], %swap3A_189 {strides = array<i32>} : memref<8x64xf32, #tpu.memory_space<vmem>>, vector<1x16xf32>,
    %broadcast_in_dim3A_190 = arith.constant 0.000000e+00 : f32
    %broadcast_in_dim3A_191 = vector.broadcast %broadcast_in_dim3A_190 : f32 to vector<16xf32>
    %swap3A_192 = arith.constant 6 : i32
    %swap3A_193 = arith.index_cast %swap3A_192 : i32 to index
    %swap3A_194 = arith.constant 0 : index
    %swap3A_195 = tpu.vector_load %arg27[%swap3A_193, %swap3A_194] {strides = array<i32>} : memref<8x64xf32, #tpu.memory_space<vmem>>, vector<1x16xf32>,
    %swap3A_196 = vector.shape_cast %swap3A_195 : vector<1x16xf32> to vector<16xf32>
    %swap3A_197 = vector.shape_cast %broadcast_in_dim3A_191 : vector<16xf32> to vector<1x16xf32>
    tpu.vector_store %arg27[%swap3A_193, %swap3A_194], %swap3A_197 {strides = array<i32>} : memref<8x64xf32, #tpu.memory_space<vmem>>, vector<1x16xf32>,
    %broadcast_in_dim3A_198 = arith.constant 0.000000e+00 : f32
    %broadcast_in_dim3A_199 = vector.broadcast %broadcast_in_dim3A_198 : f32 to vector<16xf32>
    %swap3A_200 = arith.constant 6 : i32
    %swap3A_201 = arith.index_cast %swap3A_200 : i32 to index
    %swap3A_202 = arith.constant 16 : index
    %swap3A_203 = tpu.vector_load %arg27[%swap3A_201, %swap3A_202] {strides = array<i32>} : memref<8x64xf32, #tpu.memory_space<vmem>>, vector<1x16xf32>,
    %swap3A_204 = vector.shape_cast %swap3A_203 : vector<1x16xf32> to vector<16xf32>
    %swap3A_205 = vector.shape_cast %broadcast_in_dim3A_199 : vector<16xf32> to vector<1x16xf32>
    tpu.vector_store %arg27[%swap3A_201, %swap3A_202], %swap3A_205 {strides = array<i32>} : memref<8x64xf32, #tpu.memory_space<vmem>>, vector<1x16xf32>,
    %broadcast_in_dim3A_206 = arith.constant 0.000000e+00 : f32
    %broadcast_in_dim3A_207 = vector.broadcast %broadcast_in_dim3A_206 : f32 to vector<16xf32>
    %swap3A_208 = arith.constant 6 : i32
    %swap3A_209 = arith.index_cast %swap3A_208 : i32 to index
    %swap3A_210 = arith.constant 32 : index
    %swap3A_211 = tpu.vector_load %arg27[%swap3A_209, %swap3A_210] {strides = array<i32>} : memref<8x64xf32, #tpu.memory_space<vmem>>, vector<1x16xf32>,
    %swap3A_212 = vector.shape_cast %swap3A_211 : vector<1x16xf32> to vector<16xf32>
    %swap3A_213 = vector.shape_cast %broadcast_in_dim3A_207 : vector<16xf32> to vector<1x16xf32>
    tpu.vector_store %arg27[%swap3A_209, %swap3A_210], %swap3A_213 {strides = array<i32>} : memref<8x64xf32, #tpu.memory_space<vmem>>, vector<1x16xf32>,
    %broadcast_in_dim3A_214 = arith.constant 0.000000e+00 : f32
    %broadcast_in_dim3A_215 = vector.broadcast %broadcast_in_dim3A_214 : f32 to vector<16xf32>
    %swap3A_216 = arith.constant 6 : i32
    %swap3A_217 = arith.index_cast %swap3A_216 : i32 to index
    %swap3A_218 = arith.constant 48 : index
    %swap3A_219 = tpu.vector_load %arg27[%swap3A_217, %swap3A_218] {strides = array<i32>} : memref<8x64xf32, #tpu.memory_space<vmem>>, vector<1x16xf32>,
    %swap3A_220 = vector.shape_cast %swap3A_219 : vector<1x16xf32> to vector<16xf32>
    %swap3A_221 = vector.shape_cast %broadcast_in_dim3A_215 : vector<16xf32> to vector<1x16xf32>
    tpu.vector_store %arg27[%swap3A_217, %swap3A_218], %swap3A_221 {strides = array<i32>} : memref<8x64xf32, #tpu.memory_space<vmem>>, vector<1x16xf32>,
    %broadcast_in_dim3A_222 = arith.constant 0.000000e+00 : f32
    %broadcast_in_dim3A_223 = vector.broadcast %broadcast_in_dim3A_222 : f32 to vector<16xf32>
    %swap3A_224 = arith.constant 7 : i32
    %swap3A_225 = arith.index_cast %swap3A_224 : i32 to index
    %swap3A_226 = arith.constant 0 : index
    %swap3A_227 = tpu.vector_load %arg27[%swap3A_225, %swap3A_226] {strides = array<i32>} : memref<8x64xf32, #tpu.memory_space<vmem>>, vector<1x16xf32>,
    %swap3A_228 = vector.shape_cast %swap3A_227 : vector<1x16xf32> to vector<16xf32>
    %swap3A_229 = vector.shape_cast %broadcast_in_dim3A_223 : vector<16xf32> to vector<1x16xf32>
    tpu.vector_store %arg27[%swap3A_225, %swap3A_226], %swap3A_229 {strides = array<i32>} : memref<8x64xf32, #tpu.memory_space<vmem>>, vector<1x16xf32>,
    %broadcast_in_dim3A_230 = arith.constant 0.000000e+00 : f32
    %broadcast_in_dim3A_231 = vector.broadcast %broadcast_in_dim3A_230 : f32 to vector<16xf32>
    %swap3A_232 = arith.constant 7 : i32
    %swap3A_233 = arith.index_cast %swap3A_232 : i32 to index
    %swap3A_234 = arith.constant 16 : index
    %swap3A_235 = tpu.vector_load %arg27[%swap3A_233, %swap3A_234] {strides = array<i32>} : memref<8x64xf32, #tpu.memory_space<vmem>>, vector<1x16xf32>,
    %swap3A_236 = vector.shape_cast %swap3A_235 : vector<1x16xf32> to vector<16xf32>
    %swap3A_237 = vector.shape_cast %broadcast_in_dim3A_231 : vector<16xf32> to vector<1x16xf32>
    tpu.vector_store %arg27[%swap3A_233, %swap3A_234], %swap3A_237 {strides = array<i32>} : memref<8x64xf32, #tpu.memory_space<vmem>>, vector<1x16xf32>,
    %broadcast_in_dim3A_238 = arith.constant 0.000000e+00 : f32
    %broadcast_in_dim3A_239 = vector.broadcast %broadcast_in_dim3A_238 : f32 to vector<16xf32>
    %swap3A_240 = arith.constant 7 : i32
    %swap3A_241 = arith.index_cast %swap3A_240 : i32 to index
    %swap3A_242 = arith.constant 32 : index
    %swap3A_243 = tpu.vector_load %arg27[%swap3A_241, %swap3A_242] {strides = array<i32>} : memref<8x64xf32, #tpu.memory_space<vmem>>, vector<1x16xf32>,
    %swap3A_244 = vector.shape_cast %swap3A_243 : vector<1x16xf32> to vector<16xf32>
    %swap3A_245 = vector.shape_cast %broadcast_in_dim3A_239 : vector<16xf32> to vector<1x16xf32>
    tpu.vector_store %arg27[%swap3A_241, %swap3A_242], %swap3A_245 {strides = array<i32>} : memref<8x64xf32, #tpu.memory_space<vmem>>, vector<1x16xf32>,
    %broadcast_in_dim3A_246 = arith.constant 0.000000e+00 : f32
    %broadcast_in_dim3A_247 = vector.broadcast %broadcast_in_dim3A_246 : f32 to vector<16xf32>
    %swap3A_248 = arith.constant 7 : i32
    %swap3A_249 = arith.index_cast %swap3A_248 : i32 to index
    %swap3A_250 = arith.constant 48 : index
    %swap3A_251 = tpu.vector_load %arg27[%swap3A_249, %swap3A_250] {strides = array<i32>} : memref<8x64xf32, #tpu.memory_space<vmem>>, vector<1x16xf32>,
    %swap3A_252 = vector.shape_cast %swap3A_251 : vector<1x16xf32> to vector<16xf32>
    %swap3A_253 = vector.shape_cast %broadcast_in_dim3A_247 : vector<16xf32> to vector<1x16xf32>
    tpu.vector_store %arg27[%swap3A_249, %swap3A_250], %swap3A_253 {strides = array<i32>} : memref<8x64xf32, #tpu.memory_space<vmem>>, vector<1x16xf32>,
    %lt3A = arith.constant 15 : i32
    %lt3A_254 = arith.cmpi slt, %arg1, %lt3A : i32
    %jit3A = arith.constant 79 : i32
    %jit3A_255 = arith.constant 65 : i32
    %select_n3A = arith.select %lt3A_254, %jit3A, %jit3A_255 : i32
    %while3A = arith.constant 0 : i32
    %while3A_256 = arith.subi %select_n3A, %while3A : i32
    %while3A_257 = arith.addi %while3A, %while3A_256 : i32
    %while3A_258 = arith.constant 1 : i32
    %while3A_259 = arith.divsi %while3A_256, %while3A_258 : i32
    %while3A_260 = arith.muli %while3A_259, %while3A_258 : i32
    %while3A_261 = arith.addi %while3A, %while3A_260 : i32
    %while3A_262 = arith.constant 1 : i32
    scf.for %while3A_475 = %while3A to %while3A_261 step %while3A_262  : i32 {
      %mul3A_476 = arith.constant 632 : i32
      %mul3A_477 = arith.muli %arg1, %mul3A_476 : i32
      %mul3A_478 = arith.constant 8 : i32
      %mul3A_479 = arith.muli %while3A_475, %mul3A_478 : i32
      %add3A_480 = arith.addi %mul3A_477, %mul3A_479 : i32
      "tpu.region"() ({
        %run_scoped3A_481 = tpu.sem_alloc : memref<!tpu.dma_semaphore, #tpu.memory_space<semaphore_mem>>
        %dma_start3A_482 = arith.constant 0 : i32
        %dma_start3A_483 = tpu.memref_slice %arg28[%add3A_480, %dma_start3A_482] : memref<10000x64xf32, #tpu.memory_space<vmem_shared>> -> memref<8x64xf32, #tpu.memory_space<vmem_shared>>
        %dma_start3A_484 = arith.constant 0 : i32
        %dma_start3A_485 = tpu.memref_slice %arg28[%add3A_480, %dma_start3A_484] : memref<10000x64xf32, #tpu.memory_space<vmem_shared>> -> memref<8x64xf32, #tpu.memory_space<vmem_shared>>
        tpu.enqueue_dma source(%arg27 : memref<8x64xf32, #tpu.memory_space<vmem>>) target(%dma_start3A_485 : memref<8x64xf32, #tpu.memory_space<vmem_shared>>) target_semaphore(%run_scoped3A_481 : memref<!tpu.dma_semaphore, #tpu.memory_space<semaphore_mem>>)
        %dma_wait3A_486 = arith.constant 0 : i32
        %dma_wait3A_487 = tpu.memref_slice %arg28[%add3A_480, %dma_wait3A_486] : memref<10000x64xf32, #tpu.memory_space<vmem_shared>> -> memref<8x64xf32, #tpu.memory_space<vmem_shared>>
        %dma_wait3A_488 = arith.constant 0 : i32
        %dma_wait3A_489 = tpu.memref_slice %arg28[%add3A_480, %dma_wait3A_488] : memref<10000x64xf32, #tpu.memory_space<vmem_shared>> -> memref<8x64xf32, #tpu.memory_space<vmem_shared>>
        tpu.wait_dma2 semaphore(%run_scoped3A_481 : memref<!tpu.dma_semaphore, #tpu.memory_space<semaphore_mem>>) src(%arg27 : memref<8x64xf32, #tpu.memory_space<vmem>>) dst(%dma_wait3A_489 : memref<8x64xf32, #tpu.memory_space<vmem_shared>>)
        tpu.yield
      }) : () -> ()
    }
    %while3A_263 = arith.constant 1 : i32
    scf.for %while3A_475 = %while3A_261 to %while3A_257 step %while3A_263  : i32 {
      %mul3A_476 = arith.constant 632 : i32
      %mul3A_477 = arith.muli %arg1, %mul3A_476 : i32
      %mul3A_478 = arith.constant 8 : i32
      %mul3A_479 = arith.muli %while3A_475, %mul3A_478 : i32
      %add3A_480 = arith.addi %mul3A_477, %mul3A_479 : i32
      "tpu.region"() ({
        %run_scoped3A_481 = tpu.sem_alloc : memref<!tpu.dma_semaphore, #tpu.memory_space<semaphore_mem>>
        %dma_start3A_482 = arith.constant 0 : i32
        %dma_start3A_483 = tpu.memref_slice %arg28[%add3A_480, %dma_start3A_482] : memref<10000x64xf32, #tpu.memory_space<vmem_shared>> -> memref<8x64xf32, #tpu.memory_space<vmem_shared>>
        %dma_start3A_484 = arith.constant 0 : i32
        %dma_start3A_485 = tpu.memref_slice %arg28[%add3A_480, %dma_start3A_484] : memref<10000x64xf32, #tpu.memory_space<vmem_shared>> -> memref<8x64xf32, #tpu.memory_space<vmem_shared>>
        tpu.enqueue_dma source(%arg27 : memref<8x64xf32, #tpu.memory_space<vmem>>) target(%dma_start3A_485 : memref<8x64xf32, #tpu.memory_space<vmem_shared>>) target_semaphore(%run_scoped3A_481 : memref<!tpu.dma_semaphore, #tpu.memory_space<semaphore_mem>>)
        %dma_wait3A_486 = arith.constant 0 : i32
        %dma_wait3A_487 = tpu.memref_slice %arg28[%add3A_480, %dma_wait3A_486] : memref<10000x64xf32, #tpu.memory_space<vmem_shared>> -> memref<8x64xf32, #tpu.memory_space<vmem_shared>>
        %dma_wait3A_488 = arith.constant 0 : i32
        %dma_wait3A_489 = tpu.memref_slice %arg28[%add3A_480, %dma_wait3A_488] : memref<10000x64xf32, #tpu.memory_space<vmem_shared>> -> memref<8x64xf32, #tpu.memory_space<vmem_shared>>
        tpu.wait_dma2 semaphore(%run_scoped3A_481 : memref<!tpu.dma_semaphore, #tpu.memory_space<semaphore_mem>>) src(%arg27 : memref<8x64xf32, #tpu.memory_space<vmem>>) dst(%dma_wait3A_489 : memref<8x64xf32, #tpu.memory_space<vmem_shared>>)
        tpu.yield
      }) : () -> ()
    }
    %mul3A = arith.constant 20000 : i32
    %mul3A_264 = arith.muli %arg1, %mul3A : i32
    %run_scoped3A = arith.constant 0 : i32
    "tpu.region"() ({
      %run_scoped3A_475 = tpu.sem_alloc : memref<!tpu.dma_semaphore, #tpu.memory_space<semaphore_mem>>
      %dma_start3A_476 = tpu.memref_slice %arg3[%run_scoped3A, %mul3A_264] : memref<2x320000xi32, #tpu.memory_space<hbm>> -> memref<1x20000xi32, #tpu.memory_space<hbm>>
      %dma_start3A_477 = tpu.memref_squeeze %dma_start3A_476 : memref<1x20000xi32, #tpu.memory_space<hbm>> -> memref<20000xi32, #tpu.memory_space<hbm>>
      %dma_start3A_478 = tpu.memref_slice %arg3[%run_scoped3A, %mul3A_264] : memref<2x320000xi32, #tpu.memory_space<hbm>> -> memref<1x20000xi32, #tpu.memory_space<hbm>>
      %dma_start3A_479 = tpu.memref_squeeze %dma_start3A_478 : memref<1x20000xi32, #tpu.memory_space<hbm>> -> memref<20000xi32, #tpu.memory_space<hbm>>
      tpu.enqueue_dma source(%dma_start3A_479 : memref<20000xi32, #tpu.memory_space<hbm>>) target(%arg5 : memref<20000xi32, #tpu.memory_space<vmem>>) target_semaphore(%run_scoped3A_475 : memref<!tpu.dma_semaphore, #tpu.memory_space<semaphore_mem>>)
      %dma_wait3A_480 = tpu.memref_slice %arg3[%run_scoped3A, %mul3A_264] : memref<2x320000xi32, #tpu.memory_space<hbm>> -> memref<1x20000xi32, #tpu.memory_space<hbm>>
      %dma_wait3A_481 = tpu.memref_squeeze %dma_wait3A_480 : memref<1x20000xi32, #tpu.memory_space<hbm>> -> memref<20000xi32, #tpu.memory_space<hbm>>
      %dma_wait3A_482 = tpu.memref_slice %arg3[%run_scoped3A, %mul3A_264] : memref<2x320000xi32, #tpu.memory_space<hbm>> -> memref<1x20000xi32, #tpu.memory_space<hbm>>
      %dma_wait3A_483 = tpu.memref_squeeze %dma_wait3A_482 : memref<1x20000xi32, #tpu.memory_space<hbm>> -> memref<20000xi32, #tpu.memory_space<hbm>>
      tpu.wait_dma2 semaphore(%run_scoped3A_475 : memref<!tpu.dma_semaphore, #tpu.memory_space<semaphore_mem>>) src(%dma_wait3A_483 : memref<20000xi32, #tpu.memory_space<hbm>>) dst(%arg5 : memref<20000xi32, #tpu.memory_space<vmem>>)
      tpu.yield
    }) : () -> ()
    %mul3A_265 = arith.constant 20000 : i32
    %mul3A_266 = arith.muli %arg1, %mul3A_265 : i32
    %run_scoped3A_267 = arith.constant 1 : i32
    "tpu.region"() ({
      %run_scoped3A_475 = tpu.sem_alloc : memref<!tpu.dma_semaphore, #tpu.memory_space<semaphore_mem>>
      %dma_start3A_476 = tpu.memref_slice %arg3[%run_scoped3A_267, %mul3A_266] : memref<2x320000xi32, #tpu.memory_space<hbm>> -> memref<1x20000xi32, #tpu.memory_space<hbm>>
      %dma_start3A_477 = tpu.memref_squeeze %dma_start3A_476 : memref<1x20000xi32, #tpu.memory_space<hbm>> -> memref<20000xi32, #tpu.memory_space<hbm>>
      %dma_start3A_478 = tpu.memref_slice %arg3[%run_scoped3A_267, %mul3A_266] : memref<2x320000xi32, #tpu.memory_space<hbm>> -> memref<1x20000xi32, #tpu.memory_space<hbm>>
      %dma_start3A_479 = tpu.memref_squeeze %dma_start3A_478 : memref<1x20000xi32, #tpu.memory_space<hbm>> -> memref<20000xi32, #tpu.memory_space<hbm>>
      tpu.enqueue_dma source(%dma_start3A_479 : memref<20000xi32, #tpu.memory_space<hbm>>) target(%arg6 : memref<20000xi32, #tpu.memory_space<vmem>>) target_semaphore(%run_scoped3A_475 : memref<!tpu.dma_semaphore, #tpu.memory_space<semaphore_mem>>)
      %dma_wait3A_480 = tpu.memref_slice %arg3[%run_scoped3A_267, %mul3A_266] : memref<2x320000xi32, #tpu.memory_space<hbm>> -> memref<1x20000xi32, #tpu.memory_space<hbm>>
      %dma_wait3A_481 = tpu.memref_squeeze %dma_wait3A_480 : memref<1x20000xi32, #tpu.memory_space<hbm>> -> memref<20000xi32, #tpu.memory_space<hbm>>
      %dma_wait3A_482 = tpu.memref_slice %arg3[%run_scoped3A_267, %mul3A_266] : memref<2x320000xi32, #tpu.memory_space<hbm>> -> memref<1x20000xi32, #tpu.memory_space<hbm>>
      %dma_wait3A_483 = tpu.memref_squeeze %dma_wait3A_482 : memref<1x20000xi32, #tpu.memory_space<hbm>> -> memref<20000xi32, #tpu.memory_space<hbm>>
      tpu.wait_dma2 semaphore(%run_scoped3A_475 : memref<!tpu.dma_semaphore, #tpu.memory_space<semaphore_mem>>) src(%dma_wait3A_483 : memref<20000xi32, #tpu.memory_space<hbm>>) dst(%arg6 : memref<20000xi32, #tpu.memory_space<vmem>>)
      tpu.yield
    }) : () -> ()
    %barrier3A = arith.constant 0 : index
    tpu.barrier barrier_id(%barrier3A)
    %get3A = arith.constant 0 : index
    %get3A_268 = tpu.vector_load %arg5[%get3A] {strides = array<i32>} : memref<20000xi32, #tpu.memory_space<vmem>>, vector<16xi32>,
    %get3A_269 = vector.shape_cast %get3A_268 : vector<16xi32> to vector<16xi32>
    %mul3A_270 = arith.constant 2 : i32
    %mul3A_271 = vector.broadcast %mul3A_270 : i32 to vector<16xi32>
    %mul3A_272 = arith.muli %get3A_269, %mul3A_271 : vector<16xi32>
    %add3A = vector.broadcast %arg0 : i32 to vector<16xi32>
    %add3A_273 = arith.addi %mul3A_272, %add3A : vector<16xi32>
    %swap3A_274 = arith.constant 0 : index
    %swap3A_275 = tpu.vector_load %arg7[%swap3A_274] {strides = array<i32>} : memref<80xi32, #tpu.memory_space<vmem>>, vector<16xi32>,
    %swap3A_276 = vector.shape_cast %swap3A_275 : vector<16xi32> to vector<16xi32>
    %swap3A_277 = vector.shape_cast %add3A_273 : vector<16xi32> to vector<16xi32>
    tpu.vector_store %arg7[%swap3A_274], %swap3A_277 {strides = array<i32>} : memref<80xi32, #tpu.memory_space<vmem>>, vector<16xi32>,
    %get3A_278 = arith.constant 16 : index
    %get3A_279 = tpu.vector_load %arg5[%get3A_278] {strides = array<i32>} : memref<20000xi32, #tpu.memory_space<vmem>>, vector<16xi32>,
    %get3A_280 = vector.shape_cast %get3A_279 : vector<16xi32> to vector<16xi32>
    %mul3A_281 = arith.constant 2 : i32
    %mul3A_282 = vector.broadcast %mul3A_281 : i32 to vector<16xi32>
    %mul3A_283 = arith.muli %get3A_280, %mul3A_282 : vector<16xi32>
    %add3A_284 = vector.broadcast %arg0 : i32 to vector<16xi32>
    %add3A_285 = arith.addi %mul3A_283, %add3A_284 : vector<16xi32>
    %swap3A_286 = arith.constant 16 : index
    %swap3A_287 = tpu.vector_load %arg7[%swap3A_286] {strides = array<i32>} : memref<80xi32, #tpu.memory_space<vmem>>, vector<16xi32>,
    %swap3A_288 = vector.shape_cast %swap3A_287 : vector<16xi32> to vector<16xi32>
    %swap3A_289 = vector.shape_cast %add3A_285 : vector<16xi32> to vector<16xi32>
    tpu.vector_store %arg7[%swap3A_286], %swap3A_289 {strides = array<i32>} : memref<80xi32, #tpu.memory_space<vmem>>, vector<16xi32>,
    %get3A_290 = arith.constant 32 : index
    %get3A_291 = tpu.vector_load %arg5[%get3A_290] {strides = array<i32>} : memref<20000xi32, #tpu.memory_space<vmem>>, vector<16xi32>,
    %get3A_292 = vector.shape_cast %get3A_291 : vector<16xi32> to vector<16xi32>
    %mul3A_293 = arith.constant 2 : i32
    %mul3A_294 = vector.broadcast %mul3A_293 : i32 to vector<16xi32>
    %mul3A_295 = arith.muli %get3A_292, %mul3A_294 : vector<16xi32>
    %add3A_296 = vector.broadcast %arg0 : i32 to vector<16xi32>
    %add3A_297 = arith.addi %mul3A_295, %add3A_296 : vector<16xi32>
    %swap3A_298 = arith.constant 32 : index
    %swap3A_299 = tpu.vector_load %arg7[%swap3A_298] {strides = array<i32>} : memref<80xi32, #tpu.memory_space<vmem>>, vector<16xi32>,
    %swap3A_300 = vector.shape_cast %swap3A_299 : vector<16xi32> to vector<16xi32>
    %swap3A_301 = vector.shape_cast %add3A_297 : vector<16xi32> to vector<16xi32>
    tpu.vector_store %arg7[%swap3A_298], %swap3A_301 {strides = array<i32>} : memref<80xi32, #tpu.memory_space<vmem>>, vector<16xi32>,
    %get3A_302 = arith.constant 48 : index
    %get3A_303 = tpu.vector_load %arg5[%get3A_302] {strides = array<i32>} : memref<20000xi32, #tpu.memory_space<vmem>>, vector<16xi32>,
    %get3A_304 = vector.shape_cast %get3A_303 : vector<16xi32> to vector<16xi32>
    %mul3A_305 = arith.constant 2 : i32
    %mul3A_306 = vector.broadcast %mul3A_305 : i32 to vector<16xi32>
    %mul3A_307 = arith.muli %get3A_304, %mul3A_306 : vector<16xi32>
    %add3A_308 = vector.broadcast %arg0 : i32 to vector<16xi32>
    %add3A_309 = arith.addi %mul3A_307, %add3A_308 : vector<16xi32>
    %swap3A_310 = arith.constant 48 : index
    %swap3A_311 = tpu.vector_load %arg7[%swap3A_310] {strides = array<i32>} : memref<80xi32, #tpu.memory_space<vmem>>, vector<16xi32>,
    %swap3A_312 = vector.shape_cast %swap3A_311 : vector<16xi32> to vector<16xi32>
    %swap3A_313 = vector.shape_cast %add3A_309 : vector<16xi32> to vector<16xi32>
    tpu.vector_store %arg7[%swap3A_310], %swap3A_313 {strides = array<i32>} : memref<80xi32, #tpu.memory_space<vmem>>, vector<16xi32>,
    %get3A_314 = arith.constant 64 : index
    %get3A_315 = tpu.vector_load %arg5[%get3A_314] {strides = array<i32>} : memref<20000xi32, #tpu.memory_space<vmem>>, vector<16xi32>,
    %get3A_316 = vector.shape_cast %get3A_315 : vector<16xi32> to vector<16xi32>
    %mul3A_317 = arith.constant 2 : i32
    %mul3A_318 = vector.broadcast %mul3A_317 : i32 to vector<16xi32>
    %mul3A_319 = arith.muli %get3A_316, %mul3A_318 : vector<16xi32>
    %add3A_320 = vector.broadcast %arg0 : i32 to vector<16xi32>
    %add3A_321 = arith.addi %mul3A_319, %add3A_320 : vector<16xi32>
    %swap3A_322 = arith.constant 64 : index
    %swap3A_323 = tpu.vector_load %arg7[%swap3A_322] {strides = array<i32>} : memref<80xi32, #tpu.memory_space<vmem>>, vector<16xi32>,
    %swap3A_324 = vector.shape_cast %swap3A_323 : vector<16xi32> to vector<16xi32>
    %swap3A_325 = vector.shape_cast %add3A_321 : vector<16xi32> to vector<16xi32>
    tpu.vector_store %arg7[%swap3A_322], %swap3A_325 {strides = array<i32>} : memref<80xi32, #tpu.memory_space<vmem>>, vector<16xi32>,
    %dma_start3A = arith.constant 0 : i32
    %dma_start3A_326 = arith.constant 0 : i32
    %dma_start3A_327 = tpu.memref_slice %arg2[%dma_start3A, %dma_start3A_326] : memref<20000x64xf32, #tpu.memory_space<hbm>> -> memref<20000x64xf32, #tpu.memory_space<hbm>>
    tpu.enqueue_indirect_dma source(%dma_start3A_327 : memref<20000x64xf32, #tpu.memory_space<hbm>>) target(%arg12 : memref<80x64xf32, #tpu.memory_space<vmem>>) offsets(%arg7 : memref<80xi32, #tpu.memory_space<vmem>>) semaphore(%arg17 : memref<!tpu.dma_semaphore, #tpu.memory_space<semaphore_mem>>)
    %get3A_328 = arith.constant 80 : index
    %get3A_329 = tpu.vector_load %arg5[%get3A_328] {strides = array<i32>} : memref<20000xi32, #tpu.memory_space<vmem>>, vector<16xi32>,
    %get3A_330 = vector.shape_cast %get3A_329 : vector<16xi32> to vector<16xi32>
    %mul3A_331 = arith.constant 2 : i32
    %mul3A_332 = vector.broadcast %mul3A_331 : i32 to vector<16xi32>
    %mul3A_333 = arith.muli %get3A_330, %mul3A_332 : vector<16xi32>
    %add3A_334 = vector.broadcast %arg0 : i32 to vector<16xi32>
    %add3A_335 = arith.addi %mul3A_333, %add3A_334 : vector<16xi32>
    %swap3A_336 = arith.constant 0 : index
    %swap3A_337 = tpu.vector_load %arg8[%swap3A_336] {strides = array<i32>} : memref<80xi32, #tpu.memory_space<vmem>>, vector<16xi32>,
    %swap3A_338 = vector.shape_cast %swap3A_337 : vector<16xi32> to vector<16xi32>
    %swap3A_339 = vector.shape_cast %add3A_335 : vector<16xi32> to vector<16xi32>
    tpu.vector_store %arg8[%swap3A_336], %swap3A_339 {strides = array<i32>} : memref<80xi32, #tpu.memory_space<vmem>>, vector<16xi32>,
    %get3A_340 = arith.constant 96 : index
    %get3A_341 = tpu.vector_load %arg5[%get3A_340] {strides = array<i32>} : memref<20000xi32, #tpu.memory_space<vmem>>, vector<16xi32>,
    %get3A_342 = vector.shape_cast %get3A_341 : vector<16xi32> to vector<16xi32>
    %mul3A_343 = arith.constant 2 : i32
    %mul3A_344 = vector.broadcast %mul3A_343 : i32 to vector<16xi32>
    %mul3A_345 = arith.muli %get3A_342, %mul3A_344 : vector<16xi32>
    %add3A_346 = vector.broadcast %arg0 : i32 to vector<16xi32>
    %add3A_347 = arith.addi %mul3A_345, %add3A_346 : vector<16xi32>
    %swap3A_348 = arith.constant 16 : index
    %swap3A_349 = tpu.vector_load %arg8[%swap3A_348] {strides = array<i32>} : memref<80xi32, #tpu.memory_space<vmem>>, vector<16xi32>,
    %swap3A_350 = vector.shape_cast %swap3A_349 : vector<16xi32> to vector<16xi32>
    %swap3A_351 = vector.shape_cast %add3A_347 : vector<16xi32> to vector<16xi32>
    tpu.vector_store %arg8[%swap3A_348], %swap3A_351 {strides = array<i32>} : memref<80xi32, #tpu.memory_space<vmem>>, vector<16xi32>,
    %get3A_352 = arith.constant 112 : index
    %get3A_353 = tpu.vector_load %arg5[%get3A_352] {strides = array<i32>} : memref<20000xi32, #tpu.memory_space<vmem>>, vector<16xi32>,
    %get3A_354 = vector.shape_cast %get3A_353 : vector<16xi32> to vector<16xi32>
    %mul3A_355 = arith.constant 2 : i32
    %mul3A_356 = vector.broadcast %mul3A_355 : i32 to vector<16xi32>
    %mul3A_357 = arith.muli %get3A_354, %mul3A_356 : vector<16xi32>
    %add3A_358 = vector.broadcast %arg0 : i32 to vector<16xi32>
    %add3A_359 = arith.addi %mul3A_357, %add3A_358 : vector<16xi32>
    %swap3A_360 = arith.constant 32 : index
    %swap3A_361 = tpu.vector_load %arg8[%swap3A_360] {strides = array<i32>} : memref<80xi32, #tpu.memory_space<vmem>>, vector<16xi32>,
    %swap3A_362 = vector.shape_cast %swap3A_361 : vector<16xi32> to vector<16xi32>
    %swap3A_363 = vector.shape_cast %add3A_359 : vector<16xi32> to vector<16xi32>
    tpu.vector_store %arg8[%swap3A_360], %swap3A_363 {strides = array<i32>} : memref<80xi32, #tpu.memory_space<vmem>>, vector<16xi32>,
    %get3A_364 = arith.constant 128 : index
    %get3A_365 = tpu.vector_load %arg5[%get3A_364] {strides = array<i32>} : memref<20000xi32, #tpu.memory_space<vmem>>, vector<16xi32>,
    %get3A_366 = vector.shape_cast %get3A_365 : vector<16xi32> to vector<16xi32>
    %mul3A_367 = arith.constant 2 : i32
    %mul3A_368 = vector.broadcast %mul3A_367 : i32 to vector<16xi32>
    %mul3A_369 = arith.muli %get3A_366, %mul3A_368 : vector<16xi32>
    %add3A_370 = vector.broadcast %arg0 : i32 to vector<16xi32>
    %add3A_371 = arith.addi %mul3A_369, %add3A_370 : vector<16xi32>
    %swap3A_372 = arith.constant 48 : index
    %swap3A_373 = tpu.vector_load %arg8[%swap3A_372] {strides = array<i32>} : memref<80xi32, #tpu.memory_space<vmem>>, vector<16xi32>,
    %swap3A_374 = vector.shape_cast %swap3A_373 : vector<16xi32> to vector<16xi32>
    %swap3A_375 = vector.shape_cast %add3A_371 : vector<16xi32> to vector<16xi32>
    tpu.vector_store %arg8[%swap3A_372], %swap3A_375 {strides = array<i32>} : memref<80xi32, #tpu.memory_space<vmem>>, vector<16xi32>,
    %get3A_376 = arith.constant 144 : index
    %get3A_377 = tpu.vector_load %arg5[%get3A_376] {strides = array<i32>} : memref<20000xi32, #tpu.memory_space<vmem>>, vector<16xi32>,
    %get3A_378 = vector.shape_cast %get3A_377 : vector<16xi32> to vector<16xi32>
    %mul3A_379 = arith.constant 2 : i32
    %mul3A_380 = vector.broadcast %mul3A_379 : i32 to vector<16xi32>
    %mul3A_381 = arith.muli %get3A_378, %mul3A_380 : vector<16xi32>
    %add3A_382 = vector.broadcast %arg0 : i32 to vector<16xi32>
    %add3A_383 = arith.addi %mul3A_381, %add3A_382 : vector<16xi32>
    %swap3A_384 = arith.constant 64 : index
    %swap3A_385 = tpu.vector_load %arg8[%swap3A_384] {strides = array<i32>} : memref<80xi32, #tpu.memory_space<vmem>>, vector<16xi32>,
    %swap3A_386 = vector.shape_cast %swap3A_385 : vector<16xi32> to vector<16xi32>
    %swap3A_387 = vector.shape_cast %add3A_383 : vector<16xi32> to vector<16xi32>
    tpu.vector_store %arg8[%swap3A_384], %swap3A_387 {strides = array<i32>} : memref<80xi32, #tpu.memory_space<vmem>>, vector<16xi32>,
    %dma_start3A_388 = arith.constant 0 : i32
    %dma_start3A_389 = arith.constant 0 : i32
    %dma_start3A_390 = tpu.memref_slice %arg2[%dma_start3A_388, %dma_start3A_389] : memref<20000x64xf32, #tpu.memory_space<hbm>> -> memref<20000x64xf32, #tpu.memory_space<hbm>>
    tpu.enqueue_indirect_dma source(%dma_start3A_390 : memref<20000x64xf32, #tpu.memory_space<hbm>>) target(%arg13 : memref<80x64xf32, #tpu.memory_space<vmem>>) offsets(%arg8 : memref<80xi32, #tpu.memory_space<vmem>>) semaphore(%arg18 : memref<!tpu.dma_semaphore, #tpu.memory_space<semaphore_mem>>)
    %get3A_391 = arith.constant 160 : index
    %get3A_392 = tpu.vector_load %arg5[%get3A_391] {strides = array<i32>} : memref<20000xi32, #tpu.memory_space<vmem>>, vector<16xi32>,
    %get3A_393 = vector.shape_cast %get3A_392 : vector<16xi32> to vector<16xi32>
    %mul3A_394 = arith.constant 2 : i32
    %mul3A_395 = vector.broadcast %mul3A_394 : i32 to vector<16xi32>
    %mul3A_396 = arith.muli %get3A_393, %mul3A_395 : vector<16xi32>
    %add3A_397 = vector.broadcast %arg0 : i32 to vector<16xi32>
    %add3A_398 = arith.addi %mul3A_396, %add3A_397 : vector<16xi32>
    %swap3A_399 = arith.constant 0 : index
    %swap3A_400 = tpu.vector_load %arg9[%swap3A_399] {strides = array<i32>} : memref<80xi32, #tpu.memory_space<vmem>>, vector<16xi32>,
    %swap3A_401 = vector.shape_cast %swap3A_400 : vector<16xi32> to vector<16xi32>
    %swap3A_402 = vector.shape_cast %add3A_398 : vector<16xi32> to vector<16xi32>
    tpu.vector_store %arg9[%swap3A_399], %swap3A_402 {strides = array<i32>} : memref<80xi32, #tpu.memory_space<vmem>>, vector<16xi32>,
    %get3A_403 = arith.constant 176 : index
    %get3A_404 = tpu.vector_load %arg5[%get3A_403] {strides = array<i32>} : memref<20000xi32, #tpu.memory_space<vmem>>, vector<16xi32>,
    %get3A_405 = vector.shape_cast %get3A_404 : vector<16xi32> to vector<16xi32>
    %mul3A_406 = arith.constant 2 : i32
    %mul3A_407 = vector.broadcast %mul3A_406 : i32 to vector<16xi32>
    %mul3A_408 = arith.muli %get3A_405, %mul3A_407 : vector<16xi32>
    %add3A_409 = vector.broadcast %arg0 : i32 to vector<16xi32>
    %add3A_410 = arith.addi %mul3A_408, %add3A_409 : vector<16xi32>
    %swap3A_411 = arith.constant 16 : index
    %swap3A_412 = tpu.vector_load %arg9[%swap3A_411] {strides = array<i32>} : memref<80xi32, #tpu.memory_space<vmem>>, vector<16xi32>,
    %swap3A_413 = vector.shape_cast %swap3A_412 : vector<16xi32> to vector<16xi32>
    %swap3A_414 = vector.shape_cast %add3A_410 : vector<16xi32> to vector<16xi32>
    tpu.vector_store %arg9[%swap3A_411], %swap3A_414 {strides = array<i32>} : memref<80xi32, #tpu.memory_space<vmem>>, vector<16xi32>,
    %get3A_415 = arith.constant 192 : index
    %get3A_416 = tpu.vector_load %arg5[%get3A_415] {strides = array<i32>} : memref<20000xi32, #tpu.memory_space<vmem>>, vector<16xi32>,
    %get3A_417 = vector.shape_cast %get3A_416 : vector<16xi32> to vector<16xi32>
    %mul3A_418 = arith.constant 2 : i32
    %mul3A_419 = vector.broadcast %mul3A_418 : i32 to vector<16xi32>
    %mul3A_420 = arith.muli %get3A_417, %mul3A_419 : vector<16xi32>
    %add3A_421 = vector.broadcast %arg0 : i32 to vector<16xi32>
    %add3A_422 = arith.addi %mul3A_420, %add3A_421 : vector<16xi32>
    %swap3A_423 = arith.constant 32 : index
    %swap3A_424 = tpu.vector_load %arg9[%swap3A_423] {strides = array<i32>} : memref<80xi32, #tpu.memory_space<vmem>>, vector<16xi32>,
    %swap3A_425 = vector.shape_cast %swap3A_424 : vector<16xi32> to vector<16xi32>
    %swap3A_426 = vector.shape_cast %add3A_422 : vector<16xi32> to vector<16xi32>
    tpu.vector_store %arg9[%swap3A_423], %swap3A_426 {strides = array<i32>} : memref<80xi32, #tpu.memory_space<vmem>>, vector<16xi32>,
    %get3A_427 = arith.constant 208 : index
    %get3A_428 = tpu.vector_load %arg5[%get3A_427] {strides = array<i32>} : memref<20000xi32, #tpu.memory_space<vmem>>, vector<16xi32>,
    %get3A_429 = vector.shape_cast %get3A_428 : vector<16xi32> to vector<16xi32>
    %mul3A_430 = arith.constant 2 : i32
    %mul3A_431 = vector.broadcast %mul3A_430 : i32 to vector<16xi32>
    %mul3A_432 = arith.muli %get3A_429, %mul3A_431 : vector<16xi32>
    %add3A_433 = vector.broadcast %arg0 : i32 to vector<16xi32>
    %add3A_434 = arith.addi %mul3A_432, %add3A_433 : vector<16xi32>
    %swap3A_435 = arith.constant 48 : index
    %swap3A_436 = tpu.vector_load %arg9[%swap3A_435] {strides = array<i32>} : memref<80xi32, #tpu.memory_space<vmem>>, vector<16xi32>,
    %swap3A_437 = vector.shape_cast %swap3A_436 : vector<16xi32> to vector<16xi32>
    %swap3A_438 = vector.shape_cast %add3A_434 : vector<16xi32> to vector<16xi32>
    tpu.vector_store %arg9[%swap3A_435], %swap3A_438 {strides = array<i32>} : memref<80xi32, #tpu.memory_space<vmem>>, vector<16xi32>,
    %get3A_439 = arith.constant 224 : index
    %get3A_440 = tpu.vector_load %arg5[%get3A_439] {strides = array<i32>} : memref<20000xi32, #tpu.memory_space<vmem>>, vector<16xi32>,
    %get3A_441 = vector.shape_cast %get3A_440 : vector<16xi32> to vector<16xi32>
    %mul3A_442 = arith.constant 2 : i32
    %mul3A_443 = vector.broadcast %mul3A_442 : i32 to vector<16xi32>
    %mul3A_444 = arith.muli %get3A_441, %mul3A_443 : vector<16xi32>
    %add3A_445 = vector.broadcast %arg0 : i32 to vector<16xi32>
    %add3A_446 = arith.addi %mul3A_444, %add3A_445 : vector<16xi32>
    %swap3A_447 = arith.constant 64 : index
    %swap3A_448 = tpu.vector_load %arg9[%swap3A_447] {strides = array<i32>} : memref<80xi32, #tpu.memory_space<vmem>>, vector<16xi32>,
    %swap3A_449 = vector.shape_cast %swap3A_448 : vector<16xi32> to vector<16xi32>
    %swap3A_450 = vector.shape_cast %add3A_446 : vector<16xi32> to vector<16xi32>
    tpu.vector_store %arg9[%swap3A_447], %swap3A_450 {strides = array<i32>} : memref<80xi32, #tpu.memory_space<vmem>>, vector<16xi32>,
    %dma_start3A_451 = arith.constant 0 : i32
    %dma_start3A_452 = arith.constant 0 : i32
    %dma_start3A_453 = tpu.memref_slice %arg2[%dma_start3A_451, %dma_start3A_452] : memref<20000x64xf32, #tpu.memory_space<hbm>> -> memref<20000x64xf32, #tpu.memory_space<hbm>>
    tpu.enqueue_indirect_dma source(%dma_start3A_453 : memref<20000x64xf32, #tpu.memory_space<hbm>>) target(%arg14 : memref<80x64xf32, #tpu.memory_space<vmem>>) offsets(%arg9 : memref<80xi32, #tpu.memory_space<vmem>>) semaphore(%arg19 : memref<!tpu.dma_semaphore, #tpu.memory_space<semaphore_mem>>)
    %scan3A = arith.constant 0 : i32
    %scan3A_454 = arith.constant 50 : i32
    %scan3A_455 = arith.addi %scan3A, %scan3A_454 : i32
    %scan3A_456 = arith.constant 1 : i32
    scf.for %scan3A_475 = %scan3A to %scan3A_455 step %scan3A_456  : i32 {
      %mul3A_476 = arith.constant 5 : i32
      %mul3A_477 = arith.muli %scan3A_475, %mul3A_476 : i32
      %add3A_478 = arith.constant 0 : i32
      %add3A_479 = arith.addi %mul3A_477, %add3A_478 : i32
      %ge3A = arith.constant 2 : i32
      %ge3A_480 = arith.cmpi sge, %add3A_479, %ge3A : i32
      %convert_element_type3A_481 = arith.extui %ge3A_480 : i1 to i32
      %cond3A_482 = arith.constant 0 : i32
      %cond3A_483 = arith.cmpi ne, %convert_element_type3A_481, %cond3A_482 : i32
      scf.if %cond3A_483 {
        %dma_wait3A_600 = arith.constant 0 : i32
        %dma_wait3A_601 = tpu.memref_slice %arg6[%dma_wait3A_600] : memref<20000xi32, #tpu.memory_space<vmem>> -> memref<80xi32, #tpu.memory_space<vmem>>
        %dma_wait3A_602 = arith.constant 0 : i32
        %dma_wait3A_603 = arith.constant 0 : i32
        %dma_wait3A_604 = tpu.memref_slice %arg28[%dma_wait3A_602, %dma_wait3A_603] : memref<10000x64xf32, #tpu.memory_space<vmem_shared>> -> memref<10000x64xf32, #tpu.memory_space<vmem_shared>>
        tpu.wait_indirect_dma semaphore(%arg25 : memref<!tpu.dma_semaphore, #tpu.memory_space<semaphore_mem>>) src(%arg15 : memref<80x64xf32, #tpu.memory_space<vmem>>) dst(%dma_wait3A_604 : memref<10000x64xf32, #tpu.memory_space<vmem_shared>>)
      } else {
      }
      %add3A_484 = arith.constant 3 : i32
      %add3A_485 = arith.addi %add3A_479, %add3A_484 : i32
      %lt3A_486 = arith.constant 250 : i32
      %lt3A_487 = arith.cmpi slt, %add3A_485, %lt3A_486 : i32
      %convert_element_type3A_488 = arith.extui %lt3A_487 : i1 to i32
      %cond3A_489 = arith.constant 0 : i32
      %cond3A_490 = arith.cmpi ne, %convert_element_type3A_488, %cond3A_489 : i32
      scf.if %cond3A_490 {
        %add3A_600 = arith.constant 3 : i32
        %add3A_601 = arith.addi %add3A_479, %add3A_600 : i32
        %mul3A_602 = arith.constant 80 : i32
        %mul3A_603 = arith.muli %add3A_601, %mul3A_602 : i32
        %add3A_604 = arith.constant 0 : i32
        %add3A_605 = arith.addi %mul3A_603, %add3A_604 : i32
        %get3A_606 = arith.index_cast %add3A_605 : i32 to index
        %get3A_607 = tpu.vector_load %arg5[%get3A_606] {strides = array<i32>} : memref<20000xi32, #tpu.memory_space<vmem>>, vector<16xi32>,
        %get3A_608 = vector.shape_cast %get3A_607 : vector<16xi32> to vector<16xi32>
        %mul3A_609 = arith.constant 2 : i32
        %mul3A_610 = vector.broadcast %mul3A_609 : i32 to vector<16xi32>
        %mul3A_611 = arith.muli %get3A_608, %mul3A_610 : vector<16xi32>
        %add3A_612 = vector.broadcast %arg0 : i32 to vector<16xi32>
        %add3A_613 = arith.addi %mul3A_611, %add3A_612 : vector<16xi32>
        %swap3A_614 = arith.constant 0 : index
        %swap3A_615 = tpu.vector_load %arg10[%swap3A_614] {strides = array<i32>} : memref<80xi32, #tpu.memory_space<vmem>>, vector<16xi32>,
        %swap3A_616 = vector.shape_cast %swap3A_615 : vector<16xi32> to vector<16xi32>
        %swap3A_617 = vector.shape_cast %add3A_613 : vector<16xi32> to vector<16xi32>
        tpu.vector_store %arg10[%swap3A_614], %swap3A_617 {strides = array<i32>} : memref<80xi32, #tpu.memory_space<vmem>>, vector<16xi32>,
        %mul3A_618 = arith.constant 80 : i32
        %mul3A_619 = arith.muli %add3A_601, %mul3A_618 : i32
        %add3A_620 = arith.constant 16 : i32
        %add3A_621 = arith.addi %mul3A_619, %add3A_620 : i32
        %get3A_622 = arith.index_cast %add3A_621 : i32 to index
        %get3A_623 = tpu.vector_load %arg5[%get3A_622] {strides = array<i32>} : memref<20000xi32, #tpu.memory_space<vmem>>, vector<16xi32>,
        %get3A_624 = vector.shape_cast %get3A_623 : vector<16xi32> to vector<16xi32>
        %mul3A_625 = arith.constant 2 : i32
        %mul3A_626 = vector.broadcast %mul3A_625 : i32 to vector<16xi32>
        %mul3A_627 = arith.muli %get3A_624, %mul3A_626 : vector<16xi32>
        %add3A_628 = vector.broadcast %arg0 : i32 to vector<16xi32>
        %add3A_629 = arith.addi %mul3A_627, %add3A_628 : vector<16xi32>
        %swap3A_630 = arith.constant 16 : index
        %swap3A_631 = tpu.vector_load %arg10[%swap3A_630] {strides = array<i32>} : memref<80xi32, #tpu.memory_space<vmem>>, vector<16xi32>,
        %swap3A_632 = vector.shape_cast %swap3A_631 : vector<16xi32> to vector<16xi32>
        %swap3A_633 = vector.shape_cast %add3A_629 : vector<16xi32> to vector<16xi32>
        tpu.vector_store %arg10[%swap3A_630], %swap3A_633 {strides = array<i32>} : memref<80xi32, #tpu.memory_space<vmem>>, vector<16xi32>,
        %mul3A_634 = arith.constant 80 : i32
        %mul3A_635 = arith.muli %add3A_601, %mul3A_634 : i32
        %add3A_636 = arith.constant 32 : i32
        %add3A_637 = arith.addi %mul3A_635, %add3A_636 : i32
        %get3A_638 = arith.index_cast %add3A_637 : i32 to index
        %get3A_639 = tpu.vector_load %arg5[%get3A_638] {strides = array<i32>} : memref<20000xi32, #tpu.memory_space<vmem>>, vector<16xi32>,
        %get3A_640 = vector.shape_cast %get3A_639 : vector<16xi32> to vector<16xi32>
        %mul3A_641 = arith.constant 2 : i32
        %mul3A_642 = vector.broadcast %mul3A_641 : i32 to vector<16xi32>
        %mul3A_643 = arith.muli %get3A_640, %mul3A_642 : vector<16xi32>
        %add3A_644 = vector.broadcast %arg0 : i32 to vector<16xi32>
        %add3A_645 = arith.addi %mul3A_643, %add3A_644 : vector<16xi32>
        %swap3A_646 = arith.constant 32 : index
        %swap3A_647 = tpu.vector_load %arg10[%swap3A_646] {strides = array<i32>} : memref<80xi32, #tpu.memory_space<vmem>>, vector<16xi32>,
        %swap3A_648 = vector.shape_cast %swap3A_647 : vector<16xi32> to vector<16xi32>
        %swap3A_649 = vector.shape_cast %add3A_645 : vector<16xi32> to vector<16xi32>
        tpu.vector_store %arg10[%swap3A_646], %swap3A_649 {strides = array<i32>} : memref<80xi32, #tpu.memory_space<vmem>>, vector<16xi32>,
        %mul3A_650 = arith.constant 80 : i32
        %mul3A_651 = arith.muli %add3A_601, %mul3A_650 : i32
        %add3A_652 = arith.constant 48 : i32
        %add3A_653 = arith.addi %mul3A_651, %add3A_652 : i32
        %get3A_654 = arith.index_cast %add3A_653 : i32 to index
        %get3A_655 = tpu.vector_load %arg5[%get3A_654] {strides = array<i32>} : memref<20000xi32, #tpu.memory_space<vmem>>, vector<16xi32>,
        %get3A_656 = vector.shape_cast %get3A_655 : vector<16xi32> to vector<16xi32>
        %mul3A_657 = arith.constant 2 : i32
        %mul3A_658 = vector.broadcast %mul3A_657 : i32 to vector<16xi32>
        %mul3A_659 = arith.muli %get3A_656, %mul3A_658 : vector<16xi32>
        %add3A_660 = vector.broadcast %arg0 : i32 to vector<16xi32>
        %add3A_661 = arith.addi %mul3A_659, %add3A_660 : vector<16xi32>
        %swap3A_662 = arith.constant 48 : index
        %swap3A_663 = tpu.vector_load %arg10[%swap3A_662] {strides = array<i32>} : memref<80xi32, #tpu.memory_space<vmem>>, vector<16xi32>,
        %swap3A_664 = vector.shape_cast %swap3A_663 : vector<16xi32> to vector<16xi32>
        %swap3A_665 = vector.shape_cast %add3A_661 : vector<16xi32> to vector<16xi32>
        tpu.vector_store %arg10[%swap3A_662], %swap3A_665 {strides = array<i32>} : memref<80xi32, #tpu.memory_space<vmem>>, vector<16xi32>,
        %mul3A_666 = arith.constant 80 : i32
        %mul3A_667 = arith.muli %add3A_601, %mul3A_666 : i32
        %add3A_668 = arith.constant 64 : i32
        %add3A_669 = arith.addi %mul3A_667, %add3A_668 : i32
        %get3A_670 = arith.index_cast %add3A_669 : i32 to index
        %get3A_671 = tpu.vector_load %arg5[%get3A_670] {strides = array<i32>} : memref<20000xi32, #tpu.memory_space<vmem>>, vector<16xi32>,
        %get3A_672 = vector.shape_cast %get3A_671 : vector<16xi32> to vector<16xi32>
        %mul3A_673 = arith.constant 2 : i32
        %mul3A_674 = vector.broadcast %mul3A_673 : i32 to vector<16xi32>
        %mul3A_675 = arith.muli %get3A_672, %mul3A_674 : vector<16xi32>
        %add3A_676 = vector.broadcast %arg0 : i32 to vector<16xi32>
        %add3A_677 = arith.addi %mul3A_675, %add3A_676 : vector<16xi32>
        %swap3A_678 = arith.constant 64 : index
        %swap3A_679 = tpu.vector_load %arg10[%swap3A_678] {strides = array<i32>} : memref<80xi32, #tpu.memory_space<vmem>>, vector<16xi32>,
        %swap3A_680 = vector.shape_cast %swap3A_679 : vector<16xi32> to vector<16xi32>
        %swap3A_681 = vector.shape_cast %add3A_677 : vector<16xi32> to vector<16xi32>
        tpu.vector_store %arg10[%swap3A_678], %swap3A_681 {strides = array<i32>} : memref<80xi32, #tpu.memory_space<vmem>>, vector<16xi32>,
        %dma_start3A_682 = arith.constant 0 : i32
        %dma_start3A_683 = arith.constant 0 : i32
        %dma_start3A_684 = tpu.memref_slice %arg2[%dma_start3A_682, %dma_start3A_683] : memref<20000x64xf32, #tpu.memory_space<hbm>> -> memref<20000x64xf32, #tpu.memory_space<hbm>>
        tpu.enqueue_indirect_dma source(%dma_start3A_684 : memref<20000x64xf32, #tpu.memory_space<hbm>>) target(%arg15 : memref<80x64xf32, #tpu.memory_space<vmem>>) offsets(%arg10 : memref<80xi32, #tpu.memory_space<vmem>>) semaphore(%arg20 : memref<!tpu.dma_semaphore, #tpu.memory_space<semaphore_mem>>)
      } else {
      }
      %dma_wait3A_491 = arith.constant 0 : i32
      %dma_wait3A_492 = arith.constant 0 : i32
      %dma_wait3A_493 = tpu.memref_slice %arg2[%dma_wait3A_491, %dma_wait3A_492] : memref<20000x64xf32, #tpu.memory_space<hbm>> -> memref<20000x64xf32, #tpu.memory_space<hbm>>
      tpu.wait_indirect_dma semaphore(%arg17 : memref<!tpu.dma_semaphore, #tpu.memory_space<semaphore_mem>>) src(%dma_wait3A_493 : memref<20000x64xf32, #tpu.memory_space<hbm>>) dst(%arg12 : memref<80x64xf32, #tpu.memory_space<vmem>>)
      %mul3A_494 = arith.constant 80 : i32
      %mul3A_495 = arith.muli %add3A_479, %mul3A_494 : i32
      %dma_start3A_496 = tpu.memref_slice %arg6[%mul3A_495] : memref<20000xi32, #tpu.memory_space<vmem>> -> memref<80xi32, #tpu.memory_space<vmem>>
      %dma_start3A_497 = arith.constant 0 : i32
      %dma_start3A_498 = arith.constant 0 : i32
      %dma_start3A_499 = tpu.memref_slice %arg28[%dma_start3A_497, %dma_start3A_498] : memref<10000x64xf32, #tpu.memory_space<vmem_shared>> -> memref<10000x64xf32, #tpu.memory_space<vmem_shared>>
      tpu.enqueue_indirect_dma source(%arg12 : memref<80x64xf32, #tpu.memory_space<vmem>>) target(%dma_start3A_499 : memref<10000x64xf32, #tpu.memory_space<vmem_shared>>) offsets(%dma_start3A_496 : memref<80xi32, #tpu.memory_space<vmem>>) semaphore(%arg22 : memref<!tpu.dma_semaphore, #tpu.memory_space<semaphore_mem>>) {add = true}
      %mul3A_500 = arith.constant 5 : i32
      %mul3A_501 = arith.muli %scan3A_475, %mul3A_500 : i32
      %add3A_502 = arith.constant 1 : i32
      %add3A_503 = arith.addi %mul3A_501, %add3A_502 : i32
      %ge3A_504 = arith.constant 2 : i32
      %ge3A_505 = arith.cmpi sge, %add3A_503, %ge3A_504 : i32
      %convert_element_type3A_506 = arith.extui %ge3A_505 : i1 to i32
      %cond3A_507 = arith.constant 0 : i32
      %cond3A_508 = arith.cmpi ne, %convert_element_type3A_506, %cond3A_507 : i32
      scf.if %cond3A_508 {
        %dma_wait3A_600 = arith.constant 0 : i32
        %dma_wait3A_601 = tpu.memref_slice %arg6[%dma_wait3A_600] : memref<20000xi32, #tpu.memory_space<vmem>> -> memref<80xi32, #tpu.memory_space<vmem>>
        %dma_wait3A_602 = arith.constant 0 : i32
        %dma_wait3A_603 = arith.constant 0 : i32
        %dma_wait3A_604 = tpu.memref_slice %arg28[%dma_wait3A_602, %dma_wait3A_603] : memref<10000x64xf32, #tpu.memory_space<vmem_shared>> -> memref<10000x64xf32, #tpu.memory_space<vmem_shared>>
        tpu.wait_indirect_dma semaphore(%arg26 : memref<!tpu.dma_semaphore, #tpu.memory_space<semaphore_mem>>) src(%arg16 : memref<80x64xf32, #tpu.memory_space<vmem>>) dst(%dma_wait3A_604 : memref<10000x64xf32, #tpu.memory_space<vmem_shared>>)
      } else {
      }
      %add3A_509 = arith.constant 3 : i32
      %add3A_510 = arith.addi %add3A_503, %add3A_509 : i32
      %lt3A_511 = arith.constant 250 : i32
      %lt3A_512 = arith.cmpi slt, %add3A_510, %lt3A_511 : i32
      %convert_element_type3A_513 = arith.extui %lt3A_512 : i1 to i32
      %cond3A_514 = arith.constant 0 : i32
      %cond3A_515 = arith.cmpi ne, %convert_element_type3A_513, %cond3A_514 : i32
      scf.if %cond3A_515 {
        %add3A_600 = arith.constant 3 : i32
        %add3A_601 = arith.addi %add3A_503, %add3A_600 : i32
        %mul3A_602 = arith.constant 80 : i32
        %mul3A_603 = arith.muli %add3A_601, %mul3A_602 : i32
        %add3A_604 = arith.constant 0 : i32
        %add3A_605 = arith.addi %mul3A_603, %add3A_604 : i32
        %get3A_606 = arith.index_cast %add3A_605 : i32 to index
        %get3A_607 = tpu.vector_load %arg5[%get3A_606] {strides = array<i32>} : memref<20000xi32, #tpu.memory_space<vmem>>, vector<16xi32>,
        %get3A_608 = vector.shape_cast %get3A_607 : vector<16xi32> to vector<16xi32>
        %mul3A_609 = arith.constant 2 : i32
        %mul3A_610 = vector.broadcast %mul3A_609 : i32 to vector<16xi32>
        %mul3A_611 = arith.muli %get3A_608, %mul3A_610 : vector<16xi32>
        %add3A_612 = vector.broadcast %arg0 : i32 to vector<16xi32>
        %add3A_613 = arith.addi %mul3A_611, %add3A_612 : vector<16xi32>
        %swap3A_614 = arith.constant 0 : index
        %swap3A_615 = tpu.vector_load %arg11[%swap3A_614] {strides = array<i32>} : memref<80xi32, #tpu.memory_space<vmem>>, vector<16xi32>,
        %swap3A_616 = vector.shape_cast %swap3A_615 : vector<16xi32> to vector<16xi32>
        %swap3A_617 = vector.shape_cast %add3A_613 : vector<16xi32> to vector<16xi32>
        tpu.vector_store %arg11[%swap3A_614], %swap3A_617 {strides = array<i32>} : memref<80xi32, #tpu.memory_space<vmem>>, vector<16xi32>,
        %mul3A_618 = arith.constant 80 : i32
        %mul3A_619 = arith.muli %add3A_601, %mul3A_618 : i32
        %add3A_620 = arith.constant 16 : i32
        %add3A_621 = arith.addi %mul3A_619, %add3A_620 : i32
        %get3A_622 = arith.index_cast %add3A_621 : i32 to index
        %get3A_623 = tpu.vector_load %arg5[%get3A_622] {strides = array<i32>} : memref<20000xi32, #tpu.memory_space<vmem>>, vector<16xi32>,
        %get3A_624 = vector.shape_cast %get3A_623 : vector<16xi32> to vector<16xi32>
        %mul3A_625 = arith.constant 2 : i32
        %mul3A_626 = vector.broadcast %mul3A_625 : i32 to vector<16xi32>
        %mul3A_627 = arith.muli %get3A_624, %mul3A_626 : vector<16xi32>
        %add3A_628 = vector.broadcast %arg0 : i32 to vector<16xi32>
        %add3A_629 = arith.addi %mul3A_627, %add3A_628 : vector<16xi32>
        %swap3A_630 = arith.constant 16 : index
        %swap3A_631 = tpu.vector_load %arg11[%swap3A_630] {strides = array<i32>} : memref<80xi32, #tpu.memory_space<vmem>>, vector<16xi32>,
        %swap3A_632 = vector.shape_cast %swap3A_631 : vector<16xi32> to vector<16xi32>
        %swap3A_633 = vector.shape_cast %add3A_629 : vector<16xi32> to vector<16xi32>
        tpu.vector_store %arg11[%swap3A_630], %swap3A_633 {strides = array<i32>} : memref<80xi32, #tpu.memory_space<vmem>>, vector<16xi32>,
        %mul3A_634 = arith.constant 80 : i32
        %mul3A_635 = arith.muli %add3A_601, %mul3A_634 : i32
        %add3A_636 = arith.constant 32 : i32
        %add3A_637 = arith.addi %mul3A_635, %add3A_636 : i32
        %get3A_638 = arith.index_cast %add3A_637 : i32 to index
        %get3A_639 = tpu.vector_load %arg5[%get3A_638] {strides = array<i32>} : memref<20000xi32, #tpu.memory_space<vmem>>, vector<16xi32>,
        %get3A_640 = vector.shape_cast %get3A_639 : vector<16xi32> to vector<16xi32>
        %mul3A_641 = arith.constant 2 : i32
        %mul3A_642 = vector.broadcast %mul3A_641 : i32 to vector<16xi32>
        %mul3A_643 = arith.muli %get3A_640, %mul3A_642 : vector<16xi32>
        %add3A_644 = vector.broadcast %arg0 : i32 to vector<16xi32>
        %add3A_645 = arith.addi %mul3A_643, %add3A_644 : vector<16xi32>
        %swap3A_646 = arith.constant 32 : index
        %swap3A_647 = tpu.vector_load %arg11[%swap3A_646] {strides = array<i32>} : memref<80xi32, #tpu.memory_space<vmem>>, vector<16xi32>,
        %swap3A_648 = vector.shape_cast %swap3A_647 : vector<16xi32> to vector<16xi32>
        %swap3A_649 = vector.shape_cast %add3A_645 : vector<16xi32> to vector<16xi32>
        tpu.vector_store %arg11[%swap3A_646], %swap3A_649 {strides = array<i32>} : memref<80xi32, #tpu.memory_space<vmem>>, vector<16xi32>,
        %mul3A_650 = arith.constant 80 : i32
        %mul3A_651 = arith.muli %add3A_601, %mul3A_650 : i32
        %add3A_652 = arith.constant 48 : i32
        %add3A_653 = arith.addi %mul3A_651, %add3A_652 : i32
        %get3A_654 = arith.index_cast %add3A_653 : i32 to index
        %get3A_655 = tpu.vector_load %arg5[%get3A_654] {strides = array<i32>} : memref<20000xi32, #tpu.memory_space<vmem>>, vector<16xi32>,
        %get3A_656 = vector.shape_cast %get3A_655 : vector<16xi32> to vector<16xi32>
        %mul3A_657 = arith.constant 2 : i32
        %mul3A_658 = vector.broadcast %mul3A_657 : i32 to vector<16xi32>
        %mul3A_659 = arith.muli %get3A_656, %mul3A_658 : vector<16xi32>
        %add3A_660 = vector.broadcast %arg0 : i32 to vector<16xi32>
        %add3A_661 = arith.addi %mul3A_659, %add3A_660 : vector<16xi32>
        %swap3A_662 = arith.constant 48 : index
        %swap3A_663 = tpu.vector_load %arg11[%swap3A_662] {strides = array<i32>} : memref<80xi32, #tpu.memory_space<vmem>>, vector<16xi32>,
        %swap3A_664 = vector.shape_cast %swap3A_663 : vector<16xi32> to vector<16xi32>
        %swap3A_665 = vector.shape_cast %add3A_661 : vector<16xi32> to vector<16xi32>
        tpu.vector_store %arg11[%swap3A_662], %swap3A_665 {strides = array<i32>} : memref<80xi32, #tpu.memory_space<vmem>>, vector<16xi32>,
        %mul3A_666 = arith.constant 80 : i32
        %mul3A_667 = arith.muli %add3A_601, %mul3A_666 : i32
        %add3A_668 = arith.constant 64 : i32
        %add3A_669 = arith.addi %mul3A_667, %add3A_668 : i32
        %get3A_670 = arith.index_cast %add3A_669 : i32 to index
        %get3A_671 = tpu.vector_load %arg5[%get3A_670] {strides = array<i32>} : memref<20000xi32, #tpu.memory_space<vmem>>, vector<16xi32>,
        %get3A_672 = vector.shape_cast %get3A_671 : vector<16xi32> to vector<16xi32>
        %mul3A_673 = arith.constant 2 : i32
        %mul3A_674 = vector.broadcast %mul3A_673 : i32 to vector<16xi32>
        %mul3A_675 = arith.muli %get3A_672, %mul3A_674 : vector<16xi32>
        %add3A_676 = vector.broadcast %arg0 : i32 to vector<16xi32>
        %add3A_677 = arith.addi %mul3A_675, %add3A_676 : vector<16xi32>
        %swap3A_678 = arith.constant 64 : index
        %swap3A_679 = tpu.vector_load %arg11[%swap3A_678] {strides = array<i32>} : memref<80xi32, #tpu.memory_space<vmem>>, vector<16xi32>,
        %swap3A_680 = vector.shape_cast %swap3A_679 : vector<16xi32> to vector<16xi32>
        %swap3A_681 = vector.shape_cast %add3A_677 : vector<16xi32> to vector<16xi32>
        tpu.vector_store %arg11[%swap3A_678], %swap3A_681 {strides = array<i32>} : memref<80xi32, #tpu.memory_space<vmem>>, vector<16xi32>,
        %dma_start3A_682 = arith.constant 0 : i32
        %dma_start3A_683 = arith.constant 0 : i32
        %dma_start3A_684 = tpu.memref_slice %arg2[%dma_start3A_682, %dma_start3A_683] : memref<20000x64xf32, #tpu.memory_space<hbm>> -> memref<20000x64xf32, #tpu.memory_space<hbm>>
        tpu.enqueue_indirect_dma source(%dma_start3A_684 : memref<20000x64xf32, #tpu.memory_space<hbm>>) target(%arg16 : memref<80x64xf32, #tpu.memory_space<vmem>>) offsets(%arg11 : memref<80xi32, #tpu.memory_space<vmem>>) semaphore(%arg21 : memref<!tpu.dma_semaphore, #tpu.memory_space<semaphore_mem>>)
      } else {
      }
      %dma_wait3A_516 = arith.constant 0 : i32
      %dma_wait3A_517 = arith.constant 0 : i32
      %dma_wait3A_518 = tpu.memref_slice %arg2[%dma_wait3A_516, %dma_wait3A_517] : memref<20000x64xf32, #tpu.memory_space<hbm>> -> memref<20000x64xf32, #tpu.memory_space<hbm>>
      tpu.wait_indirect_dma semaphore(%arg18 : memref<!tpu.dma_semaphore, #tpu.memory_space<semaphore_mem>>) src(%dma_wait3A_518 : memref<20000x64xf32, #tpu.memory_space<hbm>>) dst(%arg13 : memref<80x64xf32, #tpu.memory_space<vmem>>)
      %mul3A_519 = arith.constant 80 : i32
      %mul3A_520 = arith.muli %add3A_503, %mul3A_519 : i32
      %dma_start3A_521 = tpu.memref_slice %arg6[%mul3A_520] : memref<20000xi32, #tpu.memory_space<vmem>> -> memref<80xi32, #tpu.memory_space<vmem>>
      %dma_start3A_522 = arith.constant 0 : i32
      %dma_start3A_523 = arith.constant 0 : i32
      %dma_start3A_524 = tpu.memref_slice %arg28[%dma_start3A_522, %dma_start3A_523] : memref<10000x64xf32, #tpu.memory_space<vmem_shared>> -> memref<10000x64xf32, #tpu.memory_space<vmem_shared>>
      tpu.enqueue_indirect_dma source(%arg13 : memref<80x64xf32, #tpu.memory_space<vmem>>) target(%dma_start3A_524 : memref<10000x64xf32, #tpu.memory_space<vmem_shared>>) offsets(%dma_start3A_521 : memref<80xi32, #tpu.memory_space<vmem>>) semaphore(%arg23 : memref<!tpu.dma_semaphore, #tpu.memory_space<semaphore_mem>>) {add = true}
      %mul3A_525 = arith.constant 5 : i32
      %mul3A_526 = arith.muli %scan3A_475, %mul3A_525 : i32
      %add3A_527 = arith.constant 2 : i32
      %add3A_528 = arith.addi %mul3A_526, %add3A_527 : i32
      %ge3A_529 = arith.constant 2 : i32
      %ge3A_530 = arith.cmpi sge, %add3A_528, %ge3A_529 : i32
      %convert_element_type3A_531 = arith.extui %ge3A_530 : i1 to i32
      %cond3A_532 = arith.constant 0 : i32
      %cond3A_533 = arith.cmpi ne, %convert_element_type3A_531, %cond3A_532 : i32
      scf.if %cond3A_533 {
        %dma_wait3A_600 = arith.constant 0 : i32
        %dma_wait3A_601 = tpu.memref_slice %arg6[%dma_wait3A_600] : memref<20000xi32, #tpu.memory_space<vmem>> -> memref<80xi32, #tpu.memory_space<vmem>>
        %dma_wait3A_602 = arith.constant 0 : i32
        %dma_wait3A_603 = arith.constant 0 : i32
        %dma_wait3A_604 = tpu.memref_slice %arg28[%dma_wait3A_602, %dma_wait3A_603] : memref<10000x64xf32, #tpu.memory_space<vmem_shared>> -> memref<10000x64xf32, #tpu.memory_space<vmem_shared>>
        tpu.wait_indirect_dma semaphore(%arg22 : memref<!tpu.dma_semaphore, #tpu.memory_space<semaphore_mem>>) src(%arg12 : memref<80x64xf32, #tpu.memory_space<vmem>>) dst(%dma_wait3A_604 : memref<10000x64xf32, #tpu.memory_space<vmem_shared>>)
      } else {
      }
      %add3A_534 = arith.constant 3 : i32
      %add3A_535 = arith.addi %add3A_528, %add3A_534 : i32
      %lt3A_536 = arith.constant 250 : i32
      %lt3A_537 = arith.cmpi slt, %add3A_535, %lt3A_536 : i32
      %convert_element_type3A_538 = arith.extui %lt3A_537 : i1 to i32
      %cond3A_539 = arith.constant 0 : i32
      %cond3A_540 = arith.cmpi ne, %convert_element_type3A_538, %cond3A_539 : i32
      scf.if %cond3A_540 {
        %add3A_600 = arith.constant 3 : i32
        %add3A_601 = arith.addi %add3A_528, %add3A_600 : i32
        %mul3A_602 = arith.constant 80 : i32
        %mul3A_603 = arith.muli %add3A_601, %mul3A_602 : i32
        %add3A_604 = arith.constant 0 : i32
        %add3A_605 = arith.addi %mul3A_603, %add3A_604 : i32
        %get3A_606 = arith.index_cast %add3A_605 : i32 to index
        %get3A_607 = tpu.vector_load %arg5[%get3A_606] {strides = array<i32>} : memref<20000xi32, #tpu.memory_space<vmem>>, vector<16xi32>,
        %get3A_608 = vector.shape_cast %get3A_607 : vector<16xi32> to vector<16xi32>
        %mul3A_609 = arith.constant 2 : i32
        %mul3A_610 = vector.broadcast %mul3A_609 : i32 to vector<16xi32>
        %mul3A_611 = arith.muli %get3A_608, %mul3A_610 : vector<16xi32>
        %add3A_612 = vector.broadcast %arg0 : i32 to vector<16xi32>
        %add3A_613 = arith.addi %mul3A_611, %add3A_612 : vector<16xi32>
        %swap3A_614 = arith.constant 0 : index
        %swap3A_615 = tpu.vector_load %arg7[%swap3A_614] {strides = array<i32>} : memref<80xi32, #tpu.memory_space<vmem>>, vector<16xi32>,
        %swap3A_616 = vector.shape_cast %swap3A_615 : vector<16xi32> to vector<16xi32>
        %swap3A_617 = vector.shape_cast %add3A_613 : vector<16xi32> to vector<16xi32>
        tpu.vector_store %arg7[%swap3A_614], %swap3A_617 {strides = array<i32>} : memref<80xi32, #tpu.memory_space<vmem>>, vector<16xi32>,
        %mul3A_618 = arith.constant 80 : i32
        %mul3A_619 = arith.muli %add3A_601, %mul3A_618 : i32
        %add3A_620 = arith.constant 16 : i32
        %add3A_621 = arith.addi %mul3A_619, %add3A_620 : i32
        %get3A_622 = arith.index_cast %add3A_621 : i32 to index
        %get3A_623 = tpu.vector_load %arg5[%get3A_622] {strides = array<i32>} : memref<20000xi32, #tpu.memory_space<vmem>>, vector<16xi32>,
        %get3A_624 = vector.shape_cast %get3A_623 : vector<16xi32> to vector<16xi32>
        %mul3A_625 = arith.constant 2 : i32
        %mul3A_626 = vector.broadcast %mul3A_625 : i32 to vector<16xi32>
        %mul3A_627 = arith.muli %get3A_624, %mul3A_626 : vector<16xi32>
        %add3A_628 = vector.broadcast %arg0 : i32 to vector<16xi32>
        %add3A_629 = arith.addi %mul3A_627, %add3A_628 : vector<16xi32>
        %swap3A_630 = arith.constant 16 : index
        %swap3A_631 = tpu.vector_load %arg7[%swap3A_630] {strides = array<i32>} : memref<80xi32, #tpu.memory_space<vmem>>, vector<16xi32>,
        %swap3A_632 = vector.shape_cast %swap3A_631 : vector<16xi32> to vector<16xi32>
        %swap3A_633 = vector.shape_cast %add3A_629 : vector<16xi32> to vector<16xi32>
        tpu.vector_store %arg7[%swap3A_630], %swap3A_633 {strides = array<i32>} : memref<80xi32, #tpu.memory_space<vmem>>, vector<16xi32>,
        %mul3A_634 = arith.constant 80 : i32
        %mul3A_635 = arith.muli %add3A_601, %mul3A_634 : i32
        %add3A_636 = arith.constant 32 : i32
        %add3A_637 = arith.addi %mul3A_635, %add3A_636 : i32
        %get3A_638 = arith.index_cast %add3A_637 : i32 to index
        %get3A_639 = tpu.vector_load %arg5[%get3A_638] {strides = array<i32>} : memref<20000xi32, #tpu.memory_space<vmem>>, vector<16xi32>,
        %get3A_640 = vector.shape_cast %get3A_639 : vector<16xi32> to vector<16xi32>
        %mul3A_641 = arith.constant 2 : i32
        %mul3A_642 = vector.broadcast %mul3A_641 : i32 to vector<16xi32>
        %mul3A_643 = arith.muli %get3A_640, %mul3A_642 : vector<16xi32>
        %add3A_644 = vector.broadcast %arg0 : i32 to vector<16xi32>
        %add3A_645 = arith.addi %mul3A_643, %add3A_644 : vector<16xi32>
        %swap3A_646 = arith.constant 32 : index
        %swap3A_647 = tpu.vector_load %arg7[%swap3A_646] {strides = array<i32>} : memref<80xi32, #tpu.memory_space<vmem>>, vector<16xi32>,
        %swap3A_648 = vector.shape_cast %swap3A_647 : vector<16xi32> to vector<16xi32>
        %swap3A_649 = vector.shape_cast %add3A_645 : vector<16xi32> to vector<16xi32>
        tpu.vector_store %arg7[%swap3A_646], %swap3A_649 {strides = array<i32>} : memref<80xi32, #tpu.memory_space<vmem>>, vector<16xi32>,
        %mul3A_650 = arith.constant 80 : i32
        %mul3A_651 = arith.muli %add3A_601, %mul3A_650 : i32
        %add3A_652 = arith.constant 48 : i32
        %add3A_653 = arith.addi %mul3A_651, %add3A_652 : i32
        %get3A_654 = arith.index_cast %add3A_653 : i32 to index
        %get3A_655 = tpu.vector_load %arg5[%get3A_654] {strides = array<i32>} : memref<20000xi32, #tpu.memory_space<vmem>>, vector<16xi32>,
        %get3A_656 = vector.shape_cast %get3A_655 : vector<16xi32> to vector<16xi32>
        %mul3A_657 = arith.constant 2 : i32
        %mul3A_658 = vector.broadcast %mul3A_657 : i32 to vector<16xi32>
        %mul3A_659 = arith.muli %get3A_656, %mul3A_658 : vector<16xi32>
        %add3A_660 = vector.broadcast %arg0 : i32 to vector<16xi32>
        %add3A_661 = arith.addi %mul3A_659, %add3A_660 : vector<16xi32>
        %swap3A_662 = arith.constant 48 : index
        %swap3A_663 = tpu.vector_load %arg7[%swap3A_662] {strides = array<i32>} : memref<80xi32, #tpu.memory_space<vmem>>, vector<16xi32>,
        %swap3A_664 = vector.shape_cast %swap3A_663 : vector<16xi32> to vector<16xi32>
        %swap3A_665 = vector.shape_cast %add3A_661 : vector<16xi32> to vector<16xi32>
        tpu.vector_store %arg7[%swap3A_662], %swap3A_665 {strides = array<i32>} : memref<80xi32, #tpu.memory_space<vmem>>, vector<16xi32>,
        %mul3A_666 = arith.constant 80 : i32
        %mul3A_667 = arith.muli %add3A_601, %mul3A_666 : i32
        %add3A_668 = arith.constant 64 : i32
        %add3A_669 = arith.addi %mul3A_667, %add3A_668 : i32
        %get3A_670 = arith.index_cast %add3A_669 : i32 to index
        %get3A_671 = tpu.vector_load %arg5[%get3A_670] {strides = array<i32>} : memref<20000xi32, #tpu.memory_space<vmem>>, vector<16xi32>,
        %get3A_672 = vector.shape_cast %get3A_671 : vector<16xi32> to vector<16xi32>
        %mul3A_673 = arith.constant 2 : i32
        %mul3A_674 = vector.broadcast %mul3A_673 : i32 to vector<16xi32>
        %mul3A_675 = arith.muli %get3A_672, %mul3A_674 : vector<16xi32>
        %add3A_676 = vector.broadcast %arg0 : i32 to vector<16xi32>
        %add3A_677 = arith.addi %mul3A_675, %add3A_676 : vector<16xi32>
        %swap3A_678 = arith.constant 64 : index
        %swap3A_679 = tpu.vector_load %arg7[%swap3A_678] {strides = array<i32>} : memref<80xi32, #tpu.memory_space<vmem>>, vector<16xi32>,
        %swap3A_680 = vector.shape_cast %swap3A_679 : vector<16xi32> to vector<16xi32>
        %swap3A_681 = vector.shape_cast %add3A_677 : vector<16xi32> to vector<16xi32>
        tpu.vector_store %arg7[%swap3A_678], %swap3A_681 {strides = array<i32>} : memref<80xi32, #tpu.memory_space<vmem>>, vector<16xi32>,
        %dma_start3A_682 = arith.constant 0 : i32
        %dma_start3A_683 = arith.constant 0 : i32
        %dma_start3A_684 = tpu.memref_slice %arg2[%dma_start3A_682, %dma_start3A_683] : memref<20000x64xf32, #tpu.memory_space<hbm>> -> memref<20000x64xf32, #tpu.memory_space<hbm>>
        tpu.enqueue_indirect_dma source(%dma_start3A_684 : memref<20000x64xf32, #tpu.memory_space<hbm>>) target(%arg12 : memref<80x64xf32, #tpu.memory_space<vmem>>) offsets(%arg7 : memref<80xi32, #tpu.memory_space<vmem>>) semaphore(%arg17 : memref<!tpu.dma_semaphore, #tpu.memory_space<semaphore_mem>>)
      } else {
      }
      %dma_wait3A_541 = arith.constant 0 : i32
      %dma_wait3A_542 = arith.constant 0 : i32
      %dma_wait3A_543 = tpu.memref_slice %arg2[%dma_wait3A_541, %dma_wait3A_542] : memref<20000x64xf32, #tpu.memory_space<hbm>> -> memref<20000x64xf32, #tpu.memory_space<hbm>>
      tpu.wait_indirect_dma semaphore(%arg19 : memref<!tpu.dma_semaphore, #tpu.memory_space<semaphore_mem>>) src(%dma_wait3A_543 : memref<20000x64xf32, #tpu.memory_space<hbm>>) dst(%arg14 : memref<80x64xf32, #tpu.memory_space<vmem>>)
      %mul3A_544 = arith.constant 80 : i32
      %mul3A_545 = arith.muli %add3A_528, %mul3A_544 : i32
      %dma_start3A_546 = tpu.memref_slice %arg6[%mul3A_545] : memref<20000xi32, #tpu.memory_space<vmem>> -> memref<80xi32, #tpu.memory_space<vmem>>
      %dma_start3A_547 = arith.constant 0 : i32
      %dma_start3A_548 = arith.constant 0 : i32
      %dma_start3A_549 = tpu.memref_slice %arg28[%dma_start3A_547, %dma_start3A_548] : memref<10000x64xf32, #tpu.memory_space<vmem_shared>> -> memref<10000x64xf32, #tpu.memory_space<vmem_shared>>
      tpu.enqueue_indirect_dma source(%arg14 : memref<80x64xf32, #tpu.memory_space<vmem>>) target(%dma_start3A_549 : memref<10000x64xf32, #tpu.memory_space<vmem_shared>>) offsets(%dma_start3A_546 : memref<80xi32, #tpu.memory_space<vmem>>) semaphore(%arg24 : memref<!tpu.dma_semaphore, #tpu.memory_space<semaphore_mem>>) {add = true}
      %mul3A_550 = arith.constant 5 : i32
      %mul3A_551 = arith.muli %scan3A_475, %mul3A_550 : i32
      %add3A_552 = arith.constant 3 : i32
      %add3A_553 = arith.addi %mul3A_551, %add3A_552 : i32
      %ge3A_554 = arith.constant 2 : i32
      %ge3A_555 = arith.cmpi sge, %add3A_553, %ge3A_554 : i32
      %convert_element_type3A_556 = arith.extui %ge3A_555 : i1 to i32
      %cond3A_557 = arith.constant 0 : i32
      %cond3A_558 = arith.cmpi ne, %convert_element_type3A_556, %cond3A_557 : i32
      scf.if %cond3A_558 {
        %dma_wait3A_600 = arith.constant 0 : i32
        %dma_wait3A_601 = tpu.memref_slice %arg6[%dma_wait3A_600] : memref<20000xi32, #tpu.memory_space<vmem>> -> memref<80xi32, #tpu.memory_space<vmem>>
        %dma_wait3A_602 = arith.constant 0 : i32
        %dma_wait3A_603 = arith.constant 0 : i32
        %dma_wait3A_604 = tpu.memref_slice %arg28[%dma_wait3A_602, %dma_wait3A_603] : memref<10000x64xf32, #tpu.memory_space<vmem_shared>> -> memref<10000x64xf32, #tpu.memory_space<vmem_shared>>
        tpu.wait_indirect_dma semaphore(%arg23 : memref<!tpu.dma_semaphore, #tpu.memory_space<semaphore_mem>>) src(%arg13 : memref<80x64xf32, #tpu.memory_space<vmem>>) dst(%dma_wait3A_604 : memref<10000x64xf32, #tpu.memory_space<vmem_shared>>)
      } else {
      }
      %add3A_559 = arith.constant 3 : i32
      %add3A_560 = arith.addi %add3A_553, %add3A_559 : i32
      %lt3A_561 = arith.constant 250 : i32
      %lt3A_562 = arith.cmpi slt, %add3A_560, %lt3A_561 : i32
      %convert_element_type3A_563 = arith.extui %lt3A_562 : i1 to i32
      %cond3A_564 = arith.constant 0 : i32
      %cond3A_565 = arith.cmpi ne, %convert_element_type3A_563, %cond3A_564 : i32
      scf.if %cond3A_565 {
        %add3A_600 = arith.constant 3 : i32
        %add3A_601 = arith.addi %add3A_553, %add3A_600 : i32
        %mul3A_602 = arith.constant 80 : i32
        %mul3A_603 = arith.muli %add3A_601, %mul3A_602 : i32
        %add3A_604 = arith.constant 0 : i32
        %add3A_605 = arith.addi %mul3A_603, %add3A_604 : i32
        %get3A_606 = arith.index_cast %add3A_605 : i32 to index
        %get3A_607 = tpu.vector_load %arg5[%get3A_606] {strides = array<i32>} : memref<20000xi32, #tpu.memory_space<vmem>>, vector<16xi32>,
        %get3A_608 = vector.shape_cast %get3A_607 : vector<16xi32> to vector<16xi32>
        %mul3A_609 = arith.constant 2 : i32
        %mul3A_610 = vector.broadcast %mul3A_609 : i32 to vector<16xi32>
        %mul3A_611 = arith.muli %get3A_608, %mul3A_610 : vector<16xi32>
        %add3A_612 = vector.broadcast %arg0 : i32 to vector<16xi32>
        %add3A_613 = arith.addi %mul3A_611, %add3A_612 : vector<16xi32>
        %swap3A_614 = arith.constant 0 : index
        %swap3A_615 = tpu.vector_load %arg8[%swap3A_614] {strides = array<i32>} : memref<80xi32, #tpu.memory_space<vmem>>, vector<16xi32>,
        %swap3A_616 = vector.shape_cast %swap3A_615 : vector<16xi32> to vector<16xi32>
        %swap3A_617 = vector.shape_cast %add3A_613 : vector<16xi32> to vector<16xi32>
        tpu.vector_store %arg8[%swap3A_614], %swap3A_617 {strides = array<i32>} : memref<80xi32, #tpu.memory_space<vmem>>, vector<16xi32>,
        %mul3A_618 = arith.constant 80 : i32
        %mul3A_619 = arith.muli %add3A_601, %mul3A_618 : i32
        %add3A_620 = arith.constant 16 : i32
        %add3A_621 = arith.addi %mul3A_619, %add3A_620 : i32
        %get3A_622 = arith.index_cast %add3A_621 : i32 to index
        %get3A_623 = tpu.vector_load %arg5[%get3A_622] {strides = array<i32>} : memref<20000xi32, #tpu.memory_space<vmem>>, vector<16xi32>,
        %get3A_624 = vector.shape_cast %get3A_623 : vector<16xi32> to vector<16xi32>
        %mul3A_625 = arith.constant 2 : i32
        %mul3A_626 = vector.broadcast %mul3A_625 : i32 to vector<16xi32>
        %mul3A_627 = arith.muli %get3A_624, %mul3A_626 : vector<16xi32>
        %add3A_628 = vector.broadcast %arg0 : i32 to vector<16xi32>
        %add3A_629 = arith.addi %mul3A_627, %add3A_628 : vector<16xi32>
        %swap3A_630 = arith.constant 16 : index
        %swap3A_631 = tpu.vector_load %arg8[%swap3A_630] {strides = array<i32>} : memref<80xi32, #tpu.memory_space<vmem>>, vector<16xi32>,
        %swap3A_632 = vector.shape_cast %swap3A_631 : vector<16xi32> to vector<16xi32>
        %swap3A_633 = vector.shape_cast %add3A_629 : vector<16xi32> to vector<16xi32>
        tpu.vector_store %arg8[%swap3A_630], %swap3A_633 {strides = array<i32>} : memref<80xi32, #tpu.memory_space<vmem>>, vector<16xi32>,
        %mul3A_634 = arith.constant 80 : i32
        %mul3A_635 = arith.muli %add3A_601, %mul3A_634 : i32
        %add3A_636 = arith.constant 32 : i32
        %add3A_637 = arith.addi %mul3A_635, %add3A_636 : i32
        %get3A_638 = arith.index_cast %add3A_637 : i32 to index
        %get3A_639 = tpu.vector_load %arg5[%get3A_638] {strides = array<i32>} : memref<20000xi32, #tpu.memory_space<vmem>>, vector<16xi32>,
        %get3A_640 = vector.shape_cast %get3A_639 : vector<16xi32> to vector<16xi32>
        %mul3A_641 = arith.constant 2 : i32
        %mul3A_642 = vector.broadcast %mul3A_641 : i32 to vector<16xi32>
        %mul3A_643 = arith.muli %get3A_640, %mul3A_642 : vector<16xi32>
        %add3A_644 = vector.broadcast %arg0 : i32 to vector<16xi32>
        %add3A_645 = arith.addi %mul3A_643, %add3A_644 : vector<16xi32>
        %swap3A_646 = arith.constant 32 : index
        %swap3A_647 = tpu.vector_load %arg8[%swap3A_646] {strides = array<i32>} : memref<80xi32, #tpu.memory_space<vmem>>, vector<16xi32>,
        %swap3A_648 = vector.shape_cast %swap3A_647 : vector<16xi32> to vector<16xi32>
        %swap3A_649 = vector.shape_cast %add3A_645 : vector<16xi32> to vector<16xi32>
        tpu.vector_store %arg8[%swap3A_646], %swap3A_649 {strides = array<i32>} : memref<80xi32, #tpu.memory_space<vmem>>, vector<16xi32>,
        %mul3A_650 = arith.constant 80 : i32
        %mul3A_651 = arith.muli %add3A_601, %mul3A_650 : i32
        %add3A_652 = arith.constant 48 : i32
        %add3A_653 = arith.addi %mul3A_651, %add3A_652 : i32
        %get3A_654 = arith.index_cast %add3A_653 : i32 to index
        %get3A_655 = tpu.vector_load %arg5[%get3A_654] {strides = array<i32>} : memref<20000xi32, #tpu.memory_space<vmem>>, vector<16xi32>,
        %get3A_656 = vector.shape_cast %get3A_655 : vector<16xi32> to vector<16xi32>
        %mul3A_657 = arith.constant 2 : i32
        %mul3A_658 = vector.broadcast %mul3A_657 : i32 to vector<16xi32>
        %mul3A_659 = arith.muli %get3A_656, %mul3A_658 : vector<16xi32>
        %add3A_660 = vector.broadcast %arg0 : i32 to vector<16xi32>
        %add3A_661 = arith.addi %mul3A_659, %add3A_660 : vector<16xi32>
        %swap3A_662 = arith.constant 48 : index
        %swap3A_663 = tpu.vector_load %arg8[%swap3A_662] {strides = array<i32>} : memref<80xi32, #tpu.memory_space<vmem>>, vector<16xi32>,
        %swap3A_664 = vector.shape_cast %swap3A_663 : vector<16xi32> to vector<16xi32>
        %swap3A_665 = vector.shape_cast %add3A_661 : vector<16xi32> to vector<16xi32>
        tpu.vector_store %arg8[%swap3A_662], %swap3A_665 {strides = array<i32>} : memref<80xi32, #tpu.memory_space<vmem>>, vector<16xi32>,
        %mul3A_666 = arith.constant 80 : i32
        %mul3A_667 = arith.muli %add3A_601, %mul3A_666 : i32
        %add3A_668 = arith.constant 64 : i32
        %add3A_669 = arith.addi %mul3A_667, %add3A_668 : i32
        %get3A_670 = arith.index_cast %add3A_669 : i32 to index
        %get3A_671 = tpu.vector_load %arg5[%get3A_670] {strides = array<i32>} : memref<20000xi32, #tpu.memory_space<vmem>>, vector<16xi32>,
        %get3A_672 = vector.shape_cast %get3A_671 : vector<16xi32> to vector<16xi32>
        %mul3A_673 = arith.constant 2 : i32
        %mul3A_674 = vector.broadcast %mul3A_673 : i32 to vector<16xi32>
        %mul3A_675 = arith.muli %get3A_672, %mul3A_674 : vector<16xi32>
        %add3A_676 = vector.broadcast %arg0 : i32 to vector<16xi32>
        %add3A_677 = arith.addi %mul3A_675, %add3A_676 : vector<16xi32>
        %swap3A_678 = arith.constant 64 : index
        %swap3A_679 = tpu.vector_load %arg8[%swap3A_678] {strides = array<i32>} : memref<80xi32, #tpu.memory_space<vmem>>, vector<16xi32>,
        %swap3A_680 = vector.shape_cast %swap3A_679 : vector<16xi32> to vector<16xi32>
        %swap3A_681 = vector.shape_cast %add3A_677 : vector<16xi32> to vector<16xi32>
        tpu.vector_store %arg8[%swap3A_678], %swap3A_681 {strides = array<i32>} : memref<80xi32, #tpu.memory_space<vmem>>, vector<16xi32>,
        %dma_start3A_682 = arith.constant 0 : i32
        %dma_start3A_683 = arith.constant 0 : i32
        %dma_start3A_684 = tpu.memref_slice %arg2[%dma_start3A_682, %dma_start3A_683] : memref<20000x64xf32, #tpu.memory_space<hbm>> -> memref<20000x64xf32, #tpu.memory_space<hbm>>
        tpu.enqueue_indirect_dma source(%dma_start3A_684 : memref<20000x64xf32, #tpu.memory_space<hbm>>) target(%arg13 : memref<80x64xf32, #tpu.memory_space<vmem>>) offsets(%arg8 : memref<80xi32, #tpu.memory_space<vmem>>) semaphore(%arg18 : memref<!tpu.dma_semaphore, #tpu.memory_space<semaphore_mem>>)
      } else {
      }
      %dma_wait3A_566 = arith.constant 0 : i32
      %dma_wait3A_567 = arith.constant 0 : i32
      %dma_wait3A_568 = tpu.memref_slice %arg2[%dma_wait3A_566, %dma_wait3A_567] : memref<20000x64xf32, #tpu.memory_space<hbm>> -> memref<20000x64xf32, #tpu.memory_space<hbm>>
      tpu.wait_indirect_dma semaphore(%arg20 : memref<!tpu.dma_semaphore, #tpu.memory_space<semaphore_mem>>) src(%dma_wait3A_568 : memref<20000x64xf32, #tpu.memory_space<hbm>>) dst(%arg15 : memref<80x64xf32, #tpu.memory_space<vmem>>)
      %mul3A_569 = arith.constant 80 : i32
      %mul3A_570 = arith.muli %add3A_553, %mul3A_569 : i32
      %dma_start3A_571 = tpu.memref_slice %arg6[%mul3A_570] : memref<20000xi32, #tpu.memory_space<vmem>> -> memref<80xi32, #tpu.memory_space<vmem>>
      %dma_start3A_572 = arith.constant 0 : i32
      %dma_start3A_573 = arith.constant 0 : i32
      %dma_start3A_574 = tpu.memref_slice %arg28[%dma_start3A_572, %dma_start3A_573] : memref<10000x64xf32, #tpu.memory_space<vmem_shared>> -> memref<10000x64xf32, #tpu.memory_space<vmem_shared>>
      tpu.enqueue_indirect_dma source(%arg15 : memref<80x64xf32, #tpu.memory_space<vmem>>) target(%dma_start3A_574 : memref<10000x64xf32, #tpu.memory_space<vmem_shared>>) offsets(%dma_start3A_571 : memref<80xi32, #tpu.memory_space<vmem>>) semaphore(%arg25 : memref<!tpu.dma_semaphore, #tpu.memory_space<semaphore_mem>>) {add = true}
      %mul3A_575 = arith.constant 5 : i32
      %mul3A_576 = arith.muli %scan3A_475, %mul3A_575 : i32
      %add3A_577 = arith.constant 4 : i32
      %add3A_578 = arith.addi %mul3A_576, %add3A_577 : i32
      %ge3A_579 = arith.constant 2 : i32
      %ge3A_580 = arith.cmpi sge, %add3A_578, %ge3A_579 : i32
      %convert_element_type3A_581 = arith.extui %ge3A_580 : i1 to i32
      %cond3A_582 = arith.constant 0 : i32
      %cond3A_583 = arith.cmpi ne, %convert_element_type3A_581, %cond3A_582 : i32
      scf.if %cond3A_583 {
        %dma_wait3A_600 = arith.constant 0 : i32
        %dma_wait3A_601 = tpu.memref_slice %arg6[%dma_wait3A_600] : memref<20000xi32, #tpu.memory_space<vmem>> -> memref<80xi32, #tpu.memory_space<vmem>>
        %dma_wait3A_602 = arith.constant 0 : i32
        %dma_wait3A_603 = arith.constant 0 : i32
        %dma_wait3A_604 = tpu.memref_slice %arg28[%dma_wait3A_602, %dma_wait3A_603] : memref<10000x64xf32, #tpu.memory_space<vmem_shared>> -> memref<10000x64xf32, #tpu.memory_space<vmem_shared>>
        tpu.wait_indirect_dma semaphore(%arg24 : memref<!tpu.dma_semaphore, #tpu.memory_space<semaphore_mem>>) src(%arg14 : memref<80x64xf32, #tpu.memory_space<vmem>>) dst(%dma_wait3A_604 : memref<10000x64xf32, #tpu.memory_space<vmem_shared>>)
      } else {
      }
      %add3A_584 = arith.constant 3 : i32
      %add3A_585 = arith.addi %add3A_578, %add3A_584 : i32
      %lt3A_586 = arith.constant 250 : i32
      %lt3A_587 = arith.cmpi slt, %add3A_585, %lt3A_586 : i32
      %convert_element_type3A_588 = arith.extui %lt3A_587 : i1 to i32
      %cond3A_589 = arith.constant 0 : i32
      %cond3A_590 = arith.cmpi ne, %convert_element_type3A_588, %cond3A_589 : i32
      scf.if %cond3A_590 {
        %add3A_600 = arith.constant 3 : i32
        %add3A_601 = arith.addi %add3A_578, %add3A_600 : i32
        %mul3A_602 = arith.constant 80 : i32
        %mul3A_603 = arith.muli %add3A_601, %mul3A_602 : i32
        %add3A_604 = arith.constant 0 : i32
        %add3A_605 = arith.addi %mul3A_603, %add3A_604 : i32
        %get3A_606 = arith.index_cast %add3A_605 : i32 to index
        %get3A_607 = tpu.vector_load %arg5[%get3A_606] {strides = array<i32>} : memref<20000xi32, #tpu.memory_space<vmem>>, vector<16xi32>,
        %get3A_608 = vector.shape_cast %get3A_607 : vector<16xi32> to vector<16xi32>
        %mul3A_609 = arith.constant 2 : i32
        %mul3A_610 = vector.broadcast %mul3A_609 : i32 to vector<16xi32>
        %mul3A_611 = arith.muli %get3A_608, %mul3A_610 : vector<16xi32>
        %add3A_612 = vector.broadcast %arg0 : i32 to vector<16xi32>
        %add3A_613 = arith.addi %mul3A_611, %add3A_612 : vector<16xi32>
        %swap3A_614 = arith.constant 0 : index
        %swap3A_615 = tpu.vector_load %arg9[%swap3A_614] {strides = array<i32>} : memref<80xi32, #tpu.memory_space<vmem>>, vector<16xi32>,
        %swap3A_616 = vector.shape_cast %swap3A_615 : vector<16xi32> to vector<16xi32>
        %swap3A_617 = vector.shape_cast %add3A_613 : vector<16xi32> to vector<16xi32>
        tpu.vector_store %arg9[%swap3A_614], %swap3A_617 {strides = array<i32>} : memref<80xi32, #tpu.memory_space<vmem>>, vector<16xi32>,
        %mul3A_618 = arith.constant 80 : i32
        %mul3A_619 = arith.muli %add3A_601, %mul3A_618 : i32
        %add3A_620 = arith.constant 16 : i32
        %add3A_621 = arith.addi %mul3A_619, %add3A_620 : i32
        %get3A_622 = arith.index_cast %add3A_621 : i32 to index
        %get3A_623 = tpu.vector_load %arg5[%get3A_622] {strides = array<i32>} : memref<20000xi32, #tpu.memory_space<vmem>>, vector<16xi32>,
        %get3A_624 = vector.shape_cast %get3A_623 : vector<16xi32> to vector<16xi32>
        %mul3A_625 = arith.constant 2 : i32
        %mul3A_626 = vector.broadcast %mul3A_625 : i32 to vector<16xi32>
        %mul3A_627 = arith.muli %get3A_624, %mul3A_626 : vector<16xi32>
        %add3A_628 = vector.broadcast %arg0 : i32 to vector<16xi32>
        %add3A_629 = arith.addi %mul3A_627, %add3A_628 : vector<16xi32>
        %swap3A_630 = arith.constant 16 : index
        %swap3A_631 = tpu.vector_load %arg9[%swap3A_630] {strides = array<i32>} : memref<80xi32, #tpu.memory_space<vmem>>, vector<16xi32>,
        %swap3A_632 = vector.shape_cast %swap3A_631 : vector<16xi32> to vector<16xi32>
        %swap3A_633 = vector.shape_cast %add3A_629 : vector<16xi32> to vector<16xi32>
        tpu.vector_store %arg9[%swap3A_630], %swap3A_633 {strides = array<i32>} : memref<80xi32, #tpu.memory_space<vmem>>, vector<16xi32>,
        %mul3A_634 = arith.constant 80 : i32
        %mul3A_635 = arith.muli %add3A_601, %mul3A_634 : i32
        %add3A_636 = arith.constant 32 : i32
        %add3A_637 = arith.addi %mul3A_635, %add3A_636 : i32
        %get3A_638 = arith.index_cast %add3A_637 : i32 to index
        %get3A_639 = tpu.vector_load %arg5[%get3A_638] {strides = array<i32>} : memref<20000xi32, #tpu.memory_space<vmem>>, vector<16xi32>,
        %get3A_640 = vector.shape_cast %get3A_639 : vector<16xi32> to vector<16xi32>
        %mul3A_641 = arith.constant 2 : i32
        %mul3A_642 = vector.broadcast %mul3A_641 : i32 to vector<16xi32>
        %mul3A_643 = arith.muli %get3A_640, %mul3A_642 : vector<16xi32>
        %add3A_644 = vector.broadcast %arg0 : i32 to vector<16xi32>
        %add3A_645 = arith.addi %mul3A_643, %add3A_644 : vector<16xi32>
        %swap3A_646 = arith.constant 32 : index
        %swap3A_647 = tpu.vector_load %arg9[%swap3A_646] {strides = array<i32>} : memref<80xi32, #tpu.memory_space<vmem>>, vector<16xi32>,
        %swap3A_648 = vector.shape_cast %swap3A_647 : vector<16xi32> to vector<16xi32>
        %swap3A_649 = vector.shape_cast %add3A_645 : vector<16xi32> to vector<16xi32>
        tpu.vector_store %arg9[%swap3A_646], %swap3A_649 {strides = array<i32>} : memref<80xi32, #tpu.memory_space<vmem>>, vector<16xi32>,
        %mul3A_650 = arith.constant 80 : i32
        %mul3A_651 = arith.muli %add3A_601, %mul3A_650 : i32
        %add3A_652 = arith.constant 48 : i32
        %add3A_653 = arith.addi %mul3A_651, %add3A_652 : i32
        %get3A_654 = arith.index_cast %add3A_653 : i32 to index
        %get3A_655 = tpu.vector_load %arg5[%get3A_654] {strides = array<i32>} : memref<20000xi32, #tpu.memory_space<vmem>>, vector<16xi32>,
        %get3A_656 = vector.shape_cast %get3A_655 : vector<16xi32> to vector<16xi32>
        %mul3A_657 = arith.constant 2 : i32
        %mul3A_658 = vector.broadcast %mul3A_657 : i32 to vector<16xi32>
        %mul3A_659 = arith.muli %get3A_656, %mul3A_658 : vector<16xi32>
        %add3A_660 = vector.broadcast %arg0 : i32 to vector<16xi32>
        %add3A_661 = arith.addi %mul3A_659, %add3A_660 : vector<16xi32>
        %swap3A_662 = arith.constant 48 : index
        %swap3A_663 = tpu.vector_load %arg9[%swap3A_662] {strides = array<i32>} : memref<80xi32, #tpu.memory_space<vmem>>, vector<16xi32>,
        %swap3A_664 = vector.shape_cast %swap3A_663 : vector<16xi32> to vector<16xi32>
        %swap3A_665 = vector.shape_cast %add3A_661 : vector<16xi32> to vector<16xi32>
        tpu.vector_store %arg9[%swap3A_662], %swap3A_665 {strides = array<i32>} : memref<80xi32, #tpu.memory_space<vmem>>, vector<16xi32>,
        %mul3A_666 = arith.constant 80 : i32
        %mul3A_667 = arith.muli %add3A_601, %mul3A_666 : i32
        %add3A_668 = arith.constant 64 : i32
        %add3A_669 = arith.addi %mul3A_667, %add3A_668 : i32
        %get3A_670 = arith.index_cast %add3A_669 : i32 to index
        %get3A_671 = tpu.vector_load %arg5[%get3A_670] {strides = array<i32>} : memref<20000xi32, #tpu.memory_space<vmem>>, vector<16xi32>,
        %get3A_672 = vector.shape_cast %get3A_671 : vector<16xi32> to vector<16xi32>
        %mul3A_673 = arith.constant 2 : i32
        %mul3A_674 = vector.broadcast %mul3A_673 : i32 to vector<16xi32>
        %mul3A_675 = arith.muli %get3A_672, %mul3A_674 : vector<16xi32>
        %add3A_676 = vector.broadcast %arg0 : i32 to vector<16xi32>
        %add3A_677 = arith.addi %mul3A_675, %add3A_676 : vector<16xi32>
        %swap3A_678 = arith.constant 64 : index
        %swap3A_679 = tpu.vector_load %arg9[%swap3A_678] {strides = array<i32>} : memref<80xi32, #tpu.memory_space<vmem>>, vector<16xi32>,
        %swap3A_680 = vector.shape_cast %swap3A_679 : vector<16xi32> to vector<16xi32>
        %swap3A_681 = vector.shape_cast %add3A_677 : vector<16xi32> to vector<16xi32>
        tpu.vector_store %arg9[%swap3A_678], %swap3A_681 {strides = array<i32>} : memref<80xi32, #tpu.memory_space<vmem>>, vector<16xi32>,
        %dma_start3A_682 = arith.constant 0 : i32
        %dma_start3A_683 = arith.constant 0 : i32
        %dma_start3A_684 = tpu.memref_slice %arg2[%dma_start3A_682, %dma_start3A_683] : memref<20000x64xf32, #tpu.memory_space<hbm>> -> memref<20000x64xf32, #tpu.memory_space<hbm>>
        tpu.enqueue_indirect_dma source(%dma_start3A_684 : memref<20000x64xf32, #tpu.memory_space<hbm>>) target(%arg14 : memref<80x64xf32, #tpu.memory_space<vmem>>) offsets(%arg9 : memref<80xi32, #tpu.memory_space<vmem>>) semaphore(%arg19 : memref<!tpu.dma_semaphore, #tpu.memory_space<semaphore_mem>>)
      } else {
      }
      %dma_wait3A_591 = arith.constant 0 : i32
      %dma_wait3A_592 = arith.constant 0 : i32
      %dma_wait3A_593 = tpu.memref_slice %arg2[%dma_wait3A_591, %dma_wait3A_592] : memref<20000x64xf32, #tpu.memory_space<hbm>> -> memref<20000x64xf32, #tpu.memory_space<hbm>>
      tpu.wait_indirect_dma semaphore(%arg21 : memref<!tpu.dma_semaphore, #tpu.memory_space<semaphore_mem>>) src(%dma_wait3A_593 : memref<20000x64xf32, #tpu.memory_space<hbm>>) dst(%arg16 : memref<80x64xf32, #tpu.memory_space<vmem>>)
      %mul3A_594 = arith.constant 80 : i32
      %mul3A_595 = arith.muli %add3A_578, %mul3A_594 : i32
      %dma_start3A_596 = tpu.memref_slice %arg6[%mul3A_595] : memref<20000xi32, #tpu.memory_space<vmem>> -> memref<80xi32, #tpu.memory_space<vmem>>
      %dma_start3A_597 = arith.constant 0 : i32
      %dma_start3A_598 = arith.constant 0 : i32
      %dma_start3A_599 = tpu.memref_slice %arg28[%dma_start3A_597, %dma_start3A_598] : memref<10000x64xf32, #tpu.memory_space<vmem_shared>> -> memref<10000x64xf32, #tpu.memory_space<vmem_shared>>
      tpu.enqueue_indirect_dma source(%arg16 : memref<80x64xf32, #tpu.memory_space<vmem>>) target(%dma_start3A_599 : memref<10000x64xf32, #tpu.memory_space<vmem_shared>>) offsets(%dma_start3A_596 : memref<80xi32, #tpu.memory_space<vmem>>) semaphore(%arg26 : memref<!tpu.dma_semaphore, #tpu.memory_space<semaphore_mem>>) {add = true}
    }
    %scan3A_457 = arith.constant 50 : i32
    %dma_wait3A = arith.constant 0 : i32
    %dma_wait3A_458 = tpu.memref_slice %arg6[%dma_wait3A] : memref<20000xi32, #tpu.memory_space<vmem>> -> memref<80xi32, #tpu.memory_space<vmem>>
    %dma_wait3A_459 = arith.constant 0 : i32
    %dma_wait3A_460 = arith.constant 0 : i32
    %dma_wait3A_461 = tpu.memref_slice %arg28[%dma_wait3A_459, %dma_wait3A_460] : memref<10000x64xf32, #tpu.memory_space<vmem_shared>> -> memref<10000x64xf32, #tpu.memory_space<vmem_shared>>
    tpu.wait_indirect_dma semaphore(%arg25 : memref<!tpu.dma_semaphore, #tpu.memory_space<semaphore_mem>>) src(%arg15 : memref<80x64xf32, #tpu.memory_space<vmem>>) dst(%dma_wait3A_461 : memref<10000x64xf32, #tpu.memory_space<vmem_shared>>)
    %dma_wait3A_462 = arith.constant 0 : i32
    %dma_wait3A_463 = tpu.memref_slice %arg6[%dma_wait3A_462] : memref<20000xi32, #tpu.memory_space<vmem>> -> memref<80xi32, #tpu.memory_space<vmem>>
    %dma_wait3A_464 = arith.constant 0 : i32
    %dma_wait3A_465 = arith.constant 0 : i32
    %dma_wait3A_466 = tpu.memref_slice %arg28[%dma_wait3A_464, %dma_wait3A_465] : memref<10000x64xf32, #tpu.memory_space<vmem_shared>> -> memref<10000x64xf32, #tpu.memory_space<vmem_shared>>
    tpu.wait_indirect_dma semaphore(%arg26 : memref<!tpu.dma_semaphore, #tpu.memory_space<semaphore_mem>>) src(%arg16 : memref<80x64xf32, #tpu.memory_space<vmem>>) dst(%dma_wait3A_466 : memref<10000x64xf32, #tpu.memory_space<vmem_shared>>)
    %barrier3A_467 = arith.constant 0 : index
    tpu.barrier barrier_id(%barrier3A_467)
    %lt3A_468 = arith.constant 15 : i32
    %lt3A_469 = arith.cmpi slt, %arg1, %lt3A_468 : i32
    %convert_element_type3A = arith.extui %lt3A_469 : i1 to i32
    %cond3A = arith.constant 0 : i32
    %cond3A_470 = arith.cmpi ne, %convert_element_type3A, %cond3A : i32
    scf.if %cond3A_470 {
      %mul3A_475 = arith.constant 632 : i32
      %mul3A_476 = arith.muli %arg1, %mul3A_475 : i32
      %mul3A_477 = arith.constant 632 : i32
      %mul3A_478 = arith.muli %arg1, %mul3A_477 : i32
      %mul3A_479 = arith.constant 64 : i32
      %mul3A_480 = arith.muli %arg0, %mul3A_479 : i32
      "tpu.region"() ({
        %run_scoped3A_481 = tpu.sem_alloc : memref<!tpu.dma_semaphore, #tpu.memory_space<semaphore_mem>>
        %dma_start3A_482 = tpu.memref_slice %arg4[%mul3A_478, %mul3A_480] : memref<10000x128xf32, #tpu.memory_space<hbm>> -> memref<632x64xf32, #tpu.memory_space<hbm>>
        %dma_start3A_483 = arith.constant 0 : i32
        %dma_start3A_484 = tpu.memref_slice %arg28[%mul3A_476, %dma_start3A_483] : memref<10000x64xf32, #tpu.memory_space<vmem_shared>> -> memref<632x64xf32, #tpu.memory_space<vmem_shared>>
        tpu.enqueue_dma source(%dma_start3A_484 : memref<632x64xf32, #tpu.memory_space<vmem_shared>>) target(%dma_start3A_482 : memref<632x64xf32, #tpu.memory_space<hbm>>) target_semaphore(%run_scoped3A_481 : memref<!tpu.dma_semaphore, #tpu.memory_space<semaphore_mem>>)
        %dma_wait3A_485 = tpu.memref_slice %arg4[%mul3A_478, %mul3A_480] : memref<10000x128xf32, #tpu.memory_space<hbm>> -> memref<632x64xf32, #tpu.memory_space<hbm>>
        %dma_wait3A_486 = arith.constant 0 : i32
        %dma_wait3A_487 = tpu.memref_slice %arg28[%mul3A_476, %dma_wait3A_486] : memref<10000x64xf32, #tpu.memory_space<vmem_shared>> -> memref<632x64xf32, #tpu.memory_space<vmem_shared>>
        tpu.wait_dma2 semaphore(%run_scoped3A_481 : memref<!tpu.dma_semaphore, #tpu.memory_space<semaphore_mem>>) src(%dma_wait3A_487 : memref<632x64xf32, #tpu.memory_space<vmem_shared>>) dst(%dma_wait3A_485 : memref<632x64xf32, #tpu.memory_space<hbm>>)
        tpu.yield
      }) : () -> ()
    } else {
    }
    %eq3A = arith.constant 15 : i32
    %eq3A_471 = arith.cmpi eq, %arg1, %eq3A : i32
    %convert_element_type3A_472 = arith.extui %eq3A_471 : i1 to i32
    %cond3A_473 = arith.constant 0 : i32
    %cond3A_474 = arith.cmpi ne, %convert_element_type3A_472, %cond3A_473 : i32
    scf.if %cond3A_474 {
      %mul3A_475 = arith.constant 64 : i32
      %mul3A_476 = arith.muli %arg0, %mul3A_475 : i32
      "tpu.region"() ({
        %run_scoped3A_477 = tpu.sem_alloc : memref<!tpu.dma_semaphore, #tpu.memory_space<semaphore_mem>>
        %dma_start3A_478 = arith.constant 9480 : i32
        %dma_start3A_479 = tpu.memref_slice %arg4[%dma_start3A_478, %mul3A_476] : memref<10000x128xf32, #tpu.memory_space<hbm>> -> memref<520x64xf32, #tpu.memory_space<hbm>>
        %dma_start3A_480 = arith.constant 9480 : i32
        %dma_start3A_481 = arith.constant 0 : i32
        %dma_start3A_482 = tpu.memref_slice %arg28[%dma_start3A_480, %dma_start3A_481] : memref<10000x64xf32, #tpu.memory_space<vmem_shared>> -> memref<520x64xf32, #tpu.memory_space<vmem_shared>>
        tpu.enqueue_dma source(%dma_start3A_482 : memref<520x64xf32, #tpu.memory_space<vmem_shared>>) target(%dma_start3A_479 : memref<520x64xf32, #tpu.memory_space<hbm>>) target_semaphore(%run_scoped3A_477 : memref<!tpu.dma_semaphore, #tpu.memory_space<semaphore_mem>>)
        %dma_wait3A_483 = arith.constant 9480 : i32
        %dma_wait3A_484 = tpu.memref_slice %arg4[%dma_wait3A_483, %mul3A_476] : memref<10000x128xf32, #tpu.memory_space<hbm>> -> memref<520x64xf32, #tpu.memory_space<hbm>>
        %dma_wait3A_485 = arith.constant 9480 : i32
        %dma_wait3A_486 = arith.constant 0 : i32
        %dma_wait3A_487 = tpu.memref_slice %arg28[%dma_wait3A_485, %dma_wait3A_486] : memref<10000x64xf32, #tpu.memory_space<vmem_shared>> -> memref<520x64xf32, #tpu.memory_space<vmem_shared>>
        tpu.wait_dma2 semaphore(%run_scoped3A_477 : memref<!tpu.dma_semaphore, #tpu.memory_space<semaphore_mem>>) src(%dma_wait3A_487 : memref<520x64xf32, #tpu.memory_space<vmem_shared>>) dst(%dma_wait3A_484 : memref<520x64xf32, #tpu.memory_space<hbm>>)
        tpu.yield
      }) : () -> ()
    } else {
    }
    return
  }
}

module attributes {stable_mosaic.version = 14 : i64} {
  func.func @_mid_body(%arg0: i32, %arg1: memref<2x2000x128xf32, #tpu.memory_space<vmem>>, %arg2: memref<2000x128xf32, #tpu.memory_space<vmem>>, %arg3: memref<2000x128xf32, #tpu.memory_space<vmem>>, %arg4: memref<128xf32, #tpu.memory_space<vmem>>, %arg5: memref<128x128xf32, #tpu.memory_space<vmem>>, %arg6: memref<2000x128xf32, #tpu.memory_space<vmem>>) attributes {dimension_semantics = [#tpu.dimension_semantics<arbitrary>], iteration_bounds = array<i64: 5>, scalar_prefetch = 0 : i64, scratch_operands = 0 : i64, tpu.core_type = #tpu.core_type<tc>, window_params = [{transform_indices = @transform_0, window_bounds = array<i64: 2, 2000, 128>}, {transform_indices = @transform_1, window_bounds = array<i64: 2000, 128>}, {transform_indices = @transform_2, window_bounds = array<i64: 2000, 128>}, {pipeline_mode = #tpu.pipeline_mode<synchronous>, transform_indices = @transform_3, window_bounds = array<i64: 128>}, {pipeline_mode = #tpu.pipeline_mode<synchronous>, transform_indices = @transform_4, window_bounds = array<i64: 128, 128>}, {transform_indices = @transform_5, window_bounds = array<i64: 2000, 128>}]} {
    %get3A = arith.constant 0 : index
    %get3A_0 = arith.constant 0 : index
    %get3A_1 = arith.constant 0 : index
    %get3A_2 = vector.load %arg1[%get3A, %get3A_0, %get3A_1] : memref<2x2000x128xf32, #tpu.memory_space<vmem>>, vector<2x2000x128xf32>
    %slice3A = vector.extract_strided_slice %get3A_2 {offsets = [0, 0, 0], sizes = [1, 2000, 1], strides = [1, 1, 1]} : vector<2x2000x128xf32> to vector<1x2000x1xf32>
    %squeeze3A = vector.shape_cast %slice3A : vector<1x2000x1xf32> to vector<2000xf32>
    %slice3A_3 = vector.extract_strided_slice %get3A_2 {offsets = [1, 0, 0], sizes = [1, 2000, 1], strides = [1, 1, 1]} : vector<2x2000x128xf32> to vector<1x2000x1xf32>
    %squeeze3A_4 = vector.shape_cast %slice3A_3 : vector<1x2000x1xf32> to vector<2000xf32>
    %add3A = arith.addf %squeeze3A, %squeeze3A_4 : vector<2000xf32>
    %add3A_5 = arith.constant 1.000000e+00 : f32
    %add3A_6 = vector.broadcast %add3A_5 : f32 to vector<2000xf32>
    %add3A_7 = arith.addf %add3A, %add3A_6 : vector<2000xf32>
    %rsqrt3A = math.rsqrt %add3A_7 : vector<2000xf32>
    %get3A_8 = arith.constant 0 : index
    %get3A_9 = arith.constant 0 : index
    %get3A_10 = vector.load %arg2[%get3A_8, %get3A_9] : memref<2000x128xf32, #tpu.memory_space<vmem>>, vector<2000x128xf32>
    %get3A_11 = arith.constant 0 : index
    %get3A_12 = arith.constant 0 : index
    %get3A_13 = vector.load %arg3[%get3A_11, %get3A_12] : memref<2000x128xf32, #tpu.memory_space<vmem>>, vector<2000x128xf32>
    %add3A_14 = arith.addf %get3A_10, %get3A_13 : vector<2000x128xf32>
    %broadcast_in_dim3A = vector.shape_cast %rsqrt3A : vector<2000xf32> to vector<2000x1xf32>
    %mul3A = vector.broadcast %broadcast_in_dim3A : vector<2000x1xf32> to vector<2000x128xf32>
    %mul3A_15 = arith.mulf %add3A_14, %mul3A : vector<2000x128xf32>
    %get3A_16 = arith.constant 0 : index
    %get3A_17 = vector.load %arg4[%get3A_16] : memref<128xf32, #tpu.memory_space<vmem>>, vector<128xf32>
    %broadcast_in_dim3A_18 = vector.shape_cast %get3A_17 : vector<128xf32> to vector<1x128xf32>
    %add3A_19 = vector.broadcast %broadcast_in_dim3A_18 : vector<1x128xf32> to vector<2000x128xf32>
    %add3A_20 = arith.addf %mul3A_15, %add3A_19 : vector<2000x128xf32>
    %max3A = arith.constant 0.000000e+00 : f32
    %max3A_21 = vector.broadcast %max3A : f32 to vector<2000x128xf32>
    %max3A_22 = arith.maximumf %add3A_20, %max3A_21 : vector<2000x128xf32>
    %get3A_23 = arith.constant 0 : index
    %get3A_24 = arith.constant 0 : index
    %get3A_25 = vector.load %arg5[%get3A_23, %get3A_24] : memref<128x128xf32, #tpu.memory_space<vmem>>, vector<128x128xf32>
    %dot_general3A = arith.constant dense<0.000000e+00> : vector<2000x128xf32>
    %dot_general3A_26 = tpu.matmul %max3A_22, %get3A_25, %dot_general3A {dimension_numbers = #tpu.dot_dimension_numbers<[1], [0], [0], [1], [0, 0, 1, 1], [], []>, transpose_lhs_hint = false} : vector<2000x128xf32>, vector<128x128xf32>, vector<2000x128xf32> -> vector<2000x128xf32>
    %broadcast_in_dim3A_27 = vector.shape_cast %rsqrt3A : vector<2000xf32> to vector<2000x1xf32>
    %mul3A_28 = vector.broadcast %broadcast_in_dim3A_27 : vector<2000x1xf32> to vector<2000x128xf32>
    %mul3A_29 = arith.mulf %dot_general3A_26, %mul3A_28 : vector<2000x128xf32>
    %swap3A = arith.constant 0 : index
    %swap3A_30 = arith.constant 0 : index
    %swap3A_31 = vector.load %arg6[%swap3A, %swap3A_30] : memref<2000x128xf32, #tpu.memory_space<vmem>>, vector<2000x128xf32>
    tpu.vector_store %arg6[%swap3A, %swap3A_30], %mul3A_29 {strides = array<i32>} : memref<2000x128xf32, #tpu.memory_space<vmem>>, vector<2000x128xf32>,
    return
  }
  func.func @transform_0(%arg0: i32) -> (i32, i32, i32) {
    %c0_i32 = arith.constant 0 : i32
    %c0_i32_0 = arith.constant 0 : i32
    %c0_i32_1 = arith.constant 0 : i32
    return %c0_i32, %arg0, %c0_i32_0 : i32, i32, i32
  }
  func.func @transform_1(%arg0: i32) -> (i32, i32) {
    %c0_i32 = arith.constant 0 : i32
    %c0_i32_0 = arith.constant 0 : i32
    return %arg0, %c0_i32 : i32, i32
  }
  func.func @transform_2(%arg0: i32) -> (i32, i32) {
    %c0_i32 = arith.constant 0 : i32
    %c0_i32_0 = arith.constant 0 : i32
    return %arg0, %c0_i32 : i32, i32
  }
  func.func @transform_3(%arg0: i32) -> i32 {
    %c0_i32 = arith.constant 0 : i32
    %c0_i32_0 = arith.constant 0 : i32
    return %c0_i32 : i32
  }
  func.func @transform_4(%arg0: i32) -> (i32, i32) {
    %c0_i32 = arith.constant 0 : i32
    %c0_i32_0 = arith.constant 0 : i32
    %c0_i32_1 = arith.constant 0 : i32
    return %c0_i32, %c0_i32_0 : i32, i32
  }
  func.func @transform_5(%arg0: i32) -> (i32, i32) {
    %c0_i32 = arith.constant 0 : i32
    %c0_i32_0 = arith.constant 0 : i32
    return %arg0, %c0_i32 : i32, i32
  }
}

module attributes {stable_mosaic.version = 14 : i64} {
  func.func @_mm_body(%arg0: i32, %arg1: memref<2000x128xf32, #tpu.memory_space<vmem>>, %arg2: memref<128x128xf32, #tpu.memory_space<vmem>>, %arg3: memref<2000x128xf32, #tpu.memory_space<vmem>>) attributes {dimension_semantics = [#tpu.dimension_semantics<arbitrary>], iteration_bounds = array<i64: 5>, scalar_prefetch = 0 : i64, scratch_operands = 0 : i64, tpu.core_type = #tpu.core_type<tc>, window_params = [{transform_indices = @transform_0, window_bounds = array<i64: 2000, 128>}, {pipeline_mode = #tpu.pipeline_mode<synchronous>, transform_indices = @transform_1, window_bounds = array<i64: 128, 128>}, {transform_indices = @transform_2, window_bounds = array<i64: 2000, 128>}]} {
    %get3A = arith.constant 0 : index
    %get3A_0 = arith.constant 0 : index
    %get3A_1 = vector.load %arg1[%get3A, %get3A_0] : memref<2000x128xf32, #tpu.memory_space<vmem>>, vector<2000x128xf32>
    %get3A_2 = arith.constant 0 : index
    %get3A_3 = arith.constant 0 : index
    %get3A_4 = vector.load %arg2[%get3A_2, %get3A_3] : memref<128x128xf32, #tpu.memory_space<vmem>>, vector<128x128xf32>
    %dot_general3A = arith.constant dense<0.000000e+00> : vector<2000x128xf32>
    %dot_general3A_5 = tpu.matmul %get3A_1, %get3A_4, %dot_general3A {dimension_numbers = #tpu.dot_dimension_numbers<[1], [0], [0], [1], [0, 0, 1, 1], [], []>, transpose_lhs_hint = false} : vector<2000x128xf32>, vector<128x128xf32>, vector<2000x128xf32> -> vector<2000x128xf32>
    %swap3A = arith.constant 0 : index
    %swap3A_6 = arith.constant 0 : index
    %swap3A_7 = vector.load %arg3[%swap3A, %swap3A_6] : memref<2000x128xf32, #tpu.memory_space<vmem>>, vector<2000x128xf32>
    tpu.vector_store %arg3[%swap3A, %swap3A_6], %dot_general3A_5 {strides = array<i32>} : memref<2000x128xf32, #tpu.memory_space<vmem>>, vector<2000x128xf32>,
    return
  }
  func.func @transform_0(%arg0: i32) -> (i32, i32) {
    %c0_i32 = arith.constant 0 : i32
    %c0_i32_0 = arith.constant 0 : i32
    return %arg0, %c0_i32 : i32, i32
  }
  func.func @transform_1(%arg0: i32) -> (i32, i32) {
    %c0_i32 = arith.constant 0 : i32
    %c0_i32_0 = arith.constant 0 : i32
    %c0_i32_1 = arith.constant 0 : i32
    return %c0_i32, %c0_i32_0 : i32, i32
  }
  func.func @transform_2(%arg0: i32) -> (i32, i32) {
    %c0_i32 = arith.constant 0 : i32
    %c0_i32_0 = arith.constant 0 : i32
    return %arg0, %c0_i32 : i32, i32
  }
}

module attributes {stable_mosaic.version = 14 : i64} {
  func.func @_scale_body(%arg0: i32, %arg1: memref<2x2000x128xf32, #tpu.memory_space<vmem>>, %arg2: memref<2000x128xf32, #tpu.memory_space<vmem>>, %arg3: memref<2000x128xf32, #tpu.memory_space<vmem>>) attributes {dimension_semantics = [#tpu.dimension_semantics<arbitrary>], iteration_bounds = array<i64: 5>, scalar_prefetch = 0 : i64, scratch_operands = 0 : i64, tpu.core_type = #tpu.core_type<tc>, window_params = [{transform_indices = @transform_0, window_bounds = array<i64: 2, 2000, 128>}, {transform_indices = @transform_1, window_bounds = array<i64: 2000, 128>}, {transform_indices = @transform_2, window_bounds = array<i64: 2000, 128>}]} {
    %get3A = arith.constant 0 : index
    %get3A_0 = arith.constant 0 : index
    %get3A_1 = arith.constant 0 : index
    %get3A_2 = vector.load %arg1[%get3A, %get3A_0, %get3A_1] : memref<2x2000x128xf32, #tpu.memory_space<vmem>>, vector<2x2000x128xf32>
    %slice3A = vector.extract_strided_slice %get3A_2 {offsets = [0, 0, 0], sizes = [1, 2000, 1], strides = [1, 1, 1]} : vector<2x2000x128xf32> to vector<1x2000x1xf32>
    %squeeze3A = vector.shape_cast %slice3A : vector<1x2000x1xf32> to vector<2000xf32>
    %slice3A_3 = vector.extract_strided_slice %get3A_2 {offsets = [1, 0, 0], sizes = [1, 2000, 1], strides = [1, 1, 1]} : vector<2x2000x128xf32> to vector<1x2000x1xf32>
    %squeeze3A_4 = vector.shape_cast %slice3A_3 : vector<1x2000x1xf32> to vector<2000xf32>
    %add3A = arith.addf %squeeze3A, %squeeze3A_4 : vector<2000xf32>
    %add3A_5 = arith.constant 1.000000e+00 : f32
    %add3A_6 = vector.broadcast %add3A_5 : f32 to vector<2000xf32>
    %add3A_7 = arith.addf %add3A, %add3A_6 : vector<2000xf32>
    %rsqrt3A = math.rsqrt %add3A_7 : vector<2000xf32>
    %get3A_8 = arith.constant 0 : index
    %get3A_9 = arith.constant 0 : index
    %get3A_10 = vector.load %arg2[%get3A_8, %get3A_9] : memref<2000x128xf32, #tpu.memory_space<vmem>>, vector<2000x128xf32>
    %broadcast_in_dim3A = vector.shape_cast %rsqrt3A : vector<2000xf32> to vector<2000x1xf32>
    %mul3A = vector.broadcast %broadcast_in_dim3A : vector<2000x1xf32> to vector<2000x128xf32>
    %mul3A_11 = arith.mulf %get3A_10, %mul3A : vector<2000x128xf32>
    %swap3A = arith.constant 0 : index
    %swap3A_12 = arith.constant 0 : index
    %swap3A_13 = vector.load %arg3[%swap3A, %swap3A_12] : memref<2000x128xf32, #tpu.memory_space<vmem>>, vector<2000x128xf32>
    tpu.vector_store %arg3[%swap3A, %swap3A_12], %mul3A_11 {strides = array<i32>} : memref<2000x128xf32, #tpu.memory_space<vmem>>, vector<2000x128xf32>,
    return
  }
  func.func @transform_0(%arg0: i32) -> (i32, i32, i32) {
    %c0_i32 = arith.constant 0 : i32
    %c0_i32_0 = arith.constant 0 : i32
    %c0_i32_1 = arith.constant 0 : i32
    return %c0_i32, %arg0, %c0_i32_0 : i32, i32, i32
  }
  func.func @transform_1(%arg0: i32) -> (i32, i32) {
    %c0_i32 = arith.constant 0 : i32
    %c0_i32_0 = arith.constant 0 : i32
    return %arg0, %c0_i32 : i32, i32
  }
  func.func @transform_2(%arg0: i32) -> (i32, i32) {
    %c0_i32 = arith.constant 0 : i32
    %c0_i32_0 = arith.constant 0 : i32
    return %arg0, %c0_i32 : i32, i32
  }
}

module attributes {stable_mosaic.version = 14 : i64} {
  func.func @_final_body(%arg0: i32, %arg1: memref<2x2000x128xf32, #tpu.memory_space<vmem>>, %arg2: memref<2000x128xf32, #tpu.memory_space<vmem>>, %arg3: memref<2000x128xf32, #tpu.memory_space<vmem>>, %arg4: memref<128xf32, #tpu.memory_space<vmem>>, %arg5: memref<2000x128xf32, #tpu.memory_space<vmem>>) attributes {dimension_semantics = [#tpu.dimension_semantics<arbitrary>], iteration_bounds = array<i64: 5>, scalar_prefetch = 0 : i64, scratch_operands = 0 : i64, tpu.core_type = #tpu.core_type<tc>, window_params = [{transform_indices = @transform_0, window_bounds = array<i64: 2, 2000, 128>}, {transform_indices = @transform_1, window_bounds = array<i64: 2000, 128>}, {transform_indices = @transform_2, window_bounds = array<i64: 2000, 128>}, {pipeline_mode = #tpu.pipeline_mode<synchronous>, transform_indices = @transform_3, window_bounds = array<i64: 128>}, {transform_indices = @transform_4, window_bounds = array<i64: 2000, 128>}]} {
    %get3A = arith.constant 0 : index
    %get3A_0 = arith.constant 0 : index
    %get3A_1 = arith.constant 0 : index
    %get3A_2 = vector.load %arg1[%get3A, %get3A_0, %get3A_1] : memref<2x2000x128xf32, #tpu.memory_space<vmem>>, vector<2x2000x128xf32>
    %slice3A = vector.extract_strided_slice %get3A_2 {offsets = [0, 0, 0], sizes = [1, 2000, 1], strides = [1, 1, 1]} : vector<2x2000x128xf32> to vector<1x2000x1xf32>
    %squeeze3A = vector.shape_cast %slice3A : vector<1x2000x1xf32> to vector<2000xf32>
    %slice3A_3 = vector.extract_strided_slice %get3A_2 {offsets = [1, 0, 0], sizes = [1, 2000, 1], strides = [1, 1, 1]} : vector<2x2000x128xf32> to vector<1x2000x1xf32>
    %squeeze3A_4 = vector.shape_cast %slice3A_3 : vector<1x2000x1xf32> to vector<2000xf32>
    %add3A = arith.addf %squeeze3A, %squeeze3A_4 : vector<2000xf32>
    %add3A_5 = arith.constant 1.000000e+00 : f32
    %add3A_6 = vector.broadcast %add3A_5 : f32 to vector<2000xf32>
    %add3A_7 = arith.addf %add3A, %add3A_6 : vector<2000xf32>
    %rsqrt3A = math.rsqrt %add3A_7 : vector<2000xf32>
    %get3A_8 = arith.constant 0 : index
    %get3A_9 = arith.constant 0 : index
    %get3A_10 = vector.load %arg2[%get3A_8, %get3A_9] : memref<2000x128xf32, #tpu.memory_space<vmem>>, vector<2000x128xf32>
    %get3A_11 = arith.constant 0 : index
    %get3A_12 = arith.constant 0 : index
    %get3A_13 = vector.load %arg3[%get3A_11, %get3A_12] : memref<2000x128xf32, #tpu.memory_space<vmem>>, vector<2000x128xf32>
    %add3A_14 = arith.addf %get3A_10, %get3A_13 : vector<2000x128xf32>
    %broadcast_in_dim3A = vector.shape_cast %rsqrt3A : vector<2000xf32> to vector<2000x1xf32>
    %mul3A = vector.broadcast %broadcast_in_dim3A : vector<2000x1xf32> to vector<2000x128xf32>
    %mul3A_15 = arith.mulf %add3A_14, %mul3A : vector<2000x128xf32>
    %get3A_16 = arith.constant 0 : index
    %get3A_17 = vector.load %arg4[%get3A_16] : memref<128xf32, #tpu.memory_space<vmem>>, vector<128xf32>
    %broadcast_in_dim3A_18 = vector.shape_cast %get3A_17 : vector<128xf32> to vector<1x128xf32>
    %add3A_19 = vector.broadcast %broadcast_in_dim3A_18 : vector<1x128xf32> to vector<2000x128xf32>
    %add3A_20 = arith.addf %mul3A_15, %add3A_19 : vector<2000x128xf32>
    %swap3A = arith.constant 0 : index
    %swap3A_21 = arith.constant 0 : index
    %swap3A_22 = vector.load %arg5[%swap3A, %swap3A_21] : memref<2000x128xf32, #tpu.memory_space<vmem>>, vector<2000x128xf32>
    tpu.vector_store %arg5[%swap3A, %swap3A_21], %add3A_20 {strides = array<i32>} : memref<2000x128xf32, #tpu.memory_space<vmem>>, vector<2000x128xf32>,
    return
  }
  func.func @transform_0(%arg0: i32) -> (i32, i32, i32) {
    %c0_i32 = arith.constant 0 : i32
    %c0_i32_0 = arith.constant 0 : i32
    %c0_i32_1 = arith.constant 0 : i32
    return %c0_i32, %arg0, %c0_i32_0 : i32, i32, i32
  }
  func.func @transform_1(%arg0: i32) -> (i32, i32) {
    %c0_i32 = arith.constant 0 : i32
    %c0_i32_0 = arith.constant 0 : i32
    return %arg0, %c0_i32 : i32, i32
  }
  func.func @transform_2(%arg0: i32) -> (i32, i32) {
    %c0_i32 = arith.constant 0 : i32
    %c0_i32_0 = arith.constant 0 : i32
    return %arg0, %c0_i32 : i32, i32
  }
  func.func @transform_3(%arg0: i32) -> i32 {
    %c0_i32 = arith.constant 0 : i32
    %c0_i32_0 = arith.constant 0 : i32
    return %c0_i32 : i32
  }
  func.func @transform_4(%arg0: i32) -> (i32, i32) {
    %c0_i32 = arith.constant 0 : i32
    %c0_i32_0 = arith.constant 0 : i32
    return %arg0, %c0_i32 : i32, i32
  }
}

</mosaic_0001>

<sc_bundles>
// kernel: kernel.12.cloned.1.call-start
scs
__scs_entry_jumppad:
0x0: {  	(pc) =	sbr.rel $0x88, $3  }
0x1: {  	(tag) =	ssettag $0x0;
	lr =	simm.s32 $0x1  }
0x2: {  	[smem:$0x3F9B] =	sst lr;
	_ =	strace $0xD0000000  }
0x3: {  	_ = 	snop  }
0x4: {  	_ = 	snop  }
0x5: {  	_ = 	snop  }
0x6: {  	_ = 	snop  }
0x7: {  	_ = 	snop  }
__scs_overlays_trampoline_lowered:
0x8: {  	[smem:$0x3FAA] =	sst s0  }
0x9: {  	[smem:$0x3FAB] =	sst s1  }
0xa: {  	[smem:$0x3FAC] =	sst s2  }
0xb: {  	[smem:$0x3FAD] =	sst s3  }
0xc: {  	[smem:$0x3FAE] =	sst s4  }
0xd: {  	[smem:$0x3FAF] =	sst s5  }
0xe: {  	[smem:$0x3FB0] =	sst s6  }
0xf: {  	[smem:$0x3FB1] =	sst s7  }
0x10: {  	[smem:$0x3FB2] =	sst s8  }
0x11: {  	[smem:$0x3FB3] =	sst s9;
	s0 =	simm.s32 @!p0 $0x0  }
0x12: {  	s1 =	sld [smem:$0x3F99];
	s0 =	simm.s32 @p0 $0x1  }
0x13: {  	[smem:$0x3FB4] =	sst s0;
	s0 =	simm.s32 @!p1 $0x0  }
0x14: {  	s2 =	sld [smem:$0x3F98];
	s0 =	simm.s32 @p1 $0x1  }
0x15: {  	[smem:$0x3FB5] =	sst s0;
	s0 =	simm.s32 @!p2 $0x0  }
0x16: {  	s3 =	sld [smem:$0x3FDB];
	s0 =	simm.s32 @p2 $0x1  }
0x17: {  	s4 =	simm.s32 $0x1BF5;
	[smem:$0x3FB7] =	sst s0  }
0x18: {  	s0 =	sld [smem:$0x3F9A];
	_ =	swait.ge [sflag:s4], $0x0  }
0x19: {  	s7 =	sld [smem:$0x3F9B]  }
0x1a: {  	s8 =	sadd.s32 $0xFFFFE003, lr  }
0x1b: {  	s9 =	sadd.s32 $0xFFFFFEF7, lr;
	s5 =	simm.s32 $0xFFFFFFFF;
	p2 =	slt.u32 s8, $0xFFFFF086  }
0x1c: {  	p1 =	slt.u32 s9, $0xF7A;
	s5 =	simm.s32 @!p2 $0x0  }
0x1d: {  	s5 =	simm.s32 @p1 $0x1;
	p0 =	seq.s32 s7, s2  }
0x1e: {  	s7 =	smul.u32 @!p0 $0xF7A, s2;
	p2 =	seq.s32 @!p0 s5, $0x0  }
0x1f: {  	s9 =	smul.u32 $0xF7A, s1;
	s8 =	simm.s32 @!p0 $0x1BF5;
	p2 =	por !p2, p0  }
0x20: {  	[sflag:s8] =	ssyncset.s32 @!p0 $0xFFFFF086;
	s6 =	sadd.s32 @!p0 s3, s7;
	s7 =	simm.s32 @!p0 $0x108  }
0x21: {  	s3 =	sadd.s32 s3, s9;
	s6 =	sadd.s32 @!p0 $0x88, s6;
	s7 =	simm.s32 @p2 $0x1082  }
0x22: {  	[simem:s7], [sflag:s8] =	dma.local @!p0 [hbm:s6], $0xF7A  }
0x23: {  	s9 =	sor.u32 $0xD0000000, s2;
	s6 =	simm.s32 $0x108;
	_ =	swait.ge @!p0 [sflag:s8], $0x0  }
0x24: {  	s3 =	sadd.s32 $0x88, s3;
	s6 =	simm.s32 @!p1 $0x1082;
	[sflag:s4] =	ssyncset.s32 $0xFFFFF086  }
0x25: {  	[simem:s6], [sflag:s4] =	dma.local [hbm:s3], $0xF7A  }
0x26: {  	[smem:$0x3F9B] =	sst s1;
	(tag) =	ssettag s2;
	_ =	strace s9  }
0x27: {  	s1 =	sld [smem:$0x3FAB]  }
0x28: {  	s2 =	sld [smem:$0x3FAC]  }
0x29: {  	s4 =	sld [smem:$0x3FAE]  }
0x2a: {  	p0 =	seq.s32 s5, $0x0;
	s5 =	sld [smem:$0x3FAF]  }
0x2b: {  	s6 =	sld [smem:$0x3FB0]  }
0x2c: {  	s7 =	sld [smem:$0x3FB1]  }
0x2d: {  	s3 =	simm.s32 $0x108;
	s8 =	sld [smem:$0x3FB2]  }
0x2e: {  	s3 =	simm.s32 @!p0 $0x1082;
	s9 =	sld [smem:$0x3FB3]  }
0x2f: {  	lr =	sadd.s32 s0, s3;
	s0 =	sld [smem:$0x3FAA]  }
0x30: {  	s3 =	sld [smem:$0x3FAD]  }
0x31: {  	[smem:$0x3FB6] =	sst s10  }
0x32: {  	s10 =	sld [smem:$0x3FB4];
	_ =	sdelay $0x3  }
0x33: {  	p0 =	seq.s32 s10, $0x1;
	s10 =	sld [smem:$0x3FB6];
	_ =	sdelay $0x3  }
0x34: {  	[smem:$0x3FB6] =	sst s10  }
0x35: {  	s10 =	sld [smem:$0x3FB5];
	_ =	sdelay $0x3  }
0x36: {  	p1 =	seq.s32 s10, $0x1;
	s10 =	sld [smem:$0x3FB6];
	_ =	sdelay $0x3  }
0x37: {  	[smem:$0x3FB6] =	sst s10  }
0x38: {  	s10 =	sld [smem:$0x3FB7]  }
0x39: {  	_ = 	snop;
	(pc) =	sbr.ind lr, $3  }
0x3a: {  	_ = 	snop  }
0x3b: {  	_ = 	snop  }
0x3c: {  	p2 =	seq.s32 s10, $0x1;
	s10 =	sld [smem:$0x3FB6]  }
0x3d: {  	_ =	shalt  }
0x3e: {  	_ =	shalt  }
0x3f: {  	_ =	shalt  }
0x40: {  	_ =	shalt  }
0x41: {  	_ =	shalt  }
0x42: {  	_ =	shalt  }
0x43: {  	_ =	shalt  }
0x44: {  	_ =	shalt  }
0x45: {  	_ =	shalt  }
0x46: {  	_ =	shalt  }
0x47: {  	_ =	shalt  }
0x48: {  	_ =	shalt  }
0x49: {  	_ =	shalt  }
0x4a: {  	_ =	shalt  }
0x4b: {  	_ =	shalt  }
0x4c: {  	_ =	shalt  }
0x4d: {  	_ =	shalt  }
0x4e: {  	_ =	shalt  }
0x4f: {  	_ =	shalt  }
0x50: {  	_ =	shalt  }
0x51: {  	_ =	shalt  }
0x52: {  	_ =	shalt  }
0x53: {  	_ =	shalt  }
0x54: {  	_ =	shalt  }
0x55: {  	_ =	shalt  }
0x56: {  	_ =	shalt  }
0x57: {  	_ =	shalt  }
0x58: {  	_ =	shalt  }
0x59: {  	_ =	shalt  }
0x5a: {  	_ =	shalt  }
0x5b: {  	_ =	shalt  }
0x5c: {  	_ =	shalt  }
0x5d: {  	_ =	shalt  }
0x5e: {  	_ =	shalt  }
0x5f: {  	_ =	shalt  }
0x60: {  	_ =	shalt  }
0x61: {  	_ =	shalt  }
0x62: {  	_ =	shalt  }
0x63: {  	_ =	shalt  }
0x64: {  	_ =	shalt  }
0x65: {  	_ =	shalt  }
0x66: {  	_ =	shalt  }
0x67: {  	_ =	shalt  }
0x68: {  	_ =	shalt  }
0x69: {  	_ =	shalt  }
0x6a: {  	_ =	shalt  }
0x6b: {  	_ =	shalt  }
0x6c: {  	_ =	shalt  }
0x6d: {  	_ =	shalt  }
0x6e: {  	_ =	shalt  }
0x6f: {  	_ =	shalt  }
0x70: {  	_ =	shalt  }
0x71: {  	_ =	shalt  }
0x72: {  	_ =	shalt  }
0x73: {  	_ =	shalt  }
0x74: {  	_ =	shalt  }
0x75: {  	_ =	shalt  }
0x76: {  	_ =	shalt  }
0x77: {  	_ =	shalt  }
0x78: {  	_ =	shalt  }
0x79: {  	_ =	shalt  }
0x7a: {  	_ =	shalt  }
0x7b: {  	_ =	shalt  }
0x7c: {  	_ =	shalt  }
0x7d: {  	_ =	shalt  }
0x7e: {  	_ =	shalt  }
0x7f: {  	_ =	shalt  }
0x80: {  	_ =	shalt  }
0x81: {  	_ =	shalt  }
0x82: {  	_ =	shalt  }
0x83: {  	_ =	shalt  }
0x84: {  	_ =	shalt  }
0x85: {  	_ =	shalt  }
0x86: {  	_ =	shalt  }
0x87: {  	_ =	shalt  }
.Lfunc_end0:
.L_simem_size_0:
called_computation.1_lowered:
.L_overlay_start_0:
0x88: {  	s2 =	sld [smem:$0x3FD9]  }
0x89: {  	s3 =	sld [smem:$0x3FFE];
	_ =	sdelay $0x1  }
0x8a: {  	s1 =	srdreg.scid  }
0x8b: {  	s0 =	sand.u32 $0x1, s1  }
0x8c: {  	s17 =	sshll.u32 s0, $0xA;
	s2 =	sadd.s32 s3, s2  }
0x8d: {  	s2 =	sadd.s32 s2, s17  }
0x8e: {  	[smem:$0x3FC2] =	sst s2  }
0x8f: {  	_ = 	snop  }
0x90: {  	s2 =	sld [smem:$0x3FD0];
	(tm) =	ssettm $0x1  }
0x91: {  	s18 =	sld [smem:$0x3FFB];
	_ =	sdelay $0x3  }
0x92: {  	_ =	strace s18  }
0x93: {  	s3 =	sld [smem:$0x3FFC];
	_ =	sdelay $0x3  }
0x94: {  	_ =	strace s3  }
0x95: {  	s3 =	sld [smem:$0x3FFD];
	_ =	sdelay $0x3  }
0x96: {  	_ =	strace s3  }
0x97: {  	_ =	strace $0x8FFFFFFF  }
0x98: {  	s19 =	sld [smem:$0x3FDB];
	_ =	sdelay $0x1  }
0x99: {  	s4 =	simm.s32 $_scs_section_size  }
0x9a: {  	s5 =	simm.s32 $_size__tile_overlayer_lowered;
	s6 =	simm.s32 $_tile_overlayer_lowered  }
0x9b: {  	s22 =	simm.s32 $0x1BFF;
	s21 =	sshll.u32 s6, $0x1;
	s3 =	sadd.s32 s4, s19  }
0x9c: {  	s7 =	simm.s32 $0x0;
	s20 =	sshll.u32 s5, $0x1;
	s5 =	sadd.s32 s21, s3  }
0x9d: {  	[timem:s7], [sflag:s22] =	dma.local [hbm:s5], s20  }
0x9e: {  	_ =	swait.ge [sflag:s22], s20  }
0x9f: {  	s4 =	ssub.s32 $0x0, s20;
	[sflag:s22] =	ssyncset.done $0x0  }
0xa0: {  	[sflag:s22] =	ssyncadd.s32 s4;
	_ =	sdelay $0x1  }
0xa1: {  	s23 =	simm.s32 $0x1B8B  }
0xa2: {  	_ =	swait.ge [sflag:s23], $0x1  }
0xa3: {  	[sflag:s23] =	ssyncset.done $0x0  }
0xa4: {  	s25 =	simm.s32 $0x1B8E;
	s24 =	sld [smem:$0x3FFE];
	[sflag:s23] =	ssyncadd.s32 $0xFFFFFFFF  }
0xa5: {  	s26 =	simm.s32 $execute0_lowered;
	[smem:$0x3FD2] =	sst s25  }
0xa6: {  	s5 =	sshll.u32 s26, $0x1;
	_ =	strace $0x80000049;
	[dreg:$0x1] =	wrdreg $0xFFFFFFFF  }
0xa7: {  	s28 =	simm.s32 $_size_execute0_lowered;
	s3 =	sadd.s32 s3, s5;
	[dreg:$0x0] =	wrdreg $0x0  }
0xa8: {  	s5 =	sshll.u32 s28, $0x1;
	[dreg:$0x2] =	wrdreg s3  }
0xa9: {  	[dreg:$0x3] =	wrdreg s5  }
0xaa: {  	[dreg:$0x4] =	wrdreg $0xC0  }
0xab: {  	_ =	task [dreg:s7], $0x5FFFF  }
0xac: {  	[dreg:$0x1] =	wrdreg $0xFFFFFFFF  }
0xad: {  	[dreg:$0x0] =	wrdreg $0x60  }
0xae: {  	[dreg:$0x2] =	wrdreg s2  }
0xaf: {  	[dreg:$0x3] =	wrdreg s24  }
0xb0: {  	[dreg:$0x4] =	wrdreg $0x103D00  }
0xb1: {  	[dreg:$0x5] =	wrdreg $0x9  }
0xb2: {  	_ =	task.clear_ibuf [dreg:s7], $0x6FFFF;
	_ =	strace $0x90000049  }
0xb3: {  	s29 =	simm.s32 $0x9;
	_ =	strace $0x8000004B  }
0xb4: {  	_ =	swait.ge [sflag:s29], $0x1  }
0xb5: {  	[sflag:s29] =	ssyncadd.s32 $0xFFFFFFFF  }
0xb6: {  	_ =	strace $0x9000004B  }
0xb7: {  	_ =	sfence  }
0xb8: {  	s30 =	sld [smem:$0x0];
	_ =	sdelay $0x2  }
0xb9: {  	s31 =	sshll.u32 s1, $0xD;
	s1 =	sshrl.u32 s1, $0x2  }
0xba: {  	s3 =	sand.u32 $0x4000, s31;
	s1 =	sadd.s32 s1, s30  }
0xbb: {  	s0 =	sor.u32 s3, s0;
	s1 =	sshll.u32 s1, $0x11  }
0xbc: {  	s0 =	sor.u32 s1, s0  }
0xbd: {  	s0 =	sadd.s32 $0x8F2B, s0  }
0xbe: {  	[sflag:s0] =	ssyncadd.remote.s32 $0x1  }
0xbf: {  	_ =	sfence.sel $0xFFFF  }
0xc0: {  	[dreg:$0x0] =	wrdreg $0xFFFFFFFF;
	(pc) =	sbr.abs _section_cstart, $3  }
0xc1: {  	[dreg:$0x1] =	wrdreg $0xFFFFFFFF  }
0xc2: {  	_ =	task.clear_ibuf [dreg:s7], $0x2FFFF;
	_ =	strace $0x9FFFFFFF  }
0xc3: {  	(tm) =	ssettm $0x7FFFFFFF  }
tec
execute0_lowered:
.L_overlay_start_1:
0x0: {  	(tag) =	ssettag $0x1  }
0x1: {  	s2 =	rddreg [dreg:$0x0]  }
0x2: {  	s0 =	rddreg [dreg:$0x1]  }
0x3: {  	s3 =	rddreg [dreg:$0x2];
	s9 =	stileid.u32  }
0x4: {  	s5 =	srdreg.scid;
	s4 =	simm.s32 $0x0;
	s12 =	simm.s32 $0x101D0  }
0x5: {  	s13 =	simm.s32 $0xB;
	s15 =	simm.s32 $0x50;
	s17 =	simm.s32 $0x9DD0  }
0x6: {  	s19 =	simm.s32 $0xB1D0;
	s25 =	simm.s32 $0x9D30;
	s26 =	simm.s32 $0x9D80  }
0x7: {  	s28 =	simm.s32 $0x6;
	s29 =	simm.s32 $0x4;
	s30 =	simm.s32 $0x8  }
0x8: {  	s31 =	simm.s32 $0x5;
	s14 =	simm.s32 $0xA;
	s1 =	smul.u32 $0x4E20, s9  }
0x9: {  	s7 =	sand.u32 $0x1, s5;
	[smem:$0x7FF] =	sst s4;
	s22 =	smul.u32 $0x27800, s9  }
0xa: {  	p0 =	seq.s32 s9, $0xF;
	s9 =	smul.u32 $0x13C00, s9;
	s5 =	ssub.s32 $0x2, s7  }
0xb: {  	_ =	strace $0x8000004A;
	s10 =	sshll.u32 s7, $0x6;
	[dreg:$0x4] =	wrdreg s25  }
0xc: {  	s23 =	sshll.u32 s7, $0x3;
	[dreg:$0x5] =	wrdreg s26;
	s25 =	simm.s32 $0xEDD0  }
0xd: {  	s26 =	simm.s32 $0x2;
	s1 =	sshrl.u32 s1, $0x3;
	s6 =	sshrl.u32 s5, $0x1  }
0xe: {  	s9 =	sor.u32 s10, s9;
	s1 =	sadd.s32 s1, s0;
	s0 =	sadd.s32 $0x64800, s0  }
0xf: {  	s8 =	ssub.s32 s5, s6;
	s5 =	simm.s32 $0x41;
	s6 =	sshrl.u32 s22, $0x2  }
0x10: {  	s9 =	sshrl.u32 s9, $0x3;
	s22 =	simm.s32 $0xD9D0;
	s11 =	sadd.s32 $0x2C00, s1  }
0x11: {  	s5 =	simm.s32 @!p0 $0x4F;
	s1 =	sadd.s32 $0xC840, s1;
	[dreg:$0x6] =	wrdreg s11  }
0x12: {  	s10 =	sadd.s32 s23, s0;
	s0 =	sadd.s32 s0, s9;
	[dreg:$0x7] =	wrdreg s1  }
0x13: {  	s6 =	sadd.s32 s6, s3;
	s23 =	simm.s32 $0x1;
	[dreg:$0x8] =	wrdreg s0  }
0x14: {  	s24 =	sadd.s32 $0x25080, s10;
	s0 =	sadd.s32 $0x94200, s3;
	s11 =	smax.u32 s8, $0x1  }
0x15: {  	v1 =	vimm.f32 $0.0e+00;
	v0 =	vmov s7;
	s1 =	simm.s32 $0x9;
	[dreg:$0x9] =	wrdreg s24;
	s24 =	sshrl.u32 @p0 s0, $0x3  }
.LBB2_1:
0x16: {  	[tilespmem:$0x101D0] =	vst v1  }
0x17: {  	[tilespmem:$0x101E0] =	vst v1  }
0x18: {  	[tilespmem:$0x101F0] =	vst v1  }
0x19: {  	[tilespmem:$0x10200] =	vst v1  }
0x1a: {  	[tilespmem:$0x10210] =	vst v1  }
0x1b: {  	[tilespmem:$0x10220] =	vst v1  }
0x1c: {  	[tilespmem:$0x10230] =	vst v1  }
0x1d: {  	[tilespmem:$0x10240] =	vst v1  }
0x1e: {  	[tilespmem:$0x10250] =	vst v1  }
0x1f: {  	[tilespmem:$0x10260] =	vst v1  }
0x20: {  	[tilespmem:$0x10270] =	vst v1  }
0x21: {  	[tilespmem:$0x10280] =	vst v1  }
0x22: {  	[tilespmem:$0x10290] =	vst v1  }
0x23: {  	[tilespmem:$0x102A0] =	vst v1  }
0x24: {  	[tilespmem:$0x102B0] =	vst v1  }
0x25: {  	[tilespmem:$0x102C0] =	vst v1  }
0x26: {  	[tilespmem:$0x102D0] =	vst v1  }
0x27: {  	[tilespmem:$0x102E0] =	vst v1  }
0x28: {  	[tilespmem:$0x102F0] =	vst v1  }
0x29: {  	[tilespmem:$0x10300] =	vst v1  }
0x2a: {  	[tilespmem:$0x10310] =	vst v1  }
0x2b: {  	[tilespmem:$0x10320] =	vst v1  }
0x2c: {  	[tilespmem:$0x10330] =	vst v1  }
0x2d: {  	[tilespmem:$0x10340] =	vst v1  }
0x2e: {  	[tilespmem:$0x10350] =	vst v1  }
0x2f: {  	[tilespmem:$0x10360] =	vst v1  }
0x30: {  	[tilespmem:$0x10370] =	vst v1  }
0x31: {  	[tilespmem:$0x10380] =	vst v1  }
0x32: {  	[tilespmem:$0x10390] =	vst v1  }
0x33: {  	[tilespmem:$0x103A0] =	vst v1;
	p1 =	sne.s32 s5, $0x1  }
.Ltmp0:
0x34: {  	[tilespmem:$0x103B0] =	vst v1;
	(pc) =	sbr.rel @!p1 .LBB2_3-.Ltmp0, $4  }
0x35: {  	[tilespmem:$0x103C0] =	vst v1  }
0x36: {  	[spmem:s6] =	stream.linear.scatter [tilespmem:s12], [sflag:$0xB], $0x200, $0x38;
	[tilespmem:$0x1A010] =	vst v63  }
0x37: {  	_ =	swait.ge [sflag:s13], $0x200  }
0x38: {  	s0 =	sadd.s32 $0xFFFFFFFF, s5;
	s7 =	smov.u32 s6;
	[sflag:s13] =	ssyncset.done $0x0  }
.LBB2_2:
0x39: {  	p1 =	sne.s32 s0, $0x1;
	[sflag:s13] =	ssyncadd.s32 $0xFFFFFE00;
	s7 =	sadd.s32 $0x200, s7  }
.Ltmp1:
0x3a: {  	s0 =	sadd.s32 $0xFFFFFFFF, s0;
	(pc) =	sbr.rel @p1 .LBB2_2-.Ltmp1, $4  }
0x3b: {  	_ = 	snop  }
0x3c: {  	[spmem:s7] =	stream.linear.scatter [tilespmem:s12], [sflag:$0xB], $0x200, $0x38;
	[tilespmem:$0x1A010] =	vst v63  }
0x3d: {  	_ =	swait.ge [sflag:s13], $0x200  }
0x3e: {  	[sflag:s13] =	ssyncset.done $0x0  }
.LBB2_3:
0x3f: {  	[sflag:s13] =	ssyncadd.s32 $0xFFFFFE00;
	s0 =	simm.s32 $0x0;
	s7 =	rddreg [dreg:$0x6]  }
0x40: {  	[tilespmem:s0], [sflag:$0xB] =	stream.linear.gather [hbm4b:s7+s0], $0x4E20, $0x38;
	[tilespmem:$0x1A010] =	vst v63  }
0x41: {  	_ =	swait.ge [sflag:s13], $0x4E20  }
0x42: {  	[sflag:s13] =	ssyncset.done $0x0  }
0x43: {  	s8 =	simm.s32 $0x4E20;
	s18 =	rddreg [dreg:$0x7];
	[sflag:s13] =	ssyncadd.s32 $0xFFFFB1E0  }
0x44: {  	[tilespmem:s8], [sflag:$0xB] =	stream.linear.gather [hbm4b:s18+s0], $0x4E20, $0x38;
	[tilespmem:$0x1A010] =	vst v63  }
0x45: {  	_ =	swait.ge [sflag:s13], $0x4E20  }
0x46: {  	[sflag:s13] =	ssyncset.done $0x0  }
0x47: {  	[sflag:s13] =	ssyncadd.s32 $0xFFFFB1E0  }
0x48: {  	[bflag:$0x0] =	sbarrier.arrive $0xFFFF  }
0x49: {  	v2 =	vld [tilespmem:$0x0]  }
0x4a: {  	v3 =	vld [tilespmem:$0x10]  }
0x4b: {  	v4 =	vld [tilespmem:$0x20]  }
0x4c: {  	v5 =	vld [tilespmem:$0x30]  }
0x4d: {  	v6 =	vld [tilespmem:$0x40]  }
0x4e: {  	v2 =	vshll.u32 v2, $0x1  }
0x4f: {  	v3 =	vshll.u32 v3, $0x1;
	v2 =	vor.u32 v0, v2  }
0x50: {  	[tilespmem:$0x9C40] =	vst v2;
	v2 =	vor.u32 v0, v3;
	v3 =	vshll.u32 v4, $0x1  }
0x51: {  	[tilespmem:$0x9C50] =	vst v2;
	v2 =	vor.u32 v0, v3;
	v3 =	vshll.u32 v5, $0x1  }
0x52: {  	[tilespmem:$0x9C60] =	vst v2;
	v2 =	vor.u32 v0, v3;
	v3 =	vshll.u32 v6, $0x1  }
0x53: {  	[tilespmem:$0x9C70] =	vst v2;
	v2 =	vor.u32 v0, v3  }
0x54: {  	s20 =	simm.s32 $0x9C40;
	[tilespmem:$0x9C80] =	vst v2  }
0x55: {  	[tilespmem:s17], [sflag:$0x1] =	stream.indirect.gather [hbm4b:s2+s15], $0x40, s20, s15, $0xb8;
	[tilespmem:$0x1A010] =	vst v63  }
0x56: {  	v2 =	vld [tilespmem:$0x50]  }
0x57: {  	v3 =	vld [tilespmem:$0x60]  }
0x58: {  	v58 =	vld [tilespmem:$0x70]  }
0x59: {  	v59 =	vld [tilespmem:$0x80]  }
0x5a: {  	v60 =	vld [tilespmem:$0x90]  }
0x5b: {  	v2 =	vshll.u32 v2, $0x1  }
0x5c: {  	v3 =	vshll.u32 v3, $0x1;
	v2 =	vor.u32 v0, v2  }
0x5d: {  	[tilespmem:$0x9C90] =	vst v2;
	v2 =	vor.u32 v0, v3;
	v3 =	vshll.u32 v58, $0x1  }
0x5e: {  	[tilespmem:$0x9CA0] =	vst v2;
	v2 =	vor.u32 v0, v3;
	v3 =	vshll.u32 v59, $0x1  }
0x5f: {  	[tilespmem:$0x9CB0] =	vst v2;
	v2 =	vor.u32 v0, v3;
	v3 =	vshll.u32 v60, $0x1  }
0x60: {  	[tilespmem:$0x9CC0] =	vst v2;
	v2 =	vor.u32 v0, v3  }
0x61: {  	s21 =	simm.s32 $0x9C90;
	[tilespmem:$0x9CD0] =	vst v2  }
0x62: {  	[tilespmem:s19], [sflag:$0x2] =	stream.indirect.gather [hbm4b:s2+s15], $0x40, s21, s15, $0xb8;
	[tilespmem:$0x1A010] =	vst v63  }
0x63: {  	v2 =	vld [tilespmem:$0xA0]  }
0x64: {  	v3 =	vld [tilespmem:$0xB0]  }
0x65: {  	v61 =	vld [tilespmem:$0xC0]  }
0x66: {  	v62 =	vld [tilespmem:$0xD0]  }
0x67: {  	v63 =	vld [tilespmem:$0xE0]  }
0x68: {  	v2 =	vshll.u32 v2, $0x1  }
0x69: {  	v3 =	vshll.u32 v3, $0x1;
	v2 =	vor.u32 v0, v2  }
0x6a: {  	[tilespmem:$0x9CE0] =	vst v2;
	v2 =	vor.u32 v0, v3;
	v3 =	vshll.u32 v61, $0x1  }
0x6b: {  	[tilespmem:$0x9CF0] =	vst v2;
	v2 =	vor.u32 v0, v3;
	v3 =	vshll.u32 v62, $0x1  }
0x6c: {  	[tilespmem:$0x9D00] =	vst v2;
	v2 =	vor.u32 v0, v3;
	v3 =	vshll.u32 v63, $0x1  }
0x6d: {  	p1 =	por $0x1, $0x1;
	[tilespmem:$0x9D10] =	vst v2;
	v2 =	vor.u32 v0, v3  }
0x6e: {  	s7 =	simm.s32 $0x9CE0;
	s8 =	simm.s32 $0xC5D0;
	s0 =	simm.s32 @!p1 $0x9;
	[tilespmem:$0x9D20] =	vst v2  }
0x6f: {  	[tilespmem:s8], [sflag:$0x3] =	stream.indirect.gather [hbm4b:s2+s15], $0x40, s7, s15, $0xb8;
	[tilespmem:$0x1A010] =	vst v63  }
0x70: {  	_ =	swait.ge @!p1 [sflag:s0], $0x1400  }
0x71: {  	[sflag:s0] =	ssyncset.done @!p1 $0x0  }
0x72: {  	s9 =	simm.s32 $0x0;
	[sflag:s0] =	ssyncadd.s32 @!p1 $0xFFFFEC00  }
0x73: {  	v2 =	vld [tilespmem:s9+$0xF0];
	_ =	sdelay $0x4  }
0x74: {  	v2 =	vshll.u32 v2, $0x1  }
0x75: {  	v2 =	vor.u32 v0, v2  }
0x76: {  	[tilespmem:$0x9D30] =	vst v2  }
0x77: {  	v2 =	vld [tilespmem:s9+$0x100];
	_ =	sdelay $0x4  }
0x78: {  	v2 =	vshll.u32 v2, $0x1  }
0x79: {  	v2 =	vor.u32 v0, v2  }
0x7a: {  	[tilespmem:$0x9D40] =	vst v2  }
0x7b: {  	v2 =	vld [tilespmem:s9+$0x110];
	_ =	sdelay $0x4  }
0x7c: {  	v2 =	vshll.u32 v2, $0x1  }
0x7d: {  	v2 =	vor.u32 v0, v2  }
0x7e: {  	[tilespmem:$0x9D50] =	vst v2  }
0x7f: {  	v2 =	vld [tilespmem:s9+$0x120];
	_ =	sdelay $0x4  }
0x80: {  	v2 =	vshll.u32 v2, $0x1  }
0x81: {  	v2 =	vor.u32 v0, v2  }
0x82: {  	[tilespmem:$0x9D60] =	vst v2  }
0x83: {  	v2 =	vld [tilespmem:s9+$0x130];
	_ =	sdelay $0x4  }
0x84: {  	v2 =	vshll.u32 v2, $0x1  }
0x85: {  	v2 =	vor.u32 v0, v2  }
0x86: {  	s10 =	rddreg [dreg:$0x4];
	[tilespmem:$0x9D70] =	vst v2  }
0x87: {  	[tilespmem:s22], [sflag:$0x4] =	stream.indirect.gather [hbm4b:s2+s15], $0x40, s10, s15, $0xb8;
	[tilespmem:$0x1A010] =	vst v63  }
0x88: {  	_ =	swait.ge [sflag:s23], $0x1400  }
0x89: {  	[sflag:s23] =	ssyncset.done $0x0  }
0x8a: {  	s16 =	simm.s32 $0x4E20;
	s8 =	simm.s32 @!p1 $0xA;
	[sflag:s23] =	ssyncadd.s32 $0xFFFFEC00  }
0x8b: {  	[spmem:s3] =	stream.indirect.scatter.add.f32 [tilespmem:s17], [sflag:$0x6], $0x40, s16, s15, $0xb8;
	[tilespmem:$0x1A010] =	vst v63  }
0x8c: {  	_ =	swait.ge @!p1 [sflag:s8], $0x1400  }
0x8d: {  	[sflag:s8] =	ssyncset.done @!p1 $0x0  }
0x8e: {  	[sflag:s8] =	ssyncadd.s32 @!p1 $0xFFFFEC00  }
0x8f: {  	v2 =	vld [tilespmem:s9+$0x140];
	_ =	sdelay $0x4  }
0x90: {  	v2 =	vshll.u32 v2, $0x1  }
0x91: {  	v2 =	vor.u32 v0, v2  }
0x92: {  	[tilespmem:$0x9D80] =	vst v2  }
0x93: {  	v2 =	vld [tilespmem:s9+$0x150];
	_ =	sdelay $0x4  }
0x94: {  	v2 =	vshll.u32 v2, $0x1  }
0x95: {  	v2 =	vor.u32 v0, v2  }
0x96: {  	[tilespmem:$0x9D90] =	vst v2  }
0x97: {  	v2 =	vld [tilespmem:s9+$0x160];
	_ =	sdelay $0x4  }
0x98: {  	v2 =	vshll.u32 v2, $0x1  }
0x99: {  	v2 =	vor.u32 v0, v2  }
0x9a: {  	[tilespmem:$0x9DA0] =	vst v2  }
0x9b: {  	v2 =	vld [tilespmem:s9+$0x170];
	_ =	sdelay $0x4  }
0x9c: {  	v2 =	vshll.u32 v2, $0x1  }
0x9d: {  	v2 =	vor.u32 v0, v2  }
0x9e: {  	[tilespmem:$0x9DB0] =	vst v2  }
0x9f: {  	v2 =	vld [tilespmem:s9+$0x180];
	_ =	sdelay $0x4  }
0xa0: {  	v2 =	vshll.u32 v2, $0x1  }
0xa1: {  	v2 =	vor.u32 v0, v2  }
0xa2: {  	s18 =	rddreg [dreg:$0x5];
	[tilespmem:$0x9DC0] =	vst v2  }
0xa3: {  	[tilespmem:s25], [sflag:$0x5] =	stream.indirect.gather [hbm4b:s2+s15], $0x40, s18, s15, $0xb8;
	[tilespmem:$0x1A010] =	vst v63  }
0xa4: {  	_ =	swait.ge [sflag:s26], $0x1400  }
0xa5: {  	[sflag:s26] =	ssyncset.done $0x0  }
0xa6: {  	s20 =	simm.s32 $0x4E70;
	[sflag:s26] =	ssyncadd.s32 $0xFFFFEC00  }
0xa7: {  	[spmem:s3] =	stream.indirect.scatter.add.f32 [tilespmem:s19], [sflag:$0x7], $0x40, s20, s15, $0xb8;
	[tilespmem:$0x1A010] =	vst v63  }
0xa8: {  	_ =	swait.ge [sflag:s28], $0x1400  }
0xa9: {  	p1 =	por $0x0, $0x0;
	[sflag:s28] =	ssyncset.done $0x0  }
0xaa: {  	s0 =	simm.s32 @p1 $0x3;
	[sflag:s28] =	ssyncadd.s32 $0xFFFFEC00  }
0xab: {  	_ =	swait.ge @p1 [sflag:s0], $0x1400  }
0xac: {  	s7 =	simm.s32 @p1 $0x4EC0;
	s8 =	simm.s32 @p1 $0x7;
	[sflag:s0] =	ssyncset.done @p1 $0x0  }
0xad: {  	s16 =	simm.s32 @p1 $0xC5D0;
	[sflag:s0] =	ssyncadd.s32 @p1 $0xFFFFEC00;
	s0 =	simm.s32 @p1 $0x50  }
0xae: {  	[spmem:s3] =	stream.indirect.scatter.add.f32 @p1 [tilespmem:s16], [sflag:$0x8], $0x40, s7, s0, $0xb8;
	[tilespmem:$0x1A010] =	vst v63  }
0xaf: {  	_ =	swait.ge @p1 [sflag:s8], $0x1400  }
0xb0: {  	[sflag:s8] =	ssyncset.done @p1 $0x0  }
0xb1: {  	s0 =	simm.s32 @!p1 $0x0;
	[sflag:s8] =	ssyncadd.s32 @p1 $0xFFFFEC00  }
0xb2: {  	v2 =	vld @!p1 [tilespmem:s0+$0x190];
	_ =	sdelay $0x4  }
0xb3: {  	v2 =	vshll.u32 @!p1 v2, $0x1  }
0xb4: {  	v2 =	vor.u32 @!p1 v0, v2  }
0xb5: {  	[tilespmem:$0x9C40] =	vst @!p1 v2  }
0xb6: {  	v2 =	vld @!p1 [tilespmem:s0+$0x1A0];
	_ =	sdelay $0x4  }
0xb7: {  	v2 =	vshll.u32 @!p1 v2, $0x1  }
0xb8: {  	v2 =	vor.u32 @!p1 v0, v2  }
0xb9: {  	[tilespmem:$0x9C50] =	vst @!p1 v2  }
0xba: {  	v2 =	vld @!p1 [tilespmem:s0+$0x1B0];
	_ =	sdelay $0x4  }
0xbb: {  	v2 =	vshll.u32 @!p1 v2, $0x1  }
0xbc: {  	v2 =	vor.u32 @!p1 v0, v2  }
0xbd: {  	[tilespmem:$0x9C60] =	vst @!p1 v2  }
0xbe: {  	v2 =	vld @!p1 [tilespmem:s0+$0x1C0];
	_ =	sdelay $0x4  }
0xbf: {  	v2 =	vshll.u32 @!p1 v2, $0x1  }
0xc0: {  	v2 =	vor.u32 @!p1 v0, v2  }
0xc1: {  	[tilespmem:$0x9C70] =	vst @!p1 v2  }
0xc2: {  	v2 =	vld @!p1 [tilespmem:s0+$0x1D0];
	_ =	sdelay $0x4  }
0xc3: {  	v2 =	vshll.u32 @!p1 v2, $0x1  }
0xc4: {  	s18 =	simm.s32 @!p1 $0x9DD0;
	v2 =	vor.u32 @!p1 v0, v2  }
0xc5: {  	s7 =	simm.s32 @!p1 $0x50;
	s16 =	simm.s32 @!p1 $0x9C40;
	s8 =	simm.s32 @!p1 $0x3;
	[tilespmem:$0x9C80] =	vst @!p1 v2  }
0xc6: {  	[tilespmem:s18], [sflag:$0x1] =	stream.indirect.gather @!p1 [hbm4b:s2+s7], $0x40, s16, s7, $0xb8;
	[tilespmem:$0x1A010] =	vst v63  }
0xc7: {  	_ =	swait.ge @!p1 [sflag:s8], $0x1400  }
0xc8: {  	s16 =	simm.s32 @!p1 $0x4EC0;
	[sflag:s8] =	ssyncset.done @!p1 $0x0  }
0xc9: {  	s18 =	simm.s32 @!p1 $0x7;
	[sflag:s8] =	ssyncadd.s32 @!p1 $0xFFFFEC00;
	s8 =	simm.s32 @!p1 $0xC5D0  }
0xca: {  	[spmem:s3] =	stream.indirect.scatter.add.f32 @!p1 [tilespmem:s8], [sflag:$0x8], $0x40, s16, s7, $0xb8;
	[tilespmem:$0x1A010] =	vst v63  }
0xcb: {  	_ =	swait.ge @!p1 [sflag:s18], $0x1400  }
0xcc: {  	[sflag:s18] =	ssyncset.done @!p1 $0x0  }
0xcd: {  	[sflag:s18] =	ssyncadd.s32 @!p1 $0xFFFFEC00  }
0xce: {  	v2 =	vld @!p1 [tilespmem:s0+$0x1E0];
	_ =	sdelay $0x4  }
0xcf: {  	v2 =	vshll.u32 @!p1 v2, $0x1  }
0xd0: {  	v2 =	vor.u32 @!p1 v0, v2  }
0xd1: {  	[tilespmem:$0x9C90] =	vst @!p1 v2  }
0xd2: {  	v2 =	vld @!p1 [tilespmem:s0+$0x1F0];
	_ =	sdelay $0x4  }
0xd3: {  	v2 =	vshll.u32 @!p1 v2, $0x1  }
0xd4: {  	v2 =	vor.u32 @!p1 v0, v2  }
0xd5: {  	[tilespmem:$0x9CA0] =	vst @!p1 v2  }
0xd6: {  	v2 =	vld @!p1 [tilespmem:s0+$0x200];
	_ =	sdelay $0x4  }
0xd7: {  	v2 =	vshll.u32 @!p1 v2, $0x1  }
0xd8: {  	v2 =	vor.u32 @!p1 v0, v2  }
0xd9: {  	[tilespmem:$0x9CB0] =	vst @!p1 v2  }
0xda: {  	v2 =	vld @!p1 [tilespmem:s0+$0x210];
	_ =	sdelay $0x4  }
0xdb: {  	v2 =	vshll.u32 @!p1 v2, $0x1  }
0xdc: {  	v2 =	vor.u32 @!p1 v0, v2  }
0xdd: {  	[tilespmem:$0x9CC0] =	vst @!p1 v2  }
0xde: {  	v2 =	vld @!p1 [tilespmem:s0+$0x220];
	_ =	sdelay $0x4  }
0xdf: {  	v2 =	vshll.u32 @!p1 v2, $0x1  }
0xe0: {  	v2 =	vor.u32 @!p1 v0, v2  }
0xe1: {  	s16 =	simm.s32 @!p1 $0x9C90;
	s18 =	simm.s32 @!p1 $0xB1D0;
	[tilespmem:$0x9CD0] =	vst @!p1 v2  }
0xe2: {  	[tilespmem:s18], [sflag:$0x2] =	stream.indirect.gather @!p1 [hbm4b:s2+s7], $0x40, s16, s7, $0xb8;
	[tilespmem:$0x1A010] =	vst v63  }
0xe3: {  	_ =	swait.ge [sflag:s29], $0x1400  }
0xe4: {  	[sflag:s29] =	ssyncset.done $0x0  }
0xe5: {  	s21 =	simm.s32 $0x4F10;
	[sflag:s29] =	ssyncadd.s32 $0xFFFFEC00  }
0xe6: {  	[spmem:s3] =	stream.indirect.scatter.add.f32 [tilespmem:s22], [sflag:$0x9], $0x40, s21, s15, $0xb8;
	[tilespmem:$0x1A010] =	vst v63  }
0xe7: {  	_ =	swait.ge [sflag:s30], $0x1400  }
0xe8: {  	[sflag:s30] =	ssyncset.done $0x0  }
0xe9: {  	[sflag:s30] =	ssyncadd.s32 $0xFFFFEC00  }
0xea: {  	v2 =	vld @!p1 [tilespmem:s0+$0x230];
	_ =	sdelay $0x4  }
0xeb: {  	v2 =	vshll.u32 @!p1 v2, $0x1  }
0xec: {  	v2 =	vor.u32 @!p1 v0, v2  }
0xed: {  	[tilespmem:$0x9CE0] =	vst @!p1 v2  }
0xee: {  	v2 =	vld @!p1 [tilespmem:s0+$0x240];
	_ =	sdelay $0x4  }
0xef: {  	v2 =	vshll.u32 @!p1 v2, $0x1  }
0xf0: {  	v2 =	vor.u32 @!p1 v0, v2  }
0xf1: {  	[tilespmem:$0x9CF0] =	vst @!p1 v2  }
0xf2: {  	v2 =	vld @!p1 [tilespmem:s0+$0x250];
	_ =	sdelay $0x4  }
0xf3: {  	v2 =	vshll.u32 @!p1 v2, $0x1  }
0xf4: {  	v2 =	vor.u32 @!p1 v0, v2  }
0xf5: {  	[tilespmem:$0x9D00] =	vst @!p1 v2  }
0xf6: {  	v2 =	vld @!p1 [tilespmem:s0+$0x260];
	_ =	sdelay $0x4  }
0xf7: {  	v2 =	vshll.u32 @!p1 v2, $0x1  }
0xf8: {  	v2 =	vor.u32 @!p1 v0, v2  }
0xf9: {  	[tilespmem:$0x9D10] =	vst @!p1 v2  }
0xfa: {  	v2 =	vld @!p1 [tilespmem:s0+$0x270];
	_ =	sdelay $0x4  }
0xfb: {  	v2 =	vshll.u32 @!p1 v2, $0x1  }
0xfc: {  	v2 =	vor.u32 @!p1 v0, v2  }
0xfd: {  	s0 =	simm.s32 @!p1 $0x9CE0;
	[tilespmem:$0x9D20] =	vst @!p1 v2  }
0xfe: {  	[tilespmem:s8], [sflag:$0x3] =	stream.indirect.gather @!p1 [hbm4b:s2+s7], $0x40, s0, s7, $0xb8;
	[tilespmem:$0x1A010] =	vst v63  }
0xff: {  	p2 =	por $0x0, $0x0;
	s16 =	simm.s32 $0x640;
	_ =	swait.ge [sflag:s31], $0x1400  }
0x100: {  	s18 =	simm.s32 $0xC80;
	s7 =	simm.s32 $0x4F60;
	[sflag:s31] =	ssyncset.done $0x0  }
.LBB2_4:
0x101: {  	s8 =	simm.s32 @!p2 $0x9;
	[sflag:s31] =	ssyncadd.s32 $0xFFFFEC00  }
0x102: {  	[spmem:s3] =	stream.indirect.scatter.add.f32 [tilespmem:s25], [sflag:$0xA], $0x40, s7, s15, $0xb8;
	[tilespmem:$0x1A010] =	vst v63  }
0x103: {  	_ =	swait.ge @!p2 [sflag:s8], $0x1400  }
0x104: {  	[sflag:s8] =	ssyncset.done @!p2 $0x0  }
0x105: {  	s20 =	sshra.s32 s16, $0x2;
	[sflag:s8] =	ssyncadd.s32 @!p2 $0xFFFFEC00  }
0x106: {  	v2 =	vld [tilespmem:s20+$0xF0];
	_ =	sdelay $0x4  }
0x107: {  	v2 =	vshll.u32 v2, $0x1  }
0x108: {  	v2 =	vor.u32 v0, v2  }
0x109: {  	[tilespmem:$0x9D30] =	vst v2  }
0x10a: {  	v2 =	vld [tilespmem:s20+$0x100];
	_ =	sdelay $0x4  }
0x10b: {  	v2 =	vshll.u32 v2, $0x1  }
0x10c: {  	v2 =	vor.u32 v0, v2  }
0x10d: {  	[tilespmem:$0x9D40] =	vst v2  }
0x10e: {  	v2 =	vld [tilespmem:s20+$0x110];
	_ =	sdelay $0x4  }
0x10f: {  	v2 =	vshll.u32 v2, $0x1  }
0x110: {  	v2 =	vor.u32 v0, v2  }
0x111: {  	[tilespmem:$0x9D50] =	vst v2  }
0x112: {  	v2 =	vld [tilespmem:s20+$0x120];
	_ =	sdelay $0x4  }
0x113: {  	v2 =	vshll.u32 v2, $0x1  }
0x114: {  	v2 =	vor.u32 v0, v2  }
0x115: {  	[tilespmem:$0x9D60] =	vst v2  }
0x116: {  	v2 =	vld [tilespmem:s20+$0x130];
	_ =	sdelay $0x4  }
0x117: {  	v2 =	vshll.u32 v2, $0x1  }
0x118: {  	v2 =	vor.u32 v0, v2  }
0x119: {  	s10 =	rddreg [dreg:$0x4];
	[tilespmem:$0x9D70] =	vst v2  }
0x11a: {  	[tilespmem:s22], [sflag:$0x4] =	stream.indirect.gather [hbm4b:s2+s15], $0x40, s10, s15, $0xb8;
	[tilespmem:$0x1A010] =	vst v63  }
0x11b: {  	_ =	swait.ge [sflag:s23], $0x1400  }
0x11c: {  	[sflag:s23] =	ssyncset.done $0x0  }
0x11d: {  	s21 =	sadd.s32 $0x4E20, s20;
	s8 =	simm.s32 @!p2 $0xA;
	[sflag:s23] =	ssyncadd.s32 $0xFFFFEC00  }
0x11e: {  	[spmem:s3] =	stream.indirect.scatter.add.f32 [tilespmem:s17], [sflag:$0x6], $0x40, s21, s15, $0xb8;
	[tilespmem:$0x1A010] =	vst v63  }
0x11f: {  	_ =	swait.ge @!p2 [sflag:s8], $0x1400  }
0x120: {  	[sflag:s8] =	ssyncset.done @!p2 $0x0  }
0x121: {  	[sflag:s8] =	ssyncadd.s32 @!p2 $0xFFFFEC00  }
0x122: {  	v2 =	vld [tilespmem:s20+$0x140];
	_ =	sdelay $0x4  }
0x123: {  	v2 =	vshll.u32 v2, $0x1  }
0x124: {  	v2 =	vor.u32 v0, v2  }
0x125: {  	[tilespmem:$0x9D80] =	vst v2  }
0x126: {  	v2 =	vld [tilespmem:s20+$0x150];
	_ =	sdelay $0x4  }
0x127: {  	v2 =	vshll.u32 v2, $0x1  }
0x128: {  	v2 =	vor.u32 v0, v2  }
0x129: {  	[tilespmem:$0x9D90] =	vst v2  }
0x12a: {  	v2 =	vld [tilespmem:s20+$0x160];
	_ =	sdelay $0x4  }
0x12b: {  	v2 =	vshll.u32 v2, $0x1  }
0x12c: {  	v2 =	vor.u32 v0, v2  }
0x12d: {  	[tilespmem:$0x9DA0] =	vst v2  }
0x12e: {  	v2 =	vld [tilespmem:s20+$0x170];
	_ =	sdelay $0x4  }
0x12f: {  	v2 =	vshll.u32 v2, $0x1  }
0x130: {  	v2 =	vor.u32 v0, v2  }
0x131: {  	[tilespmem:$0x9DB0] =	vst v2  }
0x132: {  	v2 =	vld [tilespmem:s20+$0x180];
	_ =	sdelay $0x4  }
0x133: {  	v2 =	vshll.u32 v2, $0x1  }
0x134: {  	v2 =	vor.u32 v0, v2  }
0x135: {  	s8 =	rddreg [dreg:$0x5];
	[tilespmem:$0x9DC0] =	vst v2  }
0x136: {  	[tilespmem:s25], [sflag:$0x5] =	stream.indirect.gather [hbm4b:s2+s15], $0x40, s8, s15, $0xb8;
	[tilespmem:$0x1A010] =	vst v63  }
0x137: {  	_ =	swait.ge [sflag:s26], $0x1400  }
0x138: {  	[sflag:s26] =	ssyncset.done $0x0  }
0x139: {  	s9 =	sadd.s32 $0x4E70, s20;
	[sflag:s26] =	ssyncadd.s32 $0xFFFFEC00  }
0x13a: {  	[spmem:s3] =	stream.indirect.scatter.add.f32 [tilespmem:s19], [sflag:$0x7], $0x40, s9, s15, $0xb8;
	[tilespmem:$0x1A010] =	vst v63  }
0x13b: {  	_ =	swait.ge [sflag:s28], $0x1400  }
0x13c: {  	p2 =	seq.s32 s16, $0x13240;
	[sflag:s28] =	ssyncset.done $0x0  }
0x13d: {  	s7 =	simm.s32 @p2 $0x3;
	[sflag:s28] =	ssyncadd.s32 $0xFFFFEC00  }
0x13e: {  	s8 =	sshra.s32 @p2 s16, $0x2;
	_ =	swait.ge @p2 [sflag:s7], $0x1400  }
0x13f: {  	s21 =	simm.s32 @p2 $0x7;
	s8 =	sadd.s32 @p2 $0x4EC0, s8;
	[sflag:s7] =	ssyncset.done @p2 $0x0  }
0x140: {  	s9 =	simm.s32 @p2 $0xC5D0;
	[sflag:s7] =	ssyncadd.s32 @p2 $0xFFFFEC00;
	s7 =	simm.s32 @p2 $0x50  }
0x141: {  	[spmem:s3] =	stream.indirect.scatter.add.f32 @p2 [tilespmem:s9], [sflag:$0x8], $0x40, s8, s7, $0xb8;
	[tilespmem:$0x1A010] =	vst v63  }
0x142: {  	_ =	swait.ge @p2 [sflag:s21], $0x1400  }
0x143: {  	[sflag:s21] =	ssyncset.done @p2 $0x0  }
0x144: {  	[sflag:s21] =	ssyncadd.s32 @p2 $0xFFFFEC00;
	s21 =	sshra.s32 @!p2 s16, $0x2  }
0x145: {  	v2 =	vld @!p2 [tilespmem:s21+$0x190];
	_ =	sdelay $0x4  }
0x146: {  	v2 =	vshll.u32 @!p2 v2, $0x1  }
0x147: {  	v2 =	vor.u32 @!p2 v0, v2  }
0x148: {  	[tilespmem:$0x9C40] =	vst @!p2 v2  }
0x149: {  	v2 =	vld @!p2 [tilespmem:s21+$0x1A0];
	_ =	sdelay $0x4  }
0x14a: {  	v2 =	vshll.u32 @!p2 v2, $0x1  }
0x14b: {  	v2 =	vor.u32 @!p2 v0, v2  }
0x14c: {  	[tilespmem:$0x9C50] =	vst @!p2 v2  }
0x14d: {  	v2 =	vld @!p2 [tilespmem:s21+$0x1B0];
	_ =	sdelay $0x4  }
0x14e: {  	v2 =	vshll.u32 @!p2 v2, $0x1  }
0x14f: {  	v2 =	vor.u32 @!p2 v0, v2  }
0x150: {  	[tilespmem:$0x9C60] =	vst @!p2 v2  }
0x151: {  	v2 =	vld @!p2 [tilespmem:s21+$0x1C0];
	_ =	sdelay $0x4  }
0x152: {  	v2 =	vshll.u32 @!p2 v2, $0x1  }
0x153: {  	v2 =	vor.u32 @!p2 v0, v2  }
0x154: {  	[tilespmem:$0x9C70] =	vst @!p2 v2  }
0x155: {  	v2 =	vld @!p2 [tilespmem:s21+$0x1D0];
	_ =	sdelay $0x4  }
0x156: {  	v2 =	vshll.u32 @!p2 v2, $0x1  }
0x157: {  	s0 =	smov.u32 s18;
	s10 =	simm.s32 @!p2 $0x9DD0;
	s7 =	simm.s32 @!p2 $0x3;
	v2 =	vor.u32 @!p2 v0, v2  }
0x158: {  	s9 =	simm.s32 @!p2 $0x9C40;
	s16 =	smov.u32 s0;
	s0 =	simm.s32 @!p2 $0x50;
	[tilespmem:$0x9C80] =	vst @!p2 v2  }
0x159: {  	[tilespmem:s10], [sflag:$0x1] =	stream.indirect.gather @!p2 [hbm4b:s2+s0], $0x40, s9, s0, $0xb8;
	[tilespmem:$0x1A010] =	vst v63  }
0x15a: {  	_ =	swait.ge @!p2 [sflag:s7], $0x1400  }
0x15b: {  	s8 =	sadd.s32 @!p2 $0x4EC0, s21;
	[sflag:s7] =	ssyncset.done @!p2 $0x0  }
0x15c: {  	s9 =	simm.s32 @!p2 $0x7;
	[sflag:s7] =	ssyncadd.s32 @!p2 $0xFFFFEC00;
	s7 =	simm.s32 @!p2 $0xC5D0  }
0x15d: {  	[spmem:s3] =	stream.indirect.scatter.add.f32 @!p2 [tilespmem:s7], [sflag:$0x8], $0x40, s8, s0, $0xb8;
	[tilespmem:$0x1A010] =	vst v63  }
0x15e: {  	_ =	swait.ge @!p2 [sflag:s9], $0x1400  }
0x15f: {  	[sflag:s9] =	ssyncset.done @!p2 $0x0  }
0x160: {  	[sflag:s9] =	ssyncadd.s32 @!p2 $0xFFFFEC00  }
0x161: {  	v2 =	vld @!p2 [tilespmem:s21+$0x1E0];
	_ =	sdelay $0x4  }
0x162: {  	v2 =	vshll.u32 @!p2 v2, $0x1  }
0x163: {  	v2 =	vor.u32 @!p2 v0, v2  }
0x164: {  	[tilespmem:$0x9C90] =	vst @!p2 v2  }
0x165: {  	v2 =	vld @!p2 [tilespmem:s21+$0x1F0];
	_ =	sdelay $0x4  }
0x166: {  	v2 =	vshll.u32 @!p2 v2, $0x1  }
0x167: {  	v2 =	vor.u32 @!p2 v0, v2  }
0x168: {  	[tilespmem:$0x9CA0] =	vst @!p2 v2  }
0x169: {  	v2 =	vld @!p2 [tilespmem:s21+$0x200];
	_ =	sdelay $0x4  }
0x16a: {  	v2 =	vshll.u32 @!p2 v2, $0x1  }
0x16b: {  	v2 =	vor.u32 @!p2 v0, v2  }
0x16c: {  	[tilespmem:$0x9CB0] =	vst @!p2 v2  }
0x16d: {  	v2 =	vld @!p2 [tilespmem:s21+$0x210];
	_ =	sdelay $0x4  }
0x16e: {  	v2 =	vshll.u32 @!p2 v2, $0x1  }
0x16f: {  	v2 =	vor.u32 @!p2 v0, v2  }
0x170: {  	[tilespmem:$0x9CC0] =	vst @!p2 v2  }
0x171: {  	v2 =	vld @!p2 [tilespmem:s21+$0x220];
	_ =	sdelay $0x4  }
0x172: {  	v2 =	vshll.u32 @!p2 v2, $0x1  }
0x173: {  	v2 =	vor.u32 @!p2 v0, v2  }
0x174: {  	s8 =	simm.s32 @!p2 $0x9C90;
	s9 =	simm.s32 @!p2 $0xB1D0;
	[tilespmem:$0x9CD0] =	vst @!p2 v2  }
0x175: {  	[tilespmem:s9], [sflag:$0x2] =	stream.indirect.gather @!p2 [hbm4b:s2+s0], $0x40, s8, s0, $0xb8;
	[tilespmem:$0x1A010] =	vst v63  }
0x176: {  	_ =	swait.ge [sflag:s29], $0x1400  }
0x177: {  	[sflag:s29] =	ssyncset.done $0x0  }
0x178: {  	s10 =	sadd.s32 $0x4F10, s20;
	[sflag:s29] =	ssyncadd.s32 $0xFFFFEC00  }
0x179: {  	[spmem:s3] =	stream.indirect.scatter.add.f32 [tilespmem:s22], [sflag:$0x9], $0x40, s10, s15, $0xb8;
	[tilespmem:$0x1A010] =	vst v63  }
0x17a: {  	_ =	swait.ge [sflag:s30], $0x1400  }
0x17b: {  	[sflag:s30] =	ssyncset.done $0x0  }
0x17c: {  	[sflag:s30] =	ssyncadd.s32 $0xFFFFEC00  }
0x17d: {  	v2 =	vld @!p2 [tilespmem:s21+$0x230];
	_ =	sdelay $0x4  }
0x17e: {  	v2 =	vshll.u32 @!p2 v2, $0x1  }
0x17f: {  	v2 =	vor.u32 @!p2 v0, v2  }
0x180: {  	[tilespmem:$0x9CE0] =	vst @!p2 v2  }
0x181: {  	v2 =	vld @!p2 [tilespmem:s21+$0x240];
	_ =	sdelay $0x4  }
0x182: {  	v2 =	vshll.u32 @!p2 v2, $0x1  }
0x183: {  	v2 =	vor.u32 @!p2 v0, v2  }
0x184: {  	[tilespmem:$0x9CF0] =	vst @!p2 v2  }
0x185: {  	v2 =	vld @!p2 [tilespmem:s21+$0x250];
	_ =	sdelay $0x4  }
0x186: {  	v2 =	vshll.u32 @!p2 v2, $0x1  }
0x187: {  	v2 =	vor.u32 @!p2 v0, v2  }
0x188: {  	[tilespmem:$0x9D00] =	vst @!p2 v2  }
0x189: {  	v2 =	vld @!p2 [tilespmem:s21+$0x260];
	_ =	sdelay $0x4  }
0x18a: {  	v2 =	vshll.u32 @!p2 v2, $0x1  }
0x18b: {  	v2 =	vor.u32 @!p2 v0, v2  }
0x18c: {  	[tilespmem:$0x9D10] =	vst @!p2 v2  }
0x18d: {  	v2 =	vld @!p2 [tilespmem:s21+$0x270];
	_ =	sdelay $0x3  }
0x18e: {  	s18 =	sadd.s32 $0x640, s18  }
0x18f: {  	p1 =	sne.s32 s18, $0x13880;
	v2 =	vshll.u32 @!p2 v2, $0x1  }
.Ltmp2:
0x190: {  	v2 =	vor.u32 @!p2 v0, v2;
	(pc) =	sbr.rel @p1 .LBB2_4-.Ltmp2, $4  }
0x191: {  	s8 =	simm.s32 @!p2 $0x9CE0;
	[tilespmem:$0x9D20] =	vst @!p2 v2  }
0x192: {  	[tilespmem:s7], [sflag:$0x3] =	stream.indirect.gather @!p2 [hbm4b:s2+s0], $0x40, s8, s0, $0xb8;
	[tilespmem:$0x1A010] =	vst v63  }
0x193: {  	_ =	swait.ge [sflag:s31], $0x1400  }
0x194: {  	p2 =	seq.s32 s16, $0x0;
	s7 =	sadd.s32 $0x4F60, s20;
	[sflag:s31] =	ssyncset.done $0x0  }
0x195: {  	s0 =	simm.s32 @!p2 $0x9;
	[sflag:s31] =	ssyncadd.s32 $0xFFFFEC00  }
0x196: {  	[spmem:s3] =	stream.indirect.scatter.add.f32 [tilespmem:s25], [sflag:$0xA], $0x40, s7, s15, $0xb8;
	[tilespmem:$0x1A010] =	vst v63  }
0x197: {  	_ =	swait.ge @!p2 [sflag:s0], $0x1400  }
0x198: {  	[sflag:s0] =	ssyncset.done @!p2 $0x0  }
0x199: {  	[sflag:s0] =	ssyncadd.s32 @!p2 $0xFFFFEC00;
	s0 =	sshra.s32 s16, $0x2  }
0x19a: {  	v2 =	vld [tilespmem:s0+$0xF0];
	_ =	sdelay $0x4  }
0x19b: {  	v2 =	vshll.u32 v2, $0x1  }
0x19c: {  	v2 =	vor.u32 v0, v2  }
0x19d: {  	[tilespmem:$0x9D30] =	vst v2  }
0x19e: {  	v2 =	vld [tilespmem:s0+$0x100];
	_ =	sdelay $0x4  }
0x19f: {  	v2 =	vshll.u32 v2, $0x1  }
0x1a0: {  	v2 =	vor.u32 v0, v2  }
0x1a1: {  	[tilespmem:$0x9D40] =	vst v2  }
0x1a2: {  	v2 =	vld [tilespmem:s0+$0x110];
	_ =	sdelay $0x4  }
0x1a3: {  	v2 =	vshll.u32 v2, $0x1  }
0x1a4: {  	v2 =	vor.u32 v0, v2  }
0x1a5: {  	[tilespmem:$0x9D50] =	vst v2  }
0x1a6: {  	v2 =	vld [tilespmem:s0+$0x120];
	_ =	sdelay $0x4  }
0x1a7: {  	v2 =	vshll.u32 v2, $0x1  }
0x1a8: {  	v2 =	vor.u32 v0, v2  }
0x1a9: {  	[tilespmem:$0x9D60] =	vst v2  }
0x1aa: {  	v2 =	vld [tilespmem:s0+$0x130];
	_ =	sdelay $0x4  }
0x1ab: {  	v2 =	vshll.u32 v2, $0x1  }
0x1ac: {  	v2 =	vor.u32 v0, v2  }
0x1ad: {  	s9 =	rddreg [dreg:$0x4];
	[tilespmem:$0x9D70] =	vst v2  }
0x1ae: {  	[tilespmem:s22], [sflag:$0x4] =	stream.indirect.gather [hbm4b:s2+s15], $0x40, s9, s15, $0xb8;
	[tilespmem:$0x1A010] =	vst v63  }
0x1af: {  	_ =	swait.ge [sflag:s23], $0x1400  }
0x1b0: {  	[sflag:s23] =	ssyncset.done $0x0  }
0x1b1: {  	s8 =	simm.s32 @!p2 $0xA;
	s10 =	sadd.s32 $0x4E20, s0;
	[sflag:s23] =	ssyncadd.s32 $0xFFFFEC00  }
0x1b2: {  	[spmem:s3] =	stream.indirect.scatter.add.f32 [tilespmem:s17], [sflag:$0x6], $0x40, s10, s15, $0xb8;
	[tilespmem:$0x1A010] =	vst v63  }
0x1b3: {  	_ =	swait.ge @!p2 [sflag:s8], $0x1400  }
0x1b4: {  	[sflag:s8] =	ssyncset.done @!p2 $0x0  }
0x1b5: {  	[sflag:s8] =	ssyncadd.s32 @!p2 $0xFFFFEC00  }
0x1b6: {  	v2 =	vld [tilespmem:s0+$0x140];
	_ =	sdelay $0x4  }
0x1b7: {  	v2 =	vshll.u32 v2, $0x1  }
0x1b8: {  	v2 =	vor.u32 v0, v2  }
0x1b9: {  	[tilespmem:$0x9D80] =	vst v2  }
0x1ba: {  	v2 =	vld [tilespmem:s0+$0x150];
	_ =	sdelay $0x4  }
0x1bb: {  	v2 =	vshll.u32 v2, $0x1  }
0x1bc: {  	v2 =	vor.u32 v0, v2  }
0x1bd: {  	[tilespmem:$0x9D90] =	vst v2  }
0x1be: {  	v2 =	vld [tilespmem:s0+$0x160];
	_ =	sdelay $0x4  }
0x1bf: {  	v2 =	vshll.u32 v2, $0x1  }
0x1c0: {  	v2 =	vor.u32 v0, v2  }
0x1c1: {  	[tilespmem:$0x9DA0] =	vst v2  }
0x1c2: {  	v2 =	vld [tilespmem:s0+$0x170];
	_ =	sdelay $0x4  }
0x1c3: {  	v2 =	vshll.u32 v2, $0x1  }
0x1c4: {  	v2 =	vor.u32 v0, v2  }
0x1c5: {  	[tilespmem:$0x9DB0] =	vst v2  }
0x1c6: {  	v2 =	vld [tilespmem:s0+$0x180];
	_ =	sdelay $0x4  }
0x1c7: {  	v2 =	vshll.u32 v2, $0x1  }
0x1c8: {  	v2 =	vor.u32 v0, v2  }
0x1c9: {  	s18 =	rddreg [dreg:$0x5];
	[tilespmem:$0x9DC0] =	vst v2  }
0x1ca: {  	[tilespmem:s25], [sflag:$0x5] =	stream.indirect.gather [hbm4b:s2+s15], $0x40, s18, s15, $0xb8;
	[tilespmem:$0x1A010] =	vst v63  }
0x1cb: {  	_ =	swait.ge [sflag:s26], $0x1400  }
0x1cc: {  	[sflag:s26] =	ssyncset.done $0x0  }
0x1cd: {  	s20 =	sadd.s32 $0x4E70, s0;
	[sflag:s26] =	ssyncadd.s32 $0xFFFFEC00  }
0x1ce: {  	[spmem:s3] =	stream.indirect.scatter.add.f32 [tilespmem:s19], [sflag:$0x7], $0x40, s20, s15, $0xb8;
	[tilespmem:$0x1A010] =	vst v63  }
0x1cf: {  	_ =	swait.ge [sflag:s28], $0x1400  }
0x1d0: {  	p1 =	seq.s32 s16, $0x13240;
	[sflag:s28] =	ssyncset.done $0x0  }
0x1d1: {  	s7 =	simm.s32 @p1 $0x3;
	[sflag:s28] =	ssyncadd.s32 $0xFFFFEC00  }
0x1d2: {  	s9 =	simm.s32 @p1 $0x7;
	_ =	swait.ge @p1 [sflag:s7], $0x1400  }
0x1d3: {  	s10 =	simm.s32 @p1 $0xC5D0;
	s8 =	sshra.s32 @p1 s16, $0x2;
	[sflag:s7] =	ssyncset.done @p1 $0x0  }
0x1d4: {  	s8 =	sadd.s32 @p1 $0x4EC0, s8;
	[sflag:s7] =	ssyncadd.s32 @p1 $0xFFFFEC00;
	s7 =	simm.s32 @p1 $0x50  }
0x1d5: {  	[spmem:s3] =	stream.indirect.scatter.add.f32 @p1 [tilespmem:s10], [sflag:$0x8], $0x40, s8, s7, $0xb8;
	[tilespmem:$0x1A010] =	vst v63  }
0x1d6: {  	_ =	swait.ge @p1 [sflag:s9], $0x1400  }
0x1d7: {  	[sflag:s9] =	ssyncset.done @p1 $0x0  }
0x1d8: {  	s7 =	sshra.s32 @!p1 s16, $0x2;
	[sflag:s9] =	ssyncadd.s32 @p1 $0xFFFFEC00  }
0x1d9: {  	v2 =	vld @!p1 [tilespmem:s7+$0x190];
	_ =	sdelay $0x4  }
0x1da: {  	v2 =	vshll.u32 @!p1 v2, $0x1  }
0x1db: {  	v2 =	vor.u32 @!p1 v0, v2  }
0x1dc: {  	[tilespmem:$0x9C40] =	vst @!p1 v2  }
0x1dd: {  	v2 =	vld @!p1 [tilespmem:s7+$0x1A0];
	_ =	sdelay $0x4  }
0x1de: {  	v2 =	vshll.u32 @!p1 v2, $0x1  }
0x1df: {  	v2 =	vor.u32 @!p1 v0, v2  }
0x1e0: {  	[tilespmem:$0x9C50] =	vst @!p1 v2  }
0x1e1: {  	v2 =	vld @!p1 [tilespmem:s7+$0x1B0];
	_ =	sdelay $0x4  }
0x1e2: {  	v2 =	vshll.u32 @!p1 v2, $0x1  }
0x1e3: {  	v2 =	vor.u32 @!p1 v0, v2  }
0x1e4: {  	[tilespmem:$0x9C60] =	vst @!p1 v2  }
0x1e5: {  	v2 =	vld @!p1 [tilespmem:s7+$0x1C0];
	_ =	sdelay $0x4  }
0x1e6: {  	v2 =	vshll.u32 @!p1 v2, $0x1  }
0x1e7: {  	v2 =	vor.u32 @!p1 v0, v2  }
0x1e8: {  	[tilespmem:$0x9C70] =	vst @!p1 v2  }
0x1e9: {  	v2 =	vld @!p1 [tilespmem:s7+$0x1D0];
	_ =	sdelay $0x4  }
0x1ea: {  	v2 =	vshll.u32 @!p1 v2, $0x1  }
0x1eb: {  	s8 =	simm.s32 @!p1 $0x50;
	v2 =	vor.u32 @!p1 v0, v2  }
0x1ec: {  	s10 =	simm.s32 @!p1 $0x9C40;
	s16 =	simm.s32 @!p1 $0x9DD0;
	s9 =	simm.s32 @!p1 $0x3;
	[tilespmem:$0x9C80] =	vst @!p1 v2  }
0x1ed: {  	[tilespmem:s16], [sflag:$0x1] =	stream.indirect.gather @!p1 [hbm4b:s2+s8], $0x40, s10, s8, $0xb8;
	[tilespmem:$0x1A010] =	vst v63  }
0x1ee: {  	_ =	swait.ge @!p1 [sflag:s9], $0x1400  }
0x1ef: {  	s10 =	sadd.s32 @!p1 $0x4EC0, s7;
	[sflag:s9] =	ssyncset.done @!p1 $0x0  }
0x1f0: {  	s16 =	simm.s32 @!p1 $0x7;
	[sflag:s9] =	ssyncadd.s32 @!p1 $0xFFFFEC00;
	s9 =	simm.s32 @!p1 $0xC5D0  }
0x1f1: {  	[spmem:s3] =	stream.indirect.scatter.add.f32 @!p1 [tilespmem:s9], [sflag:$0x8], $0x40, s10, s8, $0xb8;
	[tilespmem:$0x1A010] =	vst v63  }
0x1f2: {  	_ =	swait.ge @!p1 [sflag:s16], $0x1400  }
0x1f3: {  	[sflag:s16] =	ssyncset.done @!p1 $0x0  }
0x1f4: {  	[sflag:s16] =	ssyncadd.s32 @!p1 $0xFFFFEC00  }
0x1f5: {  	v2 =	vld @!p1 [tilespmem:s7+$0x1E0];
	_ =	sdelay $0x4  }
0x1f6: {  	v2 =	vshll.u32 @!p1 v2, $0x1  }
0x1f7: {  	v2 =	vor.u32 @!p1 v0, v2  }
0x1f8: {  	[tilespmem:$0x9C90] =	vst @!p1 v2  }
0x1f9: {  	v2 =	vld @!p1 [tilespmem:s7+$0x1F0];
	_ =	sdelay $0x4  }
0x1fa: {  	v2 =	vshll.u32 @!p1 v2, $0x1  }
0x1fb: {  	v2 =	vor.u32 @!p1 v0, v2  }
0x1fc: {  	[tilespmem:$0x9CA0] =	vst @!p1 v2  }
0x1fd: {  	v2 =	vld @!p1 [tilespmem:s7+$0x200];
	_ =	sdelay $0x4  }
0x1fe: {  	v2 =	vshll.u32 @!p1 v2, $0x1  }
0x1ff: {  	v2 =	vor.u32 @!p1 v0, v2  }
0x200: {  	[tilespmem:$0x9CB0] =	vst @!p1 v2  }
0x201: {  	v2 =	vld @!p1 [tilespmem:s7+$0x210];
	_ =	sdelay $0x4  }
0x202: {  	v2 =	vshll.u32 @!p1 v2, $0x1  }
0x203: {  	v2 =	vor.u32 @!p1 v0, v2  }
0x204: {  	[tilespmem:$0x9CC0] =	vst @!p1 v2  }
0x205: {  	v2 =	vld @!p1 [tilespmem:s7+$0x220];
	_ =	sdelay $0x4  }
0x206: {  	v2 =	vshll.u32 @!p1 v2, $0x1  }
0x207: {  	v2 =	vor.u32 @!p1 v0, v2  }
0x208: {  	s10 =	simm.s32 @!p1 $0x9C90;
	s16 =	simm.s32 @!p1 $0xB1D0;
	[tilespmem:$0x9CD0] =	vst @!p1 v2  }
0x209: {  	[tilespmem:s16], [sflag:$0x2] =	stream.indirect.gather @!p1 [hbm4b:s2+s8], $0x40, s10, s8, $0xb8;
	[tilespmem:$0x1A010] =	vst v63  }
0x20a: {  	_ =	swait.ge [sflag:s29], $0x1400  }
0x20b: {  	[sflag:s29] =	ssyncset.done $0x0  }
0x20c: {  	s21 =	sadd.s32 $0x4F10, s0;
	[sflag:s29] =	ssyncadd.s32 $0xFFFFEC00  }
0x20d: {  	[spmem:s3] =	stream.indirect.scatter.add.f32 [tilespmem:s22], [sflag:$0x9], $0x40, s21, s15, $0xb8;
	[tilespmem:$0x1A010] =	vst v63  }
0x20e: {  	_ =	swait.ge [sflag:s30], $0x1400  }
0x20f: {  	[sflag:s30] =	ssyncset.done $0x0  }
0x210: {  	[sflag:s30] =	ssyncadd.s32 $0xFFFFEC00  }
0x211: {  	v2 =	vld @!p1 [tilespmem:s7+$0x230];
	_ =	sdelay $0x4  }
0x212: {  	v2 =	vshll.u32 @!p1 v2, $0x1  }
0x213: {  	v2 =	vor.u32 @!p1 v0, v2  }
0x214: {  	[tilespmem:$0x9CE0] =	vst @!p1 v2  }
0x215: {  	v2 =	vld @!p1 [tilespmem:s7+$0x240];
	_ =	sdelay $0x4  }
0x216: {  	v2 =	vshll.u32 @!p1 v2, $0x1  }
0x217: {  	v2 =	vor.u32 @!p1 v0, v2  }
0x218: {  	[tilespmem:$0x9CF0] =	vst @!p1 v2  }
0x219: {  	v2 =	vld @!p1 [tilespmem:s7+$0x250];
	_ =	sdelay $0x4  }
0x21a: {  	v2 =	vshll.u32 @!p1 v2, $0x1  }
0x21b: {  	v2 =	vor.u32 @!p1 v0, v2  }
0x21c: {  	[tilespmem:$0x9D00] =	vst @!p1 v2  }
0x21d: {  	v2 =	vld @!p1 [tilespmem:s7+$0x260];
	_ =	sdelay $0x4  }
0x21e: {  	v2 =	vshll.u32 @!p1 v2, $0x1  }
0x21f: {  	v2 =	vor.u32 @!p1 v0, v2  }
0x220: {  	[tilespmem:$0x9D10] =	vst @!p1 v2  }
0x221: {  	v2 =	vld @!p1 [tilespmem:s7+$0x270];
	_ =	sdelay $0x4  }
0x222: {  	v2 =	vshll.u32 @!p1 v2, $0x1  }
0x223: {  	v2 =	vor.u32 @!p1 v0, v2  }
0x224: {  	s7 =	simm.s32 @!p1 $0x9CE0;
	[tilespmem:$0x9D20] =	vst @!p1 v2  }
0x225: {  	[tilespmem:s9], [sflag:$0x3] =	stream.indirect.gather @!p1 [hbm4b:s2+s8], $0x40, s7, s8, $0xb8;
	[tilespmem:$0x1A010] =	vst v63  }
0x226: {  	_ =	swait.ge [sflag:s31], $0x1400  }
0x227: {  	[sflag:s31] =	ssyncset.done $0x0  }
0x228: {  	s0 =	sadd.s32 $0x4F60, s0;
	[sflag:s31] =	ssyncadd.s32 $0xFFFFEC00  }
0x229: {  	[spmem:s3] =	stream.indirect.scatter.add.f32 [tilespmem:s25], [sflag:$0xA], $0x40, s0, s15, $0xb8;
	[tilespmem:$0x1A010] =	vst v63  }
0x22a: {  	_ =	swait.ge [sflag:s1], $0x1400  }
0x22b: {  	[sflag:s1] =	ssyncset.done $0x0  }
0x22c: {  	[sflag:s1] =	ssyncadd.s32 $0xFFFFEC00  }
0x22d: {  	_ =	swait.ge [sflag:s14], $0x1400  }
0x22e: {  	[sflag:s14] =	ssyncset.done $0x0  }
0x22f: {  	s4 =	sadd.s32 $0x1, s4;
	s7 =	simm.s32 @p0 $0x10;
	[sflag:s14] =	ssyncadd.s32 $0xFFFFEC00  }
0x230: {  	s8 =	simm.s32 @p0 $0x8;
	s9 =	simm.s32 @p0 $0x1FCB;
	[bflag:$0x0] =	sbarrier.arrive $0xFFFF  }
0x231: {  	p1 =	sne.s32 s4, s11;
	s0 =	simm.s32 @p0 $0x1;
	s10 =	rddreg [dreg:$0x9]  }
0x232: {  	[hbm:s10@s7], [sflag:s9] =	dma.strided @p0 [spmem:s24@s8], $0x1040, s0, $0x8   }
0x233: {  	s0 =	simm.s32 @p0 $0xB;
	s7 =	stileid.u32;
	s8 =	simm.s32 @!p0 $0x1  }
0x234: {  	s9 =	simm.s32 @!p0 $0x10;
	s10 =	simm.s32 @!p0 $0x8;
	_ =	swait.ge @p0 [sflag:s0], $0x1040  }
0x235: {  	s7 =	sshll.u32 @!p0 s7, $0x6;
	[sflag:s0] =	ssyncset.done @p0 $0x0;
	s16 =	rddreg [dreg:$0x8]  }
0x236: {  	[sflag:s0] =	ssyncadd.s32 @p0 $0xFFFFEFC0;
	s0 =	sor.u32 @!p0 $0x1C0B, s7;
	s7 =	sshrl.u32 @!p0 s6, $0x3  }
0x237: {  	[hbm:s16@s9], [sflag:s0] =	dma.strided @!p0 [spmem:s7@s10], $0x13C0, s8, $0x8   }
.Ltmp3:
0x238: {  	_ = 	snop;
	(pc) =	sbr.rel @p1 .LBB2_1-.Ltmp3, $4  }
0x239: {  	s0 =	simm.s32 @!p0 $0xB  }
0x23a: {  	_ =	swait.ge @!p0 [sflag:s0], $0x13C0  }
0x23b: {  	[sflag:s0] =	ssyncset.done @!p0 $0x0  }
0x23c: {  	[sflag:s0] =	ssyncadd.s32 @!p0 $0xFFFFEC40  }
0x23d: {  	_ =	sfence.sel $0x180000  }
0x23e: {  	[bflag:$0x0] =	sbarrier.arrive $0xFFFF  }
0x23f: {  	_ =	strace $0x9000004A  }
0x240: {  	s0 =	stileid.u32;
	[bflag:$0x2] =	sbarrier.arrive $0xFFFF  }
0x241: {  	p0 =	sne.s32 s0, $0x0;
	s0 =	rddreg [dreg:$0x3]  }
0x242: {  	s0 =	sadd.s32 @!p0 $0x100000, s0  }
0x243: {  	[sflag:s0] =	ssyncadd.tile.s32 @!p0 $0x1;
	_ =	shalt  }
.Lfunc_end2:
_tile_overlayer_lowered:
.L_overlay_start_2:
0x244: {  	(tag) =	ssettag $0x2  }
0x245: {  	s0 =	rddreg [dreg:$0x0];
	s2 =	stileid.u32  }
0x246: {  	s1 =	rddreg [dreg:$0x1];
	p0 =	sne.s32 s2, $0x0  }
0x247: {  	s3 =	rddreg [dreg:$0x2];
	[bflag:$0x3] =	sbarrier.arrive $0xFFFF;
	s2 =	simm.s32 @!p0 $0x1C0B  }
0x248: {  	[timem:s3], [sflag:s2] =	dma.local @!p0 [hbm:s0], s1  }
0x249: {  	s0 =	simm.s32 @!p0 $0xB  }
0x24a: {  	_ =	swait.ge @!p0 [sflag:s0], s1  }
0x24b: {  	s1 =	ssub.s32 @!p0 $0x0, s1;
	[sflag:s0] =	ssyncset.done @!p0 $0x0  }
0x24c: {  	[sflag:s0] =	ssyncadd.s32 @!p0 s1  }
0x24d: {  	[bflag:$0x3] =	sbarrier.arrive $0xFFFF  }
0x24e: {  	_ =	shalt  }

// kernel: kernel.15.cloned.1.call-start
scs
__scs_entry_jumppad:
0x0: {  	(pc) =	sbr.rel $0x88, $3  }
0x1: {  	(tag) =	ssettag $0x0;
	lr =	simm.s32 $0x1  }
0x2: {  	[smem:$0x3F9B] =	sst lr;
	_ =	strace $0xD0000000  }
0x3: {  	_ = 	snop  }
0x4: {  	_ = 	snop  }
0x5: {  	_ = 	snop  }
0x6: {  	_ = 	snop  }
0x7: {  	_ = 	snop  }
__scs_overlays_trampoline_lowered:
0x8: {  	[smem:$0x3FAA] =	sst s0  }
0x9: {  	[smem:$0x3FAB] =	sst s1  }
0xa: {  	[smem:$0x3FAC] =	sst s2  }
0xb: {  	[smem:$0x3FAD] =	sst s3  }
0xc: {  	[smem:$0x3FAE] =	sst s4  }
0xd: {  	[smem:$0x3FAF] =	sst s5  }
0xe: {  	[smem:$0x3FB0] =	sst s6  }
0xf: {  	[smem:$0x3FB1] =	sst s7  }
0x10: {  	[smem:$0x3FB2] =	sst s8  }
0x11: {  	[smem:$0x3FB3] =	sst s9;
	s0 =	simm.s32 @!p0 $0x0  }
0x12: {  	s1 =	sld [smem:$0x3F99];
	s0 =	simm.s32 @p0 $0x1  }
0x13: {  	[smem:$0x3FB4] =	sst s0;
	s0 =	simm.s32 @!p1 $0x0  }
0x14: {  	s2 =	sld [smem:$0x3F98];
	s0 =	simm.s32 @p1 $0x1  }
0x15: {  	[smem:$0x3FB5] =	sst s0;
	s0 =	simm.s32 @!p2 $0x0  }
0x16: {  	s3 =	sld [smem:$0x3FDB];
	s0 =	simm.s32 @p2 $0x1  }
0x17: {  	s4 =	simm.s32 $0x1BF5;
	[smem:$0x3FB7] =	sst s0  }
0x18: {  	s0 =	sld [smem:$0x3F9A];
	_ =	swait.ge [sflag:s4], $0x0  }
0x19: {  	s7 =	sld [smem:$0x3F9B]  }
0x1a: {  	s8 =	sadd.s32 $0xFFFFE003, lr  }
0x1b: {  	s9 =	sadd.s32 $0xFFFFFEF7, lr;
	s5 =	simm.s32 $0xFFFFFFFF;
	p2 =	slt.u32 s8, $0xFFFFF086  }
0x1c: {  	p1 =	slt.u32 s9, $0xF7A;
	s5 =	simm.s32 @!p2 $0x0  }
0x1d: {  	s5 =	simm.s32 @p1 $0x1;
	p0 =	seq.s32 s7, s2  }
0x1e: {  	s7 =	smul.u32 @!p0 $0xF7A, s2;
	p2 =	seq.s32 @!p0 s5, $0x0  }
0x1f: {  	s9 =	smul.u32 $0xF7A, s1;
	s8 =	simm.s32 @!p0 $0x1BF5;
	p2 =	por !p2, p0  }
0x20: {  	[sflag:s8] =	ssyncset.s32 @!p0 $0xFFFFF086;
	s6 =	sadd.s32 @!p0 s3, s7;
	s7 =	simm.s32 @!p0 $0x108  }
0x21: {  	s3 =	sadd.s32 s3, s9;
	s6 =	sadd.s32 @!p0 $0x88, s6;
	s7 =	simm.s32 @p2 $0x1082  }
0x22: {  	[simem:s7], [sflag:s8] =	dma.local @!p0 [hbm:s6], $0xF7A  }
0x23: {  	s9 =	sor.u32 $0xD0000000, s2;
	s6 =	simm.s32 $0x108;
	_ =	swait.ge @!p0 [sflag:s8], $0x0  }
0x24: {  	s3 =	sadd.s32 $0x88, s3;
	s6 =	simm.s32 @!p1 $0x1082;
	[sflag:s4] =	ssyncset.s32 $0xFFFFF086  }
0x25: {  	[simem:s6], [sflag:s4] =	dma.local [hbm:s3], $0xF7A  }
0x26: {  	[smem:$0x3F9B] =	sst s1;
	(tag) =	ssettag s2;
	_ =	strace s9  }
0x27: {  	s1 =	sld [smem:$0x3FAB]  }
0x28: {  	s2 =	sld [smem:$0x3FAC]  }
0x29: {  	s4 =	sld [smem:$0x3FAE]  }
0x2a: {  	p0 =	seq.s32 s5, $0x0;
	s5 =	sld [smem:$0x3FAF]  }
0x2b: {  	s6 =	sld [smem:$0x3FB0]  }
0x2c: {  	s7 =	sld [smem:$0x3FB1]  }
0x2d: {  	s3 =	simm.s32 $0x108;
	s8 =	sld [smem:$0x3FB2]  }
0x2e: {  	s3 =	simm.s32 @!p0 $0x1082;
	s9 =	sld [smem:$0x3FB3]  }
0x2f: {  	lr =	sadd.s32 s0, s3;
	s0 =	sld [smem:$0x3FAA]  }
0x30: {  	s3 =	sld [smem:$0x3FAD]  }
0x31: {  	[smem:$0x3FB6] =	sst s10  }
0x32: {  	s10 =	sld [smem:$0x3FB4];
	_ =	sdelay $0x3  }
0x33: {  	p0 =	seq.s32 s10, $0x1;
	s10 =	sld [smem:$0x3FB6];
	_ =	sdelay $0x3  }
0x34: {  	[smem:$0x3FB6] =	sst s10  }
0x35: {  	s10 =	sld [smem:$0x3FB5];
	_ =	sdelay $0x3  }
0x36: {  	p1 =	seq.s32 s10, $0x1;
	s10 =	sld [smem:$0x3FB6];
	_ =	sdelay $0x3  }
0x37: {  	[smem:$0x3FB6] =	sst s10  }
0x38: {  	s10 =	sld [smem:$0x3FB7]  }
0x39: {  	_ = 	snop;
	(pc) =	sbr.ind lr, $3  }
0x3a: {  	_ = 	snop  }
0x3b: {  	_ = 	snop  }
0x3c: {  	p2 =	seq.s32 s10, $0x1;
	s10 =	sld [smem:$0x3FB6]  }
0x3d: {  	_ =	shalt  }
0x3e: {  	_ =	shalt  }
0x3f: {  	_ =	shalt  }
0x40: {  	_ =	shalt  }
0x41: {  	_ =	shalt  }
0x42: {  	_ =	shalt  }
0x43: {  	_ =	shalt  }
0x44: {  	_ =	shalt  }
0x45: {  	_ =	shalt  }
0x46: {  	_ =	shalt  }
0x47: {  	_ =	shalt  }
0x48: {  	_ =	shalt  }
0x49: {  	_ =	shalt  }
0x4a: {  	_ =	shalt  }
0x4b: {  	_ =	shalt  }
0x4c: {  	_ =	shalt  }
0x4d: {  	_ =	shalt  }
0x4e: {  	_ =	shalt  }
0x4f: {  	_ =	shalt  }
0x50: {  	_ =	shalt  }
0x51: {  	_ =	shalt  }
0x52: {  	_ =	shalt  }
0x53: {  	_ =	shalt  }
0x54: {  	_ =	shalt  }
0x55: {  	_ =	shalt  }
0x56: {  	_ =	shalt  }
0x57: {  	_ =	shalt  }
0x58: {  	_ =	shalt  }
0x59: {  	_ =	shalt  }
0x5a: {  	_ =	shalt  }
0x5b: {  	_ =	shalt  }
0x5c: {  	_ =	shalt  }
0x5d: {  	_ =	shalt  }
0x5e: {  	_ =	shalt  }
0x5f: {  	_ =	shalt  }
0x60: {  	_ =	shalt  }
0x61: {  	_ =	shalt  }
0x62: {  	_ =	shalt  }
0x63: {  	_ =	shalt  }
0x64: {  	_ =	shalt  }
0x65: {  	_ =	shalt  }
0x66: {  	_ =	shalt  }
0x67: {  	_ =	shalt  }
0x68: {  	_ =	shalt  }
0x69: {  	_ =	shalt  }
0x6a: {  	_ =	shalt  }
0x6b: {  	_ =	shalt  }
0x6c: {  	_ =	shalt  }
0x6d: {  	_ =	shalt  }
0x6e: {  	_ =	shalt  }
0x6f: {  	_ =	shalt  }
0x70: {  	_ =	shalt  }
0x71: {  	_ =	shalt  }
0x72: {  	_ =	shalt  }
0x73: {  	_ =	shalt  }
0x74: {  	_ =	shalt  }
0x75: {  	_ =	shalt  }
0x76: {  	_ =	shalt  }
0x77: {  	_ =	shalt  }
0x78: {  	_ =	shalt  }
0x79: {  	_ =	shalt  }
0x7a: {  	_ =	shalt  }
0x7b: {  	_ =	shalt  }
0x7c: {  	_ =	shalt  }
0x7d: {  	_ =	shalt  }
0x7e: {  	_ =	shalt  }
0x7f: {  	_ =	shalt  }
0x80: {  	_ =	shalt  }
0x81: {  	_ =	shalt  }
0x82: {  	_ =	shalt  }
0x83: {  	_ =	shalt  }
0x84: {  	_ =	shalt  }
0x85: {  	_ =	shalt  }
0x86: {  	_ =	shalt  }
0x87: {  	_ =	shalt  }
.Lfunc_end0:
.L_simem_size_0:
called_computation.2_lowered:
.L_overlay_start_0:
0x88: {  	s2 =	sld [smem:$0x3FD9]  }
0x89: {  	s3 =	sld [smem:$0x3FFE];
	_ =	sdelay $0x1  }
0x8a: {  	s1 =	srdreg.scid  }
0x8b: {  	s0 =	sand.u32 $0x1, s1  }
0x8c: {  	s17 =	sshll.u32 s0, $0xA;
	s2 =	sadd.s32 s3, s2  }
0x8d: {  	s2 =	sadd.s32 s2, s17  }
0x8e: {  	[smem:$0x3FC2] =	sst s2  }
0x8f: {  	_ = 	snop  }
0x90: {  	s2 =	sld [smem:$0x3FD0];
	(tm) =	ssettm $0x1  }
0x91: {  	s18 =	sld [smem:$0x3FFB];
	_ =	sdelay $0x3  }
0x92: {  	_ =	strace s18  }
0x93: {  	s3 =	sld [smem:$0x3FFC];
	_ =	sdelay $0x3  }
0x94: {  	_ =	strace s3  }
0x95: {  	s3 =	sld [smem:$0x3FFD];
	_ =	sdelay $0x3  }
0x96: {  	_ =	strace s3  }
0x97: {  	_ =	strace $0x8FFFFFFF  }
0x98: {  	s19 =	sld [smem:$0x3FDB];
	_ =	sdelay $0x1  }
0x99: {  	s4 =	simm.s32 $_scs_section_size  }
0x9a: {  	s5 =	simm.s32 $_size__tile_overlayer_lowered;
	s6 =	simm.s32 $_tile_overlayer_lowered  }
0x9b: {  	s22 =	simm.s32 $0x1BFF;
	s21 =	sshll.u32 s6, $0x1;
	s3 =	sadd.s32 s4, s19  }
0x9c: {  	s7 =	simm.s32 $0x0;
	s20 =	sshll.u32 s5, $0x1;
	s5 =	sadd.s32 s21, s3  }
0x9d: {  	[timem:s7], [sflag:s22] =	dma.local [hbm:s5], s20  }
0x9e: {  	_ =	swait.ge [sflag:s22], s20  }
0x9f: {  	s4 =	ssub.s32 $0x0, s20;
	[sflag:s22] =	ssyncset.done $0x0  }
0xa0: {  	[sflag:s22] =	ssyncadd.s32 s4;
	_ =	sdelay $0x1  }
0xa1: {  	s23 =	simm.s32 $0x1B8B  }
0xa2: {  	_ =	swait.ge [sflag:s23], $0x1  }
0xa3: {  	[sflag:s23] =	ssyncset.done $0x0  }
0xa4: {  	s25 =	simm.s32 $0x1B8E;
	s24 =	sld [smem:$0x3FFE];
	[sflag:s23] =	ssyncadd.s32 $0xFFFFFFFF  }
0xa5: {  	s26 =	simm.s32 $execute0_lowered;
	[smem:$0x3FD2] =	sst s25  }
0xa6: {  	s5 =	sshll.u32 s26, $0x1;
	_ =	strace $0x8000004C;
	[dreg:$0x1] =	wrdreg $0xFFFFFFFF  }
0xa7: {  	s28 =	simm.s32 $_size_execute0_lowered;
	s3 =	sadd.s32 s3, s5;
	[dreg:$0x0] =	wrdreg $0x0  }
0xa8: {  	s5 =	sshll.u32 s28, $0x1;
	[dreg:$0x2] =	wrdreg s3  }
0xa9: {  	[dreg:$0x3] =	wrdreg s5  }
0xaa: {  	[dreg:$0x4] =	wrdreg $0xC0  }
0xab: {  	_ =	task [dreg:s7], $0x5FFFF  }
0xac: {  	[dreg:$0x1] =	wrdreg $0xFFFFFFFF  }
0xad: {  	[dreg:$0x0] =	wrdreg $0x60  }
0xae: {  	[dreg:$0x2] =	wrdreg s2  }
0xaf: {  	[dreg:$0x3] =	wrdreg s24  }
0xb0: {  	[dreg:$0x4] =	wrdreg $0x103D00  }
0xb1: {  	[dreg:$0x5] =	wrdreg $0x9  }
0xb2: {  	_ =	task.clear_ibuf [dreg:s7], $0x6FFFF;
	_ =	strace $0x9000004C  }
0xb3: {  	s29 =	simm.s32 $0x9;
	_ =	strace $0x8000004E  }
0xb4: {  	_ =	swait.ge [sflag:s29], $0x1  }
0xb5: {  	[sflag:s29] =	ssyncadd.s32 $0xFFFFFFFF  }
0xb6: {  	_ =	strace $0x9000004E  }
0xb7: {  	_ =	sfence  }
0xb8: {  	s30 =	sld [smem:$0x0];
	_ =	sdelay $0x2  }
0xb9: {  	s31 =	sshll.u32 s1, $0xD;
	s1 =	sshrl.u32 s1, $0x2  }
0xba: {  	s3 =	sand.u32 $0x4000, s31;
	s1 =	sadd.s32 s1, s30  }
0xbb: {  	s0 =	sor.u32 s3, s0;
	s1 =	sshll.u32 s1, $0x11  }
0xbc: {  	s0 =	sor.u32 s1, s0  }
0xbd: {  	s0 =	sadd.s32 $0x8F2B, s0  }
0xbe: {  	[sflag:s0] =	ssyncadd.remote.s32 $0x1  }
0xbf: {  	_ =	sfence.sel $0xFFFF  }
0xc0: {  	[dreg:$0x0] =	wrdreg $0xFFFFFFFF;
	(pc) =	sbr.abs _section_cstart, $3  }
0xc1: {  	[dreg:$0x1] =	wrdreg $0xFFFFFFFF  }
0xc2: {  	_ =	task.clear_ibuf [dreg:s7], $0x2FFFF;
	_ =	strace $0x9FFFFFFF  }
0xc3: {  	(tm) =	ssettm $0x7FFFFFFF  }
tec
execute0_lowered:
.L_overlay_start_1:
0x0: {  	(tag) =	ssettag $0x1  }
0x1: {  	s2 =	rddreg [dreg:$0x0]  }
0x2: {  	s0 =	rddreg [dreg:$0x1]  }
0x3: {  	s3 =	rddreg [dreg:$0x2];
	s9 =	stileid.u32  }
0x4: {  	s5 =	srdreg.scid;
	s4 =	simm.s32 $0x0;
	s12 =	simm.s32 $0x101D0  }
0x5: {  	s13 =	simm.s32 $0xB;
	s15 =	simm.s32 $0x50;
	s17 =	simm.s32 $0x9DD0  }
0x6: {  	s19 =	simm.s32 $0xB1D0;
	s25 =	simm.s32 $0x9D30;
	s26 =	simm.s32 $0x9D80  }
0x7: {  	s28 =	simm.s32 $0x6;
	s29 =	simm.s32 $0x4;
	s30 =	simm.s32 $0x8  }
0x8: {  	s31 =	simm.s32 $0x5;
	s14 =	simm.s32 $0xA;
	s1 =	smul.u32 $0x4E20, s9  }
0x9: {  	s7 =	sand.u32 $0x1, s5;
	[smem:$0x7FF] =	sst s4;
	s22 =	smul.u32 $0x27800, s9  }
0xa: {  	p0 =	seq.s32 s9, $0xF;
	s9 =	smul.u32 $0x13C00, s9;
	s5 =	ssub.s32 $0x2, s7  }
0xb: {  	_ =	strace $0x8000004D;
	s10 =	sshll.u32 s7, $0x6;
	[dreg:$0x4] =	wrdreg s25  }
0xc: {  	s23 =	sshll.u32 s7, $0x3;
	[dreg:$0x5] =	wrdreg s26;
	s25 =	simm.s32 $0xEDD0  }
0xd: {  	s26 =	simm.s32 $0x2;
	s1 =	sshrl.u32 s1, $0x3;
	s6 =	sshrl.u32 s5, $0x1  }
0xe: {  	s9 =	sor.u32 s10, s9;
	s1 =	sadd.s32 s1, s0;
	s0 =	sadd.s32 $0x64800, s0  }
0xf: {  	s8 =	ssub.s32 s5, s6;
	s5 =	simm.s32 $0x41;
	s6 =	sshrl.u32 s22, $0x2  }
0x10: {  	s9 =	sshrl.u32 s9, $0x3;
	s22 =	simm.s32 $0xD9D0;
	s11 =	sadd.s32 $0x2C00, s1  }
0x11: {  	s5 =	simm.s32 @!p0 $0x4F;
	s1 =	sadd.s32 $0xC840, s1;
	[dreg:$0x6] =	wrdreg s11  }
0x12: {  	s10 =	sadd.s32 s23, s0;
	s0 =	sadd.s32 s0, s9;
	[dreg:$0x7] =	wrdreg s1  }
0x13: {  	s6 =	sadd.s32 s6, s3;
	s23 =	simm.s32 $0x1;
	[dreg:$0x8] =	wrdreg s0  }
0x14: {  	s24 =	sadd.s32 $0x25080, s10;
	s0 =	sadd.s32 $0x94200, s3;
	s11 =	smax.u32 s8, $0x1  }
0x15: {  	v1 =	vimm.f32 $0.0e+00;
	v0 =	vmov s7;
	s1 =	simm.s32 $0x9;
	[dreg:$0x9] =	wrdreg s24;
	s24 =	sshrl.u32 @p0 s0, $0x3  }
.LBB2_1:
0x16: {  	[tilespmem:$0x101D0] =	vst v1  }
0x17: {  	[tilespmem:$0x101E0] =	vst v1  }
0x18: {  	[tilespmem:$0x101F0] =	vst v1  }
0x19: {  	[tilespmem:$0x10200] =	vst v1  }
0x1a: {  	[tilespmem:$0x10210] =	vst v1  }
0x1b: {  	[tilespmem:$0x10220] =	vst v1  }
0x1c: {  	[tilespmem:$0x10230] =	vst v1  }
0x1d: {  	[tilespmem:$0x10240] =	vst v1  }
0x1e: {  	[tilespmem:$0x10250] =	vst v1  }
0x1f: {  	[tilespmem:$0x10260] =	vst v1  }
0x20: {  	[tilespmem:$0x10270] =	vst v1  }
0x21: {  	[tilespmem:$0x10280] =	vst v1  }
0x22: {  	[tilespmem:$0x10290] =	vst v1  }
0x23: {  	[tilespmem:$0x102A0] =	vst v1  }
0x24: {  	[tilespmem:$0x102B0] =	vst v1  }
0x25: {  	[tilespmem:$0x102C0] =	vst v1  }
0x26: {  	[tilespmem:$0x102D0] =	vst v1  }
0x27: {  	[tilespmem:$0x102E0] =	vst v1  }
0x28: {  	[tilespmem:$0x102F0] =	vst v1  }
0x29: {  	[tilespmem:$0x10300] =	vst v1  }
0x2a: {  	[tilespmem:$0x10310] =	vst v1  }
0x2b: {  	[tilespmem:$0x10320] =	vst v1  }
0x2c: {  	[tilespmem:$0x10330] =	vst v1  }
0x2d: {  	[tilespmem:$0x10340] =	vst v1  }
0x2e: {  	[tilespmem:$0x10350] =	vst v1  }
0x2f: {  	[tilespmem:$0x10360] =	vst v1  }
0x30: {  	[tilespmem:$0x10370] =	vst v1  }
0x31: {  	[tilespmem:$0x10380] =	vst v1  }
0x32: {  	[tilespmem:$0x10390] =	vst v1  }
0x33: {  	[tilespmem:$0x103A0] =	vst v1;
	p1 =	sne.s32 s5, $0x1  }
.Ltmp0:
0x34: {  	[tilespmem:$0x103B0] =	vst v1;
	(pc) =	sbr.rel @!p1 .LBB2_3-.Ltmp0, $4  }
0x35: {  	[tilespmem:$0x103C0] =	vst v1  }
0x36: {  	[spmem:s6] =	stream.linear.scatter [tilespmem:s12], [sflag:$0xB], $0x200, $0x38;
	[tilespmem:$0x1A010] =	vst v63  }
0x37: {  	_ =	swait.ge [sflag:s13], $0x200  }
0x38: {  	s0 =	sadd.s32 $0xFFFFFFFF, s5;
	s7 =	smov.u32 s6;
	[sflag:s13] =	ssyncset.done $0x0  }
.LBB2_2:
0x39: {  	p1 =	sne.s32 s0, $0x1;
	[sflag:s13] =	ssyncadd.s32 $0xFFFFFE00;
	s7 =	sadd.s32 $0x200, s7  }
.Ltmp1:
0x3a: {  	s0 =	sadd.s32 $0xFFFFFFFF, s0;
	(pc) =	sbr.rel @p1 .LBB2_2-.Ltmp1, $4  }
0x3b: {  	_ = 	snop  }
0x3c: {  	[spmem:s7] =	stream.linear.scatter [tilespmem:s12], [sflag:$0xB], $0x200, $0x38;
	[tilespmem:$0x1A010] =	vst v63  }
0x3d: {  	_ =	swait.ge [sflag:s13], $0x200  }
0x3e: {  	[sflag:s13] =	ssyncset.done $0x0  }
.LBB2_3:
0x3f: {  	[sflag:s13] =	ssyncadd.s32 $0xFFFFFE00;
	s0 =	simm.s32 $0x0;
	s7 =	rddreg [dreg:$0x6]  }
0x40: {  	[tilespmem:s0], [sflag:$0xB] =	stream.linear.gather [hbm4b:s7+s0], $0x4E20, $0x38;
	[tilespmem:$0x1A010] =	vst v63  }
0x41: {  	_ =	swait.ge [sflag:s13], $0x4E20  }
0x42: {  	[sflag:s13] =	ssyncset.done $0x0  }
0x43: {  	s8 =	simm.s32 $0x4E20;
	s18 =	rddreg [dreg:$0x7];
	[sflag:s13] =	ssyncadd.s32 $0xFFFFB1E0  }
0x44: {  	[tilespmem:s8], [sflag:$0xB] =	stream.linear.gather [hbm4b:s18+s0], $0x4E20, $0x38;
	[tilespmem:$0x1A010] =	vst v63  }
0x45: {  	_ =	swait.ge [sflag:s13], $0x4E20  }
0x46: {  	[sflag:s13] =	ssyncset.done $0x0  }
0x47: {  	[sflag:s13] =	ssyncadd.s32 $0xFFFFB1E0  }
0x48: {  	[bflag:$0x0] =	sbarrier.arrive $0xFFFF  }
0x49: {  	v2 =	vld [tilespmem:$0x0]  }
0x4a: {  	v3 =	vld [tilespmem:$0x10]  }
0x4b: {  	v4 =	vld [tilespmem:$0x20]  }
0x4c: {  	v5 =	vld [tilespmem:$0x30]  }
0x4d: {  	v6 =	vld [tilespmem:$0x40]  }
0x4e: {  	v2 =	vshll.u32 v2, $0x1  }
0x4f: {  	v3 =	vshll.u32 v3, $0x1;
	v2 =	vor.u32 v0, v2  }
0x50: {  	[tilespmem:$0x9C40] =	vst v2;
	v2 =	vor.u32 v0, v3;
	v3 =	vshll.u32 v4, $0x1  }
0x51: {  	[tilespmem:$0x9C50] =	vst v2;
	v2 =	vor.u32 v0, v3;
	v3 =	vshll.u32 v5, $0x1  }
0x52: {  	[tilespmem:$0x9C60] =	vst v2;
	v2 =	vor.u32 v0, v3;
	v3 =	vshll.u32 v6, $0x1  }
0x53: {  	[tilespmem:$0x9C70] =	vst v2;
	v2 =	vor.u32 v0, v3  }
0x54: {  	s20 =	simm.s32 $0x9C40;
	[tilespmem:$0x9C80] =	vst v2  }
0x55: {  	[tilespmem:s17], [sflag:$0x1] =	stream.indirect.gather [hbm4b:s2+s15], $0x40, s20, s15, $0xb8;
	[tilespmem:$0x1A010] =	vst v63  }
0x56: {  	v2 =	vld [tilespmem:$0x50]  }
0x57: {  	v3 =	vld [tilespmem:$0x60]  }
0x58: {  	v58 =	vld [tilespmem:$0x70]  }
0x59: {  	v59 =	vld [tilespmem:$0x80]  }
0x5a: {  	v60 =	vld [tilespmem:$0x90]  }
0x5b: {  	v2 =	vshll.u32 v2, $0x1  }
0x5c: {  	v3 =	vshll.u32 v3, $0x1;
	v2 =	vor.u32 v0, v2  }
0x5d: {  	[tilespmem:$0x9C90] =	vst v2;
	v2 =	vor.u32 v0, v3;
	v3 =	vshll.u32 v58, $0x1  }
0x5e: {  	[tilespmem:$0x9CA0] =	vst v2;
	v2 =	vor.u32 v0, v3;
	v3 =	vshll.u32 v59, $0x1  }
0x5f: {  	[tilespmem:$0x9CB0] =	vst v2;
	v2 =	vor.u32 v0, v3;
	v3 =	vshll.u32 v60, $0x1  }
0x60: {  	[tilespmem:$0x9CC0] =	vst v2;
	v2 =	vor.u32 v0, v3  }
0x61: {  	s21 =	simm.s32 $0x9C90;
	[tilespmem:$0x9CD0] =	vst v2  }
0x62: {  	[tilespmem:s19], [sflag:$0x2] =	stream.indirect.gather [hbm4b:s2+s15], $0x40, s21, s15, $0xb8;
	[tilespmem:$0x1A010] =	vst v63  }
0x63: {  	v2 =	vld [tilespmem:$0xA0]  }
0x64: {  	v3 =	vld [tilespmem:$0xB0]  }
0x65: {  	v61 =	vld [tilespmem:$0xC0]  }
0x66: {  	v62 =	vld [tilespmem:$0xD0]  }
0x67: {  	v63 =	vld [tilespmem:$0xE0]  }
0x68: {  	v2 =	vshll.u32 v2, $0x1  }
0x69: {  	v3 =	vshll.u32 v3, $0x1;
	v2 =	vor.u32 v0, v2  }
0x6a: {  	[tilespmem:$0x9CE0] =	vst v2;
	v2 =	vor.u32 v0, v3;
	v3 =	vshll.u32 v61, $0x1  }
0x6b: {  	[tilespmem:$0x9CF0] =	vst v2;
	v2 =	vor.u32 v0, v3;
	v3 =	vshll.u32 v62, $0x1  }
0x6c: {  	[tilespmem:$0x9D00] =	vst v2;
	v2 =	vor.u32 v0, v3;
	v3 =	vshll.u32 v63, $0x1  }
0x6d: {  	p1 =	por $0x1, $0x1;
	[tilespmem:$0x9D10] =	vst v2;
	v2 =	vor.u32 v0, v3  }
0x6e: {  	s7 =	simm.s32 $0x9CE0;
	s8 =	simm.s32 $0xC5D0;
	s0 =	simm.s32 @!p1 $0x9;
	[tilespmem:$0x9D20] =	vst v2  }
0x6f: {  	[tilespmem:s8], [sflag:$0x3] =	stream.indirect.gather [hbm4b:s2+s15], $0x40, s7, s15, $0xb8;
	[tilespmem:$0x1A010] =	vst v63  }
0x70: {  	_ =	swait.ge @!p1 [sflag:s0], $0x1400  }
0x71: {  	[sflag:s0] =	ssyncset.done @!p1 $0x0  }
0x72: {  	s9 =	simm.s32 $0x0;
	[sflag:s0] =	ssyncadd.s32 @!p1 $0xFFFFEC00  }
0x73: {  	v2 =	vld [tilespmem:s9+$0xF0];
	_ =	sdelay $0x4  }
0x74: {  	v2 =	vshll.u32 v2, $0x1  }
0x75: {  	v2 =	vor.u32 v0, v2  }
0x76: {  	[tilespmem:$0x9D30] =	vst v2  }
0x77: {  	v2 =	vld [tilespmem:s9+$0x100];
	_ =	sdelay $0x4  }
0x78: {  	v2 =	vshll.u32 v2, $0x1  }
0x79: {  	v2 =	vor.u32 v0, v2  }
0x7a: {  	[tilespmem:$0x9D40] =	vst v2  }
0x7b: {  	v2 =	vld [tilespmem:s9+$0x110];
	_ =	sdelay $0x4  }
0x7c: {  	v2 =	vshll.u32 v2, $0x1  }
0x7d: {  	v2 =	vor.u32 v0, v2  }
0x7e: {  	[tilespmem:$0x9D50] =	vst v2  }
0x7f: {  	v2 =	vld [tilespmem:s9+$0x120];
	_ =	sdelay $0x4  }
0x80: {  	v2 =	vshll.u32 v2, $0x1  }
0x81: {  	v2 =	vor.u32 v0, v2  }
0x82: {  	[tilespmem:$0x9D60] =	vst v2  }
0x83: {  	v2 =	vld [tilespmem:s9+$0x130];
	_ =	sdelay $0x4  }
0x84: {  	v2 =	vshll.u32 v2, $0x1  }
0x85: {  	v2 =	vor.u32 v0, v2  }
0x86: {  	s10 =	rddreg [dreg:$0x4];
	[tilespmem:$0x9D70] =	vst v2  }
0x87: {  	[tilespmem:s22], [sflag:$0x4] =	stream.indirect.gather [hbm4b:s2+s15], $0x40, s10, s15, $0xb8;
	[tilespmem:$0x1A010] =	vst v63  }
0x88: {  	_ =	swait.ge [sflag:s23], $0x1400  }
0x89: {  	[sflag:s23] =	ssyncset.done $0x0  }
0x8a: {  	s16 =	simm.s32 $0x4E20;
	s8 =	simm.s32 @!p1 $0xA;
	[sflag:s23] =	ssyncadd.s32 $0xFFFFEC00  }
0x8b: {  	[spmem:s3] =	stream.indirect.scatter.add.f32 [tilespmem:s17], [sflag:$0x6], $0x40, s16, s15, $0xb8;
	[tilespmem:$0x1A010] =	vst v63  }
0x8c: {  	_ =	swait.ge @!p1 [sflag:s8], $0x1400  }
0x8d: {  	[sflag:s8] =	ssyncset.done @!p1 $0x0  }
0x8e: {  	[sflag:s8] =	ssyncadd.s32 @!p1 $0xFFFFEC00  }
0x8f: {  	v2 =	vld [tilespmem:s9+$0x140];
	_ =	sdelay $0x4  }
0x90: {  	v2 =	vshll.u32 v2, $0x1  }
0x91: {  	v2 =	vor.u32 v0, v2  }
0x92: {  	[tilespmem:$0x9D80] =	vst v2  }
0x93: {  	v2 =	vld [tilespmem:s9+$0x150];
	_ =	sdelay $0x4  }
0x94: {  	v2 =	vshll.u32 v2, $0x1  }
0x95: {  	v2 =	vor.u32 v0, v2  }
0x96: {  	[tilespmem:$0x9D90] =	vst v2  }
0x97: {  	v2 =	vld [tilespmem:s9+$0x160];
	_ =	sdelay $0x4  }
0x98: {  	v2 =	vshll.u32 v2, $0x1  }
0x99: {  	v2 =	vor.u32 v0, v2  }
0x9a: {  	[tilespmem:$0x9DA0] =	vst v2  }
0x9b: {  	v2 =	vld [tilespmem:s9+$0x170];
	_ =	sdelay $0x4  }
0x9c: {  	v2 =	vshll.u32 v2, $0x1  }
0x9d: {  	v2 =	vor.u32 v0, v2  }
0x9e: {  	[tilespmem:$0x9DB0] =	vst v2  }
0x9f: {  	v2 =	vld [tilespmem:s9+$0x180];
	_ =	sdelay $0x4  }
0xa0: {  	v2 =	vshll.u32 v2, $0x1  }
0xa1: {  	v2 =	vor.u32 v0, v2  }
0xa2: {  	s18 =	rddreg [dreg:$0x5];
	[tilespmem:$0x9DC0] =	vst v2  }
0xa3: {  	[tilespmem:s25], [sflag:$0x5] =	stream.indirect.gather [hbm4b:s2+s15], $0x40, s18, s15, $0xb8;
	[tilespmem:$0x1A010] =	vst v63  }
0xa4: {  	_ =	swait.ge [sflag:s26], $0x1400  }
0xa5: {  	[sflag:s26] =	ssyncset.done $0x0  }
0xa6: {  	s20 =	simm.s32 $0x4E70;
	[sflag:s26] =	ssyncadd.s32 $0xFFFFEC00  }
0xa7: {  	[spmem:s3] =	stream.indirect.scatter.add.f32 [tilespmem:s19], [sflag:$0x7], $0x40, s20, s15, $0xb8;
	[tilespmem:$0x1A010] =	vst v63  }
0xa8: {  	_ =	swait.ge [sflag:s28], $0x1400  }
0xa9: {  	p1 =	por $0x0, $0x0;
	[sflag:s28] =	ssyncset.done $0x0  }
0xaa: {  	s0 =	simm.s32 @p1 $0x3;
	[sflag:s28] =	ssyncadd.s32 $0xFFFFEC00  }
0xab: {  	_ =	swait.ge @p1 [sflag:s0], $0x1400  }
0xac: {  	s7 =	simm.s32 @p1 $0x4EC0;
	s8 =	simm.s32 @p1 $0x7;
	[sflag:s0] =	ssyncset.done @p1 $0x0  }
0xad: {  	s16 =	simm.s32 @p1 $0xC5D0;
	[sflag:s0] =	ssyncadd.s32 @p1 $0xFFFFEC00;
	s0 =	simm.s32 @p1 $0x50  }
0xae: {  	[spmem:s3] =	stream.indirect.scatter.add.f32 @p1 [tilespmem:s16], [sflag:$0x8], $0x40, s7, s0, $0xb8;
	[tilespmem:$0x1A010] =	vst v63  }
0xaf: {  	_ =	swait.ge @p1 [sflag:s8], $0x1400  }
0xb0: {  	[sflag:s8] =	ssyncset.done @p1 $0x0  }
0xb1: {  	s0 =	simm.s32 @!p1 $0x0;
	[sflag:s8] =	ssyncadd.s32 @p1 $0xFFFFEC00  }
0xb2: {  	v2 =	vld @!p1 [tilespmem:s0+$0x190];
	_ =	sdelay $0x4  }
0xb3: {  	v2 =	vshll.u32 @!p1 v2, $0x1  }
0xb4: {  	v2 =	vor.u32 @!p1 v0, v2  }
0xb5: {  	[tilespmem:$0x9C40] =	vst @!p1 v2  }
0xb6: {  	v2 =	vld @!p1 [tilespmem:s0+$0x1A0];
	_ =	sdelay $0x4  }
0xb7: {  	v2 =	vshll.u32 @!p1 v2, $0x1  }
0xb8: {  	v2 =	vor.u32 @!p1 v0, v2  }
0xb9: {  	[tilespmem:$0x9C50] =	vst @!p1 v2  }
0xba: {  	v2 =	vld @!p1 [tilespmem:s0+$0x1B0];
	_ =	sdelay $0x4  }
0xbb: {  	v2 =	vshll.u32 @!p1 v2, $0x1  }
0xbc: {  	v2 =	vor.u32 @!p1 v0, v2  }
0xbd: {  	[tilespmem:$0x9C60] =	vst @!p1 v2  }
0xbe: {  	v2 =	vld @!p1 [tilespmem:s0+$0x1C0];
	_ =	sdelay $0x4  }
0xbf: {  	v2 =	vshll.u32 @!p1 v2, $0x1  }
0xc0: {  	v2 =	vor.u32 @!p1 v0, v2  }
0xc1: {  	[tilespmem:$0x9C70] =	vst @!p1 v2  }
0xc2: {  	v2 =	vld @!p1 [tilespmem:s0+$0x1D0];
	_ =	sdelay $0x4  }
0xc3: {  	v2 =	vshll.u32 @!p1 v2, $0x1  }
0xc4: {  	s18 =	simm.s32 @!p1 $0x9DD0;
	v2 =	vor.u32 @!p1 v0, v2  }
0xc5: {  	s7 =	simm.s32 @!p1 $0x50;
	s16 =	simm.s32 @!p1 $0x9C40;
	s8 =	simm.s32 @!p1 $0x3;
	[tilespmem:$0x9C80] =	vst @!p1 v2  }
0xc6: {  	[tilespmem:s18], [sflag:$0x1] =	stream.indirect.gather @!p1 [hbm4b:s2+s7], $0x40, s16, s7, $0xb8;
	[tilespmem:$0x1A010] =	vst v63  }
0xc7: {  	_ =	swait.ge @!p1 [sflag:s8], $0x1400  }
0xc8: {  	s16 =	simm.s32 @!p1 $0x4EC0;
	[sflag:s8] =	ssyncset.done @!p1 $0x0  }
0xc9: {  	s18 =	simm.s32 @!p1 $0x7;
	[sflag:s8] =	ssyncadd.s32 @!p1 $0xFFFFEC00;
	s8 =	simm.s32 @!p1 $0xC5D0  }
0xca: {  	[spmem:s3] =	stream.indirect.scatter.add.f32 @!p1 [tilespmem:s8], [sflag:$0x8], $0x40, s16, s7, $0xb8;
	[tilespmem:$0x1A010] =	vst v63  }
0xcb: {  	_ =	swait.ge @!p1 [sflag:s18], $0x1400  }
0xcc: {  	[sflag:s18] =	ssyncset.done @!p1 $0x0  }
0xcd: {  	[sflag:s18] =	ssyncadd.s32 @!p1 $0xFFFFEC00  }
0xce: {  	v2 =	vld @!p1 [tilespmem:s0+$0x1E0];
	_ =	sdelay $0x4  }
0xcf: {  	v2 =	vshll.u32 @!p1 v2, $0x1  }
0xd0: {  	v2 =	vor.u32 @!p1 v0, v2  }
0xd1: {  	[tilespmem:$0x9C90] =	vst @!p1 v2  }
0xd2: {  	v2 =	vld @!p1 [tilespmem:s0+$0x1F0];
	_ =	sdelay $0x4  }
0xd3: {  	v2 =	vshll.u32 @!p1 v2, $0x1  }
0xd4: {  	v2 =	vor.u32 @!p1 v0, v2  }
0xd5: {  	[tilespmem:$0x9CA0] =	vst @!p1 v2  }
0xd6: {  	v2 =	vld @!p1 [tilespmem:s0+$0x200];
	_ =	sdelay $0x4  }
0xd7: {  	v2 =	vshll.u32 @!p1 v2, $0x1  }
0xd8: {  	v2 =	vor.u32 @!p1 v0, v2  }
0xd9: {  	[tilespmem:$0x9CB0] =	vst @!p1 v2  }
0xda: {  	v2 =	vld @!p1 [tilespmem:s0+$0x210];
	_ =	sdelay $0x4  }
0xdb: {  	v2 =	vshll.u32 @!p1 v2, $0x1  }
0xdc: {  	v2 =	vor.u32 @!p1 v0, v2  }
0xdd: {  	[tilespmem:$0x9CC0] =	vst @!p1 v2  }
0xde: {  	v2 =	vld @!p1 [tilespmem:s0+$0x220];
	_ =	sdelay $0x4  }
0xdf: {  	v2 =	vshll.u32 @!p1 v2, $0x1  }
0xe0: {  	v2 =	vor.u32 @!p1 v0, v2  }
0xe1: {  	s16 =	simm.s32 @!p1 $0x9C90;
	s18 =	simm.s32 @!p1 $0xB1D0;
	[tilespmem:$0x9CD0] =	vst @!p1 v2  }
0xe2: {  	[tilespmem:s18], [sflag:$0x2] =	stream.indirect.gather @!p1 [hbm4b:s2+s7], $0x40, s16, s7, $0xb8;
	[tilespmem:$0x1A010] =	vst v63  }
0xe3: {  	_ =	swait.ge [sflag:s29], $0x1400  }
0xe4: {  	[sflag:s29] =	ssyncset.done $0x0  }
0xe5: {  	s21 =	simm.s32 $0x4F10;
	[sflag:s29] =	ssyncadd.s32 $0xFFFFEC00  }
0xe6: {  	[spmem:s3] =	stream.indirect.scatter.add.f32 [tilespmem:s22], [sflag:$0x9], $0x40, s21, s15, $0xb8;
	[tilespmem:$0x1A010] =	vst v63  }
0xe7: {  	_ =	swait.ge [sflag:s30], $0x1400  }
0xe8: {  	[sflag:s30] =	ssyncset.done $0x0  }
0xe9: {  	[sflag:s30] =	ssyncadd.s32 $0xFFFFEC00  }
0xea: {  	v2 =	vld @!p1 [tilespmem:s0+$0x230];
	_ =	sdelay $0x4  }
0xeb: {  	v2 =	vshll.u32 @!p1 v2, $0x1  }
0xec: {  	v2 =	vor.u32 @!p1 v0, v2  }
0xed: {  	[tilespmem:$0x9CE0] =	vst @!p1 v2  }
0xee: {  	v2 =	vld @!p1 [tilespmem:s0+$0x240];
	_ =	sdelay $0x4  }
0xef: {  	v2 =	vshll.u32 @!p1 v2, $0x1  }
0xf0: {  	v2 =	vor.u32 @!p1 v0, v2  }
0xf1: {  	[tilespmem:$0x9CF0] =	vst @!p1 v2  }
0xf2: {  	v2 =	vld @!p1 [tilespmem:s0+$0x250];
	_ =	sdelay $0x4  }
0xf3: {  	v2 =	vshll.u32 @!p1 v2, $0x1  }
0xf4: {  	v2 =	vor.u32 @!p1 v0, v2  }
0xf5: {  	[tilespmem:$0x9D00] =	vst @!p1 v2  }
0xf6: {  	v2 =	vld @!p1 [tilespmem:s0+$0x260];
	_ =	sdelay $0x4  }
0xf7: {  	v2 =	vshll.u32 @!p1 v2, $0x1  }
0xf8: {  	v2 =	vor.u32 @!p1 v0, v2  }
0xf9: {  	[tilespmem:$0x9D10] =	vst @!p1 v2  }
0xfa: {  	v2 =	vld @!p1 [tilespmem:s0+$0x270];
	_ =	sdelay $0x4  }
0xfb: {  	v2 =	vshll.u32 @!p1 v2, $0x1  }
0xfc: {  	v2 =	vor.u32 @!p1 v0, v2  }
0xfd: {  	s0 =	simm.s32 @!p1 $0x9CE0;
	[tilespmem:$0x9D20] =	vst @!p1 v2  }
0xfe: {  	[tilespmem:s8], [sflag:$0x3] =	stream.indirect.gather @!p1 [hbm4b:s2+s7], $0x40, s0, s7, $0xb8;
	[tilespmem:$0x1A010] =	vst v63  }
0xff: {  	p2 =	por $0x0, $0x0;
	s16 =	simm.s32 $0x640;
	_ =	swait.ge [sflag:s31], $0x1400  }
0x100: {  	s18 =	simm.s32 $0xC80;
	s7 =	simm.s32 $0x4F60;
	[sflag:s31] =	ssyncset.done $0x0  }
.LBB2_4:
0x101: {  	s8 =	simm.s32 @!p2 $0x9;
	[sflag:s31] =	ssyncadd.s32 $0xFFFFEC00  }
0x102: {  	[spmem:s3] =	stream.indirect.scatter.add.f32 [tilespmem:s25], [sflag:$0xA], $0x40, s7, s15, $0xb8;
	[tilespmem:$0x1A010] =	vst v63  }
0x103: {  	_ =	swait.ge @!p2 [sflag:s8], $0x1400  }
0x104: {  	[sflag:s8] =	ssyncset.done @!p2 $0x0  }
0x105: {  	s20 =	sshra.s32 s16, $0x2;
	[sflag:s8] =	ssyncadd.s32 @!p2 $0xFFFFEC00  }
0x106: {  	v2 =	vld [tilespmem:s20+$0xF0];
	_ =	sdelay $0x4  }
0x107: {  	v2 =	vshll.u32 v2, $0x1  }
0x108: {  	v2 =	vor.u32 v0, v2  }
0x109: {  	[tilespmem:$0x9D30] =	vst v2  }
0x10a: {  	v2 =	vld [tilespmem:s20+$0x100];
	_ =	sdelay $0x4  }
0x10b: {  	v2 =	vshll.u32 v2, $0x1  }
0x10c: {  	v2 =	vor.u32 v0, v2  }
0x10d: {  	[tilespmem:$0x9D40] =	vst v2  }
0x10e: {  	v2 =	vld [tilespmem:s20+$0x110];
	_ =	sdelay $0x4  }
0x10f: {  	v2 =	vshll.u32 v2, $0x1  }
0x110: {  	v2 =	vor.u32 v0, v2  }
0x111: {  	[tilespmem:$0x9D50] =	vst v2  }
0x112: {  	v2 =	vld [tilespmem:s20+$0x120];
	_ =	sdelay $0x4  }
0x113: {  	v2 =	vshll.u32 v2, $0x1  }
0x114: {  	v2 =	vor.u32 v0, v2  }
0x115: {  	[tilespmem:$0x9D60] =	vst v2  }
0x116: {  	v2 =	vld [tilespmem:s20+$0x130];
	_ =	sdelay $0x4  }
0x117: {  	v2 =	vshll.u32 v2, $0x1  }
0x118: {  	v2 =	vor.u32 v0, v2  }
0x119: {  	s10 =	rddreg [dreg:$0x4];
	[tilespmem:$0x9D70] =	vst v2  }
0x11a: {  	[tilespmem:s22], [sflag:$0x4] =	stream.indirect.gather [hbm4b:s2+s15], $0x40, s10, s15, $0xb8;
	[tilespmem:$0x1A010] =	vst v63  }
0x11b: {  	_ =	swait.ge [sflag:s23], $0x1400  }
0x11c: {  	[sflag:s23] =	ssyncset.done $0x0  }
0x11d: {  	s21 =	sadd.s32 $0x4E20, s20;
	s8 =	simm.s32 @!p2 $0xA;
	[sflag:s23] =	ssyncadd.s32 $0xFFFFEC00  }
0x11e: {  	[spmem:s3] =	stream.indirect.scatter.add.f32 [tilespmem:s17], [sflag:$0x6], $0x40, s21, s15, $0xb8;
	[tilespmem:$0x1A010] =	vst v63  }
0x11f: {  	_ =	swait.ge @!p2 [sflag:s8], $0x1400  }
0x120: {  	[sflag:s8] =	ssyncset.done @!p2 $0x0  }
0x121: {  	[sflag:s8] =	ssyncadd.s32 @!p2 $0xFFFFEC00  }
0x122: {  	v2 =	vld [tilespmem:s20+$0x140];
	_ =	sdelay $0x4  }
0x123: {  	v2 =	vshll.u32 v2, $0x1  }
0x124: {  	v2 =	vor.u32 v0, v2  }
0x125: {  	[tilespmem:$0x9D80] =	vst v2  }
0x126: {  	v2 =	vld [tilespmem:s20+$0x150];
	_ =	sdelay $0x4  }
0x127: {  	v2 =	vshll.u32 v2, $0x1  }
0x128: {  	v2 =	vor.u32 v0, v2  }
0x129: {  	[tilespmem:$0x9D90] =	vst v2  }
0x12a: {  	v2 =	vld [tilespmem:s20+$0x160];
	_ =	sdelay $0x4  }
0x12b: {  	v2 =	vshll.u32 v2, $0x1  }
0x12c: {  	v2 =	vor.u32 v0, v2  }
0x12d: {  	[tilespmem:$0x9DA0] =	vst v2  }
0x12e: {  	v2 =	vld [tilespmem:s20+$0x170];
	_ =	sdelay $0x4  }
0x12f: {  	v2 =	vshll.u32 v2, $0x1  }
0x130: {  	v2 =	vor.u32 v0, v2  }
0x131: {  	[tilespmem:$0x9DB0] =	vst v2  }
0x132: {  	v2 =	vld [tilespmem:s20+$0x180];
	_ =	sdelay $0x4  }
0x133: {  	v2 =	vshll.u32 v2, $0x1  }
0x134: {  	v2 =	vor.u32 v0, v2  }
0x135: {  	s8 =	rddreg [dreg:$0x5];
	[tilespmem:$0x9DC0] =	vst v2  }
0x136: {  	[tilespmem:s25], [sflag:$0x5] =	stream.indirect.gather [hbm4b:s2+s15], $0x40, s8, s15, $0xb8;
	[tilespmem:$0x1A010] =	vst v63  }
0x137: {  	_ =	swait.ge [sflag:s26], $0x1400  }
0x138: {  	[sflag:s26] =	ssyncset.done $0x0  }
0x139: {  	s9 =	sadd.s32 $0x4E70, s20;
	[sflag:s26] =	ssyncadd.s32 $0xFFFFEC00  }
0x13a: {  	[spmem:s3] =	stream.indirect.scatter.add.f32 [tilespmem:s19], [sflag:$0x7], $0x40, s9, s15, $0xb8;
	[tilespmem:$0x1A010] =	vst v63  }
0x13b: {  	_ =	swait.ge [sflag:s28], $0x1400  }
0x13c: {  	p2 =	seq.s32 s16, $0x13240;
	[sflag:s28] =	ssyncset.done $0x0  }
0x13d: {  	s7 =	simm.s32 @p2 $0x3;
	[sflag:s28] =	ssyncadd.s32 $0xFFFFEC00  }
0x13e: {  	s8 =	sshra.s32 @p2 s16, $0x2;
	_ =	swait.ge @p2 [sflag:s7], $0x1400  }
0x13f: {  	s21 =	simm.s32 @p2 $0x7;
	s8 =	sadd.s32 @p2 $0x4EC0, s8;
	[sflag:s7] =	ssyncset.done @p2 $0x0  }
0x140: {  	s9 =	simm.s32 @p2 $0xC5D0;
	[sflag:s7] =	ssyncadd.s32 @p2 $0xFFFFEC00;
	s7 =	simm.s32 @p2 $0x50  }
0x141: {  	[spmem:s3] =	stream.indirect.scatter.add.f32 @p2 [tilespmem:s9], [sflag:$0x8], $0x40, s8, s7, $0xb8;
	[tilespmem:$0x1A010] =	vst v63  }
0x142: {  	_ =	swait.ge @p2 [sflag:s21], $0x1400  }
0x143: {  	[sflag:s21] =	ssyncset.done @p2 $0x0  }
0x144: {  	[sflag:s21] =	ssyncadd.s32 @p2 $0xFFFFEC00;
	s21 =	sshra.s32 @!p2 s16, $0x2  }
0x145: {  	v2 =	vld @!p2 [tilespmem:s21+$0x190];
	_ =	sdelay $0x4  }
0x146: {  	v2 =	vshll.u32 @!p2 v2, $0x1  }
0x147: {  	v2 =	vor.u32 @!p2 v0, v2  }
0x148: {  	[tilespmem:$0x9C40] =	vst @!p2 v2  }
0x149: {  	v2 =	vld @!p2 [tilespmem:s21+$0x1A0];
	_ =	sdelay $0x4  }
0x14a: {  	v2 =	vshll.u32 @!p2 v2, $0x1  }
0x14b: {  	v2 =	vor.u32 @!p2 v0, v2  }
0x14c: {  	[tilespmem:$0x9C50] =	vst @!p2 v2  }
0x14d: {  	v2 =	vld @!p2 [tilespmem:s21+$0x1B0];
	_ =	sdelay $0x4  }
0x14e: {  	v2 =	vshll.u32 @!p2 v2, $0x1  }
0x14f: {  	v2 =	vor.u32 @!p2 v0, v2  }
0x150: {  	[tilespmem:$0x9C60] =	vst @!p2 v2  }
0x151: {  	v2 =	vld @!p2 [tilespmem:s21+$0x1C0];
	_ =	sdelay $0x4  }
0x152: {  	v2 =	vshll.u32 @!p2 v2, $0x1  }
0x153: {  	v2 =	vor.u32 @!p2 v0, v2  }
0x154: {  	[tilespmem:$0x9C70] =	vst @!p2 v2  }
0x155: {  	v2 =	vld @!p2 [tilespmem:s21+$0x1D0];
	_ =	sdelay $0x4  }
0x156: {  	v2 =	vshll.u32 @!p2 v2, $0x1  }
0x157: {  	s0 =	smov.u32 s18;
	s10 =	simm.s32 @!p2 $0x9DD0;
	s7 =	simm.s32 @!p2 $0x3;
	v2 =	vor.u32 @!p2 v0, v2  }
0x158: {  	s9 =	simm.s32 @!p2 $0x9C40;
	s16 =	smov.u32 s0;
	s0 =	simm.s32 @!p2 $0x50;
	[tilespmem:$0x9C80] =	vst @!p2 v2  }
0x159: {  	[tilespmem:s10], [sflag:$0x1] =	stream.indirect.gather @!p2 [hbm4b:s2+s0], $0x40, s9, s0, $0xb8;
	[tilespmem:$0x1A010] =	vst v63  }
0x15a: {  	_ =	swait.ge @!p2 [sflag:s7], $0x1400  }
0x15b: {  	s8 =	sadd.s32 @!p2 $0x4EC0, s21;
	[sflag:s7] =	ssyncset.done @!p2 $0x0  }
0x15c: {  	s9 =	simm.s32 @!p2 $0x7;
	[sflag:s7] =	ssyncadd.s32 @!p2 $0xFFFFEC00;
	s7 =	simm.s32 @!p2 $0xC5D0  }
0x15d: {  	[spmem:s3] =	stream.indirect.scatter.add.f32 @!p2 [tilespmem:s7], [sflag:$0x8], $0x40, s8, s0, $0xb8;
	[tilespmem:$0x1A010] =	vst v63  }
0x15e: {  	_ =	swait.ge @!p2 [sflag:s9], $0x1400  }
0x15f: {  	[sflag:s9] =	ssyncset.done @!p2 $0x0  }
0x160: {  	[sflag:s9] =	ssyncadd.s32 @!p2 $0xFFFFEC00  }
0x161: {  	v2 =	vld @!p2 [tilespmem:s21+$0x1E0];
	_ =	sdelay $0x4  }
0x162: {  	v2 =	vshll.u32 @!p2 v2, $0x1  }
0x163: {  	v2 =	vor.u32 @!p2 v0, v2  }
0x164: {  	[tilespmem:$0x9C90] =	vst @!p2 v2  }
0x165: {  	v2 =	vld @!p2 [tilespmem:s21+$0x1F0];
	_ =	sdelay $0x4  }
0x166: {  	v2 =	vshll.u32 @!p2 v2, $0x1  }
0x167: {  	v2 =	vor.u32 @!p2 v0, v2  }
0x168: {  	[tilespmem:$0x9CA0] =	vst @!p2 v2  }
0x169: {  	v2 =	vld @!p2 [tilespmem:s21+$0x200];
	_ =	sdelay $0x4  }
0x16a: {  	v2 =	vshll.u32 @!p2 v2, $0x1  }
0x16b: {  	v2 =	vor.u32 @!p2 v0, v2  }
0x16c: {  	[tilespmem:$0x9CB0] =	vst @!p2 v2  }
0x16d: {  	v2 =	vld @!p2 [tilespmem:s21+$0x210];
	_ =	sdelay $0x4  }
0x16e: {  	v2 =	vshll.u32 @!p2 v2, $0x1  }
0x16f: {  	v2 =	vor.u32 @!p2 v0, v2  }
0x170: {  	[tilespmem:$0x9CC0] =	vst @!p2 v2  }
0x171: {  	v2 =	vld @!p2 [tilespmem:s21+$0x220];
	_ =	sdelay $0x4  }
0x172: {  	v2 =	vshll.u32 @!p2 v2, $0x1  }
0x173: {  	v2 =	vor.u32 @!p2 v0, v2  }
0x174: {  	s8 =	simm.s32 @!p2 $0x9C90;
	s9 =	simm.s32 @!p2 $0xB1D0;
	[tilespmem:$0x9CD0] =	vst @!p2 v2  }
0x175: {  	[tilespmem:s9], [sflag:$0x2] =	stream.indirect.gather @!p2 [hbm4b:s2+s0], $0x40, s8, s0, $0xb8;
	[tilespmem:$0x1A010] =	vst v63  }
0x176: {  	_ =	swait.ge [sflag:s29], $0x1400  }
0x177: {  	[sflag:s29] =	ssyncset.done $0x0  }
0x178: {  	s10 =	sadd.s32 $0x4F10, s20;
	[sflag:s29] =	ssyncadd.s32 $0xFFFFEC00  }
0x179: {  	[spmem:s3] =	stream.indirect.scatter.add.f32 [tilespmem:s22], [sflag:$0x9], $0x40, s10, s15, $0xb8;
	[tilespmem:$0x1A010] =	vst v63  }
0x17a: {  	_ =	swait.ge [sflag:s30], $0x1400  }
0x17b: {  	[sflag:s30] =	ssyncset.done $0x0  }
0x17c: {  	[sflag:s30] =	ssyncadd.s32 $0xFFFFEC00  }
0x17d: {  	v2 =	vld @!p2 [tilespmem:s21+$0x230];
	_ =	sdelay $0x4  }
0x17e: {  	v2 =	vshll.u32 @!p2 v2, $0x1  }
0x17f: {  	v2 =	vor.u32 @!p2 v0, v2  }
0x180: {  	[tilespmem:$0x9CE0] =	vst @!p2 v2  }
0x181: {  	v2 =	vld @!p2 [tilespmem:s21+$0x240];
	_ =	sdelay $0x4  }
0x182: {  	v2 =	vshll.u32 @!p2 v2, $0x1  }
0x183: {  	v2 =	vor.u32 @!p2 v0, v2  }
0x184: {  	[tilespmem:$0x9CF0] =	vst @!p2 v2  }
0x185: {  	v2 =	vld @!p2 [tilespmem:s21+$0x250];
	_ =	sdelay $0x4  }
0x186: {  	v2 =	vshll.u32 @!p2 v2, $0x1  }
0x187: {  	v2 =	vor.u32 @!p2 v0, v2  }
0x188: {  	[tilespmem:$0x9D00] =	vst @!p2 v2  }
0x189: {  	v2 =	vld @!p2 [tilespmem:s21+$0x260];
	_ =	sdelay $0x4  }
0x18a: {  	v2 =	vshll.u32 @!p2 v2, $0x1  }
0x18b: {  	v2 =	vor.u32 @!p2 v0, v2  }
0x18c: {  	[tilespmem:$0x9D10] =	vst @!p2 v2  }
0x18d: {  	v2 =	vld @!p2 [tilespmem:s21+$0x270];
	_ =	sdelay $0x3  }
0x18e: {  	s18 =	sadd.s32 $0x640, s18  }
0x18f: {  	p1 =	sne.s32 s18, $0x13880;
	v2 =	vshll.u32 @!p2 v2, $0x1  }
.Ltmp2:
0x190: {  	v2 =	vor.u32 @!p2 v0, v2;
	(pc) =	sbr.rel @p1 .LBB2_4-.Ltmp2, $4  }
0x191: {  	s8 =	simm.s32 @!p2 $0x9CE0;
	[tilespmem:$0x9D20] =	vst @!p2 v2  }
0x192: {  	[tilespmem:s7], [sflag:$0x3] =	stream.indirect.gather @!p2 [hbm4b:s2+s0], $0x40, s8, s0, $0xb8;
	[tilespmem:$0x1A010] =	vst v63  }
0x193: {  	_ =	swait.ge [sflag:s31], $0x1400  }
0x194: {  	p2 =	seq.s32 s16, $0x0;
	s7 =	sadd.s32 $0x4F60, s20;
	[sflag:s31] =	ssyncset.done $0x0  }
0x195: {  	s0 =	simm.s32 @!p2 $0x9;
	[sflag:s31] =	ssyncadd.s32 $0xFFFFEC00  }
0x196: {  	[spmem:s3] =	stream.indirect.scatter.add.f32 [tilespmem:s25], [sflag:$0xA], $0x40, s7, s15, $0xb8;
	[tilespmem:$0x1A010] =	vst v63  }
0x197: {  	_ =	swait.ge @!p2 [sflag:s0], $0x1400  }
0x198: {  	[sflag:s0] =	ssyncset.done @!p2 $0x0  }
0x199: {  	[sflag:s0] =	ssyncadd.s32 @!p2 $0xFFFFEC00;
	s0 =	sshra.s32 s16, $0x2  }
0x19a: {  	v2 =	vld [tilespmem:s0+$0xF0];
	_ =	sdelay $0x4  }
0x19b: {  	v2 =	vshll.u32 v2, $0x1  }
0x19c: {  	v2 =	vor.u32 v0, v2  }
0x19d: {  	[tilespmem:$0x9D30] =	vst v2  }
0x19e: {  	v2 =	vld [tilespmem:s0+$0x100];
	_ =	sdelay $0x4  }
0x19f: {  	v2 =	vshll.u32 v2, $0x1  }
0x1a0: {  	v2 =	vor.u32 v0, v2  }
0x1a1: {  	[tilespmem:$0x9D40] =	vst v2  }
0x1a2: {  	v2 =	vld [tilespmem:s0+$0x110];
	_ =	sdelay $0x4  }
0x1a3: {  	v2 =	vshll.u32 v2, $0x1  }
0x1a4: {  	v2 =	vor.u32 v0, v2  }
0x1a5: {  	[tilespmem:$0x9D50] =	vst v2  }
0x1a6: {  	v2 =	vld [tilespmem:s0+$0x120];
	_ =	sdelay $0x4  }
0x1a7: {  	v2 =	vshll.u32 v2, $0x1  }
0x1a8: {  	v2 =	vor.u32 v0, v2  }
0x1a9: {  	[tilespmem:$0x9D60] =	vst v2  }
0x1aa: {  	v2 =	vld [tilespmem:s0+$0x130];
	_ =	sdelay $0x4  }
0x1ab: {  	v2 =	vshll.u32 v2, $0x1  }
0x1ac: {  	v2 =	vor.u32 v0, v2  }
0x1ad: {  	s9 =	rddreg [dreg:$0x4];
	[tilespmem:$0x9D70] =	vst v2  }
0x1ae: {  	[tilespmem:s22], [sflag:$0x4] =	stream.indirect.gather [hbm4b:s2+s15], $0x40, s9, s15, $0xb8;
	[tilespmem:$0x1A010] =	vst v63  }
0x1af: {  	_ =	swait.ge [sflag:s23], $0x1400  }
0x1b0: {  	[sflag:s23] =	ssyncset.done $0x0  }
0x1b1: {  	s8 =	simm.s32 @!p2 $0xA;
	s10 =	sadd.s32 $0x4E20, s0;
	[sflag:s23] =	ssyncadd.s32 $0xFFFFEC00  }
0x1b2: {  	[spmem:s3] =	stream.indirect.scatter.add.f32 [tilespmem:s17], [sflag:$0x6], $0x40, s10, s15, $0xb8;
	[tilespmem:$0x1A010] =	vst v63  }
0x1b3: {  	_ =	swait.ge @!p2 [sflag:s8], $0x1400  }
0x1b4: {  	[sflag:s8] =	ssyncset.done @!p2 $0x0  }
0x1b5: {  	[sflag:s8] =	ssyncadd.s32 @!p2 $0xFFFFEC00  }
0x1b6: {  	v2 =	vld [tilespmem:s0+$0x140];
	_ =	sdelay $0x4  }
0x1b7: {  	v2 =	vshll.u32 v2, $0x1  }
0x1b8: {  	v2 =	vor.u32 v0, v2  }
0x1b9: {  	[tilespmem:$0x9D80] =	vst v2  }
0x1ba: {  	v2 =	vld [tilespmem:s0+$0x150];
	_ =	sdelay $0x4  }
0x1bb: {  	v2 =	vshll.u32 v2, $0x1  }
0x1bc: {  	v2 =	vor.u32 v0, v2  }
0x1bd: {  	[tilespmem:$0x9D90] =	vst v2  }
0x1be: {  	v2 =	vld [tilespmem:s0+$0x160];
	_ =	sdelay $0x4  }
0x1bf: {  	v2 =	vshll.u32 v2, $0x1  }
0x1c0: {  	v2 =	vor.u32 v0, v2  }
0x1c1: {  	[tilespmem:$0x9DA0] =	vst v2  }
0x1c2: {  	v2 =	vld [tilespmem:s0+$0x170];
	_ =	sdelay $0x4  }
0x1c3: {  	v2 =	vshll.u32 v2, $0x1  }
0x1c4: {  	v2 =	vor.u32 v0, v2  }
0x1c5: {  	[tilespmem:$0x9DB0] =	vst v2  }
0x1c6: {  	v2 =	vld [tilespmem:s0+$0x180];
	_ =	sdelay $0x4  }
0x1c7: {  	v2 =	vshll.u32 v2, $0x1  }
0x1c8: {  	v2 =	vor.u32 v0, v2  }
0x1c9: {  	s18 =	rddreg [dreg:$0x5];
	[tilespmem:$0x9DC0] =	vst v2  }
0x1ca: {  	[tilespmem:s25], [sflag:$0x5] =	stream.indirect.gather [hbm4b:s2+s15], $0x40, s18, s15, $0xb8;
	[tilespmem:$0x1A010] =	vst v63  }
0x1cb: {  	_ =	swait.ge [sflag:s26], $0x1400  }
0x1cc: {  	[sflag:s26] =	ssyncset.done $0x0  }
0x1cd: {  	s20 =	sadd.s32 $0x4E70, s0;
	[sflag:s26] =	ssyncadd.s32 $0xFFFFEC00  }
0x1ce: {  	[spmem:s3] =	stream.indirect.scatter.add.f32 [tilespmem:s19], [sflag:$0x7], $0x40, s20, s15, $0xb8;
	[tilespmem:$0x1A010] =	vst v63  }
0x1cf: {  	_ =	swait.ge [sflag:s28], $0x1400  }
0x1d0: {  	p1 =	seq.s32 s16, $0x13240;
	[sflag:s28] =	ssyncset.done $0x0  }
0x1d1: {  	s7 =	simm.s32 @p1 $0x3;
	[sflag:s28] =	ssyncadd.s32 $0xFFFFEC00  }
0x1d2: {  	s9 =	simm.s32 @p1 $0x7;
	_ =	swait.ge @p1 [sflag:s7], $0x1400  }
0x1d3: {  	s10 =	simm.s32 @p1 $0xC5D0;
	s8 =	sshra.s32 @p1 s16, $0x2;
	[sflag:s7] =	ssyncset.done @p1 $0x0  }
0x1d4: {  	s8 =	sadd.s32 @p1 $0x4EC0, s8;
	[sflag:s7] =	ssyncadd.s32 @p1 $0xFFFFEC00;
	s7 =	simm.s32 @p1 $0x50  }
0x1d5: {  	[spmem:s3] =	stream.indirect.scatter.add.f32 @p1 [tilespmem:s10], [sflag:$0x8], $0x40, s8, s7, $0xb8;
	[tilespmem:$0x1A010] =	vst v63  }
0x1d6: {  	_ =	swait.ge @p1 [sflag:s9], $0x1400  }
0x1d7: {  	[sflag:s9] =	ssyncset.done @p1 $0x0  }
0x1d8: {  	s7 =	sshra.s32 @!p1 s16, $0x2;
	[sflag:s9] =	ssyncadd.s32 @p1 $0xFFFFEC00  }
0x1d9: {  	v2 =	vld @!p1 [tilespmem:s7+$0x190];
	_ =	sdelay $0x4  }
0x1da: {  	v2 =	vshll.u32 @!p1 v2, $0x1  }
0x1db: {  	v2 =	vor.u32 @!p1 v0, v2  }
0x1dc: {  	[tilespmem:$0x9C40] =	vst @!p1 v2  }
0x1dd: {  	v2 =	vld @!p1 [tilespmem:s7+$0x1A0];
	_ =	sdelay $0x4  }
0x1de: {  	v2 =	vshll.u32 @!p1 v2, $0x1  }
0x1df: {  	v2 =	vor.u32 @!p1 v0, v2  }
0x1e0: {  	[tilespmem:$0x9C50] =	vst @!p1 v2  }
0x1e1: {  	v2 =	vld @!p1 [tilespmem:s7+$0x1B0];
	_ =	sdelay $0x4  }
0x1e2: {  	v2 =	vshll.u32 @!p1 v2, $0x1  }
0x1e3: {  	v2 =	vor.u32 @!p1 v0, v2  }
0x1e4: {  	[tilespmem:$0x9C60] =	vst @!p1 v2  }
0x1e5: {  	v2 =	vld @!p1 [tilespmem:s7+$0x1C0];
	_ =	sdelay $0x4  }
0x1e6: {  	v2 =	vshll.u32 @!p1 v2, $0x1  }
0x1e7: {  	v2 =	vor.u32 @!p1 v0, v2  }
0x1e8: {  	[tilespmem:$0x9C70] =	vst @!p1 v2  }
0x1e9: {  	v2 =	vld @!p1 [tilespmem:s7+$0x1D0];
	_ =	sdelay $0x4  }
0x1ea: {  	v2 =	vshll.u32 @!p1 v2, $0x1  }
0x1eb: {  	s8 =	simm.s32 @!p1 $0x50;
	v2 =	vor.u32 @!p1 v0, v2  }
0x1ec: {  	s10 =	simm.s32 @!p1 $0x9C40;
	s16 =	simm.s32 @!p1 $0x9DD0;
	s9 =	simm.s32 @!p1 $0x3;
	[tilespmem:$0x9C80] =	vst @!p1 v2  }
0x1ed: {  	[tilespmem:s16], [sflag:$0x1] =	stream.indirect.gather @!p1 [hbm4b:s2+s8], $0x40, s10, s8, $0xb8;
	[tilespmem:$0x1A010] =	vst v63  }
0x1ee: {  	_ =	swait.ge @!p1 [sflag:s9], $0x1400  }
0x1ef: {  	s10 =	sadd.s32 @!p1 $0x4EC0, s7;
	[sflag:s9] =	ssyncset.done @!p1 $0x0  }
0x1f0: {  	s16 =	simm.s32 @!p1 $0x7;
	[sflag:s9] =	ssyncadd.s32 @!p1 $0xFFFFEC00;
	s9 =	simm.s32 @!p1 $0xC5D0  }
0x1f1: {  	[spmem:s3] =	stream.indirect.scatter.add.f32 @!p1 [tilespmem:s9], [sflag:$0x8], $0x40, s10, s8, $0xb8;
	[tilespmem:$0x1A010] =	vst v63  }
0x1f2: {  	_ =	swait.ge @!p1 [sflag:s16], $0x1400  }
0x1f3: {  	[sflag:s16] =	ssyncset.done @!p1 $0x0  }
0x1f4: {  	[sflag:s16] =	ssyncadd.s32 @!p1 $0xFFFFEC00  }
0x1f5: {  	v2 =	vld @!p1 [tilespmem:s7+$0x1E0];
	_ =	sdelay $0x4  }
0x1f6: {  	v2 =	vshll.u32 @!p1 v2, $0x1  }
0x1f7: {  	v2 =	vor.u32 @!p1 v0, v2  }
0x1f8: {  	[tilespmem:$0x9C90] =	vst @!p1 v2  }
0x1f9: {  	v2 =	vld @!p1 [tilespmem:s7+$0x1F0];
	_ =	sdelay $0x4  }
0x1fa: {  	v2 =	vshll.u32 @!p1 v2, $0x1  }
0x1fb: {  	v2 =	vor.u32 @!p1 v0, v2  }
0x1fc: {  	[tilespmem:$0x9CA0] =	vst @!p1 v2  }
0x1fd: {  	v2 =	vld @!p1 [tilespmem:s7+$0x200];
	_ =	sdelay $0x4  }
0x1fe: {  	v2 =	vshll.u32 @!p1 v2, $0x1  }
0x1ff: {  	v2 =	vor.u32 @!p1 v0, v2  }
0x200: {  	[tilespmem:$0x9CB0] =	vst @!p1 v2  }
0x201: {  	v2 =	vld @!p1 [tilespmem:s7+$0x210];
	_ =	sdelay $0x4  }
0x202: {  	v2 =	vshll.u32 @!p1 v2, $0x1  }
0x203: {  	v2 =	vor.u32 @!p1 v0, v2  }
0x204: {  	[tilespmem:$0x9CC0] =	vst @!p1 v2  }
0x205: {  	v2 =	vld @!p1 [tilespmem:s7+$0x220];
	_ =	sdelay $0x4  }
0x206: {  	v2 =	vshll.u32 @!p1 v2, $0x1  }
0x207: {  	v2 =	vor.u32 @!p1 v0, v2  }
0x208: {  	s10 =	simm.s32 @!p1 $0x9C90;
	s16 =	simm.s32 @!p1 $0xB1D0;
	[tilespmem:$0x9CD0] =	vst @!p1 v2  }
0x209: {  	[tilespmem:s16], [sflag:$0x2] =	stream.indirect.gather @!p1 [hbm4b:s2+s8], $0x40, s10, s8, $0xb8;
	[tilespmem:$0x1A010] =	vst v63  }
0x20a: {  	_ =	swait.ge [sflag:s29], $0x1400  }
0x20b: {  	[sflag:s29] =	ssyncset.done $0x0  }
0x20c: {  	s21 =	sadd.s32 $0x4F10, s0;
	[sflag:s29] =	ssyncadd.s32 $0xFFFFEC00  }
0x20d: {  	[spmem:s3] =	stream.indirect.scatter.add.f32 [tilespmem:s22], [sflag:$0x9], $0x40, s21, s15, $0xb8;
	[tilespmem:$0x1A010] =	vst v63  }
0x20e: {  	_ =	swait.ge [sflag:s30], $0x1400  }
0x20f: {  	[sflag:s30] =	ssyncset.done $0x0  }
0x210: {  	[sflag:s30] =	ssyncadd.s32 $0xFFFFEC00  }
0x211: {  	v2 =	vld @!p1 [tilespmem:s7+$0x230];
	_ =	sdelay $0x4  }
0x212: {  	v2 =	vshll.u32 @!p1 v2, $0x1  }
0x213: {  	v2 =	vor.u32 @!p1 v0, v2  }
0x214: {  	[tilespmem:$0x9CE0] =	vst @!p1 v2  }
0x215: {  	v2 =	vld @!p1 [tilespmem:s7+$0x240];
	_ =	sdelay $0x4  }
0x216: {  	v2 =	vshll.u32 @!p1 v2, $0x1  }
0x217: {  	v2 =	vor.u32 @!p1 v0, v2  }
0x218: {  	[tilespmem:$0x9CF0] =	vst @!p1 v2  }
0x219: {  	v2 =	vld @!p1 [tilespmem:s7+$0x250];
	_ =	sdelay $0x4  }
0x21a: {  	v2 =	vshll.u32 @!p1 v2, $0x1  }
0x21b: {  	v2 =	vor.u32 @!p1 v0, v2  }
0x21c: {  	[tilespmem:$0x9D00] =	vst @!p1 v2  }
0x21d: {  	v2 =	vld @!p1 [tilespmem:s7+$0x260];
	_ =	sdelay $0x4  }
0x21e: {  	v2 =	vshll.u32 @!p1 v2, $0x1  }
0x21f: {  	v2 =	vor.u32 @!p1 v0, v2  }
0x220: {  	[tilespmem:$0x9D10] =	vst @!p1 v2  }
0x221: {  	v2 =	vld @!p1 [tilespmem:s7+$0x270];
	_ =	sdelay $0x4  }
0x222: {  	v2 =	vshll.u32 @!p1 v2, $0x1  }
0x223: {  	v2 =	vor.u32 @!p1 v0, v2  }
0x224: {  	s7 =	simm.s32 @!p1 $0x9CE0;
	[tilespmem:$0x9D20] =	vst @!p1 v2  }
0x225: {  	[tilespmem:s9], [sflag:$0x3] =	stream.indirect.gather @!p1 [hbm4b:s2+s8], $0x40, s7, s8, $0xb8;
	[tilespmem:$0x1A010] =	vst v63  }
0x226: {  	_ =	swait.ge [sflag:s31], $0x1400  }
0x227: {  	[sflag:s31] =	ssyncset.done $0x0  }
0x228: {  	s0 =	sadd.s32 $0x4F60, s0;
	[sflag:s31] =	ssyncadd.s32 $0xFFFFEC00  }
0x229: {  	[spmem:s3] =	stream.indirect.scatter.add.f32 [tilespmem:s25], [sflag:$0xA], $0x40, s0, s15, $0xb8;
	[tilespmem:$0x1A010] =	vst v63  }
0x22a: {  	_ =	swait.ge [sflag:s1], $0x1400  }
0x22b: {  	[sflag:s1] =	ssyncset.done $0x0  }
0x22c: {  	[sflag:s1] =	ssyncadd.s32 $0xFFFFEC00  }
0x22d: {  	_ =	swait.ge [sflag:s14], $0x1400  }
0x22e: {  	[sflag:s14] =	ssyncset.done $0x0  }
0x22f: {  	s4 =	sadd.s32 $0x1, s4;
	s7 =	simm.s32 @p0 $0x10;
	[sflag:s14] =	ssyncadd.s32 $0xFFFFEC00  }
0x230: {  	s8 =	simm.s32 @p0 $0x8;
	s9 =	simm.s32 @p0 $0x1FCB;
	[bflag:$0x0] =	sbarrier.arrive $0xFFFF  }
0x231: {  	p1 =	sne.s32 s4, s11;
	s0 =	simm.s32 @p0 $0x1;
	s10 =	rddreg [dreg:$0x9]  }
0x232: {  	[hbm:s10@s7], [sflag:s9] =	dma.strided @p0 [spmem:s24@s8], $0x1040, s0, $0x8   }
0x233: {  	s0 =	simm.s32 @p0 $0xB;
	s7 =	stileid.u32;
	s8 =	simm.s32 @!p0 $0x1  }
0x234: {  	s9 =	simm.s32 @!p0 $0x10;
	s10 =	simm.s32 @!p0 $0x8;
	_ =	swait.ge @p0 [sflag:s0], $0x1040  }
0x235: {  	s7 =	sshll.u32 @!p0 s7, $0x6;
	[sflag:s0] =	ssyncset.done @p0 $0x0;
	s16 =	rddreg [dreg:$0x8]  }
0x236: {  	[sflag:s0] =	ssyncadd.s32 @p0 $0xFFFFEFC0;
	s0 =	sor.u32 @!p0 $0x1C0B, s7;
	s7 =	sshrl.u32 @!p0 s6, $0x3  }
0x237: {  	[hbm:s16@s9], [sflag:s0] =	dma.strided @!p0 [spmem:s7@s10], $0x13C0, s8, $0x8   }
.Ltmp3:
0x238: {  	_ = 	snop;
	(pc) =	sbr.rel @p1 .LBB2_1-.Ltmp3, $4  }
0x239: {  	s0 =	simm.s32 @!p0 $0xB  }
0x23a: {  	_ =	swait.ge @!p0 [sflag:s0], $0x13C0  }
0x23b: {  	[sflag:s0] =	ssyncset.done @!p0 $0x0  }
0x23c: {  	[sflag:s0] =	ssyncadd.s32 @!p0 $0xFFFFEC40  }
0x23d: {  	_ =	sfence.sel $0x180000  }
0x23e: {  	[bflag:$0x0] =	sbarrier.arrive $0xFFFF  }
0x23f: {  	_ =	strace $0x9000004D  }
0x240: {  	s0 =	stileid.u32;
	[bflag:$0x2] =	sbarrier.arrive $0xFFFF  }
0x241: {  	p0 =	sne.s32 s0, $0x0;
	s0 =	rddreg [dreg:$0x3]  }
0x242: {  	s0 =	sadd.s32 @!p0 $0x100000, s0  }
0x243: {  	[sflag:s0] =	ssyncadd.tile.s32 @!p0 $0x1;
	_ =	shalt  }
.Lfunc_end2:
_tile_overlayer_lowered:
.L_overlay_start_2:
0x244: {  	(tag) =	ssettag $0x2  }
0x245: {  	s0 =	rddreg [dreg:$0x0];
	s2 =	stileid.u32  }
0x246: {  	s1 =	rddreg [dreg:$0x1];
	p0 =	sne.s32 s2, $0x0  }
0x247: {  	s3 =	rddreg [dreg:$0x2];
	[bflag:$0x3] =	sbarrier.arrive $0xFFFF;
	s2 =	simm.s32 @!p0 $0x1C0B  }
0x248: {  	[timem:s3], [sflag:s2] =	dma.local @!p0 [hbm:s0], s1  }
0x249: {  	s0 =	simm.s32 @!p0 $0xB  }
0x24a: {  	_ =	swait.ge @!p0 [sflag:s0], s1  }
0x24b: {  	s1 =	ssub.s32 @!p0 $0x0, s1;
	[sflag:s0] =	ssyncset.done @!p0 $0x0  }
0x24c: {  	[sflag:s0] =	ssyncadd.s32 @!p0 s1  }
0x24d: {  	[bflag:$0x3] =	sbarrier.arrive $0xFFFF  }
0x24e: {  	_ =	shalt  }

// kernel: kernel.9.cloned.1.call-start
scs
__scs_entry_jumppad:
0x0: {  	(pc) =	sbr.rel $0x88, $3  }
0x1: {  	(tag) =	ssettag $0x0;
	lr =	simm.s32 $0x1  }
0x2: {  	[smem:$0x3F9B] =	sst lr;
	_ =	strace $0xD0000000  }
0x3: {  	_ = 	snop  }
0x4: {  	_ = 	snop  }
0x5: {  	_ = 	snop  }
0x6: {  	_ = 	snop  }
0x7: {  	_ = 	snop  }
__scs_overlays_trampoline_lowered:
0x8: {  	[smem:$0x3FAA] =	sst s0  }
0x9: {  	[smem:$0x3FAB] =	sst s1  }
0xa: {  	[smem:$0x3FAC] =	sst s2  }
0xb: {  	[smem:$0x3FAD] =	sst s3  }
0xc: {  	[smem:$0x3FAE] =	sst s4  }
0xd: {  	[smem:$0x3FAF] =	sst s5  }
0xe: {  	[smem:$0x3FB0] =	sst s6  }
0xf: {  	[smem:$0x3FB1] =	sst s7  }
0x10: {  	[smem:$0x3FB2] =	sst s8  }
0x11: {  	[smem:$0x3FB3] =	sst s9;
	s0 =	simm.s32 @!p0 $0x0  }
0x12: {  	s1 =	sld [smem:$0x3F99];
	s0 =	simm.s32 @p0 $0x1  }
0x13: {  	[smem:$0x3FB4] =	sst s0;
	s0 =	simm.s32 @!p1 $0x0  }
0x14: {  	s2 =	sld [smem:$0x3F98];
	s0 =	simm.s32 @p1 $0x1  }
0x15: {  	[smem:$0x3FB5] =	sst s0;
	s0 =	simm.s32 @!p2 $0x0  }
0x16: {  	s3 =	sld [smem:$0x3FDB];
	s0 =	simm.s32 @p2 $0x1  }
0x17: {  	s4 =	simm.s32 $0x1BF5;
	[smem:$0x3FB7] =	sst s0  }
0x18: {  	s0 =	sld [smem:$0x3F9A];
	_ =	swait.ge [sflag:s4], $0x0  }
0x19: {  	s7 =	sld [smem:$0x3F9B]  }
0x1a: {  	s8 =	sadd.s32 $0xFFFFE003, lr  }
0x1b: {  	s9 =	sadd.s32 $0xFFFFFEF7, lr;
	s5 =	simm.s32 $0xFFFFFFFF;
	p2 =	slt.u32 s8, $0xFFFFF086  }
0x1c: {  	p1 =	slt.u32 s9, $0xF7A;
	s5 =	simm.s32 @!p2 $0x0  }
0x1d: {  	s5 =	simm.s32 @p1 $0x1;
	p0 =	seq.s32 s7, s2  }
0x1e: {  	s7 =	smul.u32 @!p0 $0xF7A, s2;
	p2 =	seq.s32 @!p0 s5, $0x0  }
0x1f: {  	s9 =	smul.u32 $0xF7A, s1;
	s8 =	simm.s32 @!p0 $0x1BF5;
	p2 =	por !p2, p0  }
0x20: {  	[sflag:s8] =	ssyncset.s32 @!p0 $0xFFFFF086;
	s6 =	sadd.s32 @!p0 s3, s7;
	s7 =	simm.s32 @!p0 $0x108  }
0x21: {  	s3 =	sadd.s32 s3, s9;
	s6 =	sadd.s32 @!p0 $0x88, s6;
	s7 =	simm.s32 @p2 $0x1082  }
0x22: {  	[simem:s7], [sflag:s8] =	dma.local @!p0 [hbm:s6], $0xF7A  }
0x23: {  	s9 =	sor.u32 $0xD0000000, s2;
	s6 =	simm.s32 $0x108;
	_ =	swait.ge @!p0 [sflag:s8], $0x0  }
0x24: {  	s3 =	sadd.s32 $0x88, s3;
	s6 =	simm.s32 @!p1 $0x1082;
	[sflag:s4] =	ssyncset.s32 $0xFFFFF086  }
0x25: {  	[simem:s6], [sflag:s4] =	dma.local [hbm:s3], $0xF7A  }
0x26: {  	[smem:$0x3F9B] =	sst s1;
	(tag) =	ssettag s2;
	_ =	strace s9  }
0x27: {  	s1 =	sld [smem:$0x3FAB]  }
0x28: {  	s2 =	sld [smem:$0x3FAC]  }
0x29: {  	s4 =	sld [smem:$0x3FAE]  }
0x2a: {  	p0 =	seq.s32 s5, $0x0;
	s5 =	sld [smem:$0x3FAF]  }
0x2b: {  	s6 =	sld [smem:$0x3FB0]  }
0x2c: {  	s7 =	sld [smem:$0x3FB1]  }
0x2d: {  	s3 =	simm.s32 $0x108;
	s8 =	sld [smem:$0x3FB2]  }
0x2e: {  	s3 =	simm.s32 @!p0 $0x1082;
	s9 =	sld [smem:$0x3FB3]  }
0x2f: {  	lr =	sadd.s32 s0, s3;
	s0 =	sld [smem:$0x3FAA]  }
0x30: {  	s3 =	sld [smem:$0x3FAD]  }
0x31: {  	[smem:$0x3FB6] =	sst s10  }
0x32: {  	s10 =	sld [smem:$0x3FB4];
	_ =	sdelay $0x3  }
0x33: {  	p0 =	seq.s32 s10, $0x1;
	s10 =	sld [smem:$0x3FB6];
	_ =	sdelay $0x3  }
0x34: {  	[smem:$0x3FB6] =	sst s10  }
0x35: {  	s10 =	sld [smem:$0x3FB5];
	_ =	sdelay $0x3  }
0x36: {  	p1 =	seq.s32 s10, $0x1;
	s10 =	sld [smem:$0x3FB6];
	_ =	sdelay $0x3  }
0x37: {  	[smem:$0x3FB6] =	sst s10  }
0x38: {  	s10 =	sld [smem:$0x3FB7]  }
0x39: {  	_ = 	snop;
	(pc) =	sbr.ind lr, $3  }
0x3a: {  	_ = 	snop  }
0x3b: {  	_ = 	snop  }
0x3c: {  	p2 =	seq.s32 s10, $0x1;
	s10 =	sld [smem:$0x3FB6]  }
0x3d: {  	_ =	shalt  }
0x3e: {  	_ =	shalt  }
0x3f: {  	_ =	shalt  }
0x40: {  	_ =	shalt  }
0x41: {  	_ =	shalt  }
0x42: {  	_ =	shalt  }
0x43: {  	_ =	shalt  }
0x44: {  	_ =	shalt  }
0x45: {  	_ =	shalt  }
0x46: {  	_ =	shalt  }
0x47: {  	_ =	shalt  }
0x48: {  	_ =	shalt  }
0x49: {  	_ =	shalt  }
0x4a: {  	_ =	shalt  }
0x4b: {  	_ =	shalt  }
0x4c: {  	_ =	shalt  }
0x4d: {  	_ =	shalt  }
0x4e: {  	_ =	shalt  }
0x4f: {  	_ =	shalt  }
0x50: {  	_ =	shalt  }
0x51: {  	_ =	shalt  }
0x52: {  	_ =	shalt  }
0x53: {  	_ =	shalt  }
0x54: {  	_ =	shalt  }
0x55: {  	_ =	shalt  }
0x56: {  	_ =	shalt  }
0x57: {  	_ =	shalt  }
0x58: {  	_ =	shalt  }
0x59: {  	_ =	shalt  }
0x5a: {  	_ =	shalt  }
0x5b: {  	_ =	shalt  }
0x5c: {  	_ =	shalt  }
0x5d: {  	_ =	shalt  }
0x5e: {  	_ =	shalt  }
0x5f: {  	_ =	shalt  }
0x60: {  	_ =	shalt  }
0x61: {  	_ =	shalt  }
0x62: {  	_ =	shalt  }
0x63: {  	_ =	shalt  }
0x64: {  	_ =	shalt  }
0x65: {  	_ =	shalt  }
0x66: {  	_ =	shalt  }
0x67: {  	_ =	shalt  }
0x68: {  	_ =	shalt  }
0x69: {  	_ =	shalt  }
0x6a: {  	_ =	shalt  }
0x6b: {  	_ =	shalt  }
0x6c: {  	_ =	shalt  }
0x6d: {  	_ =	shalt  }
0x6e: {  	_ =	shalt  }
0x6f: {  	_ =	shalt  }
0x70: {  	_ =	shalt  }
0x71: {  	_ =	shalt  }
0x72: {  	_ =	shalt  }
0x73: {  	_ =	shalt  }
0x74: {  	_ =	shalt  }
0x75: {  	_ =	shalt  }
0x76: {  	_ =	shalt  }
0x77: {  	_ =	shalt  }
0x78: {  	_ =	shalt  }
0x79: {  	_ =	shalt  }
0x7a: {  	_ =	shalt  }
0x7b: {  	_ =	shalt  }
0x7c: {  	_ =	shalt  }
0x7d: {  	_ =	shalt  }
0x7e: {  	_ =	shalt  }
0x7f: {  	_ =	shalt  }
0x80: {  	_ =	shalt  }
0x81: {  	_ =	shalt  }
0x82: {  	_ =	shalt  }
0x83: {  	_ =	shalt  }
0x84: {  	_ =	shalt  }
0x85: {  	_ =	shalt  }
0x86: {  	_ =	shalt  }
0x87: {  	_ =	shalt  }
.Lfunc_end0:
.L_simem_size_0:
called_computation_lowered:
.L_overlay_start_0:
0x88: {  	s2 =	sld [smem:$0x3FD9]  }
0x89: {  	s3 =	sld [smem:$0x3FFE];
	_ =	sdelay $0x1  }
0x8a: {  	s1 =	srdreg.scid  }
0x8b: {  	s0 =	sand.u32 $0x1, s1  }
0x8c: {  	s17 =	sshll.u32 s0, $0xA;
	s2 =	sadd.s32 s3, s2  }
0x8d: {  	s2 =	sadd.s32 s2, s17  }
0x8e: {  	[smem:$0x3FC2] =	sst s2  }
0x8f: {  	_ = 	snop  }
0x90: {  	s2 =	sld [smem:$0x3FD0];
	(tm) =	ssettm $0x1  }
0x91: {  	s18 =	sld [smem:$0x3FFB];
	_ =	sdelay $0x3  }
0x92: {  	_ =	strace s18  }
0x93: {  	s3 =	sld [smem:$0x3FFC];
	_ =	sdelay $0x3  }
0x94: {  	_ =	strace s3  }
0x95: {  	s3 =	sld [smem:$0x3FFD];
	_ =	sdelay $0x3  }
0x96: {  	_ =	strace s3  }
0x97: {  	_ =	strace $0x8FFFFFFF  }
0x98: {  	s19 =	sld [smem:$0x3FDB];
	_ =	sdelay $0x1  }
0x99: {  	s4 =	simm.s32 $_scs_section_size  }
0x9a: {  	s5 =	simm.s32 $_size__tile_overlayer_lowered;
	s6 =	simm.s32 $_tile_overlayer_lowered  }
0x9b: {  	s22 =	simm.s32 $0x1BFF;
	s21 =	sshll.u32 s6, $0x1;
	s3 =	sadd.s32 s4, s19  }
0x9c: {  	s7 =	simm.s32 $0x0;
	s20 =	sshll.u32 s5, $0x1;
	s5 =	sadd.s32 s21, s3  }
0x9d: {  	[timem:s7], [sflag:s22] =	dma.local [hbm:s5], s20  }
0x9e: {  	_ =	swait.ge [sflag:s22], s20  }
0x9f: {  	s4 =	ssub.s32 $0x0, s20;
	[sflag:s22] =	ssyncset.done $0x0  }
0xa0: {  	[sflag:s22] =	ssyncadd.s32 s4;
	_ =	sdelay $0x1  }
0xa1: {  	s23 =	simm.s32 $0x1B8B  }
0xa2: {  	_ =	swait.ge [sflag:s23], $0x1  }
0xa3: {  	[sflag:s23] =	ssyncset.done $0x0  }
0xa4: {  	s25 =	simm.s32 $0x1B8E;
	s24 =	sld [smem:$0x3FFE];
	[sflag:s23] =	ssyncadd.s32 $0xFFFFFFFF  }
0xa5: {  	s26 =	simm.s32 $execute0_lowered;
	[smem:$0x3FD2] =	sst s25  }
0xa6: {  	s5 =	sshll.u32 s26, $0x1;
	_ =	strace $0x80000046;
	[dreg:$0x1] =	wrdreg $0xFFFFFFFF  }
0xa7: {  	s28 =	simm.s32 $_size_execute0_lowered;
	s3 =	sadd.s32 s3, s5;
	[dreg:$0x0] =	wrdreg $0x0  }
0xa8: {  	s5 =	sshll.u32 s28, $0x1;
	[dreg:$0x2] =	wrdreg s3  }
0xa9: {  	[dreg:$0x3] =	wrdreg s5  }
0xaa: {  	[dreg:$0x4] =	wrdreg $0xC0  }
0xab: {  	_ =	task [dreg:s7], $0x5FFFF  }
0xac: {  	[dreg:$0x1] =	wrdreg $0xFFFFFFFF  }
0xad: {  	[dreg:$0x0] =	wrdreg $0x60  }
0xae: {  	[dreg:$0x2] =	wrdreg s24  }
0xaf: {  	[dreg:$0x3] =	wrdreg s2  }
0xb0: {  	[dreg:$0x4] =	wrdreg $0x2C900  }
0xb1: {  	[dreg:$0x5] =	wrdreg $0x9  }
0xb2: {  	_ =	task.clear_ibuf [dreg:s7], $0x6FFFF;
	_ =	strace $0x90000046  }
0xb3: {  	s29 =	simm.s32 $0x9;
	_ =	strace $0x80000048  }
0xb4: {  	_ =	swait.ge [sflag:s29], $0x1  }
0xb5: {  	[sflag:s29] =	ssyncadd.s32 $0xFFFFFFFF  }
0xb6: {  	_ =	strace $0x90000048  }
0xb7: {  	_ =	sfence  }
0xb8: {  	s30 =	sld [smem:$0x0];
	_ =	sdelay $0x2  }
0xb9: {  	s31 =	sshll.u32 s1, $0xD;
	s1 =	sshrl.u32 s1, $0x2  }
0xba: {  	s3 =	sand.u32 $0x4000, s31;
	s1 =	sadd.s32 s1, s30  }
0xbb: {  	s0 =	sor.u32 s3, s0;
	s1 =	sshll.u32 s1, $0x11  }
0xbc: {  	s0 =	sor.u32 s1, s0  }
0xbd: {  	s0 =	sadd.s32 $0x8F2B, s0  }
0xbe: {  	[sflag:s0] =	ssyncadd.remote.s32 $0x1  }
0xbf: {  	_ =	sfence.sel $0xFFFF  }
0xc0: {  	[dreg:$0x0] =	wrdreg $0xFFFFFFFF;
	(pc) =	sbr.abs _section_cstart, $3  }
0xc1: {  	[dreg:$0x1] =	wrdreg $0xFFFFFFFF  }
0xc2: {  	_ =	task.clear_ibuf [dreg:s7], $0x2FFFF;
	_ =	strace $0x9FFFFFFF  }
0xc3: {  	(tm) =	ssettm $0x7FFFFFFF  }
tec
execute0_lowered:
.L_overlay_start_1:
0x0: {  	(tag) =	ssettag $0x1  }
0x1: {  	s7 =	rddreg [dreg:$0x0]  }
0x2: {  	s1 =	rddreg [dreg:$0x1]  }
0x3: {  	s2 =	rddreg [dreg:$0x2]  }
0x4: {  	s0 =	rddreg [dreg:$0x3];
	s3 =	simm.s32 $0x0  }
0x5: {  	s4 =	srdreg.scid;
	s13 =	simm.s32 $0x2710;
	s14 =	simm.s32 $0x50  }
0x6: {  	[smem:$0x7FF] =	sst s3;
	s5 =	sand.u32 $0x1, s4;
	s4 =	stileid.u32  }
0x7: {  	s10 =	sadd.s32 $0x16600, s7;
	s15 =	sadd.s32 $0x25080, s2;
	_ =	strace $0x80000047  }
0x8: {  	s6 =	sshll.u32 s5, $0x4;
	s8 =	ssub.s32 $0x2, s5;
	s9 =	smul.u32 $0x9E00, s4  }
0x9: {  	p0 =	seq.s32 s4, $0xF;
	s28 =	smul.u32 $0x138800, s5;
	s5 =	simm.s32 $0x41  }
0xa: {  	s30 =	smul.u32 $0x13C00, s4;
	s6 =	sor.u32 s4, s6;
	s11 =	sshrl.u32 s8, $0x1  }
0xb: {  	s5 =	simm.s32 @!p0 $0x4F;
	s16 =	sshll.u32 @!p0 s4, $0x6;
	s15 =	sshrl.u32 @p0 s15, $0x3  }
0xc: {  	s12 =	smul.u32 $0x2710, s6;
	s11 =	ssub.s32 s8, s11;
	s29 =	sshrl.u32 s9, $0x2  }
0xd: {  	s9 =	sadd.s32 s30, s28;
	s8 =	sshrl.u32 s28, $0x3;
	s16 =	sor.u32 @!p0 $0x1C01, s16  }
0xe: {  	s6 =	sadd.s32 s29, s2;
	s9 =	sshrl.u32 s9, $0x3;
	s31 =	sadd.s32 s10, s8  }
0xf: {  	s12 =	sshrl.u32 s12, $0x3;
	s8 =	sadd.s32 s10, s9;
	s9 =	sadd.s32 $0x25080, s31  }
0x10: {  	s10 =	smax.u32 s11, $0x1;
	s11 =	simm.s32 $0x2C10;
	s7 =	sadd.s32 s7, s12  }
0x11: {  	v0 =	vimm.f32 $0.0e+00;
	s17 =	sshrl.u32 @!p0 s6, $0x3;
	s12 =	simm.s32 $0x1;
	s7 =	sadd.s32 $0xC840, s7  }
.LBB2_1:
0x12: {  	[tilespmem:$0x2C10] =	vst v0  }
0x13: {  	[tilespmem:$0x2C20] =	vst v0  }
0x14: {  	[tilespmem:$0x2C30] =	vst v0  }
0x15: {  	[tilespmem:$0x2C40] =	vst v0  }
0x16: {  	[tilespmem:$0x2C50] =	vst v0  }
0x17: {  	[tilespmem:$0x2C60] =	vst v0;
	p1 =	sne.s32 s5, $0x1  }
.Ltmp0:
0x18: {  	[tilespmem:$0x2C70] =	vst v0;
	(pc) =	sbr.rel @!p1 .LBB2_3-.Ltmp0, $4  }
0x19: {  	[tilespmem:$0x2C80] =	vst v0  }
0x1a: {  	[spmem:s6] =	stream.linear.scatter [tilespmem:s11], [sflag:$0x1], $0x80, $0x38;
	[tilespmem:$0x53A0] =	vst v63  }
0x1b: {  	_ =	swait.ge [sflag:s12], $0x80  }
0x1c: {  	s18 =	sadd.s32 $0xFFFFFFFF, s5;
	s19 =	smov.u32 s6;
	[sflag:s12] =	ssyncset.done $0x0  }
.LBB2_2:
0x1d: {  	p1 =	sne.s32 s18, $0x1;
	[sflag:s12] =	ssyncadd.s32 $0xFFFFFF80;
	s19 =	sadd.s32 $0x80, s19  }
.Ltmp1:
0x1e: {  	s18 =	sadd.s32 $0xFFFFFFFF, s18;
	(pc) =	sbr.rel @p1 .LBB2_2-.Ltmp1, $4  }
0x1f: {  	_ = 	snop  }
0x20: {  	[spmem:s19] =	stream.linear.scatter [tilespmem:s11], [sflag:$0x1], $0x80, $0x38;
	[tilespmem:$0x53A0] =	vst v63  }
0x21: {  	_ =	swait.ge [sflag:s12], $0x80  }
0x22: {  	[sflag:s12] =	ssyncset.done $0x0  }
.LBB2_3:
0x23: {  	[sflag:s12] =	ssyncadd.s32 $0xFFFFFF80;
	s18 =	simm.s32 $0x0  }
0x24: {  	[tilespmem:s18], [sflag:$0x1] =	stream.linear.gather [hbm4b:s7+s18], $0x2710, $0x38;
	[tilespmem:$0x53A0] =	vst v63  }
0x25: {  	_ =	swait.ge [sflag:s12], $0x2710  }
0x26: {  	[sflag:s12] =	ssyncset.done $0x0  }
0x27: {  	[sflag:s12] =	ssyncadd.s32 $0xFFFFD8F0  }
0x28: {  	[tilespmem:s13], [sflag:$0x1] =	stream.linear.gather [hbm4b:s1+s18], $0x500, $0x38;
	[tilespmem:$0x53A0] =	vst v63  }
0x29: {  	_ =	swait.ge [sflag:s12], $0x500  }
0x2a: {  	[sflag:s12] =	ssyncset.done $0x0  }
0x2b: {  	[sflag:s12] =	ssyncadd.s32 $0xFFFFFB00  }
0x2c: {  	s31 =	simm.s32 $0x0;
	[bflag:$0x0] =	sbarrier.arrive $0xFFFF  }
0x2d: {  	[spmem:s2] =	stream.indirect.scatter.add.f32 [tilespmem:s13], [sflag:$0x1], $0x10, s31, s14, $0xb8;
	[tilespmem:$0x53A0] =	vst v63  }
0x2e: {  	_ =	swait.ge [sflag:s12], $0x500  }
0x2f: {  	s18 =	simm.s32 $0x140;
	[sflag:s12] =	ssyncset.done $0x0  }
.LBB2_4:
0x30: {  	s19 =	sshra.s32 s18, $0x2;
	[sflag:s12] =	ssyncadd.s32 $0xFFFFFB00;
	p1 =	sne.s32 s18, $0x9B00  }
0x31: {  	[spmem:s2] =	stream.indirect.scatter.add.f32 [tilespmem:s13], [sflag:$0x1], $0x10, s19, s14, $0xb8;
	[tilespmem:$0x53A0] =	vst v63  }
.Ltmp2:
0x32: {  	_ = 	snop;
	(pc) =	sbr.rel @p1 .LBB2_4-.Ltmp2, $4  }
0x33: {  	_ = 	snop  }
0x34: {  	s18 =	sadd.s32 $0x140, s18  }
0x35: {  	_ =	swait.ge [sflag:s12], $0x500  }
0x36: {  	[sflag:s12] =	ssyncset.done $0x0  }
0x37: {  	[sflag:s12] =	ssyncadd.s32 $0xFFFFFB00  }
0x38: {  	s18 =	simm.s32 @p0 $0x1;
	s19 =	simm.s32 @p0 $0x10;
	s20 =	simm.s32 @p0 $0x2  }
0x39: {  	s21 =	simm.s32 @p0 $0x1FC1;
	s3 =	sadd.s32 $0x1, s3;
	[bflag:$0x0] =	sbarrier.arrive $0xFFFF  }
0x3a: {  	[hbm:s9@s19], [sflag:s21] =	dma.strided @p0 [spmem:s15@s20], $0x410, s18, $0x2   }
0x3b: {  	p1 =	sne.s32 s3, s10;
	_ =	swait.ge @p0 [sflag:s18], $0x410  }
0x3c: {  	s19 =	simm.s32 @!p0 $0x10;
	s20 =	simm.s32 @!p0 $0x2;
	[sflag:s18] =	ssyncset.done @p0 $0x0  }
.Ltmp3:
0x3d: {  	[sflag:s18] =	ssyncadd.s32 @p0 $0xFFFFFBF0;
	s18 =	simm.s32 @!p0 $0x1;
	(pc) =	sbr.rel @p1 .LBB2_1-.Ltmp3, $4  }
0x3e: {  	[hbm:s8@s19], [sflag:s16] =	dma.strided @!p0 [spmem:s17@s20], $0x4F0, s18, $0x2   }
0x3f: {  	_ =	swait.ge @!p0 [sflag:s18], $0x4F0  }
0x40: {  	[sflag:s18] =	ssyncset.done @!p0 $0x0  }
0x41: {  	[sflag:s18] =	ssyncadd.s32 @!p0 $0xFFFFFB10  }
0x42: {  	_ =	sfence.sel $0x180000  }
0x43: {  	[bflag:$0x0] =	sbarrier.arrive $0xFFFF  }
0x44: {  	p0 =	sne.s32 s4, $0x0;
	_ =	strace $0x90000047  }
0x45: {  	s0 =	sadd.s32 @!p0 $0x100000, s0;
	[bflag:$0x2] =	sbarrier.arrive $0xFFFF  }
0x46: {  	[sflag:s0] =	ssyncadd.tile.s32 @!p0 $0x1;
	_ =	shalt  }
.Lfunc_end2:
_tile_overlayer_lowered:
.L_overlay_start_2:
0x47: {  	(tag) =	ssettag $0x2  }
0x48: {  	s0 =	rddreg [dreg:$0x0];
	s2 =	stileid.u32  }
0x49: {  	s1 =	rddreg [dreg:$0x1];
	p0 =	sne.s32 s2, $0x0  }
0x4a: {  	s3 =	rddreg [dreg:$0x2];
	[bflag:$0x3] =	sbarrier.arrive $0xFFFF;
	s2 =	simm.s32 @!p0 $0x1C01  }
0x4b: {  	[timem:s3], [sflag:s2] =	dma.local @!p0 [hbm:s0], s1  }
0x4c: {  	s0 =	simm.s32 @!p0 $0x1  }
0x4d: {  	_ =	swait.ge @!p0 [sflag:s0], s1  }
0x4e: {  	s1 =	ssub.s32 @!p0 $0x0, s1;
	[sflag:s0] =	ssyncset.done @!p0 $0x0  }
0x4f: {  	[sflag:s0] =	ssyncadd.s32 @!p0 s1  }
0x50: {  	[bflag:$0x3] =	sbarrier.arrive $0xFFFF  }
0x51: {  	_ =	shalt  }

</sc_bundles>
